<compile_context>
chip_gen: v7x
topology: tpu7x:2x2x1
jax: 0.10.2.dev20260603
libtpu: 0.0.44.dev20260713+nightly
codegen_flags: <defaults>
</compile_context>

<pallas_src>
import functools

import jax
import jax.numpy as jnp
from jax import lax
from jax.experimental import pallas as pl
from jax.experimental.pallas import tpu as pltpu
from jax.experimental.pallas import tpu_sc as plsc

N = 10000
D = 128
DH = 64
E = 320000
B = 128
ROWS = 2560
EPAD = ROWS * B - E
NC, NS = 2, 16
NPAD = 10240
STRIPE = NPAD // NS
TAIL = N - (NS - 1) * STRIPE
G = 8
GP = 5
RPT = ROWS // NS
PAIRS = RPT // (2 * GP)
RB = 1000
L = 16

_mesh = plsc.VectorSubcoreMesh(
    core_axis_name="c", subcore_axis_name="s", num_cores=NC, num_subcores=NS)
_sc_params = pltpu.CompilerParams(use_tc_tiling_on_sc=False)


@functools.partial(
    pl.kernel,
    out_type=jax.ShapeDtypeStruct((NC, NPAD), jnp.float32),
    mesh=_mesh,
    compiler_params=_sc_params,
    scratch_types=[
        pltpu.VMEM((STRIPE,), jnp.float32),
        pltpu.VMEM((B,), jnp.float32),
        pltpu.VMEM((G, B), jnp.int32),
        pltpu.VMEM_SHARED((NPAD,), jnp.float32),
        pltpu.SemaphoreType.DMA,
    ],
)
def _sc_deg(dst_hbm, deg_out, zbuf, ones_v, didx, deg_sh, sem):
    c = lax.axis_index("c")
    s = lax.axis_index("s")
    for i in range(STRIPE // L):
        zbuf[pl.ds(L * i, L)] = jnp.zeros((L,), jnp.float32)
    for i in range(B // L):
        ones_v[pl.ds(L * i, L)] = jnp.ones((L,), jnp.float32)
    pltpu.sync_copy(zbuf, deg_sh.at[pl.ds(STRIPE * s, STRIPE)])
    plsc.subcore_barrier()

    rows_per_w = ROWS // (NC * NS)
    base = (c * NS + s) * rows_per_w

    def body(g, carry):
        rb = base + g * G
        pltpu.sync_copy(dst_hbm.at[pl.ds(rb, G)], didx)
        sd = [pltpu.async_copy(ones_v, deg_sh.at[didx.at[j]], sem, add=True)
              for j in range(G)]
        for d in sd:
            d.wait()
        return carry

    lax.fori_loop(0, rows_per_w // G, body, 0)
    plsc.subcore_barrier()
    pltpu.sync_copy(deg_sh.at[pl.ds(STRIPE * s, STRIPE)],
                    deg_out.at[c, pl.ds(STRIPE * s, STRIPE)])


@functools.partial(
    pl.kernel,
    out_type=jax.ShapeDtypeStruct((N, D), jnp.float32),
    mesh=_mesh,
    compiler_params=_sc_params,
    scratch_types=[
        pltpu.VMEM((2, GP, 2, B), jnp.int32),
        pltpu.VMEM((2, GP, B, DH), jnp.float32),
        pltpu.VMEM_SHARED((NPAD, DH), jnp.float32),
        pltpu.SemaphoreType.DMA,
        pltpu.SemaphoreType.DMA,
        pltpu.SemaphoreType.DMA,
        pltpu.SemaphoreType.DMA,
    ],
)
def _sc_prop(ucat_hbm, edge_hbm, zeros_hbm, p_out, exbuf, rows, acc_sh,
             gsemA, gsemB, ssemA, ssemB):
    c = lax.axis_index("c")
    s = lax.axis_index("s")
    colb = c * DH
    gsem = [gsemA, gsemB]
    ssem = [ssemA, ssemB]

    pltpu.sync_copy(zeros_hbm, acc_sh.at[pl.ds(STRIPE * s, STRIPE)])
    plsc.subcore_barrier()

    base = s * RPT

    def load_and_gather(ab, rb):
        pltpu.sync_copy(edge_hbm.at[c, pl.ds(rb, GP)], exbuf.at[ab])
        return [pltpu.async_copy(ucat_hbm.at[exbuf.at[ab, j, 0]],
                                 rows.at[ab, j], gsem[ab])
                for j in range(GP)]

    def scatter(ab):
        return [pltpu.async_copy(rows.at[ab, j],
                                 acc_sh.at[exbuf.at[ab, j, 1]],
                                 ssem[ab], add=True)
                for j in range(GP)]

    def drain(descs):
        for d in descs:
            d.wait()

    def drain_gathers(ab):
        drain([pltpu.make_async_copy(ucat_hbm.at[exbuf.at[ab, j, 0]],
                                     rows.at[ab, j], gsem[ab])
               for j in range(GP)])

    load_and_gather(0, base)

    def body(k, carry):
        drain_gathers(0)
        sa = scatter(0)
        gb = load_and_gather(1, base + (2 * k + 1) * GP)
        drain(gb)
        sb = scatter(1)
        drain(sa)

        @pl.when(k < PAIRS - 1)
        def _():
            load_and_gather(0, base + (2 * k + 2) * GP)

        drain(sb)
        return carry

    lax.fori_loop(0, PAIRS, body, 0)
    plsc.subcore_barrier()

    @pl.when(s < NS - 1)
    def _():
        rb = STRIPE * s
        pltpu.sync_copy(acc_sh.at[pl.ds(rb, STRIPE)],
                        p_out.at[pl.ds(rb, STRIPE), pl.ds(colb, DH)])

    @pl.when(s == NS - 1)
    def _():
        rb = STRIPE * (NS - 1)
        pltpu.sync_copy(acc_sh.at[pl.ds(rb, TAIL)],
                        p_out.at[pl.ds(rb, TAIL), pl.ds(colb, DH)])


def _tc1_body(x_ref, w_ref, deg_ref, v_ref, dinv_ref):
    degsum = jnp.sum(deg_ref[...], axis=1, keepdims=True)
    dinv = lax.rsqrt(degsum + 1.0)
    m = lax.dot_general(x_ref[...], w_ref[...], (((1,), (1,)), ((), ())),
                        preferred_element_type=jnp.float32)
    v_ref[...] = m * dinv
    dinv_ref[...] = dinv


def _tc_mid_body(s_ref, v_ref, w_ref, dinv_ref, vo_ref):
    dinv = dinv_ref[...]
    p = s_ref[...] + v_ref[...]
    m = lax.dot_general(p, w_ref[...], (((1,), (1,)), ((), ())),
                        preferred_element_type=jnp.float32)
    vo_ref[...] = m * (dinv * dinv)


def _tc_out_body(s_ref, v_ref, dinv_ref, o_ref):
    o_ref[...] = (s_ref[...] + v_ref[...]) * dinv_ref[...]


_row_spec = pl.BlockSpec((RB, D), lambda i: (i, 0))
_w_spec = pl.BlockSpec((D, D), lambda i: (0, 0))
_dinv_spec = pl.BlockSpec((RB, 1), lambda i: (i, 0))

_tc1 = pl.pallas_call(
    _tc1_body,
    grid=(N // RB,),
    in_specs=[_row_spec, _w_spec, pl.BlockSpec((RB, NC), lambda i: (i, 0))],
    out_specs=[_row_spec, _dinv_spec],
    out_shape=[jax.ShapeDtypeStruct((N, D), jnp.float32),
               jax.ShapeDtypeStruct((N, 1), jnp.float32)])

_tc_mid = pl.pallas_call(
    _tc_mid_body,
    grid=(N // RB,),
    in_specs=[_row_spec, _row_spec, _w_spec, _dinv_spec],
    out_specs=_row_spec,
    out_shape=jax.ShapeDtypeStruct((N, D), jnp.float32))

_tc_out = pl.pallas_call(
    _tc_out_body,
    grid=(N // RB,),
    in_specs=[_row_spec, _row_spec, _dinv_spec],
    out_specs=_row_spec,
    out_shape=jax.ShapeDtypeStruct((N, D), jnp.float32))


def kernel(x, edge_index, w1, w2):
    pad = jnp.arange(EPAD, dtype=jnp.int32) % (NPAD - N)
    src2d = jnp.concatenate([edge_index[0], pad]).reshape(ROWS, B)
    dst2d = jnp.concatenate([edge_index[1], pad + N]).reshape(ROWS, B)
    edges = jnp.stack([jnp.stack([2 * src2d, dst2d], axis=1),
                       jnp.stack([2 * src2d + 1, dst2d], axis=1)])
    zeros = jnp.zeros((STRIPE, DH), jnp.float32)
    deg = _sc_deg(dst2d).T
    v1, dinv = _tc1(x, w1, deg)
    s1 = _sc_prop(v1.reshape(2 * N, DH), edges, zeros)
    v2 = _tc_mid(s1, v1, w1, dinv)
    s2 = _sc_prop(v2.reshape(2 * N, DH), edges, zeros)
    v3 = _tc_mid(s2, v2, w2, dinv)
    s3 = _sc_prop(v3.reshape(2 * N, DH), edges, zeros)
    return _tc_out(s3, v3, dinv)

# --- scband reference (transcript-rebuilt; emitter-appended) ---
"""Pipeline reference for scband-gcn-7361573945713 (READ-ONLY COPY).

The authoritative reference and input builder live on the scoring server;
editing this copy changes nothing except your own understanding.
"""

import jax, jax.numpy as jnp
import numpy as np

N = 10000
E = 320000
D_IN = 128
D_OUT = 128
K = 2


def setup_inputs(seed: int = 0) -> dict:
    key = jax.random.key(seed)
    k1, k2, k3, k4 = jax.random.split(key, 4)
    x = jax.random.normal(k1, (N, D_IN), dtype=jnp.float32)
    edge_index = jax.random.randint(k2, (2, E), 0, N, dtype=jnp.int32)
    w1 = jax.random.normal(k3, (D_IN, D_IN), dtype=jnp.float32) * (1.0 / np.sqrt(D_IN))
    w2 = jax.random.normal(k4, (D_OUT, D_IN), dtype=jnp.float32) * (1.0 / np.sqrt(D_IN))
    return {"x": x, "edge_index": edge_index, "w1": w1, "w2": w2}


def _gcn_propagate(h, src, dst, n):
    # GCN normalization with self-loops (self-loops already appended to src/dst):
    # A_hat = D^{-1/2} (A + I) D^{-1/2}; out = A_hat @ h
    deg = jnp.zeros((n,), dtype=h.dtype).at[dst].add(1.0)
    dinv = jax.lax.rsqrt(jnp.maximum(deg, 1.0))
    norm = dinv[src] * dinv[dst]
    msg = jnp.take(h, src, axis=0) * norm[:, None]
    return jnp.zeros_like(h).at[dst].add(msg)


def reference(x, edge_index, w1, w2):
    n = x.shape[0]
    loop = jnp.arange(n, dtype=edge_index.dtype)
    src = jnp.concatenate([edge_index[0], loop])
    dst = jnp.concatenate([edge_index[1], loop])
    h = x
    for _ in range(K):
        h = h @ w1.T            # lin1 (bias=False)
        h = _gcn_propagate(h, src, dst, n)  # P1
    h = h @ w2.T                # lin2 (bias=False)
    h = _gcn_propagate(h, src, dst, n)      # P2
    # Original computes log_softmax into `out` but returns x (pre-softmax); keep faithful.
    return h

if __name__ == "__main__":
    import jax
    _d = setup_inputs()
    print(jax.jit(kernel)(*tuple(_d.values())))

</pallas_src>

<mosaic_0001>
#map = affine_map<(d0, d1) -> (0, 0)>
module attributes {stable_mosaic.version = 14 : i64} {
  func.func @_sc_deg(%arg0: i32, %arg1: i32, %arg2: memref<2560x128xi32, #tpu.memory_space<hbm>>, %arg3: memref<2x10240xf32, #tpu.memory_space<hbm>>, %arg4: memref<640xf32, #tpu.memory_space<vmem>>, %arg5: memref<128xf32, #tpu.memory_space<vmem>>, %arg6: memref<8x128xi32, #tpu.memory_space<vmem>>, %arg7: memref<10240xf32, #tpu.memory_space<vmem_shared>>, %arg8: memref<!tpu.dma_semaphore, #tpu.memory_space<semaphore_mem>>) attributes {dimension_semantics = [#tpu.dimension_semantics<core_parallel>, #tpu.dimension_semantics<subcore_parallel>], iteration_bounds = array<i64: 2, 16>, scalar_prefetch = 0 : i64, scratch_operands = 5 : i64, tpu.core_type = #tpu.core_type<sc_vector_subcore>, window_params = [{transform_indices = #map}, {transform_indices = #map}]} {
    %broadcast_in_dim3A = arith.constant 0.000000e+00 : f32
    %broadcast_in_dim3A_0 = vector.broadcast %broadcast_in_dim3A : f32 to vector<16xf32>
    %swap3A = arith.constant 0 : index
    %swap3A_1 = tpu.vector_load %arg4[%swap3A] {strides = array<i32>} : memref<640xf32, #tpu.memory_space<vmem>>, vector<16xf32>,
    %swap3A_2 = vector.shape_cast %swap3A_1 : vector<16xf32> to vector<16xf32>
    %swap3A_3 = vector.shape_cast %broadcast_in_dim3A_0 : vector<16xf32> to vector<16xf32>
    tpu.vector_store %arg4[%swap3A], %swap3A_3 {strides = array<i32>} : memref<640xf32, #tpu.memory_space<vmem>>, vector<16xf32>,
    %broadcast_in_dim3A_4 = arith.constant 0.000000e+00 : f32
    %broadcast_in_dim3A_5 = vector.broadcast %broadcast_in_dim3A_4 : f32 to vector<16xf32>
    %swap3A_6 = arith.constant 16 : index
    %swap3A_7 = tpu.vector_load %arg4[%swap3A_6] {strides = array<i32>} : memref<640xf32, #tpu.memory_space<vmem>>, vector<16xf32>,
    %swap3A_8 = vector.shape_cast %swap3A_7 : vector<16xf32> to vector<16xf32>
    %swap3A_9 = vector.shape_cast %broadcast_in_dim3A_5 : vector<16xf32> to vector<16xf32>
    tpu.vector_store %arg4[%swap3A_6], %swap3A_9 {strides = array<i32>} : memref<640xf32, #tpu.memory_space<vmem>>, vector<16xf32>,
    %broadcast_in_dim3A_10 = arith.constant 0.000000e+00 : f32
    %broadcast_in_dim3A_11 = vector.broadcast %broadcast_in_dim3A_10 : f32 to vector<16xf32>
    %swap3A_12 = arith.constant 32 : index
    %swap3A_13 = tpu.vector_load %arg4[%swap3A_12] {strides = array<i32>} : memref<640xf32, #tpu.memory_space<vmem>>, vector<16xf32>,
    %swap3A_14 = vector.shape_cast %swap3A_13 : vector<16xf32> to vector<16xf32>
    %swap3A_15 = vector.shape_cast %broadcast_in_dim3A_11 : vector<16xf32> to vector<16xf32>
    tpu.vector_store %arg4[%swap3A_12], %swap3A_15 {strides = array<i32>} : memref<640xf32, #tpu.memory_space<vmem>>, vector<16xf32>,
    %broadcast_in_dim3A_16 = arith.constant 0.000000e+00 : f32
    %broadcast_in_dim3A_17 = vector.broadcast %broadcast_in_dim3A_16 : f32 to vector<16xf32>
    %swap3A_18 = arith.constant 48 : index
    %swap3A_19 = tpu.vector_load %arg4[%swap3A_18] {strides = array<i32>} : memref<640xf32, #tpu.memory_space<vmem>>, vector<16xf32>,
    %swap3A_20 = vector.shape_cast %swap3A_19 : vector<16xf32> to vector<16xf32>
    %swap3A_21 = vector.shape_cast %broadcast_in_dim3A_17 : vector<16xf32> to vector<16xf32>
    tpu.vector_store %arg4[%swap3A_18], %swap3A_21 {strides = array<i32>} : memref<640xf32, #tpu.memory_space<vmem>>, vector<16xf32>,
    %broadcast_in_dim3A_22 = arith.constant 0.000000e+00 : f32
    %broadcast_in_dim3A_23 = vector.broadcast %broadcast_in_dim3A_22 : f32 to vector<16xf32>
    %swap3A_24 = arith.constant 64 : index
    %swap3A_25 = tpu.vector_load %arg4[%swap3A_24] {strides = array<i32>} : memref<640xf32, #tpu.memory_space<vmem>>, vector<16xf32>,
    %swap3A_26 = vector.shape_cast %swap3A_25 : vector<16xf32> to vector<16xf32>
    %swap3A_27 = vector.shape_cast %broadcast_in_dim3A_23 : vector<16xf32> to vector<16xf32>
    tpu.vector_store %arg4[%swap3A_24], %swap3A_27 {strides = array<i32>} : memref<640xf32, #tpu.memory_space<vmem>>, vector<16xf32>,
    %broadcast_in_dim3A_28 = arith.constant 0.000000e+00 : f32
    %broadcast_in_dim3A_29 = vector.broadcast %broadcast_in_dim3A_28 : f32 to vector<16xf32>
    %swap3A_30 = arith.constant 80 : index
    %swap3A_31 = tpu.vector_load %arg4[%swap3A_30] {strides = array<i32>} : memref<640xf32, #tpu.memory_space<vmem>>, vector<16xf32>,
    %swap3A_32 = vector.shape_cast %swap3A_31 : vector<16xf32> to vector<16xf32>
    %swap3A_33 = vector.shape_cast %broadcast_in_dim3A_29 : vector<16xf32> to vector<16xf32>
    tpu.vector_store %arg4[%swap3A_30], %swap3A_33 {strides = array<i32>} : memref<640xf32, #tpu.memory_space<vmem>>, vector<16xf32>,
    %broadcast_in_dim3A_34 = arith.constant 0.000000e+00 : f32
    %broadcast_in_dim3A_35 = vector.broadcast %broadcast_in_dim3A_34 : f32 to vector<16xf32>
    %swap3A_36 = arith.constant 96 : index
    %swap3A_37 = tpu.vector_load %arg4[%swap3A_36] {strides = array<i32>} : memref<640xf32, #tpu.memory_space<vmem>>, vector<16xf32>,
    %swap3A_38 = vector.shape_cast %swap3A_37 : vector<16xf32> to vector<16xf32>
    %swap3A_39 = vector.shape_cast %broadcast_in_dim3A_35 : vector<16xf32> to vector<16xf32>
    tpu.vector_store %arg4[%swap3A_36], %swap3A_39 {strides = array<i32>} : memref<640xf32, #tpu.memory_space<vmem>>, vector<16xf32>,
    %broadcast_in_dim3A_40 = arith.constant 0.000000e+00 : f32
    %broadcast_in_dim3A_41 = vector.broadcast %broadcast_in_dim3A_40 : f32 to vector<16xf32>
    %swap3A_42 = arith.constant 112 : index
    %swap3A_43 = tpu.vector_load %arg4[%swap3A_42] {strides = array<i32>} : memref<640xf32, #tpu.memory_space<vmem>>, vector<16xf32>,
    %swap3A_44 = vector.shape_cast %swap3A_43 : vector<16xf32> to vector<16xf32>
    %swap3A_45 = vector.shape_cast %broadcast_in_dim3A_41 : vector<16xf32> to vector<16xf32>
    tpu.vector_store %arg4[%swap3A_42], %swap3A_45 {strides = array<i32>} : memref<640xf32, #tpu.memory_space<vmem>>, vector<16xf32>,
    %broadcast_in_dim3A_46 = arith.constant 0.000000e+00 : f32
    %broadcast_in_dim3A_47 = vector.broadcast %broadcast_in_dim3A_46 : f32 to vector<16xf32>
    %swap3A_48 = arith.constant 128 : index
    %swap3A_49 = tpu.vector_load %arg4[%swap3A_48] {strides = array<i32>} : memref<640xf32, #tpu.memory_space<vmem>>, vector<16xf32>,
    %swap3A_50 = vector.shape_cast %swap3A_49 : vector<16xf32> to vector<16xf32>
    %swap3A_51 = vector.shape_cast %broadcast_in_dim3A_47 : vector<16xf32> to vector<16xf32>
    tpu.vector_store %arg4[%swap3A_48], %swap3A_51 {strides = array<i32>} : memref<640xf32, #tpu.memory_space<vmem>>, vector<16xf32>,
    %broadcast_in_dim3A_52 = arith.constant 0.000000e+00 : f32
    %broadcast_in_dim3A_53 = vector.broadcast %broadcast_in_dim3A_52 : f32 to vector<16xf32>
    %swap3A_54 = arith.constant 144 : index
    %swap3A_55 = tpu.vector_load %arg4[%swap3A_54] {strides = array<i32>} : memref<640xf32, #tpu.memory_space<vmem>>, vector<16xf32>,
    %swap3A_56 = vector.shape_cast %swap3A_55 : vector<16xf32> to vector<16xf32>
    %swap3A_57 = vector.shape_cast %broadcast_in_dim3A_53 : vector<16xf32> to vector<16xf32>
    tpu.vector_store %arg4[%swap3A_54], %swap3A_57 {strides = array<i32>} : memref<640xf32, #tpu.memory_space<vmem>>, vector<16xf32>,
    %broadcast_in_dim3A_58 = arith.constant 0.000000e+00 : f32
    %broadcast_in_dim3A_59 = vector.broadcast %broadcast_in_dim3A_58 : f32 to vector<16xf32>
    %swap3A_60 = arith.constant 160 : index
    %swap3A_61 = tpu.vector_load %arg4[%swap3A_60] {strides = array<i32>} : memref<640xf32, #tpu.memory_space<vmem>>, vector<16xf32>,
    %swap3A_62 = vector.shape_cast %swap3A_61 : vector<16xf32> to vector<16xf32>
    %swap3A_63 = vector.shape_cast %broadcast_in_dim3A_59 : vector<16xf32> to vector<16xf32>
    tpu.vector_store %arg4[%swap3A_60], %swap3A_63 {strides = array<i32>} : memref<640xf32, #tpu.memory_space<vmem>>, vector<16xf32>,
    %broadcast_in_dim3A_64 = arith.constant 0.000000e+00 : f32
    %broadcast_in_dim3A_65 = vector.broadcast %broadcast_in_dim3A_64 : f32 to vector<16xf32>
    %swap3A_66 = arith.constant 176 : index
    %swap3A_67 = tpu.vector_load %arg4[%swap3A_66] {strides = array<i32>} : memref<640xf32, #tpu.memory_space<vmem>>, vector<16xf32>,
    %swap3A_68 = vector.shape_cast %swap3A_67 : vector<16xf32> to vector<16xf32>
    %swap3A_69 = vector.shape_cast %broadcast_in_dim3A_65 : vector<16xf32> to vector<16xf32>
    tpu.vector_store %arg4[%swap3A_66], %swap3A_69 {strides = array<i32>} : memref<640xf32, #tpu.memory_space<vmem>>, vector<16xf32>,
    %broadcast_in_dim3A_70 = arith.constant 0.000000e+00 : f32
    %broadcast_in_dim3A_71 = vector.broadcast %broadcast_in_dim3A_70 : f32 to vector<16xf32>
    %swap3A_72 = arith.constant 192 : index
    %swap3A_73 = tpu.vector_load %arg4[%swap3A_72] {strides = array<i32>} : memref<640xf32, #tpu.memory_space<vmem>>, vector<16xf32>,
    %swap3A_74 = vector.shape_cast %swap3A_73 : vector<16xf32> to vector<16xf32>
    %swap3A_75 = vector.shape_cast %broadcast_in_dim3A_71 : vector<16xf32> to vector<16xf32>
    tpu.vector_store %arg4[%swap3A_72], %swap3A_75 {strides = array<i32>} : memref<640xf32, #tpu.memory_space<vmem>>, vector<16xf32>,
    %broadcast_in_dim3A_76 = arith.constant 0.000000e+00 : f32
    %broadcast_in_dim3A_77 = vector.broadcast %broadcast_in_dim3A_76 : f32 to vector<16xf32>
    %swap3A_78 = arith.constant 208 : index
    %swap3A_79 = tpu.vector_load %arg4[%swap3A_78] {strides = array<i32>} : memref<640xf32, #tpu.memory_space<vmem>>, vector<16xf32>,
    %swap3A_80 = vector.shape_cast %swap3A_79 : vector<16xf32> to vector<16xf32>
    %swap3A_81 = vector.shape_cast %broadcast_in_dim3A_77 : vector<16xf32> to vector<16xf32>
    tpu.vector_store %arg4[%swap3A_78], %swap3A_81 {strides = array<i32>} : memref<640xf32, #tpu.memory_space<vmem>>, vector<16xf32>,
    %broadcast_in_dim3A_82 = arith.constant 0.000000e+00 : f32
    %broadcast_in_dim3A_83 = vector.broadcast %broadcast_in_dim3A_82 : f32 to vector<16xf32>
    %swap3A_84 = arith.constant 224 : index
    %swap3A_85 = tpu.vector_load %arg4[%swap3A_84] {strides = array<i32>} : memref<640xf32, #tpu.memory_space<vmem>>, vector<16xf32>,
    %swap3A_86 = vector.shape_cast %swap3A_85 : vector<16xf32> to vector<16xf32>
    %swap3A_87 = vector.shape_cast %broadcast_in_dim3A_83 : vector<16xf32> to vector<16xf32>
    tpu.vector_store %arg4[%swap3A_84], %swap3A_87 {strides = array<i32>} : memref<640xf32, #tpu.memory_space<vmem>>, vector<16xf32>,
    %broadcast_in_dim3A_88 = arith.constant 0.000000e+00 : f32
    %broadcast_in_dim3A_89 = vector.broadcast %broadcast_in_dim3A_88 : f32 to vector<16xf32>
    %swap3A_90 = arith.constant 240 : index
    %swap3A_91 = tpu.vector_load %arg4[%swap3A_90] {strides = array<i32>} : memref<640xf32, #tpu.memory_space<vmem>>, vector<16xf32>,
    %swap3A_92 = vector.shape_cast %swap3A_91 : vector<16xf32> to vector<16xf32>
    %swap3A_93 = vector.shape_cast %broadcast_in_dim3A_89 : vector<16xf32> to vector<16xf32>
    tpu.vector_store %arg4[%swap3A_90], %swap3A_93 {strides = array<i32>} : memref<640xf32, #tpu.memory_space<vmem>>, vector<16xf32>,
    %broadcast_in_dim3A_94 = arith.constant 0.000000e+00 : f32
    %broadcast_in_dim3A_95 = vector.broadcast %broadcast_in_dim3A_94 : f32 to vector<16xf32>
    %swap3A_96 = arith.constant 256 : index
    %swap3A_97 = tpu.vector_load %arg4[%swap3A_96] {strides = array<i32>} : memref<640xf32, #tpu.memory_space<vmem>>, vector<16xf32>,
    %swap3A_98 = vector.shape_cast %swap3A_97 : vector<16xf32> to vector<16xf32>
    %swap3A_99 = vector.shape_cast %broadcast_in_dim3A_95 : vector<16xf32> to vector<16xf32>
    tpu.vector_store %arg4[%swap3A_96], %swap3A_99 {strides = array<i32>} : memref<640xf32, #tpu.memory_space<vmem>>, vector<16xf32>,
    %broadcast_in_dim3A_100 = arith.constant 0.000000e+00 : f32
    %broadcast_in_dim3A_101 = vector.broadcast %broadcast_in_dim3A_100 : f32 to vector<16xf32>
    %swap3A_102 = arith.constant 272 : index
    %swap3A_103 = tpu.vector_load %arg4[%swap3A_102] {strides = array<i32>} : memref<640xf32, #tpu.memory_space<vmem>>, vector<16xf32>,
    %swap3A_104 = vector.shape_cast %swap3A_103 : vector<16xf32> to vector<16xf32>
    %swap3A_105 = vector.shape_cast %broadcast_in_dim3A_101 : vector<16xf32> to vector<16xf32>
    tpu.vector_store %arg4[%swap3A_102], %swap3A_105 {strides = array<i32>} : memref<640xf32, #tpu.memory_space<vmem>>, vector<16xf32>,
    %broadcast_in_dim3A_106 = arith.constant 0.000000e+00 : f32
    %broadcast_in_dim3A_107 = vector.broadcast %broadcast_in_dim3A_106 : f32 to vector<16xf32>
    %swap3A_108 = arith.constant 288 : index
    %swap3A_109 = tpu.vector_load %arg4[%swap3A_108] {strides = array<i32>} : memref<640xf32, #tpu.memory_space<vmem>>, vector<16xf32>,
    %swap3A_110 = vector.shape_cast %swap3A_109 : vector<16xf32> to vector<16xf32>
    %swap3A_111 = vector.shape_cast %broadcast_in_dim3A_107 : vector<16xf32> to vector<16xf32>
    tpu.vector_store %arg4[%swap3A_108], %swap3A_111 {strides = array<i32>} : memref<640xf32, #tpu.memory_space<vmem>>, vector<16xf32>,
    %broadcast_in_dim3A_112 = arith.constant 0.000000e+00 : f32
    %broadcast_in_dim3A_113 = vector.broadcast %broadcast_in_dim3A_112 : f32 to vector<16xf32>
    %swap3A_114 = arith.constant 304 : index
    %swap3A_115 = tpu.vector_load %arg4[%swap3A_114] {strides = array<i32>} : memref<640xf32, #tpu.memory_space<vmem>>, vector<16xf32>,
    %swap3A_116 = vector.shape_cast %swap3A_115 : vector<16xf32> to vector<16xf32>
    %swap3A_117 = vector.shape_cast %broadcast_in_dim3A_113 : vector<16xf32> to vector<16xf32>
    tpu.vector_store %arg4[%swap3A_114], %swap3A_117 {strides = array<i32>} : memref<640xf32, #tpu.memory_space<vmem>>, vector<16xf32>,
    %broadcast_in_dim3A_118 = arith.constant 0.000000e+00 : f32
    %broadcast_in_dim3A_119 = vector.broadcast %broadcast_in_dim3A_118 : f32 to vector<16xf32>
    %swap3A_120 = arith.constant 320 : index
    %swap3A_121 = tpu.vector_load %arg4[%swap3A_120] {strides = array<i32>} : memref<640xf32, #tpu.memory_space<vmem>>, vector<16xf32>,
    %swap3A_122 = vector.shape_cast %swap3A_121 : vector<16xf32> to vector<16xf32>
    %swap3A_123 = vector.shape_cast %broadcast_in_dim3A_119 : vector<16xf32> to vector<16xf32>
    tpu.vector_store %arg4[%swap3A_120], %swap3A_123 {strides = array<i32>} : memref<640xf32, #tpu.memory_space<vmem>>, vector<16xf32>,
    %broadcast_in_dim3A_124 = arith.constant 0.000000e+00 : f32
    %broadcast_in_dim3A_125 = vector.broadcast %broadcast_in_dim3A_124 : f32 to vector<16xf32>
    %swap3A_126 = arith.constant 336 : index
    %swap3A_127 = tpu.vector_load %arg4[%swap3A_126] {strides = array<i32>} : memref<640xf32, #tpu.memory_space<vmem>>, vector<16xf32>,
    %swap3A_128 = vector.shape_cast %swap3A_127 : vector<16xf32> to vector<16xf32>
    %swap3A_129 = vector.shape_cast %broadcast_in_dim3A_125 : vector<16xf32> to vector<16xf32>
    tpu.vector_store %arg4[%swap3A_126], %swap3A_129 {strides = array<i32>} : memref<640xf32, #tpu.memory_space<vmem>>, vector<16xf32>,
    %broadcast_in_dim3A_130 = arith.constant 0.000000e+00 : f32
    %broadcast_in_dim3A_131 = vector.broadcast %broadcast_in_dim3A_130 : f32 to vector<16xf32>
    %swap3A_132 = arith.constant 352 : index
    %swap3A_133 = tpu.vector_load %arg4[%swap3A_132] {strides = array<i32>} : memref<640xf32, #tpu.memory_space<vmem>>, vector<16xf32>,
    %swap3A_134 = vector.shape_cast %swap3A_133 : vector<16xf32> to vector<16xf32>
    %swap3A_135 = vector.shape_cast %broadcast_in_dim3A_131 : vector<16xf32> to vector<16xf32>
    tpu.vector_store %arg4[%swap3A_132], %swap3A_135 {strides = array<i32>} : memref<640xf32, #tpu.memory_space<vmem>>, vector<16xf32>,
    %broadcast_in_dim3A_136 = arith.constant 0.000000e+00 : f32
    %broadcast_in_dim3A_137 = vector.broadcast %broadcast_in_dim3A_136 : f32 to vector<16xf32>
    %swap3A_138 = arith.constant 368 : index
    %swap3A_139 = tpu.vector_load %arg4[%swap3A_138] {strides = array<i32>} : memref<640xf32, #tpu.memory_space<vmem>>, vector<16xf32>,
    %swap3A_140 = vector.shape_cast %swap3A_139 : vector<16xf32> to vector<16xf32>
    %swap3A_141 = vector.shape_cast %broadcast_in_dim3A_137 : vector<16xf32> to vector<16xf32>
    tpu.vector_store %arg4[%swap3A_138], %swap3A_141 {strides = array<i32>} : memref<640xf32, #tpu.memory_space<vmem>>, vector<16xf32>,
    %broadcast_in_dim3A_142 = arith.constant 0.000000e+00 : f32
    %broadcast_in_dim3A_143 = vector.broadcast %broadcast_in_dim3A_142 : f32 to vector<16xf32>
    %swap3A_144 = arith.constant 384 : index
    %swap3A_145 = tpu.vector_load %arg4[%swap3A_144] {strides = array<i32>} : memref<640xf32, #tpu.memory_space<vmem>>, vector<16xf32>,
    %swap3A_146 = vector.shape_cast %swap3A_145 : vector<16xf32> to vector<16xf32>
    %swap3A_147 = vector.shape_cast %broadcast_in_dim3A_143 : vector<16xf32> to vector<16xf32>
    tpu.vector_store %arg4[%swap3A_144], %swap3A_147 {strides = array<i32>} : memref<640xf32, #tpu.memory_space<vmem>>, vector<16xf32>,
    %broadcast_in_dim3A_148 = arith.constant 0.000000e+00 : f32
    %broadcast_in_dim3A_149 = vector.broadcast %broadcast_in_dim3A_148 : f32 to vector<16xf32>
    %swap3A_150 = arith.constant 400 : index
    %swap3A_151 = tpu.vector_load %arg4[%swap3A_150] {strides = array<i32>} : memref<640xf32, #tpu.memory_space<vmem>>, vector<16xf32>,
    %swap3A_152 = vector.shape_cast %swap3A_151 : vector<16xf32> to vector<16xf32>
    %swap3A_153 = vector.shape_cast %broadcast_in_dim3A_149 : vector<16xf32> to vector<16xf32>
    tpu.vector_store %arg4[%swap3A_150], %swap3A_153 {strides = array<i32>} : memref<640xf32, #tpu.memory_space<vmem>>, vector<16xf32>,
    %broadcast_in_dim3A_154 = arith.constant 0.000000e+00 : f32
    %broadcast_in_dim3A_155 = vector.broadcast %broadcast_in_dim3A_154 : f32 to vector<16xf32>
    %swap3A_156 = arith.constant 416 : index
    %swap3A_157 = tpu.vector_load %arg4[%swap3A_156] {strides = array<i32>} : memref<640xf32, #tpu.memory_space<vmem>>, vector<16xf32>,
    %swap3A_158 = vector.shape_cast %swap3A_157 : vector<16xf32> to vector<16xf32>
    %swap3A_159 = vector.shape_cast %broadcast_in_dim3A_155 : vector<16xf32> to vector<16xf32>
    tpu.vector_store %arg4[%swap3A_156], %swap3A_159 {strides = array<i32>} : memref<640xf32, #tpu.memory_space<vmem>>, vector<16xf32>,
    %broadcast_in_dim3A_160 = arith.constant 0.000000e+00 : f32
    %broadcast_in_dim3A_161 = vector.broadcast %broadcast_in_dim3A_160 : f32 to vector<16xf32>
    %swap3A_162 = arith.constant 432 : index
    %swap3A_163 = tpu.vector_load %arg4[%swap3A_162] {strides = array<i32>} : memref<640xf32, #tpu.memory_space<vmem>>, vector<16xf32>,
    %swap3A_164 = vector.shape_cast %swap3A_163 : vector<16xf32> to vector<16xf32>
    %swap3A_165 = vector.shape_cast %broadcast_in_dim3A_161 : vector<16xf32> to vector<16xf32>
    tpu.vector_store %arg4[%swap3A_162], %swap3A_165 {strides = array<i32>} : memref<640xf32, #tpu.memory_space<vmem>>, vector<16xf32>,
    %broadcast_in_dim3A_166 = arith.constant 0.000000e+00 : f32
    %broadcast_in_dim3A_167 = vector.broadcast %broadcast_in_dim3A_166 : f32 to vector<16xf32>
    %swap3A_168 = arith.constant 448 : index
    %swap3A_169 = tpu.vector_load %arg4[%swap3A_168] {strides = array<i32>} : memref<640xf32, #tpu.memory_space<vmem>>, vector<16xf32>,
    %swap3A_170 = vector.shape_cast %swap3A_169 : vector<16xf32> to vector<16xf32>
    %swap3A_171 = vector.shape_cast %broadcast_in_dim3A_167 : vector<16xf32> to vector<16xf32>
    tpu.vector_store %arg4[%swap3A_168], %swap3A_171 {strides = array<i32>} : memref<640xf32, #tpu.memory_space<vmem>>, vector<16xf32>,
    %broadcast_in_dim3A_172 = arith.constant 0.000000e+00 : f32
    %broadcast_in_dim3A_173 = vector.broadcast %broadcast_in_dim3A_172 : f32 to vector<16xf32>
    %swap3A_174 = arith.constant 464 : index
    %swap3A_175 = tpu.vector_load %arg4[%swap3A_174] {strides = array<i32>} : memref<640xf32, #tpu.memory_space<vmem>>, vector<16xf32>,
    %swap3A_176 = vector.shape_cast %swap3A_175 : vector<16xf32> to vector<16xf32>
    %swap3A_177 = vector.shape_cast %broadcast_in_dim3A_173 : vector<16xf32> to vector<16xf32>
    tpu.vector_store %arg4[%swap3A_174], %swap3A_177 {strides = array<i32>} : memref<640xf32, #tpu.memory_space<vmem>>, vector<16xf32>,
    %broadcast_in_dim3A_178 = arith.constant 0.000000e+00 : f32
    %broadcast_in_dim3A_179 = vector.broadcast %broadcast_in_dim3A_178 : f32 to vector<16xf32>
    %swap3A_180 = arith.constant 480 : index
    %swap3A_181 = tpu.vector_load %arg4[%swap3A_180] {strides = array<i32>} : memref<640xf32, #tpu.memory_space<vmem>>, vector<16xf32>,
    %swap3A_182 = vector.shape_cast %swap3A_181 : vector<16xf32> to vector<16xf32>
    %swap3A_183 = vector.shape_cast %broadcast_in_dim3A_179 : vector<16xf32> to vector<16xf32>
    tpu.vector_store %arg4[%swap3A_180], %swap3A_183 {strides = array<i32>} : memref<640xf32, #tpu.memory_space<vmem>>, vector<16xf32>,
    %broadcast_in_dim3A_184 = arith.constant 0.000000e+00 : f32
    %broadcast_in_dim3A_185 = vector.broadcast %broadcast_in_dim3A_184 : f32 to vector<16xf32>
    %swap3A_186 = arith.constant 496 : index
    %swap3A_187 = tpu.vector_load %arg4[%swap3A_186] {strides = array<i32>} : memref<640xf32, #tpu.memory_space<vmem>>, vector<16xf32>,
    %swap3A_188 = vector.shape_cast %swap3A_187 : vector<16xf32> to vector<16xf32>
    %swap3A_189 = vector.shape_cast %broadcast_in_dim3A_185 : vector<16xf32> to vector<16xf32>
    tpu.vector_store %arg4[%swap3A_186], %swap3A_189 {strides = array<i32>} : memref<640xf32, #tpu.memory_space<vmem>>, vector<16xf32>,
    %broadcast_in_dim3A_190 = arith.constant 0.000000e+00 : f32
    %broadcast_in_dim3A_191 = vector.broadcast %broadcast_in_dim3A_190 : f32 to vector<16xf32>
    %swap3A_192 = arith.constant 512 : index
    %swap3A_193 = tpu.vector_load %arg4[%swap3A_192] {strides = array<i32>} : memref<640xf32, #tpu.memory_space<vmem>>, vector<16xf32>,
    %swap3A_194 = vector.shape_cast %swap3A_193 : vector<16xf32> to vector<16xf32>
    %swap3A_195 = vector.shape_cast %broadcast_in_dim3A_191 : vector<16xf32> to vector<16xf32>
    tpu.vector_store %arg4[%swap3A_192], %swap3A_195 {strides = array<i32>} : memref<640xf32, #tpu.memory_space<vmem>>, vector<16xf32>,
    %broadcast_in_dim3A_196 = arith.constant 0.000000e+00 : f32
    %broadcast_in_dim3A_197 = vector.broadcast %broadcast_in_dim3A_196 : f32 to vector<16xf32>
    %swap3A_198 = arith.constant 528 : index
    %swap3A_199 = tpu.vector_load %arg4[%swap3A_198] {strides = array<i32>} : memref<640xf32, #tpu.memory_space<vmem>>, vector<16xf32>,
    %swap3A_200 = vector.shape_cast %swap3A_199 : vector<16xf32> to vector<16xf32>
    %swap3A_201 = vector.shape_cast %broadcast_in_dim3A_197 : vector<16xf32> to vector<16xf32>
    tpu.vector_store %arg4[%swap3A_198], %swap3A_201 {strides = array<i32>} : memref<640xf32, #tpu.memory_space<vmem>>, vector<16xf32>,
    %broadcast_in_dim3A_202 = arith.constant 0.000000e+00 : f32
    %broadcast_in_dim3A_203 = vector.broadcast %broadcast_in_dim3A_202 : f32 to vector<16xf32>
    %swap3A_204 = arith.constant 544 : index
    %swap3A_205 = tpu.vector_load %arg4[%swap3A_204] {strides = array<i32>} : memref<640xf32, #tpu.memory_space<vmem>>, vector<16xf32>,
    %swap3A_206 = vector.shape_cast %swap3A_205 : vector<16xf32> to vector<16xf32>
    %swap3A_207 = vector.shape_cast %broadcast_in_dim3A_203 : vector<16xf32> to vector<16xf32>
    tpu.vector_store %arg4[%swap3A_204], %swap3A_207 {strides = array<i32>} : memref<640xf32, #tpu.memory_space<vmem>>, vector<16xf32>,
    %broadcast_in_dim3A_208 = arith.constant 0.000000e+00 : f32
    %broadcast_in_dim3A_209 = vector.broadcast %broadcast_in_dim3A_208 : f32 to vector<16xf32>
    %swap3A_210 = arith.constant 560 : index
    %swap3A_211 = tpu.vector_load %arg4[%swap3A_210] {strides = array<i32>} : memref<640xf32, #tpu.memory_space<vmem>>, vector<16xf32>,
    %swap3A_212 = vector.shape_cast %swap3A_211 : vector<16xf32> to vector<16xf32>
    %swap3A_213 = vector.shape_cast %broadcast_in_dim3A_209 : vector<16xf32> to vector<16xf32>
    tpu.vector_store %arg4[%swap3A_210], %swap3A_213 {strides = array<i32>} : memref<640xf32, #tpu.memory_space<vmem>>, vector<16xf32>,
    %broadcast_in_dim3A_214 = arith.constant 0.000000e+00 : f32
    %broadcast_in_dim3A_215 = vector.broadcast %broadcast_in_dim3A_214 : f32 to vector<16xf32>
    %swap3A_216 = arith.constant 576 : index
    %swap3A_217 = tpu.vector_load %arg4[%swap3A_216] {strides = array<i32>} : memref<640xf32, #tpu.memory_space<vmem>>, vector<16xf32>,
    %swap3A_218 = vector.shape_cast %swap3A_217 : vector<16xf32> to vector<16xf32>
    %swap3A_219 = vector.shape_cast %broadcast_in_dim3A_215 : vector<16xf32> to vector<16xf32>
    tpu.vector_store %arg4[%swap3A_216], %swap3A_219 {strides = array<i32>} : memref<640xf32, #tpu.memory_space<vmem>>, vector<16xf32>,
    %broadcast_in_dim3A_220 = arith.constant 0.000000e+00 : f32
    %broadcast_in_dim3A_221 = vector.broadcast %broadcast_in_dim3A_220 : f32 to vector<16xf32>
    %swap3A_222 = arith.constant 592 : index
    %swap3A_223 = tpu.vector_load %arg4[%swap3A_222] {strides = array<i32>} : memref<640xf32, #tpu.memory_space<vmem>>, vector<16xf32>,
    %swap3A_224 = vector.shape_cast %swap3A_223 : vector<16xf32> to vector<16xf32>
    %swap3A_225 = vector.shape_cast %broadcast_in_dim3A_221 : vector<16xf32> to vector<16xf32>
    tpu.vector_store %arg4[%swap3A_222], %swap3A_225 {strides = array<i32>} : memref<640xf32, #tpu.memory_space<vmem>>, vector<16xf32>,
    %broadcast_in_dim3A_226 = arith.constant 0.000000e+00 : f32
    %broadcast_in_dim3A_227 = vector.broadcast %broadcast_in_dim3A_226 : f32 to vector<16xf32>
    %swap3A_228 = arith.constant 608 : index
    %swap3A_229 = tpu.vector_load %arg4[%swap3A_228] {strides = array<i32>} : memref<640xf32, #tpu.memory_space<vmem>>, vector<16xf32>,
    %swap3A_230 = vector.shape_cast %swap3A_229 : vector<16xf32> to vector<16xf32>
    %swap3A_231 = vector.shape_cast %broadcast_in_dim3A_227 : vector<16xf32> to vector<16xf32>
    tpu.vector_store %arg4[%swap3A_228], %swap3A_231 {strides = array<i32>} : memref<640xf32, #tpu.memory_space<vmem>>, vector<16xf32>,
    %broadcast_in_dim3A_232 = arith.constant 0.000000e+00 : f32
    %broadcast_in_dim3A_233 = vector.broadcast %broadcast_in_dim3A_232 : f32 to vector<16xf32>
    %swap3A_234 = arith.constant 624 : index
    %swap3A_235 = tpu.vector_load %arg4[%swap3A_234] {strides = array<i32>} : memref<640xf32, #tpu.memory_space<vmem>>, vector<16xf32>,
    %swap3A_236 = vector.shape_cast %swap3A_235 : vector<16xf32> to vector<16xf32>
    %swap3A_237 = vector.shape_cast %broadcast_in_dim3A_233 : vector<16xf32> to vector<16xf32>
    tpu.vector_store %arg4[%swap3A_234], %swap3A_237 {strides = array<i32>} : memref<640xf32, #tpu.memory_space<vmem>>, vector<16xf32>,
    %broadcast_in_dim3A_238 = arith.constant 1.000000e+00 : f32
    %broadcast_in_dim3A_239 = vector.broadcast %broadcast_in_dim3A_238 : f32 to vector<16xf32>
    %swap3A_240 = arith.constant 0 : index
    %swap3A_241 = tpu.vector_load %arg5[%swap3A_240] {strides = array<i32>} : memref<128xf32, #tpu.memory_space<vmem>>, vector<16xf32>,
    %swap3A_242 = vector.shape_cast %swap3A_241 : vector<16xf32> to vector<16xf32>
    %swap3A_243 = vector.shape_cast %broadcast_in_dim3A_239 : vector<16xf32> to vector<16xf32>
    tpu.vector_store %arg5[%swap3A_240], %swap3A_243 {strides = array<i32>} : memref<128xf32, #tpu.memory_space<vmem>>, vector<16xf32>,
    %broadcast_in_dim3A_244 = arith.constant 1.000000e+00 : f32
    %broadcast_in_dim3A_245 = vector.broadcast %broadcast_in_dim3A_244 : f32 to vector<16xf32>
    %swap3A_246 = arith.constant 16 : index
    %swap3A_247 = tpu.vector_load %arg5[%swap3A_246] {strides = array<i32>} : memref<128xf32, #tpu.memory_space<vmem>>, vector<16xf32>,
    %swap3A_248 = vector.shape_cast %swap3A_247 : vector<16xf32> to vector<16xf32>
    %swap3A_249 = vector.shape_cast %broadcast_in_dim3A_245 : vector<16xf32> to vector<16xf32>
    tpu.vector_store %arg5[%swap3A_246], %swap3A_249 {strides = array<i32>} : memref<128xf32, #tpu.memory_space<vmem>>, vector<16xf32>,
    %broadcast_in_dim3A_250 = arith.constant 1.000000e+00 : f32
    %broadcast_in_dim3A_251 = vector.broadcast %broadcast_in_dim3A_250 : f32 to vector<16xf32>
    %swap3A_252 = arith.constant 32 : index
    %swap3A_253 = tpu.vector_load %arg5[%swap3A_252] {strides = array<i32>} : memref<128xf32, #tpu.memory_space<vmem>>, vector<16xf32>,
    %swap3A_254 = vector.shape_cast %swap3A_253 : vector<16xf32> to vector<16xf32>
    %swap3A_255 = vector.shape_cast %broadcast_in_dim3A_251 : vector<16xf32> to vector<16xf32>
    tpu.vector_store %arg5[%swap3A_252], %swap3A_255 {strides = array<i32>} : memref<128xf32, #tpu.memory_space<vmem>>, vector<16xf32>,
    %broadcast_in_dim3A_256 = arith.constant 1.000000e+00 : f32
    %broadcast_in_dim3A_257 = vector.broadcast %broadcast_in_dim3A_256 : f32 to vector<16xf32>
    %swap3A_258 = arith.constant 48 : index
    %swap3A_259 = tpu.vector_load %arg5[%swap3A_258] {strides = array<i32>} : memref<128xf32, #tpu.memory_space<vmem>>, vector<16xf32>,
    %swap3A_260 = vector.shape_cast %swap3A_259 : vector<16xf32> to vector<16xf32>
    %swap3A_261 = vector.shape_cast %broadcast_in_dim3A_257 : vector<16xf32> to vector<16xf32>
    tpu.vector_store %arg5[%swap3A_258], %swap3A_261 {strides = array<i32>} : memref<128xf32, #tpu.memory_space<vmem>>, vector<16xf32>,
    %broadcast_in_dim3A_262 = arith.constant 1.000000e+00 : f32
    %broadcast_in_dim3A_263 = vector.broadcast %broadcast_in_dim3A_262 : f32 to vector<16xf32>
    %swap3A_264 = arith.constant 64 : index
    %swap3A_265 = tpu.vector_load %arg5[%swap3A_264] {strides = array<i32>} : memref<128xf32, #tpu.memory_space<vmem>>, vector<16xf32>,
    %swap3A_266 = vector.shape_cast %swap3A_265 : vector<16xf32> to vector<16xf32>
    %swap3A_267 = vector.shape_cast %broadcast_in_dim3A_263 : vector<16xf32> to vector<16xf32>
    tpu.vector_store %arg5[%swap3A_264], %swap3A_267 {strides = array<i32>} : memref<128xf32, #tpu.memory_space<vmem>>, vector<16xf32>,
    %broadcast_in_dim3A_268 = arith.constant 1.000000e+00 : f32
    %broadcast_in_dim3A_269 = vector.broadcast %broadcast_in_dim3A_268 : f32 to vector<16xf32>
    %swap3A_270 = arith.constant 80 : index
    %swap3A_271 = tpu.vector_load %arg5[%swap3A_270] {strides = array<i32>} : memref<128xf32, #tpu.memory_space<vmem>>, vector<16xf32>,
    %swap3A_272 = vector.shape_cast %swap3A_271 : vector<16xf32> to vector<16xf32>
    %swap3A_273 = vector.shape_cast %broadcast_in_dim3A_269 : vector<16xf32> to vector<16xf32>
    tpu.vector_store %arg5[%swap3A_270], %swap3A_273 {strides = array<i32>} : memref<128xf32, #tpu.memory_space<vmem>>, vector<16xf32>,
    %broadcast_in_dim3A_274 = arith.constant 1.000000e+00 : f32
    %broadcast_in_dim3A_275 = vector.broadcast %broadcast_in_dim3A_274 : f32 to vector<16xf32>
    %swap3A_276 = arith.constant 96 : index
    %swap3A_277 = tpu.vector_load %arg5[%swap3A_276] {strides = array<i32>} : memref<128xf32, #tpu.memory_space<vmem>>, vector<16xf32>,
    %swap3A_278 = vector.shape_cast %swap3A_277 : vector<16xf32> to vector<16xf32>
    %swap3A_279 = vector.shape_cast %broadcast_in_dim3A_275 : vector<16xf32> to vector<16xf32>
    tpu.vector_store %arg5[%swap3A_276], %swap3A_279 {strides = array<i32>} : memref<128xf32, #tpu.memory_space<vmem>>, vector<16xf32>,
    %broadcast_in_dim3A_280 = arith.constant 1.000000e+00 : f32
    %broadcast_in_dim3A_281 = vector.broadcast %broadcast_in_dim3A_280 : f32 to vector<16xf32>
    %swap3A_282 = arith.constant 112 : index
    %swap3A_283 = tpu.vector_load %arg5[%swap3A_282] {strides = array<i32>} : memref<128xf32, #tpu.memory_space<vmem>>, vector<16xf32>,
    %swap3A_284 = vector.shape_cast %swap3A_283 : vector<16xf32> to vector<16xf32>
    %swap3A_285 = vector.shape_cast %broadcast_in_dim3A_281 : vector<16xf32> to vector<16xf32>
    tpu.vector_store %arg5[%swap3A_282], %swap3A_285 {strides = array<i32>} : memref<128xf32, #tpu.memory_space<vmem>>, vector<16xf32>,
    %mul3A = arith.constant 640 : i32
    %mul3A_286 = arith.muli %mul3A, %arg1 : i32
    "tpu.region"() ({
      %run_scoped3A = tpu.sem_alloc : memref<!tpu.dma_semaphore, #tpu.memory_space<semaphore_mem>>
      %dma_start3A = tpu.memref_slice %arg7[%mul3A_286] : memref<10240xf32, #tpu.memory_space<vmem_shared>> -> memref<640xf32, #tpu.memory_space<vmem_shared>>
      %dma_start3A_301 = tpu.memref_slice %arg7[%mul3A_286] : memref<10240xf32, #tpu.memory_space<vmem_shared>> -> memref<640xf32, #tpu.memory_space<vmem_shared>>
      tpu.enqueue_dma source(%arg4 : memref<640xf32, #tpu.memory_space<vmem>>) target(%dma_start3A_301 : memref<640xf32, #tpu.memory_space<vmem_shared>>) target_semaphore(%run_scoped3A : memref<!tpu.dma_semaphore, #tpu.memory_space<semaphore_mem>>)
      %dma_wait3A = tpu.memref_slice %arg7[%mul3A_286] : memref<10240xf32, #tpu.memory_space<vmem_shared>> -> memref<640xf32, #tpu.memory_space<vmem_shared>>
      %dma_wait3A_302 = tpu.memref_slice %arg7[%mul3A_286] : memref<10240xf32, #tpu.memory_space<vmem_shared>> -> memref<640xf32, #tpu.memory_space<vmem_shared>>
      tpu.wait_dma2 semaphore(%run_scoped3A : memref<!tpu.dma_semaphore, #tpu.memory_space<semaphore_mem>>) src(%arg4 : memref<640xf32, #tpu.memory_space<vmem>>) dst(%dma_wait3A_302 : memref<640xf32, #tpu.memory_space<vmem_shared>>)
      tpu.yield
    }) : () -> ()
    %barrier3A = arith.constant 0 : index
    tpu.barrier barrier_id(%barrier3A)
    %mul3A_287 = arith.constant 16 : i32
    %mul3A_288 = arith.muli %arg0, %mul3A_287 : i32
    %add3A = arith.addi %mul3A_288, %arg1 : i32
    %mul3A_289 = arith.constant 80 : i32
    %mul3A_290 = arith.muli %add3A, %mul3A_289 : i32
    %scan3A = arith.constant 0 : i32
    %scan3A_291 = arith.constant 0 : i32
    %scan3A_292 = arith.constant 10 : i32
    %scan3A_293 = arith.addi %scan3A_291, %scan3A_292 : i32
    %scan3A_294 = arith.constant 1 : i32
    scf.for %scan3A_301 = %scan3A_291 to %scan3A_293 step %scan3A_294  : i32 {
      %mul3A_302 = arith.constant 8 : i32
      %mul3A_303 = arith.muli %scan3A_301, %mul3A_302 : i32
      %add3A_304 = arith.addi %mul3A_290, %mul3A_303 : i32
      "tpu.region"() ({
        %run_scoped3A = tpu.sem_alloc : memref<!tpu.dma_semaphore, #tpu.memory_space<semaphore_mem>>
        %dma_start3A_399 = arith.constant 0 : i32
        %dma_start3A_400 = tpu.memref_slice %arg2[%add3A_304, %dma_start3A_399] : memref<2560x128xi32, #tpu.memory_space<hbm>> -> memref<8x128xi32, #tpu.memory_space<hbm>>
        %dma_start3A_401 = arith.constant 0 : i32
        %dma_start3A_402 = tpu.memref_slice %arg2[%add3A_304, %dma_start3A_401] : memref<2560x128xi32, #tpu.memory_space<hbm>> -> memref<8x128xi32, #tpu.memory_space<hbm>>
        tpu.enqueue_dma source(%dma_start3A_402 : memref<8x128xi32, #tpu.memory_space<hbm>>) target(%arg6 : memref<8x128xi32, #tpu.memory_space<vmem>>) target_semaphore(%run_scoped3A : memref<!tpu.dma_semaphore, #tpu.memory_space<semaphore_mem>>)
        %dma_wait3A_403 = arith.constant 0 : i32
        %dma_wait3A_404 = tpu.memref_slice %arg2[%add3A_304, %dma_wait3A_403] : memref<2560x128xi32, #tpu.memory_space<hbm>> -> memref<8x128xi32, #tpu.memory_space<hbm>>
        %dma_wait3A_405 = arith.constant 0 : i32
        %dma_wait3A_406 = tpu.memref_slice %arg2[%add3A_304, %dma_wait3A_405] : memref<2560x128xi32, #tpu.memory_space<hbm>> -> memref<8x128xi32, #tpu.memory_space<hbm>>
        tpu.wait_dma2 semaphore(%run_scoped3A : memref<!tpu.dma_semaphore, #tpu.memory_space<semaphore_mem>>) src(%dma_wait3A_406 : memref<8x128xi32, #tpu.memory_space<hbm>>) dst(%arg6 : memref<8x128xi32, #tpu.memory_space<vmem>>)
        tpu.yield
      }) : () -> ()
      %dma_start3A = arith.constant 0 : i32
      %dma_start3A_305 = arith.constant 0 : i32
      %dma_start3A_306 = tpu.memref_slice %arg6[%dma_start3A, %dma_start3A_305] : memref<8x128xi32, #tpu.memory_space<vmem>> -> memref<1x128xi32, #tpu.memory_space<vmem>>
      %dma_start3A_307 = tpu.memref_squeeze %dma_start3A_306 : memref<1x128xi32, #tpu.memory_space<vmem>> -> memref<128xi32, #tpu.memory_space<vmem>>
      %dma_start3A_308 = arith.constant 0 : i32
      %dma_start3A_309 = tpu.memref_slice %arg7[%dma_start3A_308] : memref<10240xf32, #tpu.memory_space<vmem_shared>> -> memref<10240xf32, #tpu.memory_space<vmem_shared>>
      tpu.enqueue_indirect_dma source(%arg5 : memref<128xf32, #tpu.memory_space<vmem>>) target(%dma_start3A_309 : memref<10240xf32, #tpu.memory_space<vmem_shared>>) offsets(%dma_start3A_307 : memref<128xi32, #tpu.memory_space<vmem>>) semaphore(%arg8 : memref<!tpu.dma_semaphore, #tpu.memory_space<semaphore_mem>>) {add = true}
      %dma_start3A_310 = arith.constant 1 : i32
      %dma_start3A_311 = arith.constant 0 : i32
      %dma_start3A_312 = tpu.memref_slice %arg6[%dma_start3A_310, %dma_start3A_311] : memref<8x128xi32, #tpu.memory_space<vmem>> -> memref<1x128xi32, #tpu.memory_space<vmem>>
      %dma_start3A_313 = tpu.memref_squeeze %dma_start3A_312 : memref<1x128xi32, #tpu.memory_space<vmem>> -> memref<128xi32, #tpu.memory_space<vmem>>
      %dma_start3A_314 = arith.constant 0 : i32
      %dma_start3A_315 = tpu.memref_slice %arg7[%dma_start3A_314] : memref<10240xf32, #tpu.memory_space<vmem_shared>> -> memref<10240xf32, #tpu.memory_space<vmem_shared>>
      tpu.enqueue_indirect_dma source(%arg5 : memref<128xf32, #tpu.memory_space<vmem>>) target(%dma_start3A_315 : memref<10240xf32, #tpu.memory_space<vmem_shared>>) offsets(%dma_start3A_313 : memref<128xi32, #tpu.memory_space<vmem>>) semaphore(%arg8 : memref<!tpu.dma_semaphore, #tpu.memory_space<semaphore_mem>>) {add = true}
      %dma_start3A_316 = arith.constant 2 : i32
      %dma_start3A_317 = arith.constant 0 : i32
      %dma_start3A_318 = tpu.memref_slice %arg6[%dma_start3A_316, %dma_start3A_317] : memref<8x128xi32, #tpu.memory_space<vmem>> -> memref<1x128xi32, #tpu.memory_space<vmem>>
      %dma_start3A_319 = tpu.memref_squeeze %dma_start3A_318 : memref<1x128xi32, #tpu.memory_space<vmem>> -> memref<128xi32, #tpu.memory_space<vmem>>
      %dma_start3A_320 = arith.constant 0 : i32
      %dma_start3A_321 = tpu.memref_slice %arg7[%dma_start3A_320] : memref<10240xf32, #tpu.memory_space<vmem_shared>> -> memref<10240xf32, #tpu.memory_space<vmem_shared>>
      tpu.enqueue_indirect_dma source(%arg5 : memref<128xf32, #tpu.memory_space<vmem>>) target(%dma_start3A_321 : memref<10240xf32, #tpu.memory_space<vmem_shared>>) offsets(%dma_start3A_319 : memref<128xi32, #tpu.memory_space<vmem>>) semaphore(%arg8 : memref<!tpu.dma_semaphore, #tpu.memory_space<semaphore_mem>>) {add = true}
      %dma_start3A_322 = arith.constant 3 : i32
      %dma_start3A_323 = arith.constant 0 : i32
      %dma_start3A_324 = tpu.memref_slice %arg6[%dma_start3A_322, %dma_start3A_323] : memref<8x128xi32, #tpu.memory_space<vmem>> -> memref<1x128xi32, #tpu.memory_space<vmem>>
      %dma_start3A_325 = tpu.memref_squeeze %dma_start3A_324 : memref<1x128xi32, #tpu.memory_space<vmem>> -> memref<128xi32, #tpu.memory_space<vmem>>
      %dma_start3A_326 = arith.constant 0 : i32
      %dma_start3A_327 = tpu.memref_slice %arg7[%dma_start3A_326] : memref<10240xf32, #tpu.memory_space<vmem_shared>> -> memref<10240xf32, #tpu.memory_space<vmem_shared>>
      tpu.enqueue_indirect_dma source(%arg5 : memref<128xf32, #tpu.memory_space<vmem>>) target(%dma_start3A_327 : memref<10240xf32, #tpu.memory_space<vmem_shared>>) offsets(%dma_start3A_325 : memref<128xi32, #tpu.memory_space<vmem>>) semaphore(%arg8 : memref<!tpu.dma_semaphore, #tpu.memory_space<semaphore_mem>>) {add = true}
      %dma_start3A_328 = arith.constant 4 : i32
      %dma_start3A_329 = arith.constant 0 : i32
      %dma_start3A_330 = tpu.memref_slice %arg6[%dma_start3A_328, %dma_start3A_329] : memref<8x128xi32, #tpu.memory_space<vmem>> -> memref<1x128xi32, #tpu.memory_space<vmem>>
      %dma_start3A_331 = tpu.memref_squeeze %dma_start3A_330 : memref<1x128xi32, #tpu.memory_space<vmem>> -> memref<128xi32, #tpu.memory_space<vmem>>
      %dma_start3A_332 = arith.constant 0 : i32
      %dma_start3A_333 = tpu.memref_slice %arg7[%dma_start3A_332] : memref<10240xf32, #tpu.memory_space<vmem_shared>> -> memref<10240xf32, #tpu.memory_space<vmem_shared>>
      tpu.enqueue_indirect_dma source(%arg5 : memref<128xf32, #tpu.memory_space<vmem>>) target(%dma_start3A_333 : memref<10240xf32, #tpu.memory_space<vmem_shared>>) offsets(%dma_start3A_331 : memref<128xi32, #tpu.memory_space<vmem>>) semaphore(%arg8 : memref<!tpu.dma_semaphore, #tpu.memory_space<semaphore_mem>>) {add = true}
      %dma_start3A_334 = arith.constant 5 : i32
      %dma_start3A_335 = arith.constant 0 : i32
      %dma_start3A_336 = tpu.memref_slice %arg6[%dma_start3A_334, %dma_start3A_335] : memref<8x128xi32, #tpu.memory_space<vmem>> -> memref<1x128xi32, #tpu.memory_space<vmem>>
      %dma_start3A_337 = tpu.memref_squeeze %dma_start3A_336 : memref<1x128xi32, #tpu.memory_space<vmem>> -> memref<128xi32, #tpu.memory_space<vmem>>
      %dma_start3A_338 = arith.constant 0 : i32
      %dma_start3A_339 = tpu.memref_slice %arg7[%dma_start3A_338] : memref<10240xf32, #tpu.memory_space<vmem_shared>> -> memref<10240xf32, #tpu.memory_space<vmem_shared>>
      tpu.enqueue_indirect_dma source(%arg5 : memref<128xf32, #tpu.memory_space<vmem>>) target(%dma_start3A_339 : memref<10240xf32, #tpu.memory_space<vmem_shared>>) offsets(%dma_start3A_337 : memref<128xi32, #tpu.memory_space<vmem>>) semaphore(%arg8 : memref<!tpu.dma_semaphore, #tpu.memory_space<semaphore_mem>>) {add = true}
      %dma_start3A_340 = arith.constant 6 : i32
      %dma_start3A_341 = arith.constant 0 : i32
      %dma_start3A_342 = tpu.memref_slice %arg6[%dma_start3A_340, %dma_start3A_341] : memref<8x128xi32, #tpu.memory_space<vmem>> -> memref<1x128xi32, #tpu.memory_space<vmem>>
      %dma_start3A_343 = tpu.memref_squeeze %dma_start3A_342 : memref<1x128xi32, #tpu.memory_space<vmem>> -> memref<128xi32, #tpu.memory_space<vmem>>
      %dma_start3A_344 = arith.constant 0 : i32
      %dma_start3A_345 = tpu.memref_slice %arg7[%dma_start3A_344] : memref<10240xf32, #tpu.memory_space<vmem_shared>> -> memref<10240xf32, #tpu.memory_space<vmem_shared>>
      tpu.enqueue_indirect_dma source(%arg5 : memref<128xf32, #tpu.memory_space<vmem>>) target(%dma_start3A_345 : memref<10240xf32, #tpu.memory_space<vmem_shared>>) offsets(%dma_start3A_343 : memref<128xi32, #tpu.memory_space<vmem>>) semaphore(%arg8 : memref<!tpu.dma_semaphore, #tpu.memory_space<semaphore_mem>>) {add = true}
      %dma_start3A_346 = arith.constant 7 : i32
      %dma_start3A_347 = arith.constant 0 : i32
      %dma_start3A_348 = tpu.memref_slice %arg6[%dma_start3A_346, %dma_start3A_347] : memref<8x128xi32, #tpu.memory_space<vmem>> -> memref<1x128xi32, #tpu.memory_space<vmem>>
      %dma_start3A_349 = tpu.memref_squeeze %dma_start3A_348 : memref<1x128xi32, #tpu.memory_space<vmem>> -> memref<128xi32, #tpu.memory_space<vmem>>
      %dma_start3A_350 = arith.constant 0 : i32
      %dma_start3A_351 = tpu.memref_slice %arg7[%dma_start3A_350] : memref<10240xf32, #tpu.memory_space<vmem_shared>> -> memref<10240xf32, #tpu.memory_space<vmem_shared>>
      tpu.enqueue_indirect_dma source(%arg5 : memref<128xf32, #tpu.memory_space<vmem>>) target(%dma_start3A_351 : memref<10240xf32, #tpu.memory_space<vmem_shared>>) offsets(%dma_start3A_349 : memref<128xi32, #tpu.memory_space<vmem>>) semaphore(%arg8 : memref<!tpu.dma_semaphore, #tpu.memory_space<semaphore_mem>>) {add = true}
      %dma_wait3A = arith.constant 0 : i32
      %dma_wait3A_352 = arith.constant 0 : i32
      %dma_wait3A_353 = tpu.memref_slice %arg6[%dma_wait3A, %dma_wait3A_352] : memref<8x128xi32, #tpu.memory_space<vmem>> -> memref<1x128xi32, #tpu.memory_space<vmem>>
      %dma_wait3A_354 = tpu.memref_squeeze %dma_wait3A_353 : memref<1x128xi32, #tpu.memory_space<vmem>> -> memref<128xi32, #tpu.memory_space<vmem>>
      %dma_wait3A_355 = arith.constant 0 : i32
      %dma_wait3A_356 = tpu.memref_slice %arg7[%dma_wait3A_355] : memref<10240xf32, #tpu.memory_space<vmem_shared>> -> memref<10240xf32, #tpu.memory_space<vmem_shared>>
      tpu.wait_indirect_dma semaphore(%arg8 : memref<!tpu.dma_semaphore, #tpu.memory_space<semaphore_mem>>) src(%arg5 : memref<128xf32, #tpu.memory_space<vmem>>) dst(%dma_wait3A_356 : memref<10240xf32, #tpu.memory_space<vmem_shared>>)
      %dma_wait3A_357 = arith.constant 1 : i32
      %dma_wait3A_358 = arith.constant 0 : i32
      %dma_wait3A_359 = tpu.memref_slice %arg6[%dma_wait3A_357, %dma_wait3A_358] : memref<8x128xi32, #tpu.memory_space<vmem>> -> memref<1x128xi32, #tpu.memory_space<vmem>>
      %dma_wait3A_360 = tpu.memref_squeeze %dma_wait3A_359 : memref<1x128xi32, #tpu.memory_space<vmem>> -> memref<128xi32, #tpu.memory_space<vmem>>
      %dma_wait3A_361 = arith.constant 0 : i32
      %dma_wait3A_362 = tpu.memref_slice %arg7[%dma_wait3A_361] : memref<10240xf32, #tpu.memory_space<vmem_shared>> -> memref<10240xf32, #tpu.memory_space<vmem_shared>>
      tpu.wait_indirect_dma semaphore(%arg8 : memref<!tpu.dma_semaphore, #tpu.memory_space<semaphore_mem>>) src(%arg5 : memref<128xf32, #tpu.memory_space<vmem>>) dst(%dma_wait3A_362 : memref<10240xf32, #tpu.memory_space<vmem_shared>>)
      %dma_wait3A_363 = arith.constant 2 : i32
      %dma_wait3A_364 = arith.constant 0 : i32
      %dma_wait3A_365 = tpu.memref_slice %arg6[%dma_wait3A_363, %dma_wait3A_364] : memref<8x128xi32, #tpu.memory_space<vmem>> -> memref<1x128xi32, #tpu.memory_space<vmem>>
      %dma_wait3A_366 = tpu.memref_squeeze %dma_wait3A_365 : memref<1x128xi32, #tpu.memory_space<vmem>> -> memref<128xi32, #tpu.memory_space<vmem>>
      %dma_wait3A_367 = arith.constant 0 : i32
      %dma_wait3A_368 = tpu.memref_slice %arg7[%dma_wait3A_367] : memref<10240xf32, #tpu.memory_space<vmem_shared>> -> memref<10240xf32, #tpu.memory_space<vmem_shared>>
      tpu.wait_indirect_dma semaphore(%arg8 : memref<!tpu.dma_semaphore, #tpu.memory_space<semaphore_mem>>) src(%arg5 : memref<128xf32, #tpu.memory_space<vmem>>) dst(%dma_wait3A_368 : memref<10240xf32, #tpu.memory_space<vmem_shared>>)
      %dma_wait3A_369 = arith.constant 3 : i32
      %dma_wait3A_370 = arith.constant 0 : i32
      %dma_wait3A_371 = tpu.memref_slice %arg6[%dma_wait3A_369, %dma_wait3A_370] : memref<8x128xi32, #tpu.memory_space<vmem>> -> memref<1x128xi32, #tpu.memory_space<vmem>>
      %dma_wait3A_372 = tpu.memref_squeeze %dma_wait3A_371 : memref<1x128xi32, #tpu.memory_space<vmem>> -> memref<128xi32, #tpu.memory_space<vmem>>
      %dma_wait3A_373 = arith.constant 0 : i32
      %dma_wait3A_374 = tpu.memref_slice %arg7[%dma_wait3A_373] : memref<10240xf32, #tpu.memory_space<vmem_shared>> -> memref<10240xf32, #tpu.memory_space<vmem_shared>>
      tpu.wait_indirect_dma semaphore(%arg8 : memref<!tpu.dma_semaphore, #tpu.memory_space<semaphore_mem>>) src(%arg5 : memref<128xf32, #tpu.memory_space<vmem>>) dst(%dma_wait3A_374 : memref<10240xf32, #tpu.memory_space<vmem_shared>>)
      %dma_wait3A_375 = arith.constant 4 : i32
      %dma_wait3A_376 = arith.constant 0 : i32
      %dma_wait3A_377 = tpu.memref_slice %arg6[%dma_wait3A_375, %dma_wait3A_376] : memref<8x128xi32, #tpu.memory_space<vmem>> -> memref<1x128xi32, #tpu.memory_space<vmem>>
      %dma_wait3A_378 = tpu.memref_squeeze %dma_wait3A_377 : memref<1x128xi32, #tpu.memory_space<vmem>> -> memref<128xi32, #tpu.memory_space<vmem>>
      %dma_wait3A_379 = arith.constant 0 : i32
      %dma_wait3A_380 = tpu.memref_slice %arg7[%dma_wait3A_379] : memref<10240xf32, #tpu.memory_space<vmem_shared>> -> memref<10240xf32, #tpu.memory_space<vmem_shared>>
      tpu.wait_indirect_dma semaphore(%arg8 : memref<!tpu.dma_semaphore, #tpu.memory_space<semaphore_mem>>) src(%arg5 : memref<128xf32, #tpu.memory_space<vmem>>) dst(%dma_wait3A_380 : memref<10240xf32, #tpu.memory_space<vmem_shared>>)
      %dma_wait3A_381 = arith.constant 5 : i32
      %dma_wait3A_382 = arith.constant 0 : i32
      %dma_wait3A_383 = tpu.memref_slice %arg6[%dma_wait3A_381, %dma_wait3A_382] : memref<8x128xi32, #tpu.memory_space<vmem>> -> memref<1x128xi32, #tpu.memory_space<vmem>>
      %dma_wait3A_384 = tpu.memref_squeeze %dma_wait3A_383 : memref<1x128xi32, #tpu.memory_space<vmem>> -> memref<128xi32, #tpu.memory_space<vmem>>
      %dma_wait3A_385 = arith.constant 0 : i32
      %dma_wait3A_386 = tpu.memref_slice %arg7[%dma_wait3A_385] : memref<10240xf32, #tpu.memory_space<vmem_shared>> -> memref<10240xf32, #tpu.memory_space<vmem_shared>>
      tpu.wait_indirect_dma semaphore(%arg8 : memref<!tpu.dma_semaphore, #tpu.memory_space<semaphore_mem>>) src(%arg5 : memref<128xf32, #tpu.memory_space<vmem>>) dst(%dma_wait3A_386 : memref<10240xf32, #tpu.memory_space<vmem_shared>>)
      %dma_wait3A_387 = arith.constant 6 : i32
      %dma_wait3A_388 = arith.constant 0 : i32
      %dma_wait3A_389 = tpu.memref_slice %arg6[%dma_wait3A_387, %dma_wait3A_388] : memref<8x128xi32, #tpu.memory_space<vmem>> -> memref<1x128xi32, #tpu.memory_space<vmem>>
      %dma_wait3A_390 = tpu.memref_squeeze %dma_wait3A_389 : memref<1x128xi32, #tpu.memory_space<vmem>> -> memref<128xi32, #tpu.memory_space<vmem>>
      %dma_wait3A_391 = arith.constant 0 : i32
      %dma_wait3A_392 = tpu.memref_slice %arg7[%dma_wait3A_391] : memref<10240xf32, #tpu.memory_space<vmem_shared>> -> memref<10240xf32, #tpu.memory_space<vmem_shared>>
      tpu.wait_indirect_dma semaphore(%arg8 : memref<!tpu.dma_semaphore, #tpu.memory_space<semaphore_mem>>) src(%arg5 : memref<128xf32, #tpu.memory_space<vmem>>) dst(%dma_wait3A_392 : memref<10240xf32, #tpu.memory_space<vmem_shared>>)
      %dma_wait3A_393 = arith.constant 7 : i32
      %dma_wait3A_394 = arith.constant 0 : i32
      %dma_wait3A_395 = tpu.memref_slice %arg6[%dma_wait3A_393, %dma_wait3A_394] : memref<8x128xi32, #tpu.memory_space<vmem>> -> memref<1x128xi32, #tpu.memory_space<vmem>>
      %dma_wait3A_396 = tpu.memref_squeeze %dma_wait3A_395 : memref<1x128xi32, #tpu.memory_space<vmem>> -> memref<128xi32, #tpu.memory_space<vmem>>
      %dma_wait3A_397 = arith.constant 0 : i32
      %dma_wait3A_398 = tpu.memref_slice %arg7[%dma_wait3A_397] : memref<10240xf32, #tpu.memory_space<vmem_shared>> -> memref<10240xf32, #tpu.memory_space<vmem_shared>>
      tpu.wait_indirect_dma semaphore(%arg8 : memref<!tpu.dma_semaphore, #tpu.memory_space<semaphore_mem>>) src(%arg5 : memref<128xf32, #tpu.memory_space<vmem>>) dst(%dma_wait3A_398 : memref<10240xf32, #tpu.memory_space<vmem_shared>>)
    }
    %scan3A_295 = arith.constant 10 : i32
    %barrier3A_296 = arith.constant 0 : index
    tpu.barrier barrier_id(%barrier3A_296)
    %mul3A_297 = arith.constant 640 : i32
    %mul3A_298 = arith.muli %mul3A_297, %arg1 : i32
    %mul3A_299 = arith.constant 640 : i32
    %mul3A_300 = arith.muli %mul3A_299, %arg1 : i32
    "tpu.region"() ({
      %run_scoped3A = tpu.sem_alloc : memref<!tpu.dma_semaphore, #tpu.memory_space<semaphore_mem>>
      %dma_start3A = tpu.memref_slice %arg3[%arg0, %mul3A_300] : memref<2x10240xf32, #tpu.memory_space<hbm>> -> memref<1x640xf32, #tpu.memory_space<hbm>>
      %dma_start3A_301 = tpu.memref_squeeze %dma_start3A : memref<1x640xf32, #tpu.memory_space<hbm>> -> memref<640xf32, #tpu.memory_space<hbm>>
      %dma_start3A_302 = tpu.memref_slice %arg7[%mul3A_298] : memref<10240xf32, #tpu.memory_space<vmem_shared>> -> memref<640xf32, #tpu.memory_space<vmem_shared>>
      tpu.enqueue_dma source(%dma_start3A_302 : memref<640xf32, #tpu.memory_space<vmem_shared>>) target(%dma_start3A_301 : memref<640xf32, #tpu.memory_space<hbm>>) target_semaphore(%run_scoped3A : memref<!tpu.dma_semaphore, #tpu.memory_space<semaphore_mem>>)
      %dma_wait3A = tpu.memref_slice %arg3[%arg0, %mul3A_300] : memref<2x10240xf32, #tpu.memory_space<hbm>> -> memref<1x640xf32, #tpu.memory_space<hbm>>
      %dma_wait3A_303 = tpu.memref_squeeze %dma_wait3A : memref<1x640xf32, #tpu.memory_space<hbm>> -> memref<640xf32, #tpu.memory_space<hbm>>
      %dma_wait3A_304 = tpu.memref_slice %arg7[%mul3A_298] : memref<10240xf32, #tpu.memory_space<vmem_shared>> -> memref<640xf32, #tpu.memory_space<vmem_shared>>
      tpu.wait_dma2 semaphore(%run_scoped3A : memref<!tpu.dma_semaphore, #tpu.memory_space<semaphore_mem>>) src(%dma_wait3A_304 : memref<640xf32, #tpu.memory_space<vmem_shared>>) dst(%dma_wait3A_303 : memref<640xf32, #tpu.memory_space<hbm>>)
      tpu.yield
    }) : () -> ()
    return
  }
}

#map = affine_map<(d0, d1) -> (0, 0)>
#map1 = affine_map<(d0, d1) -> (0, 0, 0, 0)>
module attributes {stable_mosaic.version = 14 : i64} {
  func.func @_sc_prop(%arg0: i32, %arg1: i32, %arg2: memref<20000x64xf32, #tpu.memory_space<hbm>>, %arg3: memref<2x2560x2x128xi32, #tpu.memory_space<hbm>>, %arg4: memref<640x64xf32, #tpu.memory_space<hbm>>, %arg5: memref<10000x128xf32, #tpu.memory_space<hbm>>, %arg6: memref<2x5x2x128xi32, #tpu.memory_space<vmem>>, %arg7: memref<2x5x128x64xf32, #tpu.memory_space<vmem>>, %arg8: memref<10240x64xf32, #tpu.memory_space<vmem_shared>>, %arg9: memref<!tpu.dma_semaphore, #tpu.memory_space<semaphore_mem>>, %arg10: memref<!tpu.dma_semaphore, #tpu.memory_space<semaphore_mem>>, %arg11: memref<!tpu.dma_semaphore, #tpu.memory_space<semaphore_mem>>, %arg12: memref<!tpu.dma_semaphore, #tpu.memory_space<semaphore_mem>>) attributes {dimension_semantics = [#tpu.dimension_semantics<core_parallel>, #tpu.dimension_semantics<subcore_parallel>], iteration_bounds = array<i64: 2, 16>, scalar_prefetch = 0 : i64, scratch_operands = 7 : i64, tpu.core_type = #tpu.core_type<sc_vector_subcore>, window_params = [{transform_indices = #map}, {transform_indices = #map1}, {transform_indices = #map}, {transform_indices = #map}]} {
    %mul3A = arith.constant 64 : i32
    %mul3A_0 = arith.muli %arg0, %mul3A : i32
    %mul3A_1 = arith.constant 640 : i32
    %mul3A_2 = arith.muli %mul3A_1, %arg1 : i32
    "tpu.region"() ({
      %run_scoped3A_91 = tpu.sem_alloc : memref<!tpu.dma_semaphore, #tpu.memory_space<semaphore_mem>>
      %dma_start3A_92 = arith.constant 0 : i32
      %dma_start3A_93 = tpu.memref_slice %arg8[%mul3A_2, %dma_start3A_92] : memref<10240x64xf32, #tpu.memory_space<vmem_shared>> -> memref<640x64xf32, #tpu.memory_space<vmem_shared>>
      tpu.enqueue_dma source(%arg4 : memref<640x64xf32, #tpu.memory_space<hbm>>) target(%dma_start3A_93 : memref<640x64xf32, #tpu.memory_space<vmem_shared>>) target_semaphore(%run_scoped3A_91 : memref<!tpu.dma_semaphore, #tpu.memory_space<semaphore_mem>>)
      %dma_wait3A = arith.constant 0 : i32
      %dma_wait3A_94 = tpu.memref_slice %arg8[%mul3A_2, %dma_wait3A] : memref<10240x64xf32, #tpu.memory_space<vmem_shared>> -> memref<640x64xf32, #tpu.memory_space<vmem_shared>>
      tpu.wait_dma2 semaphore(%run_scoped3A_91 : memref<!tpu.dma_semaphore, #tpu.memory_space<semaphore_mem>>) src(%arg4 : memref<640x64xf32, #tpu.memory_space<hbm>>) dst(%dma_wait3A_94 : memref<640x64xf32, #tpu.memory_space<vmem_shared>>)
      tpu.yield
    }) : () -> ()
    %barrier3A = arith.constant 0 : index
    tpu.barrier barrier_id(%barrier3A)
    %mul3A_3 = arith.constant 160 : i32
    %mul3A_4 = arith.muli %arg1, %mul3A_3 : i32
    %run_scoped3A = arith.constant 0 : i32
    "tpu.region"() ({
      %run_scoped3A_91 = tpu.sem_alloc : memref<!tpu.dma_semaphore, #tpu.memory_space<semaphore_mem>>
      %dma_start3A_92 = arith.constant 0 : i32
      %dma_start3A_93 = arith.constant 0 : i32
      %dma_start3A_94 = arith.constant 0 : i32
      %dma_start3A_95 = tpu.memref_slice %arg6[%run_scoped3A, %dma_start3A_92, %dma_start3A_93, %dma_start3A_94] : memref<2x5x2x128xi32, #tpu.memory_space<vmem>> -> memref<1x5x2x128xi32, #tpu.memory_space<vmem>>
      %dma_start3A_96 = tpu.memref_squeeze %dma_start3A_95 : memref<1x5x2x128xi32, #tpu.memory_space<vmem>> -> memref<5x2x128xi32, #tpu.memory_space<vmem>>
      %dma_start3A_97 = arith.constant 0 : i32
      %dma_start3A_98 = arith.constant 0 : i32
      %dma_start3A_99 = tpu.memref_slice %arg3[%arg0, %mul3A_4, %dma_start3A_97, %dma_start3A_98] : memref<2x2560x2x128xi32, #tpu.memory_space<hbm>> -> memref<1x5x2x128xi32, #tpu.memory_space<hbm>>
      %dma_start3A_100 = tpu.memref_squeeze %dma_start3A_99 : memref<1x5x2x128xi32, #tpu.memory_space<hbm>> -> memref<5x2x128xi32, #tpu.memory_space<hbm>>
      %dma_start3A_101 = arith.constant 0 : i32
      %dma_start3A_102 = arith.constant 0 : i32
      %dma_start3A_103 = arith.constant 0 : i32
      %dma_start3A_104 = tpu.memref_slice %arg6[%run_scoped3A, %dma_start3A_101, %dma_start3A_102, %dma_start3A_103] : memref<2x5x2x128xi32, #tpu.memory_space<vmem>> -> memref<1x5x2x128xi32, #tpu.memory_space<vmem>>
      %dma_start3A_105 = tpu.memref_squeeze %dma_start3A_104 : memref<1x5x2x128xi32, #tpu.memory_space<vmem>> -> memref<5x2x128xi32, #tpu.memory_space<vmem>>
      %dma_start3A_106 = arith.constant 0 : i32
      %dma_start3A_107 = arith.constant 0 : i32
      %dma_start3A_108 = tpu.memref_slice %arg3[%arg0, %mul3A_4, %dma_start3A_106, %dma_start3A_107] : memref<2x2560x2x128xi32, #tpu.memory_space<hbm>> -> memref<1x5x2x128xi32, #tpu.memory_space<hbm>>
      %dma_start3A_109 = tpu.memref_squeeze %dma_start3A_108 : memref<1x5x2x128xi32, #tpu.memory_space<hbm>> -> memref<5x2x128xi32, #tpu.memory_space<hbm>>
      tpu.enqueue_dma source(%dma_start3A_109 : memref<5x2x128xi32, #tpu.memory_space<hbm>>) target(%dma_start3A_105 : memref<5x2x128xi32, #tpu.memory_space<vmem>>) target_semaphore(%run_scoped3A_91 : memref<!tpu.dma_semaphore, #tpu.memory_space<semaphore_mem>>)
      %dma_wait3A = arith.constant 0 : i32
      %dma_wait3A_110 = arith.constant 0 : i32
      %dma_wait3A_111 = arith.constant 0 : i32
      %dma_wait3A_112 = tpu.memref_slice %arg6[%run_scoped3A, %dma_wait3A, %dma_wait3A_110, %dma_wait3A_111] : memref<2x5x2x128xi32, #tpu.memory_space<vmem>> -> memref<1x5x2x128xi32, #tpu.memory_space<vmem>>
      %dma_wait3A_113 = tpu.memref_squeeze %dma_wait3A_112 : memref<1x5x2x128xi32, #tpu.memory_space<vmem>> -> memref<5x2x128xi32, #tpu.memory_space<vmem>>
      %dma_wait3A_114 = arith.constant 0 : i32
      %dma_wait3A_115 = arith.constant 0 : i32
      %dma_wait3A_116 = tpu.memref_slice %arg3[%arg0, %mul3A_4, %dma_wait3A_114, %dma_wait3A_115] : memref<2x2560x2x128xi32, #tpu.memory_space<hbm>> -> memref<1x5x2x128xi32, #tpu.memory_space<hbm>>
      %dma_wait3A_117 = tpu.memref_squeeze %dma_wait3A_116 : memref<1x5x2x128xi32, #tpu.memory_space<hbm>> -> memref<5x2x128xi32, #tpu.memory_space<hbm>>
      %dma_wait3A_118 = arith.constant 0 : i32
      %dma_wait3A_119 = arith.constant 0 : i32
      %dma_wait3A_120 = arith.constant 0 : i32
      %dma_wait3A_121 = tpu.memref_slice %arg6[%run_scoped3A, %dma_wait3A_118, %dma_wait3A_119, %dma_wait3A_120] : memref<2x5x2x128xi32, #tpu.memory_space<vmem>> -> memref<1x5x2x128xi32, #tpu.memory_space<vmem>>
      %dma_wait3A_122 = tpu.memref_squeeze %dma_wait3A_121 : memref<1x5x2x128xi32, #tpu.memory_space<vmem>> -> memref<5x2x128xi32, #tpu.memory_space<vmem>>
      %dma_wait3A_123 = arith.constant 0 : i32
      %dma_wait3A_124 = arith.constant 0 : i32
      %dma_wait3A_125 = tpu.memref_slice %arg3[%arg0, %mul3A_4, %dma_wait3A_123, %dma_wait3A_124] : memref<2x2560x2x128xi32, #tpu.memory_space<hbm>> -> memref<1x5x2x128xi32, #tpu.memory_space<hbm>>
      %dma_wait3A_126 = tpu.memref_squeeze %dma_wait3A_125 : memref<1x5x2x128xi32, #tpu.memory_space<hbm>> -> memref<5x2x128xi32, #tpu.memory_space<hbm>>
      tpu.wait_dma2 semaphore(%run_scoped3A_91 : memref<!tpu.dma_semaphore, #tpu.memory_space<semaphore_mem>>) src(%dma_wait3A_126 : memref<5x2x128xi32, #tpu.memory_space<hbm>>) dst(%dma_wait3A_122 : memref<5x2x128xi32, #tpu.memory_space<vmem>>)
      tpu.yield
    }) : () -> ()
    %dma_start3A = arith.constant 0 : i32
    %dma_start3A_5 = arith.constant 0 : i32
    %dma_start3A_6 = arith.constant 0 : i32
    %dma_start3A_7 = arith.constant 0 : i32
    %dma_start3A_8 = arith.constant 0 : i32
    %dma_start3A_9 = arith.constant 0 : i32
    %dma_start3A_10 = arith.constant 0 : i32
    %dma_start3A_11 = tpu.memref_slice %arg7[%dma_start3A_7, %dma_start3A_8, %dma_start3A_9, %dma_start3A_10] : memref<2x5x128x64xf32, #tpu.memory_space<vmem>> -> memref<1x1x128x64xf32, #tpu.memory_space<vmem>>
    %dma_start3A_12 = tpu.memref_squeeze %dma_start3A_11 : memref<1x1x128x64xf32, #tpu.memory_space<vmem>> -> memref<128x64xf32, #tpu.memory_space<vmem>>
    %dma_start3A_13 = arith.constant 0 : i32
    %dma_start3A_14 = tpu.memref_slice %arg6[%dma_start3A, %dma_start3A_5, %dma_start3A_6, %dma_start3A_13] : memref<2x5x2x128xi32, #tpu.memory_space<vmem>> -> memref<1x1x1x128xi32, #tpu.memory_space<vmem>>
    %dma_start3A_15 = tpu.memref_squeeze %dma_start3A_14 : memref<1x1x1x128xi32, #tpu.memory_space<vmem>> -> memref<128xi32, #tpu.memory_space<vmem>>
    %dma_start3A_16 = arith.constant 0 : i32
    %dma_start3A_17 = arith.constant 0 : i32
    %dma_start3A_18 = tpu.memref_slice %arg2[%dma_start3A_16, %dma_start3A_17] : memref<20000x64xf32, #tpu.memory_space<hbm>> -> memref<20000x64xf32, #tpu.memory_space<hbm>>
    tpu.enqueue_indirect_dma source(%dma_start3A_18 : memref<20000x64xf32, #tpu.memory_space<hbm>>) target(%dma_start3A_12 : memref<128x64xf32, #tpu.memory_space<vmem>>) offsets(%dma_start3A_15 : memref<128xi32, #tpu.memory_space<vmem>>) semaphore(%arg9 : memref<!tpu.dma_semaphore, #tpu.memory_space<semaphore_mem>>)
    %dma_start3A_19 = arith.constant 0 : i32
    %dma_start3A_20 = arith.constant 1 : i32
    %dma_start3A_21 = arith.constant 0 : i32
    %dma_start3A_22 = arith.constant 0 : i32
    %dma_start3A_23 = arith.constant 1 : i32
    %dma_start3A_24 = arith.constant 0 : i32
    %dma_start3A_25 = arith.constant 0 : i32
    %dma_start3A_26 = tpu.memref_slice %arg7[%dma_start3A_22, %dma_start3A_23, %dma_start3A_24, %dma_start3A_25] : memref<2x5x128x64xf32, #tpu.memory_space<vmem>> -> memref<1x1x128x64xf32, #tpu.memory_space<vmem>>
    %dma_start3A_27 = tpu.memref_squeeze %dma_start3A_26 : memref<1x1x128x64xf32, #tpu.memory_space<vmem>> -> memref<128x64xf32, #tpu.memory_space<vmem>>
    %dma_start3A_28 = arith.constant 0 : i32
    %dma_start3A_29 = tpu.memref_slice %arg6[%dma_start3A_19, %dma_start3A_20, %dma_start3A_21, %dma_start3A_28] : memref<2x5x2x128xi32, #tpu.memory_space<vmem>> -> memref<1x1x1x128xi32, #tpu.memory_space<vmem>>
    %dma_start3A_30 = tpu.memref_squeeze %dma_start3A_29 : memref<1x1x1x128xi32, #tpu.memory_space<vmem>> -> memref<128xi32, #tpu.memory_space<vmem>>
    %dma_start3A_31 = arith.constant 0 : i32
    %dma_start3A_32 = arith.constant 0 : i32
    %dma_start3A_33 = tpu.memref_slice %arg2[%dma_start3A_31, %dma_start3A_32] : memref<20000x64xf32, #tpu.memory_space<hbm>> -> memref<20000x64xf32, #tpu.memory_space<hbm>>
    tpu.enqueue_indirect_dma source(%dma_start3A_33 : memref<20000x64xf32, #tpu.memory_space<hbm>>) target(%dma_start3A_27 : memref<128x64xf32, #tpu.memory_space<vmem>>) offsets(%dma_start3A_30 : memref<128xi32, #tpu.memory_space<vmem>>) semaphore(%arg9 : memref<!tpu.dma_semaphore, #tpu.memory_space<semaphore_mem>>)
    %dma_start3A_34 = arith.constant 0 : i32
    %dma_start3A_35 = arith.constant 2 : i32
    %dma_start3A_36 = arith.constant 0 : i32
    %dma_start3A_37 = arith.constant 0 : i32
    %dma_start3A_38 = arith.constant 2 : i32
    %dma_start3A_39 = arith.constant 0 : i32
    %dma_start3A_40 = arith.constant 0 : i32
    %dma_start3A_41 = tpu.memref_slice %arg7[%dma_start3A_37, %dma_start3A_38, %dma_start3A_39, %dma_start3A_40] : memref<2x5x128x64xf32, #tpu.memory_space<vmem>> -> memref<1x1x128x64xf32, #tpu.memory_space<vmem>>
    %dma_start3A_42 = tpu.memref_squeeze %dma_start3A_41 : memref<1x1x128x64xf32, #tpu.memory_space<vmem>> -> memref<128x64xf32, #tpu.memory_space<vmem>>
    %dma_start3A_43 = arith.constant 0 : i32
    %dma_start3A_44 = tpu.memref_slice %arg6[%dma_start3A_34, %dma_start3A_35, %dma_start3A_36, %dma_start3A_43] : memref<2x5x2x128xi32, #tpu.memory_space<vmem>> -> memref<1x1x1x128xi32, #tpu.memory_space<vmem>>
    %dma_start3A_45 = tpu.memref_squeeze %dma_start3A_44 : memref<1x1x1x128xi32, #tpu.memory_space<vmem>> -> memref<128xi32, #tpu.memory_space<vmem>>
    %dma_start3A_46 = arith.constant 0 : i32
    %dma_start3A_47 = arith.constant 0 : i32
    %dma_start3A_48 = tpu.memref_slice %arg2[%dma_start3A_46, %dma_start3A_47] : memref<20000x64xf32, #tpu.memory_space<hbm>> -> memref<20000x64xf32, #tpu.memory_space<hbm>>
    tpu.enqueue_indirect_dma source(%dma_start3A_48 : memref<20000x64xf32, #tpu.memory_space<hbm>>) target(%dma_start3A_42 : memref<128x64xf32, #tpu.memory_space<vmem>>) offsets(%dma_start3A_45 : memref<128xi32, #tpu.memory_space<vmem>>) semaphore(%arg9 : memref<!tpu.dma_semaphore, #tpu.memory_space<semaphore_mem>>)
    %dma_start3A_49 = arith.constant 0 : i32
    %dma_start3A_50 = arith.constant 3 : i32
    %dma_start3A_51 = arith.constant 0 : i32
    %dma_start3A_52 = arith.constant 0 : i32
    %dma_start3A_53 = arith.constant 3 : i32
    %dma_start3A_54 = arith.constant 0 : i32
    %dma_start3A_55 = arith.constant 0 : i32
    %dma_start3A_56 = tpu.memref_slice %arg7[%dma_start3A_52, %dma_start3A_53, %dma_start3A_54, %dma_start3A_55] : memref<2x5x128x64xf32, #tpu.memory_space<vmem>> -> memref<1x1x128x64xf32, #tpu.memory_space<vmem>>
    %dma_start3A_57 = tpu.memref_squeeze %dma_start3A_56 : memref<1x1x128x64xf32, #tpu.memory_space<vmem>> -> memref<128x64xf32, #tpu.memory_space<vmem>>
    %dma_start3A_58 = arith.constant 0 : i32
    %dma_start3A_59 = tpu.memref_slice %arg6[%dma_start3A_49, %dma_start3A_50, %dma_start3A_51, %dma_start3A_58] : memref<2x5x2x128xi32, #tpu.memory_space<vmem>> -> memref<1x1x1x128xi32, #tpu.memory_space<vmem>>
    %dma_start3A_60 = tpu.memref_squeeze %dma_start3A_59 : memref<1x1x1x128xi32, #tpu.memory_space<vmem>> -> memref<128xi32, #tpu.memory_space<vmem>>
    %dma_start3A_61 = arith.constant 0 : i32
    %dma_start3A_62 = arith.constant 0 : i32
    %dma_start3A_63 = tpu.memref_slice %arg2[%dma_start3A_61, %dma_start3A_62] : memref<20000x64xf32, #tpu.memory_space<hbm>> -> memref<20000x64xf32, #tpu.memory_space<hbm>>
    tpu.enqueue_indirect_dma source(%dma_start3A_63 : memref<20000x64xf32, #tpu.memory_space<hbm>>) target(%dma_start3A_57 : memref<128x64xf32, #tpu.memory_space<vmem>>) offsets(%dma_start3A_60 : memref<128xi32, #tpu.memory_space<vmem>>) semaphore(%arg9 : memref<!tpu.dma_semaphore, #tpu.memory_space<semaphore_mem>>)
    %dma_start3A_64 = arith.constant 0 : i32
    %dma_start3A_65 = arith.constant 4 : i32
    %dma_start3A_66 = arith.constant 0 : i32
    %dma_start3A_67 = arith.constant 0 : i32
    %dma_start3A_68 = arith.constant 4 : i32
    %dma_start3A_69 = arith.constant 0 : i32
    %dma_start3A_70 = arith.constant 0 : i32
    %dma_start3A_71 = tpu.memref_slice %arg7[%dma_start3A_67, %dma_start3A_68, %dma_start3A_69, %dma_start3A_70] : memref<2x5x128x64xf32, #tpu.memory_space<vmem>> -> memref<1x1x128x64xf32, #tpu.memory_space<vmem>>
    %dma_start3A_72 = tpu.memref_squeeze %dma_start3A_71 : memref<1x1x128x64xf32, #tpu.memory_space<vmem>> -> memref<128x64xf32, #tpu.memory_space<vmem>>
    %dma_start3A_73 = arith.constant 0 : i32
    %dma_start3A_74 = tpu.memref_slice %arg6[%dma_start3A_64, %dma_start3A_65, %dma_start3A_66, %dma_start3A_73] : memref<2x5x2x128xi32, #tpu.memory_space<vmem>> -> memref<1x1x1x128xi32, #tpu.memory_space<vmem>>
    %dma_start3A_75 = tpu.memref_squeeze %dma_start3A_74 : memref<1x1x1x128xi32, #tpu.memory_space<vmem>> -> memref<128xi32, #tpu.memory_space<vmem>>
    %dma_start3A_76 = arith.constant 0 : i32
    %dma_start3A_77 = arith.constant 0 : i32
    %dma_start3A_78 = tpu.memref_slice %arg2[%dma_start3A_76, %dma_start3A_77] : memref<20000x64xf32, #tpu.memory_space<hbm>> -> memref<20000x64xf32, #tpu.memory_space<hbm>>
    tpu.enqueue_indirect_dma source(%dma_start3A_78 : memref<20000x64xf32, #tpu.memory_space<hbm>>) target(%dma_start3A_72 : memref<128x64xf32, #tpu.memory_space<vmem>>) offsets(%dma_start3A_75 : memref<128xi32, #tpu.memory_space<vmem>>) semaphore(%arg9 : memref<!tpu.dma_semaphore, #tpu.memory_space<semaphore_mem>>)
    %scan3A = arith.constant 0 : i32
    %scan3A_79 = arith.constant 0 : i32
    %scan3A_80 = arith.constant 16 : i32
    %scan3A_81 = arith.addi %scan3A_79, %scan3A_80 : i32
    %scan3A_82 = arith.constant 1 : i32
    scf.for %scan3A_91 = %scan3A_79 to %scan3A_81 step %scan3A_82  : i32 {
      %dma_wait3A = arith.constant 0 : i32
      %dma_wait3A_92 = arith.constant 0 : i32
      %dma_wait3A_93 = arith.constant 0 : i32
      %dma_wait3A_94 = arith.constant 0 : i32
      %dma_wait3A_95 = arith.constant 0 : i32
      %dma_wait3A_96 = arith.constant 0 : i32
      %dma_wait3A_97 = arith.constant 0 : i32
      %dma_wait3A_98 = tpu.memref_slice %arg7[%dma_wait3A_94, %dma_wait3A_95, %dma_wait3A_96, %dma_wait3A_97] : memref<2x5x128x64xf32, #tpu.memory_space<vmem>> -> memref<1x1x128x64xf32, #tpu.memory_space<vmem>>
      %dma_wait3A_99 = tpu.memref_squeeze %dma_wait3A_98 : memref<1x1x128x64xf32, #tpu.memory_space<vmem>> -> memref<128x64xf32, #tpu.memory_space<vmem>>
      %dma_wait3A_100 = arith.constant 0 : i32
      %dma_wait3A_101 = tpu.memref_slice %arg6[%dma_wait3A, %dma_wait3A_92, %dma_wait3A_93, %dma_wait3A_100] : memref<2x5x2x128xi32, #tpu.memory_space<vmem>> -> memref<1x1x1x128xi32, #tpu.memory_space<vmem>>
      %dma_wait3A_102 = tpu.memref_squeeze %dma_wait3A_101 : memref<1x1x1x128xi32, #tpu.memory_space<vmem>> -> memref<128xi32, #tpu.memory_space<vmem>>
      %dma_wait3A_103 = arith.constant 0 : i32
      %dma_wait3A_104 = arith.constant 0 : i32
      %dma_wait3A_105 = tpu.memref_slice %arg2[%dma_wait3A_103, %dma_wait3A_104] : memref<20000x64xf32, #tpu.memory_space<hbm>> -> memref<20000x64xf32, #tpu.memory_space<hbm>>
      tpu.wait_indirect_dma semaphore(%arg9 : memref<!tpu.dma_semaphore, #tpu.memory_space<semaphore_mem>>) src(%dma_wait3A_105 : memref<20000x64xf32, #tpu.memory_space<hbm>>) dst(%dma_wait3A_99 : memref<128x64xf32, #tpu.memory_space<vmem>>)
      %dma_wait3A_106 = arith.constant 0 : i32
      %dma_wait3A_107 = arith.constant 1 : i32
      %dma_wait3A_108 = arith.constant 0 : i32
      %dma_wait3A_109 = arith.constant 0 : i32
      %dma_wait3A_110 = arith.constant 1 : i32
      %dma_wait3A_111 = arith.constant 0 : i32
      %dma_wait3A_112 = arith.constant 0 : i32
      %dma_wait3A_113 = tpu.memref_slice %arg7[%dma_wait3A_109, %dma_wait3A_110, %dma_wait3A_111, %dma_wait3A_112] : memref<2x5x128x64xf32, #tpu.memory_space<vmem>> -> memref<1x1x128x64xf32, #tpu.memory_space<vmem>>
      %dma_wait3A_114 = tpu.memref_squeeze %dma_wait3A_113 : memref<1x1x128x64xf32, #tpu.memory_space<vmem>> -> memref<128x64xf32, #tpu.memory_space<vmem>>
      %dma_wait3A_115 = arith.constant 0 : i32
      %dma_wait3A_116 = tpu.memref_slice %arg6[%dma_wait3A_106, %dma_wait3A_107, %dma_wait3A_108, %dma_wait3A_115] : memref<2x5x2x128xi32, #tpu.memory_space<vmem>> -> memref<1x1x1x128xi32, #tpu.memory_space<vmem>>
      %dma_wait3A_117 = tpu.memref_squeeze %dma_wait3A_116 : memref<1x1x1x128xi32, #tpu.memory_space<vmem>> -> memref<128xi32, #tpu.memory_space<vmem>>
      %dma_wait3A_118 = arith.constant 0 : i32
      %dma_wait3A_119 = arith.constant 0 : i32
      %dma_wait3A_120 = tpu.memref_slice %arg2[%dma_wait3A_118, %dma_wait3A_119] : memref<20000x64xf32, #tpu.memory_space<hbm>> -> memref<20000x64xf32, #tpu.memory_space<hbm>>
      tpu.wait_indirect_dma semaphore(%arg9 : memref<!tpu.dma_semaphore, #tpu.memory_space<semaphore_mem>>) src(%dma_wait3A_120 : memref<20000x64xf32, #tpu.memory_space<hbm>>) dst(%dma_wait3A_114 : memref<128x64xf32, #tpu.memory_space<vmem>>)
      %dma_wait3A_121 = arith.constant 0 : i32
      %dma_wait3A_122 = arith.constant 2 : i32
      %dma_wait3A_123 = arith.constant 0 : i32
      %dma_wait3A_124 = arith.constant 0 : i32
      %dma_wait3A_125 = arith.constant 2 : i32
      %dma_wait3A_126 = arith.constant 0 : i32
      %dma_wait3A_127 = arith.constant 0 : i32
      %dma_wait3A_128 = tpu.memref_slice %arg7[%dma_wait3A_124, %dma_wait3A_125, %dma_wait3A_126, %dma_wait3A_127] : memref<2x5x128x64xf32, #tpu.memory_space<vmem>> -> memref<1x1x128x64xf32, #tpu.memory_space<vmem>>
      %dma_wait3A_129 = tpu.memref_squeeze %dma_wait3A_128 : memref<1x1x128x64xf32, #tpu.memory_space<vmem>> -> memref<128x64xf32, #tpu.memory_space<vmem>>
      %dma_wait3A_130 = arith.constant 0 : i32
      %dma_wait3A_131 = tpu.memref_slice %arg6[%dma_wait3A_121, %dma_wait3A_122, %dma_wait3A_123, %dma_wait3A_130] : memref<2x5x2x128xi32, #tpu.memory_space<vmem>> -> memref<1x1x1x128xi32, #tpu.memory_space<vmem>>
      %dma_wait3A_132 = tpu.memref_squeeze %dma_wait3A_131 : memref<1x1x1x128xi32, #tpu.memory_space<vmem>> -> memref<128xi32, #tpu.memory_space<vmem>>
      %dma_wait3A_133 = arith.constant 0 : i32
      %dma_wait3A_134 = arith.constant 0 : i32
      %dma_wait3A_135 = tpu.memref_slice %arg2[%dma_wait3A_133, %dma_wait3A_134] : memref<20000x64xf32, #tpu.memory_space<hbm>> -> memref<20000x64xf32, #tpu.memory_space<hbm>>
      tpu.wait_indirect_dma semaphore(%arg9 : memref<!tpu.dma_semaphore, #tpu.memory_space<semaphore_mem>>) src(%dma_wait3A_135 : memref<20000x64xf32, #tpu.memory_space<hbm>>) dst(%dma_wait3A_129 : memref<128x64xf32, #tpu.memory_space<vmem>>)
      %dma_wait3A_136 = arith.constant 0 : i32
      %dma_wait3A_137 = arith.constant 3 : i32
      %dma_wait3A_138 = arith.constant 0 : i32
      %dma_wait3A_139 = arith.constant 0 : i32
      %dma_wait3A_140 = arith.constant 3 : i32
      %dma_wait3A_141 = arith.constant 0 : i32
      %dma_wait3A_142 = arith.constant 0 : i32
      %dma_wait3A_143 = tpu.memref_slice %arg7[%dma_wait3A_139, %dma_wait3A_140, %dma_wait3A_141, %dma_wait3A_142] : memref<2x5x128x64xf32, #tpu.memory_space<vmem>> -> memref<1x1x128x64xf32, #tpu.memory_space<vmem>>
      %dma_wait3A_144 = tpu.memref_squeeze %dma_wait3A_143 : memref<1x1x128x64xf32, #tpu.memory_space<vmem>> -> memref<128x64xf32, #tpu.memory_space<vmem>>
      %dma_wait3A_145 = arith.constant 0 : i32
      %dma_wait3A_146 = tpu.memref_slice %arg6[%dma_wait3A_136, %dma_wait3A_137, %dma_wait3A_138, %dma_wait3A_145] : memref<2x5x2x128xi32, #tpu.memory_space<vmem>> -> memref<1x1x1x128xi32, #tpu.memory_space<vmem>>
      %dma_wait3A_147 = tpu.memref_squeeze %dma_wait3A_146 : memref<1x1x1x128xi32, #tpu.memory_space<vmem>> -> memref<128xi32, #tpu.memory_space<vmem>>
      %dma_wait3A_148 = arith.constant 0 : i32
      %dma_wait3A_149 = arith.constant 0 : i32
      %dma_wait3A_150 = tpu.memref_slice %arg2[%dma_wait3A_148, %dma_wait3A_149] : memref<20000x64xf32, #tpu.memory_space<hbm>> -> memref<20000x64xf32, #tpu.memory_space<hbm>>
      tpu.wait_indirect_dma semaphore(%arg9 : memref<!tpu.dma_semaphore, #tpu.memory_space<semaphore_mem>>) src(%dma_wait3A_150 : memref<20000x64xf32, #tpu.memory_space<hbm>>) dst(%dma_wait3A_144 : memref<128x64xf32, #tpu.memory_space<vmem>>)
      %dma_wait3A_151 = arith.constant 0 : i32
      %dma_wait3A_152 = arith.constant 4 : i32
      %dma_wait3A_153 = arith.constant 0 : i32
      %dma_wait3A_154 = arith.constant 0 : i32
      %dma_wait3A_155 = arith.constant 4 : i32
      %dma_wait3A_156 = arith.constant 0 : i32
      %dma_wait3A_157 = arith.constant 0 : i32
      %dma_wait3A_158 = tpu.memref_slice %arg7[%dma_wait3A_154, %dma_wait3A_155, %dma_wait3A_156, %dma_wait3A_157] : memref<2x5x128x64xf32, #tpu.memory_space<vmem>> -> memref<1x1x128x64xf32, #tpu.memory_space<vmem>>
      %dma_wait3A_159 = tpu.memref_squeeze %dma_wait3A_158 : memref<1x1x128x64xf32, #tpu.memory_space<vmem>> -> memref<128x64xf32, #tpu.memory_space<vmem>>
      %dma_wait3A_160 = arith.constant 0 : i32
      %dma_wait3A_161 = tpu.memref_slice %arg6[%dma_wait3A_151, %dma_wait3A_152, %dma_wait3A_153, %dma_wait3A_160] : memref<2x5x2x128xi32, #tpu.memory_space<vmem>> -> memref<1x1x1x128xi32, #tpu.memory_space<vmem>>
      %dma_wait3A_162 = tpu.memref_squeeze %dma_wait3A_161 : memref<1x1x1x128xi32, #tpu.memory_space<vmem>> -> memref<128xi32, #tpu.memory_space<vmem>>
      %dma_wait3A_163 = arith.constant 0 : i32
      %dma_wait3A_164 = arith.constant 0 : i32
      %dma_wait3A_165 = tpu.memref_slice %arg2[%dma_wait3A_163, %dma_wait3A_164] : memref<20000x64xf32, #tpu.memory_space<hbm>> -> memref<20000x64xf32, #tpu.memory_space<hbm>>
      tpu.wait_indirect_dma semaphore(%arg9 : memref<!tpu.dma_semaphore, #tpu.memory_space<semaphore_mem>>) src(%dma_wait3A_165 : memref<20000x64xf32, #tpu.memory_space<hbm>>) dst(%dma_wait3A_159 : memref<128x64xf32, #tpu.memory_space<vmem>>)
      %dma_start3A_166 = arith.constant 0 : i32
      %dma_start3A_167 = arith.constant 0 : i32
      %dma_start3A_168 = arith.constant 0 : i32
      %dma_start3A_169 = arith.constant 0 : i32
      %dma_start3A_170 = arith.constant 1 : i32
      %dma_start3A_171 = arith.constant 0 : i32
      %dma_start3A_172 = arith.constant 0 : i32
      %dma_start3A_173 = tpu.memref_slice %arg7[%dma_start3A_166, %dma_start3A_167, %dma_start3A_171, %dma_start3A_172] : memref<2x5x128x64xf32, #tpu.memory_space<vmem>> -> memref<1x1x128x64xf32, #tpu.memory_space<vmem>>
      %dma_start3A_174 = tpu.memref_squeeze %dma_start3A_173 : memref<1x1x128x64xf32, #tpu.memory_space<vmem>> -> memref<128x64xf32, #tpu.memory_space<vmem>>
      %dma_start3A_175 = arith.constant 0 : i32
      %dma_start3A_176 = tpu.memref_slice %arg6[%dma_start3A_168, %dma_start3A_169, %dma_start3A_170, %dma_start3A_175] : memref<2x5x2x128xi32, #tpu.memory_space<vmem>> -> memref<1x1x1x128xi32, #tpu.memory_space<vmem>>
      %dma_start3A_177 = tpu.memref_squeeze %dma_start3A_176 : memref<1x1x1x128xi32, #tpu.memory_space<vmem>> -> memref<128xi32, #tpu.memory_space<vmem>>
      %dma_start3A_178 = arith.constant 0 : i32
      %dma_start3A_179 = arith.constant 0 : i32
      %dma_start3A_180 = tpu.memref_slice %arg8[%dma_start3A_178, %dma_start3A_179] : memref<10240x64xf32, #tpu.memory_space<vmem_shared>> -> memref<10240x64xf32, #tpu.memory_space<vmem_shared>>
      tpu.enqueue_indirect_dma source(%dma_start3A_174 : memref<128x64xf32, #tpu.memory_space<vmem>>) target(%dma_start3A_180 : memref<10240x64xf32, #tpu.memory_space<vmem_shared>>) offsets(%dma_start3A_177 : memref<128xi32, #tpu.memory_space<vmem>>) semaphore(%arg11 : memref<!tpu.dma_semaphore, #tpu.memory_space<semaphore_mem>>) {add = true}
      %dma_start3A_181 = arith.constant 0 : i32
      %dma_start3A_182 = arith.constant 1 : i32
      %dma_start3A_183 = arith.constant 0 : i32
      %dma_start3A_184 = arith.constant 1 : i32
      %dma_start3A_185 = arith.constant 1 : i32
      %dma_start3A_186 = arith.constant 0 : i32
      %dma_start3A_187 = arith.constant 0 : i32
      %dma_start3A_188 = tpu.memref_slice %arg7[%dma_start3A_181, %dma_start3A_182, %dma_start3A_186, %dma_start3A_187] : memref<2x5x128x64xf32, #tpu.memory_space<vmem>> -> memref<1x1x128x64xf32, #tpu.memory_space<vmem>>
      %dma_start3A_189 = tpu.memref_squeeze %dma_start3A_188 : memref<1x1x128x64xf32, #tpu.memory_space<vmem>> -> memref<128x64xf32, #tpu.memory_space<vmem>>
      %dma_start3A_190 = arith.constant 0 : i32
      %dma_start3A_191 = tpu.memref_slice %arg6[%dma_start3A_183, %dma_start3A_184, %dma_start3A_185, %dma_start3A_190] : memref<2x5x2x128xi32, #tpu.memory_space<vmem>> -> memref<1x1x1x128xi32, #tpu.memory_space<vmem>>
      %dma_start3A_192 = tpu.memref_squeeze %dma_start3A_191 : memref<1x1x1x128xi32, #tpu.memory_space<vmem>> -> memref<128xi32, #tpu.memory_space<vmem>>
      %dma_start3A_193 = arith.constant 0 : i32
      %dma_start3A_194 = arith.constant 0 : i32
      %dma_start3A_195 = tpu.memref_slice %arg8[%dma_start3A_193, %dma_start3A_194] : memref<10240x64xf32, #tpu.memory_space<vmem_shared>> -> memref<10240x64xf32, #tpu.memory_space<vmem_shared>>
      tpu.enqueue_indirect_dma source(%dma_start3A_189 : memref<128x64xf32, #tpu.memory_space<vmem>>) target(%dma_start3A_195 : memref<10240x64xf32, #tpu.memory_space<vmem_shared>>) offsets(%dma_start3A_192 : memref<128xi32, #tpu.memory_space<vmem>>) semaphore(%arg11 : memref<!tpu.dma_semaphore, #tpu.memory_space<semaphore_mem>>) {add = true}
      %dma_start3A_196 = arith.constant 0 : i32
      %dma_start3A_197 = arith.constant 2 : i32
      %dma_start3A_198 = arith.constant 0 : i32
      %dma_start3A_199 = arith.constant 2 : i32
      %dma_start3A_200 = arith.constant 1 : i32
      %dma_start3A_201 = arith.constant 0 : i32
      %dma_start3A_202 = arith.constant 0 : i32
      %dma_start3A_203 = tpu.memref_slice %arg7[%dma_start3A_196, %dma_start3A_197, %dma_start3A_201, %dma_start3A_202] : memref<2x5x128x64xf32, #tpu.memory_space<vmem>> -> memref<1x1x128x64xf32, #tpu.memory_space<vmem>>
      %dma_start3A_204 = tpu.memref_squeeze %dma_start3A_203 : memref<1x1x128x64xf32, #tpu.memory_space<vmem>> -> memref<128x64xf32, #tpu.memory_space<vmem>>
      %dma_start3A_205 = arith.constant 0 : i32
      %dma_start3A_206 = tpu.memref_slice %arg6[%dma_start3A_198, %dma_start3A_199, %dma_start3A_200, %dma_start3A_205] : memref<2x5x2x128xi32, #tpu.memory_space<vmem>> -> memref<1x1x1x128xi32, #tpu.memory_space<vmem>>
      %dma_start3A_207 = tpu.memref_squeeze %dma_start3A_206 : memref<1x1x1x128xi32, #tpu.memory_space<vmem>> -> memref<128xi32, #tpu.memory_space<vmem>>
      %dma_start3A_208 = arith.constant 0 : i32
      %dma_start3A_209 = arith.constant 0 : i32
      %dma_start3A_210 = tpu.memref_slice %arg8[%dma_start3A_208, %dma_start3A_209] : memref<10240x64xf32, #tpu.memory_space<vmem_shared>> -> memref<10240x64xf32, #tpu.memory_space<vmem_shared>>
      tpu.enqueue_indirect_dma source(%dma_start3A_204 : memref<128x64xf32, #tpu.memory_space<vmem>>) target(%dma_start3A_210 : memref<10240x64xf32, #tpu.memory_space<vmem_shared>>) offsets(%dma_start3A_207 : memref<128xi32, #tpu.memory_space<vmem>>) semaphore(%arg11 : memref<!tpu.dma_semaphore, #tpu.memory_space<semaphore_mem>>) {add = true}
      %dma_start3A_211 = arith.constant 0 : i32
      %dma_start3A_212 = arith.constant 3 : i32
      %dma_start3A_213 = arith.constant 0 : i32
      %dma_start3A_214 = arith.constant 3 : i32
      %dma_start3A_215 = arith.constant 1 : i32
      %dma_start3A_216 = arith.constant 0 : i32
      %dma_start3A_217 = arith.constant 0 : i32
      %dma_start3A_218 = tpu.memref_slice %arg7[%dma_start3A_211, %dma_start3A_212, %dma_start3A_216, %dma_start3A_217] : memref<2x5x128x64xf32, #tpu.memory_space<vmem>> -> memref<1x1x128x64xf32, #tpu.memory_space<vmem>>
      %dma_start3A_219 = tpu.memref_squeeze %dma_start3A_218 : memref<1x1x128x64xf32, #tpu.memory_space<vmem>> -> memref<128x64xf32, #tpu.memory_space<vmem>>
      %dma_start3A_220 = arith.constant 0 : i32
      %dma_start3A_221 = tpu.memref_slice %arg6[%dma_start3A_213, %dma_start3A_214, %dma_start3A_215, %dma_start3A_220] : memref<2x5x2x128xi32, #tpu.memory_space<vmem>> -> memref<1x1x1x128xi32, #tpu.memory_space<vmem>>
      %dma_start3A_222 = tpu.memref_squeeze %dma_start3A_221 : memref<1x1x1x128xi32, #tpu.memory_space<vmem>> -> memref<128xi32, #tpu.memory_space<vmem>>
      %dma_start3A_223 = arith.constant 0 : i32
      %dma_start3A_224 = arith.constant 0 : i32
      %dma_start3A_225 = tpu.memref_slice %arg8[%dma_start3A_223, %dma_start3A_224] : memref<10240x64xf32, #tpu.memory_space<vmem_shared>> -> memref<10240x64xf32, #tpu.memory_space<vmem_shared>>
      tpu.enqueue_indirect_dma source(%dma_start3A_219 : memref<128x64xf32, #tpu.memory_space<vmem>>) target(%dma_start3A_225 : memref<10240x64xf32, #tpu.memory_space<vmem_shared>>) offsets(%dma_start3A_222 : memref<128xi32, #tpu.memory_space<vmem>>) semaphore(%arg11 : memref<!tpu.dma_semaphore, #tpu.memory_space<semaphore_mem>>) {add = true}
      %dma_start3A_226 = arith.constant 0 : i32
      %dma_start3A_227 = arith.constant 4 : i32
      %dma_start3A_228 = arith.constant 0 : i32
      %dma_start3A_229 = arith.constant 4 : i32
      %dma_start3A_230 = arith.constant 1 : i32
      %dma_start3A_231 = arith.constant 0 : i32
      %dma_start3A_232 = arith.constant 0 : i32
      %dma_start3A_233 = tpu.memref_slice %arg7[%dma_start3A_226, %dma_start3A_227, %dma_start3A_231, %dma_start3A_232] : memref<2x5x128x64xf32, #tpu.memory_space<vmem>> -> memref<1x1x128x64xf32, #tpu.memory_space<vmem>>
      %dma_start3A_234 = tpu.memref_squeeze %dma_start3A_233 : memref<1x1x128x64xf32, #tpu.memory_space<vmem>> -> memref<128x64xf32, #tpu.memory_space<vmem>>
      %dma_start3A_235 = arith.constant 0 : i32
      %dma_start3A_236 = tpu.memref_slice %arg6[%dma_start3A_228, %dma_start3A_229, %dma_start3A_230, %dma_start3A_235] : memref<2x5x2x128xi32, #tpu.memory_space<vmem>> -> memref<1x1x1x128xi32, #tpu.memory_space<vmem>>
      %dma_start3A_237 = tpu.memref_squeeze %dma_start3A_236 : memref<1x1x1x128xi32, #tpu.memory_space<vmem>> -> memref<128xi32, #tpu.memory_space<vmem>>
      %dma_start3A_238 = arith.constant 0 : i32
      %dma_start3A_239 = arith.constant 0 : i32
      %dma_start3A_240 = tpu.memref_slice %arg8[%dma_start3A_238, %dma_start3A_239] : memref<10240x64xf32, #tpu.memory_space<vmem_shared>> -> memref<10240x64xf32, #tpu.memory_space<vmem_shared>>
      tpu.enqueue_indirect_dma source(%dma_start3A_234 : memref<128x64xf32, #tpu.memory_space<vmem>>) target(%dma_start3A_240 : memref<10240x64xf32, #tpu.memory_space<vmem_shared>>) offsets(%dma_start3A_237 : memref<128xi32, #tpu.memory_space<vmem>>) semaphore(%arg11 : memref<!tpu.dma_semaphore, #tpu.memory_space<semaphore_mem>>) {add = true}
      %mul3A_241 = arith.constant 2 : i32
      %mul3A_242 = arith.muli %mul3A_241, %scan3A_91 : i32
      %add3A = arith.constant 1 : i32
      %add3A_243 = arith.addi %mul3A_242, %add3A : i32
      %mul3A_244 = arith.constant 5 : i32
      %mul3A_245 = arith.muli %add3A_243, %mul3A_244 : i32
      %add3A_246 = arith.addi %mul3A_4, %mul3A_245 : i32
      %run_scoped3A_247 = arith.constant 1 : i32
      "tpu.region"() ({
        %run_scoped3A_628 = tpu.sem_alloc : memref<!tpu.dma_semaphore, #tpu.memory_space<semaphore_mem>>
        %dma_start3A_629 = arith.constant 0 : i32
        %dma_start3A_630 = arith.constant 0 : i32
        %dma_start3A_631 = arith.constant 0 : i32
        %dma_start3A_632 = tpu.memref_slice %arg6[%run_scoped3A_247, %dma_start3A_629, %dma_start3A_630, %dma_start3A_631] : memref<2x5x2x128xi32, #tpu.memory_space<vmem>> -> memref<1x5x2x128xi32, #tpu.memory_space<vmem>>
        %dma_start3A_633 = tpu.memref_squeeze %dma_start3A_632 : memref<1x5x2x128xi32, #tpu.memory_space<vmem>> -> memref<5x2x128xi32, #tpu.memory_space<vmem>>
        %dma_start3A_634 = arith.constant 0 : i32
        %dma_start3A_635 = arith.constant 0 : i32
        %dma_start3A_636 = tpu.memref_slice %arg3[%arg0, %add3A_246, %dma_start3A_634, %dma_start3A_635] : memref<2x2560x2x128xi32, #tpu.memory_space<hbm>> -> memref<1x5x2x128xi32, #tpu.memory_space<hbm>>
        %dma_start3A_637 = tpu.memref_squeeze %dma_start3A_636 : memref<1x5x2x128xi32, #tpu.memory_space<hbm>> -> memref<5x2x128xi32, #tpu.memory_space<hbm>>
        %dma_start3A_638 = arith.constant 0 : i32
        %dma_start3A_639 = arith.constant 0 : i32
        %dma_start3A_640 = arith.constant 0 : i32
        %dma_start3A_641 = tpu.memref_slice %arg6[%run_scoped3A_247, %dma_start3A_638, %dma_start3A_639, %dma_start3A_640] : memref<2x5x2x128xi32, #tpu.memory_space<vmem>> -> memref<1x5x2x128xi32, #tpu.memory_space<vmem>>
        %dma_start3A_642 = tpu.memref_squeeze %dma_start3A_641 : memref<1x5x2x128xi32, #tpu.memory_space<vmem>> -> memref<5x2x128xi32, #tpu.memory_space<vmem>>
        %dma_start3A_643 = arith.constant 0 : i32
        %dma_start3A_644 = arith.constant 0 : i32
        %dma_start3A_645 = tpu.memref_slice %arg3[%arg0, %add3A_246, %dma_start3A_643, %dma_start3A_644] : memref<2x2560x2x128xi32, #tpu.memory_space<hbm>> -> memref<1x5x2x128xi32, #tpu.memory_space<hbm>>
        %dma_start3A_646 = tpu.memref_squeeze %dma_start3A_645 : memref<1x5x2x128xi32, #tpu.memory_space<hbm>> -> memref<5x2x128xi32, #tpu.memory_space<hbm>>
        tpu.enqueue_dma source(%dma_start3A_646 : memref<5x2x128xi32, #tpu.memory_space<hbm>>) target(%dma_start3A_642 : memref<5x2x128xi32, #tpu.memory_space<vmem>>) target_semaphore(%run_scoped3A_628 : memref<!tpu.dma_semaphore, #tpu.memory_space<semaphore_mem>>)
        %dma_wait3A_647 = arith.constant 0 : i32
        %dma_wait3A_648 = arith.constant 0 : i32
        %dma_wait3A_649 = arith.constant 0 : i32
        %dma_wait3A_650 = tpu.memref_slice %arg6[%run_scoped3A_247, %dma_wait3A_647, %dma_wait3A_648, %dma_wait3A_649] : memref<2x5x2x128xi32, #tpu.memory_space<vmem>> -> memref<1x5x2x128xi32, #tpu.memory_space<vmem>>
        %dma_wait3A_651 = tpu.memref_squeeze %dma_wait3A_650 : memref<1x5x2x128xi32, #tpu.memory_space<vmem>> -> memref<5x2x128xi32, #tpu.memory_space<vmem>>
        %dma_wait3A_652 = arith.constant 0 : i32
        %dma_wait3A_653 = arith.constant 0 : i32
        %dma_wait3A_654 = tpu.memref_slice %arg3[%arg0, %add3A_246, %dma_wait3A_652, %dma_wait3A_653] : memref<2x2560x2x128xi32, #tpu.memory_space<hbm>> -> memref<1x5x2x128xi32, #tpu.memory_space<hbm>>
        %dma_wait3A_655 = tpu.memref_squeeze %dma_wait3A_654 : memref<1x5x2x128xi32, #tpu.memory_space<hbm>> -> memref<5x2x128xi32, #tpu.memory_space<hbm>>
        %dma_wait3A_656 = arith.constant 0 : i32
        %dma_wait3A_657 = arith.constant 0 : i32
        %dma_wait3A_658 = arith.constant 0 : i32
        %dma_wait3A_659 = tpu.memref_slice %arg6[%run_scoped3A_247, %dma_wait3A_656, %dma_wait3A_657, %dma_wait3A_658] : memref<2x5x2x128xi32, #tpu.memory_space<vmem>> -> memref<1x5x2x128xi32, #tpu.memory_space<vmem>>
        %dma_wait3A_660 = tpu.memref_squeeze %dma_wait3A_659 : memref<1x5x2x128xi32, #tpu.memory_space<vmem>> -> memref<5x2x128xi32, #tpu.memory_space<vmem>>
        %dma_wait3A_661 = arith.constant 0 : i32
        %dma_wait3A_662 = arith.constant 0 : i32
        %dma_wait3A_663 = tpu.memref_slice %arg3[%arg0, %add3A_246, %dma_wait3A_661, %dma_wait3A_662] : memref<2x2560x2x128xi32, #tpu.memory_space<hbm>> -> memref<1x5x2x128xi32, #tpu.memory_space<hbm>>
        %dma_wait3A_664 = tpu.memref_squeeze %dma_wait3A_663 : memref<1x5x2x128xi32, #tpu.memory_space<hbm>> -> memref<5x2x128xi32, #tpu.memory_space<hbm>>
        tpu.wait_dma2 semaphore(%run_scoped3A_628 : memref<!tpu.dma_semaphore, #tpu.memory_space<semaphore_mem>>) src(%dma_wait3A_664 : memref<5x2x128xi32, #tpu.memory_space<hbm>>) dst(%dma_wait3A_660 : memref<5x2x128xi32, #tpu.memory_space<vmem>>)
        tpu.yield
      }) : () -> ()
      %dma_start3A_248 = arith.constant 1 : i32
      %dma_start3A_249 = arith.constant 0 : i32
      %dma_start3A_250 = arith.constant 0 : i32
      %dma_start3A_251 = arith.constant 1 : i32
      %dma_start3A_252 = arith.constant 0 : i32
      %dma_start3A_253 = arith.constant 0 : i32
      %dma_start3A_254 = arith.constant 0 : i32
      %dma_start3A_255 = tpu.memref_slice %arg7[%dma_start3A_251, %dma_start3A_252, %dma_start3A_253, %dma_start3A_254] : memref<2x5x128x64xf32, #tpu.memory_space<vmem>> -> memref<1x1x128x64xf32, #tpu.memory_space<vmem>>
      %dma_start3A_256 = tpu.memref_squeeze %dma_start3A_255 : memref<1x1x128x64xf32, #tpu.memory_space<vmem>> -> memref<128x64xf32, #tpu.memory_space<vmem>>
      %dma_start3A_257 = arith.constant 0 : i32
      %dma_start3A_258 = tpu.memref_slice %arg6[%dma_start3A_248, %dma_start3A_249, %dma_start3A_250, %dma_start3A_257] : memref<2x5x2x128xi32, #tpu.memory_space<vmem>> -> memref<1x1x1x128xi32, #tpu.memory_space<vmem>>
      %dma_start3A_259 = tpu.memref_squeeze %dma_start3A_258 : memref<1x1x1x128xi32, #tpu.memory_space<vmem>> -> memref<128xi32, #tpu.memory_space<vmem>>
      %dma_start3A_260 = arith.constant 0 : i32
      %dma_start3A_261 = arith.constant 0 : i32
      %dma_start3A_262 = tpu.memref_slice %arg2[%dma_start3A_260, %dma_start3A_261] : memref<20000x64xf32, #tpu.memory_space<hbm>> -> memref<20000x64xf32, #tpu.memory_space<hbm>>
      tpu.enqueue_indirect_dma source(%dma_start3A_262 : memref<20000x64xf32, #tpu.memory_space<hbm>>) target(%dma_start3A_256 : memref<128x64xf32, #tpu.memory_space<vmem>>) offsets(%dma_start3A_259 : memref<128xi32, #tpu.memory_space<vmem>>) semaphore(%arg10 : memref<!tpu.dma_semaphore, #tpu.memory_space<semaphore_mem>>)
      %dma_start3A_263 = arith.constant 1 : i32
      %dma_start3A_264 = arith.constant 1 : i32
      %dma_start3A_265 = arith.constant 0 : i32
      %dma_start3A_266 = arith.constant 1 : i32
      %dma_start3A_267 = arith.constant 1 : i32
      %dma_start3A_268 = arith.constant 0 : i32
      %dma_start3A_269 = arith.constant 0 : i32
      %dma_start3A_270 = tpu.memref_slice %arg7[%dma_start3A_266, %dma_start3A_267, %dma_start3A_268, %dma_start3A_269] : memref<2x5x128x64xf32, #tpu.memory_space<vmem>> -> memref<1x1x128x64xf32, #tpu.memory_space<vmem>>
      %dma_start3A_271 = tpu.memref_squeeze %dma_start3A_270 : memref<1x1x128x64xf32, #tpu.memory_space<vmem>> -> memref<128x64xf32, #tpu.memory_space<vmem>>
      %dma_start3A_272 = arith.constant 0 : i32
      %dma_start3A_273 = tpu.memref_slice %arg6[%dma_start3A_263, %dma_start3A_264, %dma_start3A_265, %dma_start3A_272] : memref<2x5x2x128xi32, #tpu.memory_space<vmem>> -> memref<1x1x1x128xi32, #tpu.memory_space<vmem>>
      %dma_start3A_274 = tpu.memref_squeeze %dma_start3A_273 : memref<1x1x1x128xi32, #tpu.memory_space<vmem>> -> memref<128xi32, #tpu.memory_space<vmem>>
      %dma_start3A_275 = arith.constant 0 : i32
      %dma_start3A_276 = arith.constant 0 : i32
      %dma_start3A_277 = tpu.memref_slice %arg2[%dma_start3A_275, %dma_start3A_276] : memref<20000x64xf32, #tpu.memory_space<hbm>> -> memref<20000x64xf32, #tpu.memory_space<hbm>>
      tpu.enqueue_indirect_dma source(%dma_start3A_277 : memref<20000x64xf32, #tpu.memory_space<hbm>>) target(%dma_start3A_271 : memref<128x64xf32, #tpu.memory_space<vmem>>) offsets(%dma_start3A_274 : memref<128xi32, #tpu.memory_space<vmem>>) semaphore(%arg10 : memref<!tpu.dma_semaphore, #tpu.memory_space<semaphore_mem>>)
      %dma_start3A_278 = arith.constant 1 : i32
      %dma_start3A_279 = arith.constant 2 : i32
      %dma_start3A_280 = arith.constant 0 : i32
      %dma_start3A_281 = arith.constant 1 : i32
      %dma_start3A_282 = arith.constant 2 : i32
      %dma_start3A_283 = arith.constant 0 : i32
      %dma_start3A_284 = arith.constant 0 : i32
      %dma_start3A_285 = tpu.memref_slice %arg7[%dma_start3A_281, %dma_start3A_282, %dma_start3A_283, %dma_start3A_284] : memref<2x5x128x64xf32, #tpu.memory_space<vmem>> -> memref<1x1x128x64xf32, #tpu.memory_space<vmem>>
      %dma_start3A_286 = tpu.memref_squeeze %dma_start3A_285 : memref<1x1x128x64xf32, #tpu.memory_space<vmem>> -> memref<128x64xf32, #tpu.memory_space<vmem>>
      %dma_start3A_287 = arith.constant 0 : i32
      %dma_start3A_288 = tpu.memref_slice %arg6[%dma_start3A_278, %dma_start3A_279, %dma_start3A_280, %dma_start3A_287] : memref<2x5x2x128xi32, #tpu.memory_space<vmem>> -> memref<1x1x1x128xi32, #tpu.memory_space<vmem>>
      %dma_start3A_289 = tpu.memref_squeeze %dma_start3A_288 : memref<1x1x1x128xi32, #tpu.memory_space<vmem>> -> memref<128xi32, #tpu.memory_space<vmem>>
      %dma_start3A_290 = arith.constant 0 : i32
      %dma_start3A_291 = arith.constant 0 : i32
      %dma_start3A_292 = tpu.memref_slice %arg2[%dma_start3A_290, %dma_start3A_291] : memref<20000x64xf32, #tpu.memory_space<hbm>> -> memref<20000x64xf32, #tpu.memory_space<hbm>>
      tpu.enqueue_indirect_dma source(%dma_start3A_292 : memref<20000x64xf32, #tpu.memory_space<hbm>>) target(%dma_start3A_286 : memref<128x64xf32, #tpu.memory_space<vmem>>) offsets(%dma_start3A_289 : memref<128xi32, #tpu.memory_space<vmem>>) semaphore(%arg10 : memref<!tpu.dma_semaphore, #tpu.memory_space<semaphore_mem>>)
      %dma_start3A_293 = arith.constant 1 : i32
      %dma_start3A_294 = arith.constant 3 : i32
      %dma_start3A_295 = arith.constant 0 : i32
      %dma_start3A_296 = arith.constant 1 : i32
      %dma_start3A_297 = arith.constant 3 : i32
      %dma_start3A_298 = arith.constant 0 : i32
      %dma_start3A_299 = arith.constant 0 : i32
      %dma_start3A_300 = tpu.memref_slice %arg7[%dma_start3A_296, %dma_start3A_297, %dma_start3A_298, %dma_start3A_299] : memref<2x5x128x64xf32, #tpu.memory_space<vmem>> -> memref<1x1x128x64xf32, #tpu.memory_space<vmem>>
      %dma_start3A_301 = tpu.memref_squeeze %dma_start3A_300 : memref<1x1x128x64xf32, #tpu.memory_space<vmem>> -> memref<128x64xf32, #tpu.memory_space<vmem>>
      %dma_start3A_302 = arith.constant 0 : i32
      %dma_start3A_303 = tpu.memref_slice %arg6[%dma_start3A_293, %dma_start3A_294, %dma_start3A_295, %dma_start3A_302] : memref<2x5x2x128xi32, #tpu.memory_space<vmem>> -> memref<1x1x1x128xi32, #tpu.memory_space<vmem>>
      %dma_start3A_304 = tpu.memref_squeeze %dma_start3A_303 : memref<1x1x1x128xi32, #tpu.memory_space<vmem>> -> memref<128xi32, #tpu.memory_space<vmem>>
      %dma_start3A_305 = arith.constant 0 : i32
      %dma_start3A_306 = arith.constant 0 : i32
      %dma_start3A_307 = tpu.memref_slice %arg2[%dma_start3A_305, %dma_start3A_306] : memref<20000x64xf32, #tpu.memory_space<hbm>> -> memref<20000x64xf32, #tpu.memory_space<hbm>>
      tpu.enqueue_indirect_dma source(%dma_start3A_307 : memref<20000x64xf32, #tpu.memory_space<hbm>>) target(%dma_start3A_301 : memref<128x64xf32, #tpu.memory_space<vmem>>) offsets(%dma_start3A_304 : memref<128xi32, #tpu.memory_space<vmem>>) semaphore(%arg10 : memref<!tpu.dma_semaphore, #tpu.memory_space<semaphore_mem>>)
      %dma_start3A_308 = arith.constant 1 : i32
      %dma_start3A_309 = arith.constant 4 : i32
      %dma_start3A_310 = arith.constant 0 : i32
      %dma_start3A_311 = arith.constant 1 : i32
      %dma_start3A_312 = arith.constant 4 : i32
      %dma_start3A_313 = arith.constant 0 : i32
      %dma_start3A_314 = arith.constant 0 : i32
      %dma_start3A_315 = tpu.memref_slice %arg7[%dma_start3A_311, %dma_start3A_312, %dma_start3A_313, %dma_start3A_314] : memref<2x5x128x64xf32, #tpu.memory_space<vmem>> -> memref<1x1x128x64xf32, #tpu.memory_space<vmem>>
      %dma_start3A_316 = tpu.memref_squeeze %dma_start3A_315 : memref<1x1x128x64xf32, #tpu.memory_space<vmem>> -> memref<128x64xf32, #tpu.memory_space<vmem>>
      %dma_start3A_317 = arith.constant 0 : i32
      %dma_start3A_318 = tpu.memref_slice %arg6[%dma_start3A_308, %dma_start3A_309, %dma_start3A_310, %dma_start3A_317] : memref<2x5x2x128xi32, #tpu.memory_space<vmem>> -> memref<1x1x1x128xi32, #tpu.memory_space<vmem>>
      %dma_start3A_319 = tpu.memref_squeeze %dma_start3A_318 : memref<1x1x1x128xi32, #tpu.memory_space<vmem>> -> memref<128xi32, #tpu.memory_space<vmem>>
      %dma_start3A_320 = arith.constant 0 : i32
      %dma_start3A_321 = arith.constant 0 : i32
      %dma_start3A_322 = tpu.memref_slice %arg2[%dma_start3A_320, %dma_start3A_321] : memref<20000x64xf32, #tpu.memory_space<hbm>> -> memref<20000x64xf32, #tpu.memory_space<hbm>>
      tpu.enqueue_indirect_dma source(%dma_start3A_322 : memref<20000x64xf32, #tpu.memory_space<hbm>>) target(%dma_start3A_316 : memref<128x64xf32, #tpu.memory_space<vmem>>) offsets(%dma_start3A_319 : memref<128xi32, #tpu.memory_space<vmem>>) semaphore(%arg10 : memref<!tpu.dma_semaphore, #tpu.memory_space<semaphore_mem>>)
      %dma_wait3A_323 = arith.constant 1 : i32
      %dma_wait3A_324 = arith.constant 0 : i32
      %dma_wait3A_325 = arith.constant 0 : i32
      %dma_wait3A_326 = arith.constant 1 : i32
      %dma_wait3A_327 = arith.constant 0 : i32
      %dma_wait3A_328 = arith.constant 0 : i32
      %dma_wait3A_329 = arith.constant 0 : i32
      %dma_wait3A_330 = tpu.memref_slice %arg7[%dma_wait3A_326, %dma_wait3A_327, %dma_wait3A_328, %dma_wait3A_329] : memref<2x5x128x64xf32, #tpu.memory_space<vmem>> -> memref<1x1x128x64xf32, #tpu.memory_space<vmem>>
      %dma_wait3A_331 = tpu.memref_squeeze %dma_wait3A_330 : memref<1x1x128x64xf32, #tpu.memory_space<vmem>> -> memref<128x64xf32, #tpu.memory_space<vmem>>
      %dma_wait3A_332 = arith.constant 0 : i32
      %dma_wait3A_333 = tpu.memref_slice %arg6[%dma_wait3A_323, %dma_wait3A_324, %dma_wait3A_325, %dma_wait3A_332] : memref<2x5x2x128xi32, #tpu.memory_space<vmem>> -> memref<1x1x1x128xi32, #tpu.memory_space<vmem>>
      %dma_wait3A_334 = tpu.memref_squeeze %dma_wait3A_333 : memref<1x1x1x128xi32, #tpu.memory_space<vmem>> -> memref<128xi32, #tpu.memory_space<vmem>>
      %dma_wait3A_335 = arith.constant 0 : i32
      %dma_wait3A_336 = arith.constant 0 : i32
      %dma_wait3A_337 = tpu.memref_slice %arg2[%dma_wait3A_335, %dma_wait3A_336] : memref<20000x64xf32, #tpu.memory_space<hbm>> -> memref<20000x64xf32, #tpu.memory_space<hbm>>
      tpu.wait_indirect_dma semaphore(%arg10 : memref<!tpu.dma_semaphore, #tpu.memory_space<semaphore_mem>>) src(%dma_wait3A_337 : memref<20000x64xf32, #tpu.memory_space<hbm>>) dst(%dma_wait3A_331 : memref<128x64xf32, #tpu.memory_space<vmem>>)
      %dma_wait3A_338 = arith.constant 1 : i32
      %dma_wait3A_339 = arith.constant 1 : i32
      %dma_wait3A_340 = arith.constant 0 : i32
      %dma_wait3A_341 = arith.constant 1 : i32
      %dma_wait3A_342 = arith.constant 1 : i32
      %dma_wait3A_343 = arith.constant 0 : i32
      %dma_wait3A_344 = arith.constant 0 : i32
      %dma_wait3A_345 = tpu.memref_slice %arg7[%dma_wait3A_341, %dma_wait3A_342, %dma_wait3A_343, %dma_wait3A_344] : memref<2x5x128x64xf32, #tpu.memory_space<vmem>> -> memref<1x1x128x64xf32, #tpu.memory_space<vmem>>
      %dma_wait3A_346 = tpu.memref_squeeze %dma_wait3A_345 : memref<1x1x128x64xf32, #tpu.memory_space<vmem>> -> memref<128x64xf32, #tpu.memory_space<vmem>>
      %dma_wait3A_347 = arith.constant 0 : i32
      %dma_wait3A_348 = tpu.memref_slice %arg6[%dma_wait3A_338, %dma_wait3A_339, %dma_wait3A_340, %dma_wait3A_347] : memref<2x5x2x128xi32, #tpu.memory_space<vmem>> -> memref<1x1x1x128xi32, #tpu.memory_space<vmem>>
      %dma_wait3A_349 = tpu.memref_squeeze %dma_wait3A_348 : memref<1x1x1x128xi32, #tpu.memory_space<vmem>> -> memref<128xi32, #tpu.memory_space<vmem>>
      %dma_wait3A_350 = arith.constant 0 : i32
      %dma_wait3A_351 = arith.constant 0 : i32
      %dma_wait3A_352 = tpu.memref_slice %arg2[%dma_wait3A_350, %dma_wait3A_351] : memref<20000x64xf32, #tpu.memory_space<hbm>> -> memref<20000x64xf32, #tpu.memory_space<hbm>>
      tpu.wait_indirect_dma semaphore(%arg10 : memref<!tpu.dma_semaphore, #tpu.memory_space<semaphore_mem>>) src(%dma_wait3A_352 : memref<20000x64xf32, #tpu.memory_space<hbm>>) dst(%dma_wait3A_346 : memref<128x64xf32, #tpu.memory_space<vmem>>)
      %dma_wait3A_353 = arith.constant 1 : i32
      %dma_wait3A_354 = arith.constant 2 : i32
      %dma_wait3A_355 = arith.constant 0 : i32
      %dma_wait3A_356 = arith.constant 1 : i32
      %dma_wait3A_357 = arith.constant 2 : i32
      %dma_wait3A_358 = arith.constant 0 : i32
      %dma_wait3A_359 = arith.constant 0 : i32
      %dma_wait3A_360 = tpu.memref_slice %arg7[%dma_wait3A_356, %dma_wait3A_357, %dma_wait3A_358, %dma_wait3A_359] : memref<2x5x128x64xf32, #tpu.memory_space<vmem>> -> memref<1x1x128x64xf32, #tpu.memory_space<vmem>>
      %dma_wait3A_361 = tpu.memref_squeeze %dma_wait3A_360 : memref<1x1x128x64xf32, #tpu.memory_space<vmem>> -> memref<128x64xf32, #tpu.memory_space<vmem>>
      %dma_wait3A_362 = arith.constant 0 : i32
      %dma_wait3A_363 = tpu.memref_slice %arg6[%dma_wait3A_353, %dma_wait3A_354, %dma_wait3A_355, %dma_wait3A_362] : memref<2x5x2x128xi32, #tpu.memory_space<vmem>> -> memref<1x1x1x128xi32, #tpu.memory_space<vmem>>
      %dma_wait3A_364 = tpu.memref_squeeze %dma_wait3A_363 : memref<1x1x1x128xi32, #tpu.memory_space<vmem>> -> memref<128xi32, #tpu.memory_space<vmem>>
      %dma_wait3A_365 = arith.constant 0 : i32
      %dma_wait3A_366 = arith.constant 0 : i32
      %dma_wait3A_367 = tpu.memref_slice %arg2[%dma_wait3A_365, %dma_wait3A_366] : memref<20000x64xf32, #tpu.memory_space<hbm>> -> memref<20000x64xf32, #tpu.memory_space<hbm>>
      tpu.wait_indirect_dma semaphore(%arg10 : memref<!tpu.dma_semaphore, #tpu.memory_space<semaphore_mem>>) src(%dma_wait3A_367 : memref<20000x64xf32, #tpu.memory_space<hbm>>) dst(%dma_wait3A_361 : memref<128x64xf32, #tpu.memory_space<vmem>>)
      %dma_wait3A_368 = arith.constant 1 : i32
      %dma_wait3A_369 = arith.constant 3 : i32
      %dma_wait3A_370 = arith.constant 0 : i32
      %dma_wait3A_371 = arith.constant 1 : i32
      %dma_wait3A_372 = arith.constant 3 : i32
      %dma_wait3A_373 = arith.constant 0 : i32
      %dma_wait3A_374 = arith.constant 0 : i32
      %dma_wait3A_375 = tpu.memref_slice %arg7[%dma_wait3A_371, %dma_wait3A_372, %dma_wait3A_373, %dma_wait3A_374] : memref<2x5x128x64xf32, #tpu.memory_space<vmem>> -> memref<1x1x128x64xf32, #tpu.memory_space<vmem>>
      %dma_wait3A_376 = tpu.memref_squeeze %dma_wait3A_375 : memref<1x1x128x64xf32, #tpu.memory_space<vmem>> -> memref<128x64xf32, #tpu.memory_space<vmem>>
      %dma_wait3A_377 = arith.constant 0 : i32
      %dma_wait3A_378 = tpu.memref_slice %arg6[%dma_wait3A_368, %dma_wait3A_369, %dma_wait3A_370, %dma_wait3A_377] : memref<2x5x2x128xi32, #tpu.memory_space<vmem>> -> memref<1x1x1x128xi32, #tpu.memory_space<vmem>>
      %dma_wait3A_379 = tpu.memref_squeeze %dma_wait3A_378 : memref<1x1x1x128xi32, #tpu.memory_space<vmem>> -> memref<128xi32, #tpu.memory_space<vmem>>
      %dma_wait3A_380 = arith.constant 0 : i32
      %dma_wait3A_381 = arith.constant 0 : i32
      %dma_wait3A_382 = tpu.memref_slice %arg2[%dma_wait3A_380, %dma_wait3A_381] : memref<20000x64xf32, #tpu.memory_space<hbm>> -> memref<20000x64xf32, #tpu.memory_space<hbm>>
      tpu.wait_indirect_dma semaphore(%arg10 : memref<!tpu.dma_semaphore, #tpu.memory_space<semaphore_mem>>) src(%dma_wait3A_382 : memref<20000x64xf32, #tpu.memory_space<hbm>>) dst(%dma_wait3A_376 : memref<128x64xf32, #tpu.memory_space<vmem>>)
      %dma_wait3A_383 = arith.constant 1 : i32
      %dma_wait3A_384 = arith.constant 4 : i32
      %dma_wait3A_385 = arith.constant 0 : i32
      %dma_wait3A_386 = arith.constant 1 : i32
      %dma_wait3A_387 = arith.constant 4 : i32
      %dma_wait3A_388 = arith.constant 0 : i32
      %dma_wait3A_389 = arith.constant 0 : i32
      %dma_wait3A_390 = tpu.memref_slice %arg7[%dma_wait3A_386, %dma_wait3A_387, %dma_wait3A_388, %dma_wait3A_389] : memref<2x5x128x64xf32, #tpu.memory_space<vmem>> -> memref<1x1x128x64xf32, #tpu.memory_space<vmem>>
      %dma_wait3A_391 = tpu.memref_squeeze %dma_wait3A_390 : memref<1x1x128x64xf32, #tpu.memory_space<vmem>> -> memref<128x64xf32, #tpu.memory_space<vmem>>
      %dma_wait3A_392 = arith.constant 0 : i32
      %dma_wait3A_393 = tpu.memref_slice %arg6[%dma_wait3A_383, %dma_wait3A_384, %dma_wait3A_385, %dma_wait3A_392] : memref<2x5x2x128xi32, #tpu.memory_space<vmem>> -> memref<1x1x1x128xi32, #tpu.memory_space<vmem>>
      %dma_wait3A_394 = tpu.memref_squeeze %dma_wait3A_393 : memref<1x1x1x128xi32, #tpu.memory_space<vmem>> -> memref<128xi32, #tpu.memory_space<vmem>>
      %dma_wait3A_395 = arith.constant 0 : i32
      %dma_wait3A_396 = arith.constant 0 : i32
      %dma_wait3A_397 = tpu.memref_slice %arg2[%dma_wait3A_395, %dma_wait3A_396] : memref<20000x64xf32, #tpu.memory_space<hbm>> -> memref<20000x64xf32, #tpu.memory_space<hbm>>
      tpu.wait_indirect_dma semaphore(%arg10 : memref<!tpu.dma_semaphore, #tpu.memory_space<semaphore_mem>>) src(%dma_wait3A_397 : memref<20000x64xf32, #tpu.memory_space<hbm>>) dst(%dma_wait3A_391 : memref<128x64xf32, #tpu.memory_space<vmem>>)
      %dma_start3A_398 = arith.constant 1 : i32
      %dma_start3A_399 = arith.constant 0 : i32
      %dma_start3A_400 = arith.constant 1 : i32
      %dma_start3A_401 = arith.constant 0 : i32
      %dma_start3A_402 = arith.constant 1 : i32
      %dma_start3A_403 = arith.constant 0 : i32
      %dma_start3A_404 = arith.constant 0 : i32
      %dma_start3A_405 = tpu.memref_slice %arg7[%dma_start3A_398, %dma_start3A_399, %dma_start3A_403, %dma_start3A_404] : memref<2x5x128x64xf32, #tpu.memory_space<vmem>> -> memref<1x1x128x64xf32, #tpu.memory_space<vmem>>
      %dma_start3A_406 = tpu.memref_squeeze %dma_start3A_405 : memref<1x1x128x64xf32, #tpu.memory_space<vmem>> -> memref<128x64xf32, #tpu.memory_space<vmem>>
      %dma_start3A_407 = arith.constant 0 : i32
      %dma_start3A_408 = tpu.memref_slice %arg6[%dma_start3A_400, %dma_start3A_401, %dma_start3A_402, %dma_start3A_407] : memref<2x5x2x128xi32, #tpu.memory_space<vmem>> -> memref<1x1x1x128xi32, #tpu.memory_space<vmem>>
      %dma_start3A_409 = tpu.memref_squeeze %dma_start3A_408 : memref<1x1x1x128xi32, #tpu.memory_space<vmem>> -> memref<128xi32, #tpu.memory_space<vmem>>
      %dma_start3A_410 = arith.constant 0 : i32
      %dma_start3A_411 = arith.constant 0 : i32
      %dma_start3A_412 = tpu.memref_slice %arg8[%dma_start3A_410, %dma_start3A_411] : memref<10240x64xf32, #tpu.memory_space<vmem_shared>> -> memref<10240x64xf32, #tpu.memory_space<vmem_shared>>
      tpu.enqueue_indirect_dma source(%dma_start3A_406 : memref<128x64xf32, #tpu.memory_space<vmem>>) target(%dma_start3A_412 : memref<10240x64xf32, #tpu.memory_space<vmem_shared>>) offsets(%dma_start3A_409 : memref<128xi32, #tpu.memory_space<vmem>>) semaphore(%arg12 : memref<!tpu.dma_semaphore, #tpu.memory_space<semaphore_mem>>) {add = true}
      %dma_start3A_413 = arith.constant 1 : i32
      %dma_start3A_414 = arith.constant 1 : i32
      %dma_start3A_415 = arith.constant 1 : i32
      %dma_start3A_416 = arith.constant 1 : i32
      %dma_start3A_417 = arith.constant 1 : i32
      %dma_start3A_418 = arith.constant 0 : i32
      %dma_start3A_419 = arith.constant 0 : i32
      %dma_start3A_420 = tpu.memref_slice %arg7[%dma_start3A_413, %dma_start3A_414, %dma_start3A_418, %dma_start3A_419] : memref<2x5x128x64xf32, #tpu.memory_space<vmem>> -> memref<1x1x128x64xf32, #tpu.memory_space<vmem>>
      %dma_start3A_421 = tpu.memref_squeeze %dma_start3A_420 : memref<1x1x128x64xf32, #tpu.memory_space<vmem>> -> memref<128x64xf32, #tpu.memory_space<vmem>>
      %dma_start3A_422 = arith.constant 0 : i32
      %dma_start3A_423 = tpu.memref_slice %arg6[%dma_start3A_415, %dma_start3A_416, %dma_start3A_417, %dma_start3A_422] : memref<2x5x2x128xi32, #tpu.memory_space<vmem>> -> memref<1x1x1x128xi32, #tpu.memory_space<vmem>>
      %dma_start3A_424 = tpu.memref_squeeze %dma_start3A_423 : memref<1x1x1x128xi32, #tpu.memory_space<vmem>> -> memref<128xi32, #tpu.memory_space<vmem>>
      %dma_start3A_425 = arith.constant 0 : i32
      %dma_start3A_426 = arith.constant 0 : i32
      %dma_start3A_427 = tpu.memref_slice %arg8[%dma_start3A_425, %dma_start3A_426] : memref<10240x64xf32, #tpu.memory_space<vmem_shared>> -> memref<10240x64xf32, #tpu.memory_space<vmem_shared>>
      tpu.enqueue_indirect_dma source(%dma_start3A_421 : memref<128x64xf32, #tpu.memory_space<vmem>>) target(%dma_start3A_427 : memref<10240x64xf32, #tpu.memory_space<vmem_shared>>) offsets(%dma_start3A_424 : memref<128xi32, #tpu.memory_space<vmem>>) semaphore(%arg12 : memref<!tpu.dma_semaphore, #tpu.memory_space<semaphore_mem>>) {add = true}
      %dma_start3A_428 = arith.constant 1 : i32
      %dma_start3A_429 = arith.constant 2 : i32
      %dma_start3A_430 = arith.constant 1 : i32
      %dma_start3A_431 = arith.constant 2 : i32
      %dma_start3A_432 = arith.constant 1 : i32
      %dma_start3A_433 = arith.constant 0 : i32
      %dma_start3A_434 = arith.constant 0 : i32
      %dma_start3A_435 = tpu.memref_slice %arg7[%dma_start3A_428, %dma_start3A_429, %dma_start3A_433, %dma_start3A_434] : memref<2x5x128x64xf32, #tpu.memory_space<vmem>> -> memref<1x1x128x64xf32, #tpu.memory_space<vmem>>
      %dma_start3A_436 = tpu.memref_squeeze %dma_start3A_435 : memref<1x1x128x64xf32, #tpu.memory_space<vmem>> -> memref<128x64xf32, #tpu.memory_space<vmem>>
      %dma_start3A_437 = arith.constant 0 : i32
      %dma_start3A_438 = tpu.memref_slice %arg6[%dma_start3A_430, %dma_start3A_431, %dma_start3A_432, %dma_start3A_437] : memref<2x5x2x128xi32, #tpu.memory_space<vmem>> -> memref<1x1x1x128xi32, #tpu.memory_space<vmem>>
      %dma_start3A_439 = tpu.memref_squeeze %dma_start3A_438 : memref<1x1x1x128xi32, #tpu.memory_space<vmem>> -> memref<128xi32, #tpu.memory_space<vmem>>
      %dma_start3A_440 = arith.constant 0 : i32
      %dma_start3A_441 = arith.constant 0 : i32
      %dma_start3A_442 = tpu.memref_slice %arg8[%dma_start3A_440, %dma_start3A_441] : memref<10240x64xf32, #tpu.memory_space<vmem_shared>> -> memref<10240x64xf32, #tpu.memory_space<vmem_shared>>
      tpu.enqueue_indirect_dma source(%dma_start3A_436 : memref<128x64xf32, #tpu.memory_space<vmem>>) target(%dma_start3A_442 : memref<10240x64xf32, #tpu.memory_space<vmem_shared>>) offsets(%dma_start3A_439 : memref<128xi32, #tpu.memory_space<vmem>>) semaphore(%arg12 : memref<!tpu.dma_semaphore, #tpu.memory_space<semaphore_mem>>) {add = true}
      %dma_start3A_443 = arith.constant 1 : i32
      %dma_start3A_444 = arith.constant 3 : i32
      %dma_start3A_445 = arith.constant 1 : i32
      %dma_start3A_446 = arith.constant 3 : i32
      %dma_start3A_447 = arith.constant 1 : i32
      %dma_start3A_448 = arith.constant 0 : i32
      %dma_start3A_449 = arith.constant 0 : i32
      %dma_start3A_450 = tpu.memref_slice %arg7[%dma_start3A_443, %dma_start3A_444, %dma_start3A_448, %dma_start3A_449] : memref<2x5x128x64xf32, #tpu.memory_space<vmem>> -> memref<1x1x128x64xf32, #tpu.memory_space<vmem>>
      %dma_start3A_451 = tpu.memref_squeeze %dma_start3A_450 : memref<1x1x128x64xf32, #tpu.memory_space<vmem>> -> memref<128x64xf32, #tpu.memory_space<vmem>>
      %dma_start3A_452 = arith.constant 0 : i32
      %dma_start3A_453 = tpu.memref_slice %arg6[%dma_start3A_445, %dma_start3A_446, %dma_start3A_447, %dma_start3A_452] : memref<2x5x2x128xi32, #tpu.memory_space<vmem>> -> memref<1x1x1x128xi32, #tpu.memory_space<vmem>>
      %dma_start3A_454 = tpu.memref_squeeze %dma_start3A_453 : memref<1x1x1x128xi32, #tpu.memory_space<vmem>> -> memref<128xi32, #tpu.memory_space<vmem>>
      %dma_start3A_455 = arith.constant 0 : i32
      %dma_start3A_456 = arith.constant 0 : i32
      %dma_start3A_457 = tpu.memref_slice %arg8[%dma_start3A_455, %dma_start3A_456] : memref<10240x64xf32, #tpu.memory_space<vmem_shared>> -> memref<10240x64xf32, #tpu.memory_space<vmem_shared>>
      tpu.enqueue_indirect_dma source(%dma_start3A_451 : memref<128x64xf32, #tpu.memory_space<vmem>>) target(%dma_start3A_457 : memref<10240x64xf32, #tpu.memory_space<vmem_shared>>) offsets(%dma_start3A_454 : memref<128xi32, #tpu.memory_space<vmem>>) semaphore(%arg12 : memref<!tpu.dma_semaphore, #tpu.memory_space<semaphore_mem>>) {add = true}
      %dma_start3A_458 = arith.constant 1 : i32
      %dma_start3A_459 = arith.constant 4 : i32
      %dma_start3A_460 = arith.constant 1 : i32
      %dma_start3A_461 = arith.constant 4 : i32
      %dma_start3A_462 = arith.constant 1 : i32
      %dma_start3A_463 = arith.constant 0 : i32
      %dma_start3A_464 = arith.constant 0 : i32
      %dma_start3A_465 = tpu.memref_slice %arg7[%dma_start3A_458, %dma_start3A_459, %dma_start3A_463, %dma_start3A_464] : memref<2x5x128x64xf32, #tpu.memory_space<vmem>> -> memref<1x1x128x64xf32, #tpu.memory_space<vmem>>
      %dma_start3A_466 = tpu.memref_squeeze %dma_start3A_465 : memref<1x1x128x64xf32, #tpu.memory_space<vmem>> -> memref<128x64xf32, #tpu.memory_space<vmem>>
      %dma_start3A_467 = arith.constant 0 : i32
      %dma_start3A_468 = tpu.memref_slice %arg6[%dma_start3A_460, %dma_start3A_461, %dma_start3A_462, %dma_start3A_467] : memref<2x5x2x128xi32, #tpu.memory_space<vmem>> -> memref<1x1x1x128xi32, #tpu.memory_space<vmem>>
      %dma_start3A_469 = tpu.memref_squeeze %dma_start3A_468 : memref<1x1x1x128xi32, #tpu.memory_space<vmem>> -> memref<128xi32, #tpu.memory_space<vmem>>
      %dma_start3A_470 = arith.constant 0 : i32
      %dma_start3A_471 = arith.constant 0 : i32
      %dma_start3A_472 = tpu.memref_slice %arg8[%dma_start3A_470, %dma_start3A_471] : memref<10240x64xf32, #tpu.memory_space<vmem_shared>> -> memref<10240x64xf32, #tpu.memory_space<vmem_shared>>
      tpu.enqueue_indirect_dma source(%dma_start3A_466 : memref<128x64xf32, #tpu.memory_space<vmem>>) target(%dma_start3A_472 : memref<10240x64xf32, #tpu.memory_space<vmem_shared>>) offsets(%dma_start3A_469 : memref<128xi32, #tpu.memory_space<vmem>>) semaphore(%arg12 : memref<!tpu.dma_semaphore, #tpu.memory_space<semaphore_mem>>) {add = true}
      %dma_wait3A_473 = arith.constant 0 : i32
      %dma_wait3A_474 = arith.constant 0 : i32
      %dma_wait3A_475 = arith.constant 0 : i32
      %dma_wait3A_476 = arith.constant 0 : i32
      %dma_wait3A_477 = arith.constant 1 : i32
      %dma_wait3A_478 = arith.constant 0 : i32
      %dma_wait3A_479 = arith.constant 0 : i32
      %dma_wait3A_480 = tpu.memref_slice %arg7[%dma_wait3A_473, %dma_wait3A_474, %dma_wait3A_478, %dma_wait3A_479] : memref<2x5x128x64xf32, #tpu.memory_space<vmem>> -> memref<1x1x128x64xf32, #tpu.memory_space<vmem>>
      %dma_wait3A_481 = tpu.memref_squeeze %dma_wait3A_480 : memref<1x1x128x64xf32, #tpu.memory_space<vmem>> -> memref<128x64xf32, #tpu.memory_space<vmem>>
      %dma_wait3A_482 = arith.constant 0 : i32
      %dma_wait3A_483 = tpu.memref_slice %arg6[%dma_wait3A_475, %dma_wait3A_476, %dma_wait3A_477, %dma_wait3A_482] : memref<2x5x2x128xi32, #tpu.memory_space<vmem>> -> memref<1x1x1x128xi32, #tpu.memory_space<vmem>>
      %dma_wait3A_484 = tpu.memref_squeeze %dma_wait3A_483 : memref<1x1x1x128xi32, #tpu.memory_space<vmem>> -> memref<128xi32, #tpu.memory_space<vmem>>
      %dma_wait3A_485 = arith.constant 0 : i32
      %dma_wait3A_486 = arith.constant 0 : i32
      %dma_wait3A_487 = tpu.memref_slice %arg8[%dma_wait3A_485, %dma_wait3A_486] : memref<10240x64xf32, #tpu.memory_space<vmem_shared>> -> memref<10240x64xf32, #tpu.memory_space<vmem_shared>>
      tpu.wait_indirect_dma semaphore(%arg11 : memref<!tpu.dma_semaphore, #tpu.memory_space<semaphore_mem>>) src(%dma_wait3A_481 : memref<128x64xf32, #tpu.memory_space<vmem>>) dst(%dma_wait3A_487 : memref<10240x64xf32, #tpu.memory_space<vmem_shared>>)
      %dma_wait3A_488 = arith.constant 0 : i32
      %dma_wait3A_489 = arith.constant 1 : i32
      %dma_wait3A_490 = arith.constant 0 : i32
      %dma_wait3A_491 = arith.constant 1 : i32
      %dma_wait3A_492 = arith.constant 1 : i32
      %dma_wait3A_493 = arith.constant 0 : i32
      %dma_wait3A_494 = arith.constant 0 : i32
      %dma_wait3A_495 = tpu.memref_slice %arg7[%dma_wait3A_488, %dma_wait3A_489, %dma_wait3A_493, %dma_wait3A_494] : memref<2x5x128x64xf32, #tpu.memory_space<vmem>> -> memref<1x1x128x64xf32, #tpu.memory_space<vmem>>
      %dma_wait3A_496 = tpu.memref_squeeze %dma_wait3A_495 : memref<1x1x128x64xf32, #tpu.memory_space<vmem>> -> memref<128x64xf32, #tpu.memory_space<vmem>>
      %dma_wait3A_497 = arith.constant 0 : i32
      %dma_wait3A_498 = tpu.memref_slice %arg6[%dma_wait3A_490, %dma_wait3A_491, %dma_wait3A_492, %dma_wait3A_497] : memref<2x5x2x128xi32, #tpu.memory_space<vmem>> -> memref<1x1x1x128xi32, #tpu.memory_space<vmem>>
      %dma_wait3A_499 = tpu.memref_squeeze %dma_wait3A_498 : memref<1x1x1x128xi32, #tpu.memory_space<vmem>> -> memref<128xi32, #tpu.memory_space<vmem>>
      %dma_wait3A_500 = arith.constant 0 : i32
      %dma_wait3A_501 = arith.constant 0 : i32
      %dma_wait3A_502 = tpu.memref_slice %arg8[%dma_wait3A_500, %dma_wait3A_501] : memref<10240x64xf32, #tpu.memory_space<vmem_shared>> -> memref<10240x64xf32, #tpu.memory_space<vmem_shared>>
      tpu.wait_indirect_dma semaphore(%arg11 : memref<!tpu.dma_semaphore, #tpu.memory_space<semaphore_mem>>) src(%dma_wait3A_496 : memref<128x64xf32, #tpu.memory_space<vmem>>) dst(%dma_wait3A_502 : memref<10240x64xf32, #tpu.memory_space<vmem_shared>>)
      %dma_wait3A_503 = arith.constant 0 : i32
      %dma_wait3A_504 = arith.constant 2 : i32
      %dma_wait3A_505 = arith.constant 0 : i32
      %dma_wait3A_506 = arith.constant 2 : i32
      %dma_wait3A_507 = arith.constant 1 : i32
      %dma_wait3A_508 = arith.constant 0 : i32
      %dma_wait3A_509 = arith.constant 0 : i32
      %dma_wait3A_510 = tpu.memref_slice %arg7[%dma_wait3A_503, %dma_wait3A_504, %dma_wait3A_508, %dma_wait3A_509] : memref<2x5x128x64xf32, #tpu.memory_space<vmem>> -> memref<1x1x128x64xf32, #tpu.memory_space<vmem>>
      %dma_wait3A_511 = tpu.memref_squeeze %dma_wait3A_510 : memref<1x1x128x64xf32, #tpu.memory_space<vmem>> -> memref<128x64xf32, #tpu.memory_space<vmem>>
      %dma_wait3A_512 = arith.constant 0 : i32
      %dma_wait3A_513 = tpu.memref_slice %arg6[%dma_wait3A_505, %dma_wait3A_506, %dma_wait3A_507, %dma_wait3A_512] : memref<2x5x2x128xi32, #tpu.memory_space<vmem>> -> memref<1x1x1x128xi32, #tpu.memory_space<vmem>>
      %dma_wait3A_514 = tpu.memref_squeeze %dma_wait3A_513 : memref<1x1x1x128xi32, #tpu.memory_space<vmem>> -> memref<128xi32, #tpu.memory_space<vmem>>
      %dma_wait3A_515 = arith.constant 0 : i32
      %dma_wait3A_516 = arith.constant 0 : i32
      %dma_wait3A_517 = tpu.memref_slice %arg8[%dma_wait3A_515, %dma_wait3A_516] : memref<10240x64xf32, #tpu.memory_space<vmem_shared>> -> memref<10240x64xf32, #tpu.memory_space<vmem_shared>>
      tpu.wait_indirect_dma semaphore(%arg11 : memref<!tpu.dma_semaphore, #tpu.memory_space<semaphore_mem>>) src(%dma_wait3A_511 : memref<128x64xf32, #tpu.memory_space<vmem>>) dst(%dma_wait3A_517 : memref<10240x64xf32, #tpu.memory_space<vmem_shared>>)
      %dma_wait3A_518 = arith.constant 0 : i32
      %dma_wait3A_519 = arith.constant 3 : i32
      %dma_wait3A_520 = arith.constant 0 : i32
      %dma_wait3A_521 = arith.constant 3 : i32
      %dma_wait3A_522 = arith.constant 1 : i32
      %dma_wait3A_523 = arith.constant 0 : i32
      %dma_wait3A_524 = arith.constant 0 : i32
      %dma_wait3A_525 = tpu.memref_slice %arg7[%dma_wait3A_518, %dma_wait3A_519, %dma_wait3A_523, %dma_wait3A_524] : memref<2x5x128x64xf32, #tpu.memory_space<vmem>> -> memref<1x1x128x64xf32, #tpu.memory_space<vmem>>
      %dma_wait3A_526 = tpu.memref_squeeze %dma_wait3A_525 : memref<1x1x128x64xf32, #tpu.memory_space<vmem>> -> memref<128x64xf32, #tpu.memory_space<vmem>>
      %dma_wait3A_527 = arith.constant 0 : i32
      %dma_wait3A_528 = tpu.memref_slice %arg6[%dma_wait3A_520, %dma_wait3A_521, %dma_wait3A_522, %dma_wait3A_527] : memref<2x5x2x128xi32, #tpu.memory_space<vmem>> -> memref<1x1x1x128xi32, #tpu.memory_space<vmem>>
      %dma_wait3A_529 = tpu.memref_squeeze %dma_wait3A_528 : memref<1x1x1x128xi32, #tpu.memory_space<vmem>> -> memref<128xi32, #tpu.memory_space<vmem>>
      %dma_wait3A_530 = arith.constant 0 : i32
      %dma_wait3A_531 = arith.constant 0 : i32
      %dma_wait3A_532 = tpu.memref_slice %arg8[%dma_wait3A_530, %dma_wait3A_531] : memref<10240x64xf32, #tpu.memory_space<vmem_shared>> -> memref<10240x64xf32, #tpu.memory_space<vmem_shared>>
      tpu.wait_indirect_dma semaphore(%arg11 : memref<!tpu.dma_semaphore, #tpu.memory_space<semaphore_mem>>) src(%dma_wait3A_526 : memref<128x64xf32, #tpu.memory_space<vmem>>) dst(%dma_wait3A_532 : memref<10240x64xf32, #tpu.memory_space<vmem_shared>>)
      %dma_wait3A_533 = arith.constant 0 : i32
      %dma_wait3A_534 = arith.constant 4 : i32
      %dma_wait3A_535 = arith.constant 0 : i32
      %dma_wait3A_536 = arith.constant 4 : i32
      %dma_wait3A_537 = arith.constant 1 : i32
      %dma_wait3A_538 = arith.constant 0 : i32
      %dma_wait3A_539 = arith.constant 0 : i32
      %dma_wait3A_540 = tpu.memref_slice %arg7[%dma_wait3A_533, %dma_wait3A_534, %dma_wait3A_538, %dma_wait3A_539] : memref<2x5x128x64xf32, #tpu.memory_space<vmem>> -> memref<1x1x128x64xf32, #tpu.memory_space<vmem>>
      %dma_wait3A_541 = tpu.memref_squeeze %dma_wait3A_540 : memref<1x1x128x64xf32, #tpu.memory_space<vmem>> -> memref<128x64xf32, #tpu.memory_space<vmem>>
      %dma_wait3A_542 = arith.constant 0 : i32
      %dma_wait3A_543 = tpu.memref_slice %arg6[%dma_wait3A_535, %dma_wait3A_536, %dma_wait3A_537, %dma_wait3A_542] : memref<2x5x2x128xi32, #tpu.memory_space<vmem>> -> memref<1x1x1x128xi32, #tpu.memory_space<vmem>>
      %dma_wait3A_544 = tpu.memref_squeeze %dma_wait3A_543 : memref<1x1x1x128xi32, #tpu.memory_space<vmem>> -> memref<128xi32, #tpu.memory_space<vmem>>
      %dma_wait3A_545 = arith.constant 0 : i32
      %dma_wait3A_546 = arith.constant 0 : i32
      %dma_wait3A_547 = tpu.memref_slice %arg8[%dma_wait3A_545, %dma_wait3A_546] : memref<10240x64xf32, #tpu.memory_space<vmem_shared>> -> memref<10240x64xf32, #tpu.memory_space<vmem_shared>>
      tpu.wait_indirect_dma semaphore(%arg11 : memref<!tpu.dma_semaphore, #tpu.memory_space<semaphore_mem>>) src(%dma_wait3A_541 : memref<128x64xf32, #tpu.memory_space<vmem>>) dst(%dma_wait3A_547 : memref<10240x64xf32, #tpu.memory_space<vmem_shared>>)
      %lt3A_548 = arith.constant 15 : i32
      %lt3A_549 = arith.cmpi slt, %scan3A_91, %lt3A_548 : i32
      %convert_element_type3A_550 = arith.extui %lt3A_549 : i1 to i32
      %cond3A_551 = arith.constant 0 : i32
      %cond3A_552 = arith.cmpi ne, %convert_element_type3A_550, %cond3A_551 : i32
      scf.if %cond3A_552 {
        %mul3A_628 = arith.constant 2 : i32
        %mul3A_629 = arith.muli %mul3A_628, %scan3A_91 : i32
        %add3A_630 = arith.constant 2 : i32
        %add3A_631 = arith.addi %mul3A_629, %add3A_630 : i32
        %mul3A_632 = arith.constant 5 : i32
        %mul3A_633 = arith.muli %add3A_631, %mul3A_632 : i32
        %add3A_634 = arith.addi %mul3A_4, %mul3A_633 : i32
        %run_scoped3A_635 = arith.constant 0 : i32
        "tpu.region"() ({
          %run_scoped3A_711 = tpu.sem_alloc : memref<!tpu.dma_semaphore, #tpu.memory_space<semaphore_mem>>
          %dma_start3A_712 = arith.constant 0 : i32
          %dma_start3A_713 = arith.constant 0 : i32
          %dma_start3A_714 = arith.constant 0 : i32
          %dma_start3A_715 = tpu.memref_slice %arg6[%run_scoped3A_635, %dma_start3A_712, %dma_start3A_713, %dma_start3A_714] : memref<2x5x2x128xi32, #tpu.memory_space<vmem>> -> memref<1x5x2x128xi32, #tpu.memory_space<vmem>>
          %dma_start3A_716 = tpu.memref_squeeze %dma_start3A_715 : memref<1x5x2x128xi32, #tpu.memory_space<vmem>> -> memref<5x2x128xi32, #tpu.memory_space<vmem>>
          %dma_start3A_717 = arith.constant 0 : i32
          %dma_start3A_718 = arith.constant 0 : i32
          %dma_start3A_719 = tpu.memref_slice %arg3[%arg0, %add3A_634, %dma_start3A_717, %dma_start3A_718] : memref<2x2560x2x128xi32, #tpu.memory_space<hbm>> -> memref<1x5x2x128xi32, #tpu.memory_space<hbm>>
          %dma_start3A_720 = tpu.memref_squeeze %dma_start3A_719 : memref<1x5x2x128xi32, #tpu.memory_space<hbm>> -> memref<5x2x128xi32, #tpu.memory_space<hbm>>
          %dma_start3A_721 = arith.constant 0 : i32
          %dma_start3A_722 = arith.constant 0 : i32
          %dma_start3A_723 = arith.constant 0 : i32
          %dma_start3A_724 = tpu.memref_slice %arg6[%run_scoped3A_635, %dma_start3A_721, %dma_start3A_722, %dma_start3A_723] : memref<2x5x2x128xi32, #tpu.memory_space<vmem>> -> memref<1x5x2x128xi32, #tpu.memory_space<vmem>>
          %dma_start3A_725 = tpu.memref_squeeze %dma_start3A_724 : memref<1x5x2x128xi32, #tpu.memory_space<vmem>> -> memref<5x2x128xi32, #tpu.memory_space<vmem>>
          %dma_start3A_726 = arith.constant 0 : i32
          %dma_start3A_727 = arith.constant 0 : i32
          %dma_start3A_728 = tpu.memref_slice %arg3[%arg0, %add3A_634, %dma_start3A_726, %dma_start3A_727] : memref<2x2560x2x128xi32, #tpu.memory_space<hbm>> -> memref<1x5x2x128xi32, #tpu.memory_space<hbm>>
          %dma_start3A_729 = tpu.memref_squeeze %dma_start3A_728 : memref<1x5x2x128xi32, #tpu.memory_space<hbm>> -> memref<5x2x128xi32, #tpu.memory_space<hbm>>
          tpu.enqueue_dma source(%dma_start3A_729 : memref<5x2x128xi32, #tpu.memory_space<hbm>>) target(%dma_start3A_725 : memref<5x2x128xi32, #tpu.memory_space<vmem>>) target_semaphore(%run_scoped3A_711 : memref<!tpu.dma_semaphore, #tpu.memory_space<semaphore_mem>>)
          %dma_wait3A_730 = arith.constant 0 : i32
          %dma_wait3A_731 = arith.constant 0 : i32
          %dma_wait3A_732 = arith.constant 0 : i32
          %dma_wait3A_733 = tpu.memref_slice %arg6[%run_scoped3A_635, %dma_wait3A_730, %dma_wait3A_731, %dma_wait3A_732] : memref<2x5x2x128xi32, #tpu.memory_space<vmem>> -> memref<1x5x2x128xi32, #tpu.memory_space<vmem>>
          %dma_wait3A_734 = tpu.memref_squeeze %dma_wait3A_733 : memref<1x5x2x128xi32, #tpu.memory_space<vmem>> -> memref<5x2x128xi32, #tpu.memory_space<vmem>>
          %dma_wait3A_735 = arith.constant 0 : i32
          %dma_wait3A_736 = arith.constant 0 : i32
          %dma_wait3A_737 = tpu.memref_slice %arg3[%arg0, %add3A_634, %dma_wait3A_735, %dma_wait3A_736] : memref<2x2560x2x128xi32, #tpu.memory_space<hbm>> -> memref<1x5x2x128xi32, #tpu.memory_space<hbm>>
          %dma_wait3A_738 = tpu.memref_squeeze %dma_wait3A_737 : memref<1x5x2x128xi32, #tpu.memory_space<hbm>> -> memref<5x2x128xi32, #tpu.memory_space<hbm>>
          %dma_wait3A_739 = arith.constant 0 : i32
          %dma_wait3A_740 = arith.constant 0 : i32
          %dma_wait3A_741 = arith.constant 0 : i32
          %dma_wait3A_742 = tpu.memref_slice %arg6[%run_scoped3A_635, %dma_wait3A_739, %dma_wait3A_740, %dma_wait3A_741] : memref<2x5x2x128xi32, #tpu.memory_space<vmem>> -> memref<1x5x2x128xi32, #tpu.memory_space<vmem>>
          %dma_wait3A_743 = tpu.memref_squeeze %dma_wait3A_742 : memref<1x5x2x128xi32, #tpu.memory_space<vmem>> -> memref<5x2x128xi32, #tpu.memory_space<vmem>>
          %dma_wait3A_744 = arith.constant 0 : i32
          %dma_wait3A_745 = arith.constant 0 : i32
          %dma_wait3A_746 = tpu.memref_slice %arg3[%arg0, %add3A_634, %dma_wait3A_744, %dma_wait3A_745] : memref<2x2560x2x128xi32, #tpu.memory_space<hbm>> -> memref<1x5x2x128xi32, #tpu.memory_space<hbm>>
          %dma_wait3A_747 = tpu.memref_squeeze %dma_wait3A_746 : memref<1x5x2x128xi32, #tpu.memory_space<hbm>> -> memref<5x2x128xi32, #tpu.memory_space<hbm>>
          tpu.wait_dma2 semaphore(%run_scoped3A_711 : memref<!tpu.dma_semaphore, #tpu.memory_space<semaphore_mem>>) src(%dma_wait3A_747 : memref<5x2x128xi32, #tpu.memory_space<hbm>>) dst(%dma_wait3A_743 : memref<5x2x128xi32, #tpu.memory_space<vmem>>)
          tpu.yield
        }) : () -> ()
        %dma_start3A_636 = arith.constant 0 : i32
        %dma_start3A_637 = arith.constant 0 : i32
        %dma_start3A_638 = arith.constant 0 : i32
        %dma_start3A_639 = arith.constant 0 : i32
        %dma_start3A_640 = arith.constant 0 : i32
        %dma_start3A_641 = arith.constant 0 : i32
        %dma_start3A_642 = arith.constant 0 : i32
        %dma_start3A_643 = tpu.memref_slice %arg7[%dma_start3A_639, %dma_start3A_640, %dma_start3A_641, %dma_start3A_642] : memref<2x5x128x64xf32, #tpu.memory_space<vmem>> -> memref<1x1x128x64xf32, #tpu.memory_space<vmem>>
        %dma_start3A_644 = tpu.memref_squeeze %dma_start3A_643 : memref<1x1x128x64xf32, #tpu.memory_space<vmem>> -> memref<128x64xf32, #tpu.memory_space<vmem>>
        %dma_start3A_645 = arith.constant 0 : i32
        %dma_start3A_646 = tpu.memref_slice %arg6[%dma_start3A_636, %dma_start3A_637, %dma_start3A_638, %dma_start3A_645] : memref<2x5x2x128xi32, #tpu.memory_space<vmem>> -> memref<1x1x1x128xi32, #tpu.memory_space<vmem>>
        %dma_start3A_647 = tpu.memref_squeeze %dma_start3A_646 : memref<1x1x1x128xi32, #tpu.memory_space<vmem>> -> memref<128xi32, #tpu.memory_space<vmem>>
        %dma_start3A_648 = arith.constant 0 : i32
        %dma_start3A_649 = arith.constant 0 : i32
        %dma_start3A_650 = tpu.memref_slice %arg2[%dma_start3A_648, %dma_start3A_649] : memref<20000x64xf32, #tpu.memory_space<hbm>> -> memref<20000x64xf32, #tpu.memory_space<hbm>>
        tpu.enqueue_indirect_dma source(%dma_start3A_650 : memref<20000x64xf32, #tpu.memory_space<hbm>>) target(%dma_start3A_644 : memref<128x64xf32, #tpu.memory_space<vmem>>) offsets(%dma_start3A_647 : memref<128xi32, #tpu.memory_space<vmem>>) semaphore(%arg9 : memref<!tpu.dma_semaphore, #tpu.memory_space<semaphore_mem>>)
        %dma_start3A_651 = arith.constant 0 : i32
        %dma_start3A_652 = arith.constant 1 : i32
        %dma_start3A_653 = arith.constant 0 : i32
        %dma_start3A_654 = arith.constant 0 : i32
        %dma_start3A_655 = arith.constant 1 : i32
        %dma_start3A_656 = arith.constant 0 : i32
        %dma_start3A_657 = arith.constant 0 : i32
        %dma_start3A_658 = tpu.memref_slice %arg7[%dma_start3A_654, %dma_start3A_655, %dma_start3A_656, %dma_start3A_657] : memref<2x5x128x64xf32, #tpu.memory_space<vmem>> -> memref<1x1x128x64xf32, #tpu.memory_space<vmem>>
        %dma_start3A_659 = tpu.memref_squeeze %dma_start3A_658 : memref<1x1x128x64xf32, #tpu.memory_space<vmem>> -> memref<128x64xf32, #tpu.memory_space<vmem>>
        %dma_start3A_660 = arith.constant 0 : i32
        %dma_start3A_661 = tpu.memref_slice %arg6[%dma_start3A_651, %dma_start3A_652, %dma_start3A_653, %dma_start3A_660] : memref<2x5x2x128xi32, #tpu.memory_space<vmem>> -> memref<1x1x1x128xi32, #tpu.memory_space<vmem>>
        %dma_start3A_662 = tpu.memref_squeeze %dma_start3A_661 : memref<1x1x1x128xi32, #tpu.memory_space<vmem>> -> memref<128xi32, #tpu.memory_space<vmem>>
        %dma_start3A_663 = arith.constant 0 : i32
        %dma_start3A_664 = arith.constant 0 : i32
        %dma_start3A_665 = tpu.memref_slice %arg2[%dma_start3A_663, %dma_start3A_664] : memref<20000x64xf32, #tpu.memory_space<hbm>> -> memref<20000x64xf32, #tpu.memory_space<hbm>>
        tpu.enqueue_indirect_dma source(%dma_start3A_665 : memref<20000x64xf32, #tpu.memory_space<hbm>>) target(%dma_start3A_659 : memref<128x64xf32, #tpu.memory_space<vmem>>) offsets(%dma_start3A_662 : memref<128xi32, #tpu.memory_space<vmem>>) semaphore(%arg9 : memref<!tpu.dma_semaphore, #tpu.memory_space<semaphore_mem>>)
        %dma_start3A_666 = arith.constant 0 : i32
        %dma_start3A_667 = arith.constant 2 : i32
        %dma_start3A_668 = arith.constant 0 : i32
        %dma_start3A_669 = arith.constant 0 : i32
        %dma_start3A_670 = arith.constant 2 : i32
        %dma_start3A_671 = arith.constant 0 : i32
        %dma_start3A_672 = arith.constant 0 : i32
        %dma_start3A_673 = tpu.memref_slice %arg7[%dma_start3A_669, %dma_start3A_670, %dma_start3A_671, %dma_start3A_672] : memref<2x5x128x64xf32, #tpu.memory_space<vmem>> -> memref<1x1x128x64xf32, #tpu.memory_space<vmem>>
        %dma_start3A_674 = tpu.memref_squeeze %dma_start3A_673 : memref<1x1x128x64xf32, #tpu.memory_space<vmem>> -> memref<128x64xf32, #tpu.memory_space<vmem>>
        %dma_start3A_675 = arith.constant 0 : i32
        %dma_start3A_676 = tpu.memref_slice %arg6[%dma_start3A_666, %dma_start3A_667, %dma_start3A_668, %dma_start3A_675] : memref<2x5x2x128xi32, #tpu.memory_space<vmem>> -> memref<1x1x1x128xi32, #tpu.memory_space<vmem>>
        %dma_start3A_677 = tpu.memref_squeeze %dma_start3A_676 : memref<1x1x1x128xi32, #tpu.memory_space<vmem>> -> memref<128xi32, #tpu.memory_space<vmem>>
        %dma_start3A_678 = arith.constant 0 : i32
        %dma_start3A_679 = arith.constant 0 : i32
        %dma_start3A_680 = tpu.memref_slice %arg2[%dma_start3A_678, %dma_start3A_679] : memref<20000x64xf32, #tpu.memory_space<hbm>> -> memref<20000x64xf32, #tpu.memory_space<hbm>>
        tpu.enqueue_indirect_dma source(%dma_start3A_680 : memref<20000x64xf32, #tpu.memory_space<hbm>>) target(%dma_start3A_674 : memref<128x64xf32, #tpu.memory_space<vmem>>) offsets(%dma_start3A_677 : memref<128xi32, #tpu.memory_space<vmem>>) semaphore(%arg9 : memref<!tpu.dma_semaphore, #tpu.memory_space<semaphore_mem>>)
        %dma_start3A_681 = arith.constant 0 : i32
        %dma_start3A_682 = arith.constant 3 : i32
        %dma_start3A_683 = arith.constant 0 : i32
        %dma_start3A_684 = arith.constant 0 : i32
        %dma_start3A_685 = arith.constant 3 : i32
        %dma_start3A_686 = arith.constant 0 : i32
        %dma_start3A_687 = arith.constant 0 : i32
        %dma_start3A_688 = tpu.memref_slice %arg7[%dma_start3A_684, %dma_start3A_685, %dma_start3A_686, %dma_start3A_687] : memref<2x5x128x64xf32, #tpu.memory_space<vmem>> -> memref<1x1x128x64xf32, #tpu.memory_space<vmem>>
        %dma_start3A_689 = tpu.memref_squeeze %dma_start3A_688 : memref<1x1x128x64xf32, #tpu.memory_space<vmem>> -> memref<128x64xf32, #tpu.memory_space<vmem>>
        %dma_start3A_690 = arith.constant 0 : i32
        %dma_start3A_691 = tpu.memref_slice %arg6[%dma_start3A_681, %dma_start3A_682, %dma_start3A_683, %dma_start3A_690] : memref<2x5x2x128xi32, #tpu.memory_space<vmem>> -> memref<1x1x1x128xi32, #tpu.memory_space<vmem>>
        %dma_start3A_692 = tpu.memref_squeeze %dma_start3A_691 : memref<1x1x1x128xi32, #tpu.memory_space<vmem>> -> memref<128xi32, #tpu.memory_space<vmem>>
        %dma_start3A_693 = arith.constant 0 : i32
        %dma_start3A_694 = arith.constant 0 : i32
        %dma_start3A_695 = tpu.memref_slice %arg2[%dma_start3A_693, %dma_start3A_694] : memref<20000x64xf32, #tpu.memory_space<hbm>> -> memref<20000x64xf32, #tpu.memory_space<hbm>>
        tpu.enqueue_indirect_dma source(%dma_start3A_695 : memref<20000x64xf32, #tpu.memory_space<hbm>>) target(%dma_start3A_689 : memref<128x64xf32, #tpu.memory_space<vmem>>) offsets(%dma_start3A_692 : memref<128xi32, #tpu.memory_space<vmem>>) semaphore(%arg9 : memref<!tpu.dma_semaphore, #tpu.memory_space<semaphore_mem>>)
        %dma_start3A_696 = arith.constant 0 : i32
        %dma_start3A_697 = arith.constant 4 : i32
        %dma_start3A_698 = arith.constant 0 : i32
        %dma_start3A_699 = arith.constant 0 : i32
        %dma_start3A_700 = arith.constant 4 : i32
        %dma_start3A_701 = arith.constant 0 : i32
        %dma_start3A_702 = arith.constant 0 : i32
        %dma_start3A_703 = tpu.memref_slice %arg7[%dma_start3A_699, %dma_start3A_700, %dma_start3A_701, %dma_start3A_702] : memref<2x5x128x64xf32, #tpu.memory_space<vmem>> -> memref<1x1x128x64xf32, #tpu.memory_space<vmem>>
        %dma_start3A_704 = tpu.memref_squeeze %dma_start3A_703 : memref<1x1x128x64xf32, #tpu.memory_space<vmem>> -> memref<128x64xf32, #tpu.memory_space<vmem>>
        %dma_start3A_705 = arith.constant 0 : i32
        %dma_start3A_706 = tpu.memref_slice %arg6[%dma_start3A_696, %dma_start3A_697, %dma_start3A_698, %dma_start3A_705] : memref<2x5x2x128xi32, #tpu.memory_space<vmem>> -> memref<1x1x1x128xi32, #tpu.memory_space<vmem>>
        %dma_start3A_707 = tpu.memref_squeeze %dma_start3A_706 : memref<1x1x1x128xi32, #tpu.memory_space<vmem>> -> memref<128xi32, #tpu.memory_space<vmem>>
        %dma_start3A_708 = arith.constant 0 : i32
        %dma_start3A_709 = arith.constant 0 : i32
        %dma_start3A_710 = tpu.memref_slice %arg2[%dma_start3A_708, %dma_start3A_709] : memref<20000x64xf32, #tpu.memory_space<hbm>> -> memref<20000x64xf32, #tpu.memory_space<hbm>>
        tpu.enqueue_indirect_dma source(%dma_start3A_710 : memref<20000x64xf32, #tpu.memory_space<hbm>>) target(%dma_start3A_704 : memref<128x64xf32, #tpu.memory_space<vmem>>) offsets(%dma_start3A_707 : memref<128xi32, #tpu.memory_space<vmem>>) semaphore(%arg9 : memref<!tpu.dma_semaphore, #tpu.memory_space<semaphore_mem>>)
      } else {
      }
      %dma_wait3A_553 = arith.constant 1 : i32
      %dma_wait3A_554 = arith.constant 0 : i32
      %dma_wait3A_555 = arith.constant 1 : i32
      %dma_wait3A_556 = arith.constant 0 : i32
      %dma_wait3A_557 = arith.constant 1 : i32
      %dma_wait3A_558 = arith.constant 0 : i32
      %dma_wait3A_559 = arith.constant 0 : i32
      %dma_wait3A_560 = tpu.memref_slice %arg7[%dma_wait3A_553, %dma_wait3A_554, %dma_wait3A_558, %dma_wait3A_559] : memref<2x5x128x64xf32, #tpu.memory_space<vmem>> -> memref<1x1x128x64xf32, #tpu.memory_space<vmem>>
      %dma_wait3A_561 = tpu.memref_squeeze %dma_wait3A_560 : memref<1x1x128x64xf32, #tpu.memory_space<vmem>> -> memref<128x64xf32, #tpu.memory_space<vmem>>
      %dma_wait3A_562 = arith.constant 0 : i32
      %dma_wait3A_563 = tpu.memref_slice %arg6[%dma_wait3A_555, %dma_wait3A_556, %dma_wait3A_557, %dma_wait3A_562] : memref<2x5x2x128xi32, #tpu.memory_space<vmem>> -> memref<1x1x1x128xi32, #tpu.memory_space<vmem>>
      %dma_wait3A_564 = tpu.memref_squeeze %dma_wait3A_563 : memref<1x1x1x128xi32, #tpu.memory_space<vmem>> -> memref<128xi32, #tpu.memory_space<vmem>>
      %dma_wait3A_565 = arith.constant 0 : i32
      %dma_wait3A_566 = arith.constant 0 : i32
      %dma_wait3A_567 = tpu.memref_slice %arg8[%dma_wait3A_565, %dma_wait3A_566] : memref<10240x64xf32, #tpu.memory_space<vmem_shared>> -> memref<10240x64xf32, #tpu.memory_space<vmem_shared>>
      tpu.wait_indirect_dma semaphore(%arg12 : memref<!tpu.dma_semaphore, #tpu.memory_space<semaphore_mem>>) src(%dma_wait3A_561 : memref<128x64xf32, #tpu.memory_space<vmem>>) dst(%dma_wait3A_567 : memref<10240x64xf32, #tpu.memory_space<vmem_shared>>)
      %dma_wait3A_568 = arith.constant 1 : i32
      %dma_wait3A_569 = arith.constant 1 : i32
      %dma_wait3A_570 = arith.constant 1 : i32
      %dma_wait3A_571 = arith.constant 1 : i32
      %dma_wait3A_572 = arith.constant 1 : i32
      %dma_wait3A_573 = arith.constant 0 : i32
      %dma_wait3A_574 = arith.constant 0 : i32
      %dma_wait3A_575 = tpu.memref_slice %arg7[%dma_wait3A_568, %dma_wait3A_569, %dma_wait3A_573, %dma_wait3A_574] : memref<2x5x128x64xf32, #tpu.memory_space<vmem>> -> memref<1x1x128x64xf32, #tpu.memory_space<vmem>>
      %dma_wait3A_576 = tpu.memref_squeeze %dma_wait3A_575 : memref<1x1x128x64xf32, #tpu.memory_space<vmem>> -> memref<128x64xf32, #tpu.memory_space<vmem>>
      %dma_wait3A_577 = arith.constant 0 : i32
      %dma_wait3A_578 = tpu.memref_slice %arg6[%dma_wait3A_570, %dma_wait3A_571, %dma_wait3A_572, %dma_wait3A_577] : memref<2x5x2x128xi32, #tpu.memory_space<vmem>> -> memref<1x1x1x128xi32, #tpu.memory_space<vmem>>
      %dma_wait3A_579 = tpu.memref_squeeze %dma_wait3A_578 : memref<1x1x1x128xi32, #tpu.memory_space<vmem>> -> memref<128xi32, #tpu.memory_space<vmem>>
      %dma_wait3A_580 = arith.constant 0 : i32
      %dma_wait3A_581 = arith.constant 0 : i32
      %dma_wait3A_582 = tpu.memref_slice %arg8[%dma_wait3A_580, %dma_wait3A_581] : memref<10240x64xf32, #tpu.memory_space<vmem_shared>> -> memref<10240x64xf32, #tpu.memory_space<vmem_shared>>
      tpu.wait_indirect_dma semaphore(%arg12 : memref<!tpu.dma_semaphore, #tpu.memory_space<semaphore_mem>>) src(%dma_wait3A_576 : memref<128x64xf32, #tpu.memory_space<vmem>>) dst(%dma_wait3A_582 : memref<10240x64xf32, #tpu.memory_space<vmem_shared>>)
      %dma_wait3A_583 = arith.constant 1 : i32
      %dma_wait3A_584 = arith.constant 2 : i32
      %dma_wait3A_585 = arith.constant 1 : i32
      %dma_wait3A_586 = arith.constant 2 : i32
      %dma_wait3A_587 = arith.constant 1 : i32
      %dma_wait3A_588 = arith.constant 0 : i32
      %dma_wait3A_589 = arith.constant 0 : i32
      %dma_wait3A_590 = tpu.memref_slice %arg7[%dma_wait3A_583, %dma_wait3A_584, %dma_wait3A_588, %dma_wait3A_589] : memref<2x5x128x64xf32, #tpu.memory_space<vmem>> -> memref<1x1x128x64xf32, #tpu.memory_space<vmem>>
      %dma_wait3A_591 = tpu.memref_squeeze %dma_wait3A_590 : memref<1x1x128x64xf32, #tpu.memory_space<vmem>> -> memref<128x64xf32, #tpu.memory_space<vmem>>
      %dma_wait3A_592 = arith.constant 0 : i32
      %dma_wait3A_593 = tpu.memref_slice %arg6[%dma_wait3A_585, %dma_wait3A_586, %dma_wait3A_587, %dma_wait3A_592] : memref<2x5x2x128xi32, #tpu.memory_space<vmem>> -> memref<1x1x1x128xi32, #tpu.memory_space<vmem>>
      %dma_wait3A_594 = tpu.memref_squeeze %dma_wait3A_593 : memref<1x1x1x128xi32, #tpu.memory_space<vmem>> -> memref<128xi32, #tpu.memory_space<vmem>>
      %dma_wait3A_595 = arith.constant 0 : i32
      %dma_wait3A_596 = arith.constant 0 : i32
      %dma_wait3A_597 = tpu.memref_slice %arg8[%dma_wait3A_595, %dma_wait3A_596] : memref<10240x64xf32, #tpu.memory_space<vmem_shared>> -> memref<10240x64xf32, #tpu.memory_space<vmem_shared>>
      tpu.wait_indirect_dma semaphore(%arg12 : memref<!tpu.dma_semaphore, #tpu.memory_space<semaphore_mem>>) src(%dma_wait3A_591 : memref<128x64xf32, #tpu.memory_space<vmem>>) dst(%dma_wait3A_597 : memref<10240x64xf32, #tpu.memory_space<vmem_shared>>)
      %dma_wait3A_598 = arith.constant 1 : i32
      %dma_wait3A_599 = arith.constant 3 : i32
      %dma_wait3A_600 = arith.constant 1 : i32
      %dma_wait3A_601 = arith.constant 3 : i32
      %dma_wait3A_602 = arith.constant 1 : i32
      %dma_wait3A_603 = arith.constant 0 : i32
      %dma_wait3A_604 = arith.constant 0 : i32
      %dma_wait3A_605 = tpu.memref_slice %arg7[%dma_wait3A_598, %dma_wait3A_599, %dma_wait3A_603, %dma_wait3A_604] : memref<2x5x128x64xf32, #tpu.memory_space<vmem>> -> memref<1x1x128x64xf32, #tpu.memory_space<vmem>>
      %dma_wait3A_606 = tpu.memref_squeeze %dma_wait3A_605 : memref<1x1x128x64xf32, #tpu.memory_space<vmem>> -> memref<128x64xf32, #tpu.memory_space<vmem>>
      %dma_wait3A_607 = arith.constant 0 : i32
      %dma_wait3A_608 = tpu.memref_slice %arg6[%dma_wait3A_600, %dma_wait3A_601, %dma_wait3A_602, %dma_wait3A_607] : memref<2x5x2x128xi32, #tpu.memory_space<vmem>> -> memref<1x1x1x128xi32, #tpu.memory_space<vmem>>
      %dma_wait3A_609 = tpu.memref_squeeze %dma_wait3A_608 : memref<1x1x1x128xi32, #tpu.memory_space<vmem>> -> memref<128xi32, #tpu.memory_space<vmem>>
      %dma_wait3A_610 = arith.constant 0 : i32
      %dma_wait3A_611 = arith.constant 0 : i32
      %dma_wait3A_612 = tpu.memref_slice %arg8[%dma_wait3A_610, %dma_wait3A_611] : memref<10240x64xf32, #tpu.memory_space<vmem_shared>> -> memref<10240x64xf32, #tpu.memory_space<vmem_shared>>
      tpu.wait_indirect_dma semaphore(%arg12 : memref<!tpu.dma_semaphore, #tpu.memory_space<semaphore_mem>>) src(%dma_wait3A_606 : memref<128x64xf32, #tpu.memory_space<vmem>>) dst(%dma_wait3A_612 : memref<10240x64xf32, #tpu.memory_space<vmem_shared>>)
      %dma_wait3A_613 = arith.constant 1 : i32
      %dma_wait3A_614 = arith.constant 4 : i32
      %dma_wait3A_615 = arith.constant 1 : i32
      %dma_wait3A_616 = arith.constant 4 : i32
      %dma_wait3A_617 = arith.constant 1 : i32
      %dma_wait3A_618 = arith.constant 0 : i32
      %dma_wait3A_619 = arith.constant 0 : i32
      %dma_wait3A_620 = tpu.memref_slice %arg7[%dma_wait3A_613, %dma_wait3A_614, %dma_wait3A_618, %dma_wait3A_619] : memref<2x5x128x64xf32, #tpu.memory_space<vmem>> -> memref<1x1x128x64xf32, #tpu.memory_space<vmem>>
      %dma_wait3A_621 = tpu.memref_squeeze %dma_wait3A_620 : memref<1x1x128x64xf32, #tpu.memory_space<vmem>> -> memref<128x64xf32, #tpu.memory_space<vmem>>
      %dma_wait3A_622 = arith.constant 0 : i32
      %dma_wait3A_623 = tpu.memref_slice %arg6[%dma_wait3A_615, %dma_wait3A_616, %dma_wait3A_617, %dma_wait3A_622] : memref<2x5x2x128xi32, #tpu.memory_space<vmem>> -> memref<1x1x1x128xi32, #tpu.memory_space<vmem>>
      %dma_wait3A_624 = tpu.memref_squeeze %dma_wait3A_623 : memref<1x1x1x128xi32, #tpu.memory_space<vmem>> -> memref<128xi32, #tpu.memory_space<vmem>>
      %dma_wait3A_625 = arith.constant 0 : i32
      %dma_wait3A_626 = arith.constant 0 : i32
      %dma_wait3A_627 = tpu.memref_slice %arg8[%dma_wait3A_625, %dma_wait3A_626] : memref<10240x64xf32, #tpu.memory_space<vmem_shared>> -> memref<10240x64xf32, #tpu.memory_space<vmem_shared>>
      tpu.wait_indirect_dma semaphore(%arg12 : memref<!tpu.dma_semaphore, #tpu.memory_space<semaphore_mem>>) src(%dma_wait3A_621 : memref<128x64xf32, #tpu.memory_space<vmem>>) dst(%dma_wait3A_627 : memref<10240x64xf32, #tpu.memory_space<vmem_shared>>)
    }
    %scan3A_83 = arith.constant 16 : i32
    %barrier3A_84 = arith.constant 0 : index
    tpu.barrier barrier_id(%barrier3A_84)
    %lt3A = arith.constant 15 : i32
    %lt3A_85 = arith.cmpi slt, %arg1, %lt3A : i32
    %convert_element_type3A = arith.extui %lt3A_85 : i1 to i32
    %cond3A = arith.constant 0 : i32
    %cond3A_86 = arith.cmpi ne, %convert_element_type3A, %cond3A : i32
    scf.if %cond3A_86 {
      %mul3A_91 = arith.constant 640 : i32
      %mul3A_92 = arith.muli %mul3A_91, %arg1 : i32
      "tpu.region"() ({
        %run_scoped3A_93 = tpu.sem_alloc : memref<!tpu.dma_semaphore, #tpu.memory_space<semaphore_mem>>
        %dma_start3A_94 = tpu.memref_slice %arg5[%mul3A_92, %mul3A_0] : memref<10000x128xf32, #tpu.memory_space<hbm>> -> memref<640x64xf32, #tpu.memory_space<hbm>>
        %dma_start3A_95 = arith.constant 0 : i32
        %dma_start3A_96 = tpu.memref_slice %arg8[%mul3A_92, %dma_start3A_95] : memref<10240x64xf32, #tpu.memory_space<vmem_shared>> -> memref<640x64xf32, #tpu.memory_space<vmem_shared>>
        tpu.enqueue_dma source(%dma_start3A_96 : memref<640x64xf32, #tpu.memory_space<vmem_shared>>) target(%dma_start3A_94 : memref<640x64xf32, #tpu.memory_space<hbm>>) target_semaphore(%run_scoped3A_93 : memref<!tpu.dma_semaphore, #tpu.memory_space<semaphore_mem>>)
        %dma_wait3A = tpu.memref_slice %arg5[%mul3A_92, %mul3A_0] : memref<10000x128xf32, #tpu.memory_space<hbm>> -> memref<640x64xf32, #tpu.memory_space<hbm>>
        %dma_wait3A_97 = arith.constant 0 : i32
        %dma_wait3A_98 = tpu.memref_slice %arg8[%mul3A_92, %dma_wait3A_97] : memref<10240x64xf32, #tpu.memory_space<vmem_shared>> -> memref<640x64xf32, #tpu.memory_space<vmem_shared>>
        tpu.wait_dma2 semaphore(%run_scoped3A_93 : memref<!tpu.dma_semaphore, #tpu.memory_space<semaphore_mem>>) src(%dma_wait3A_98 : memref<640x64xf32, #tpu.memory_space<vmem_shared>>) dst(%dma_wait3A : memref<640x64xf32, #tpu.memory_space<hbm>>)
        tpu.yield
      }) : () -> ()
    } else {
    }
    %eq3A = arith.constant 15 : i32
    %eq3A_87 = arith.cmpi eq, %arg1, %eq3A : i32
    %convert_element_type3A_88 = arith.extui %eq3A_87 : i1 to i32
    %cond3A_89 = arith.constant 0 : i32
    %cond3A_90 = arith.cmpi ne, %convert_element_type3A_88, %cond3A_89 : i32
    scf.if %cond3A_90 {
      "tpu.region"() ({
        %run_scoped3A_91 = tpu.sem_alloc : memref<!tpu.dma_semaphore, #tpu.memory_space<semaphore_mem>>
        %dma_start3A_92 = arith.constant 9600 : i32
        %dma_start3A_93 = tpu.memref_slice %arg5[%dma_start3A_92, %mul3A_0] : memref<10000x128xf32, #tpu.memory_space<hbm>> -> memref<400x64xf32, #tpu.memory_space<hbm>>
        %dma_start3A_94 = arith.constant 9600 : i32
        %dma_start3A_95 = arith.constant 0 : i32
        %dma_start3A_96 = tpu.memref_slice %arg8[%dma_start3A_94, %dma_start3A_95] : memref<10240x64xf32, #tpu.memory_space<vmem_shared>> -> memref<400x64xf32, #tpu.memory_space<vmem_shared>>
        tpu.enqueue_dma source(%dma_start3A_96 : memref<400x64xf32, #tpu.memory_space<vmem_shared>>) target(%dma_start3A_93 : memref<400x64xf32, #tpu.memory_space<hbm>>) target_semaphore(%run_scoped3A_91 : memref<!tpu.dma_semaphore, #tpu.memory_space<semaphore_mem>>)
        %dma_wait3A = arith.constant 9600 : i32
        %dma_wait3A_97 = tpu.memref_slice %arg5[%dma_wait3A, %mul3A_0] : memref<10000x128xf32, #tpu.memory_space<hbm>> -> memref<400x64xf32, #tpu.memory_space<hbm>>
        %dma_wait3A_98 = arith.constant 9600 : i32
        %dma_wait3A_99 = arith.constant 0 : i32
        %dma_wait3A_100 = tpu.memref_slice %arg8[%dma_wait3A_98, %dma_wait3A_99] : memref<10240x64xf32, #tpu.memory_space<vmem_shared>> -> memref<400x64xf32, #tpu.memory_space<vmem_shared>>
        tpu.wait_dma2 semaphore(%run_scoped3A_91 : memref<!tpu.dma_semaphore, #tpu.memory_space<semaphore_mem>>) src(%dma_wait3A_100 : memref<400x64xf32, #tpu.memory_space<vmem_shared>>) dst(%dma_wait3A_97 : memref<400x64xf32, #tpu.memory_space<hbm>>)
        tpu.yield
      }) : () -> ()
    } else {
    }
    return
  }
}

#map = affine_map<(d0, d1) -> (0, 0)>
#map1 = affine_map<(d0, d1) -> (0, 0, 0, 0)>
module attributes {stable_mosaic.version = 14 : i64} {
  func.func @_sc_prop(%arg0: i32, %arg1: i32, %arg2: memref<20000x64xf32, #tpu.memory_space<hbm>>, %arg3: memref<2x2560x2x128xi32, #tpu.memory_space<hbm>>, %arg4: memref<640x64xf32, #tpu.memory_space<hbm>>, %arg5: memref<10000x128xf32, #tpu.memory_space<hbm>>, %arg6: memref<2x5x2x128xi32, #tpu.memory_space<vmem>>, %arg7: memref<2x5x128x64xf32, #tpu.memory_space<vmem>>, %arg8: memref<10240x64xf32, #tpu.memory_space<vmem_shared>>, %arg9: memref<!tpu.dma_semaphore, #tpu.memory_space<semaphore_mem>>, %arg10: memref<!tpu.dma_semaphore, #tpu.memory_space<semaphore_mem>>, %arg11: memref<!tpu.dma_semaphore, #tpu.memory_space<semaphore_mem>>, %arg12: memref<!tpu.dma_semaphore, #tpu.memory_space<semaphore_mem>>) attributes {dimension_semantics = [#tpu.dimension_semantics<core_parallel>, #tpu.dimension_semantics<subcore_parallel>], iteration_bounds = array<i64: 2, 16>, scalar_prefetch = 0 : i64, scratch_operands = 7 : i64, tpu.core_type = #tpu.core_type<sc_vector_subcore>, window_params = [{transform_indices = #map}, {transform_indices = #map1}, {transform_indices = #map}, {transform_indices = #map}]} {
    %mul3A = arith.constant 64 : i32
    %mul3A_0 = arith.muli %arg0, %mul3A : i32
    %mul3A_1 = arith.constant 640 : i32
    %mul3A_2 = arith.muli %mul3A_1, %arg1 : i32
    "tpu.region"() ({
      %run_scoped3A_91 = tpu.sem_alloc : memref<!tpu.dma_semaphore, #tpu.memory_space<semaphore_mem>>
      %dma_start3A_92 = arith.constant 0 : i32
      %dma_start3A_93 = tpu.memref_slice %arg8[%mul3A_2, %dma_start3A_92] : memref<10240x64xf32, #tpu.memory_space<vmem_shared>> -> memref<640x64xf32, #tpu.memory_space<vmem_shared>>
      tpu.enqueue_dma source(%arg4 : memref<640x64xf32, #tpu.memory_space<hbm>>) target(%dma_start3A_93 : memref<640x64xf32, #tpu.memory_space<vmem_shared>>) target_semaphore(%run_scoped3A_91 : memref<!tpu.dma_semaphore, #tpu.memory_space<semaphore_mem>>)
      %dma_wait3A = arith.constant 0 : i32
      %dma_wait3A_94 = tpu.memref_slice %arg8[%mul3A_2, %dma_wait3A] : memref<10240x64xf32, #tpu.memory_space<vmem_shared>> -> memref<640x64xf32, #tpu.memory_space<vmem_shared>>
      tpu.wait_dma2 semaphore(%run_scoped3A_91 : memref<!tpu.dma_semaphore, #tpu.memory_space<semaphore_mem>>) src(%arg4 : memref<640x64xf32, #tpu.memory_space<hbm>>) dst(%dma_wait3A_94 : memref<640x64xf32, #tpu.memory_space<vmem_shared>>)
      tpu.yield
    }) : () -> ()
    %barrier3A = arith.constant 0 : index
    tpu.barrier barrier_id(%barrier3A)
    %mul3A_3 = arith.constant 160 : i32
    %mul3A_4 = arith.muli %arg1, %mul3A_3 : i32
    %run_scoped3A = arith.constant 0 : i32
    "tpu.region"() ({
      %run_scoped3A_91 = tpu.sem_alloc : memref<!tpu.dma_semaphore, #tpu.memory_space<semaphore_mem>>
      %dma_start3A_92 = arith.constant 0 : i32
      %dma_start3A_93 = arith.constant 0 : i32
      %dma_start3A_94 = arith.constant 0 : i32
      %dma_start3A_95 = tpu.memref_slice %arg6[%run_scoped3A, %dma_start3A_92, %dma_start3A_93, %dma_start3A_94] : memref<2x5x2x128xi32, #tpu.memory_space<vmem>> -> memref<1x5x2x128xi32, #tpu.memory_space<vmem>>
      %dma_start3A_96 = tpu.memref_squeeze %dma_start3A_95 : memref<1x5x2x128xi32, #tpu.memory_space<vmem>> -> memref<5x2x128xi32, #tpu.memory_space<vmem>>
      %dma_start3A_97 = arith.constant 0 : i32
      %dma_start3A_98 = arith.constant 0 : i32
      %dma_start3A_99 = tpu.memref_slice %arg3[%arg0, %mul3A_4, %dma_start3A_97, %dma_start3A_98] : memref<2x2560x2x128xi32, #tpu.memory_space<hbm>> -> memref<1x5x2x128xi32, #tpu.memory_space<hbm>>
      %dma_start3A_100 = tpu.memref_squeeze %dma_start3A_99 : memref<1x5x2x128xi32, #tpu.memory_space<hbm>> -> memref<5x2x128xi32, #tpu.memory_space<hbm>>
      %dma_start3A_101 = arith.constant 0 : i32
      %dma_start3A_102 = arith.constant 0 : i32
      %dma_start3A_103 = arith.constant 0 : i32
      %dma_start3A_104 = tpu.memref_slice %arg6[%run_scoped3A, %dma_start3A_101, %dma_start3A_102, %dma_start3A_103] : memref<2x5x2x128xi32, #tpu.memory_space<vmem>> -> memref<1x5x2x128xi32, #tpu.memory_space<vmem>>
      %dma_start3A_105 = tpu.memref_squeeze %dma_start3A_104 : memref<1x5x2x128xi32, #tpu.memory_space<vmem>> -> memref<5x2x128xi32, #tpu.memory_space<vmem>>
      %dma_start3A_106 = arith.constant 0 : i32
      %dma_start3A_107 = arith.constant 0 : i32
      %dma_start3A_108 = tpu.memref_slice %arg3[%arg0, %mul3A_4, %dma_start3A_106, %dma_start3A_107] : memref<2x2560x2x128xi32, #tpu.memory_space<hbm>> -> memref<1x5x2x128xi32, #tpu.memory_space<hbm>>
      %dma_start3A_109 = tpu.memref_squeeze %dma_start3A_108 : memref<1x5x2x128xi32, #tpu.memory_space<hbm>> -> memref<5x2x128xi32, #tpu.memory_space<hbm>>
      tpu.enqueue_dma source(%dma_start3A_109 : memref<5x2x128xi32, #tpu.memory_space<hbm>>) target(%dma_start3A_105 : memref<5x2x128xi32, #tpu.memory_space<vmem>>) target_semaphore(%run_scoped3A_91 : memref<!tpu.dma_semaphore, #tpu.memory_space<semaphore_mem>>)
      %dma_wait3A = arith.constant 0 : i32
      %dma_wait3A_110 = arith.constant 0 : i32
      %dma_wait3A_111 = arith.constant 0 : i32
      %dma_wait3A_112 = tpu.memref_slice %arg6[%run_scoped3A, %dma_wait3A, %dma_wait3A_110, %dma_wait3A_111] : memref<2x5x2x128xi32, #tpu.memory_space<vmem>> -> memref<1x5x2x128xi32, #tpu.memory_space<vmem>>
      %dma_wait3A_113 = tpu.memref_squeeze %dma_wait3A_112 : memref<1x5x2x128xi32, #tpu.memory_space<vmem>> -> memref<5x2x128xi32, #tpu.memory_space<vmem>>
      %dma_wait3A_114 = arith.constant 0 : i32
      %dma_wait3A_115 = arith.constant 0 : i32
      %dma_wait3A_116 = tpu.memref_slice %arg3[%arg0, %mul3A_4, %dma_wait3A_114, %dma_wait3A_115] : memref<2x2560x2x128xi32, #tpu.memory_space<hbm>> -> memref<1x5x2x128xi32, #tpu.memory_space<hbm>>
      %dma_wait3A_117 = tpu.memref_squeeze %dma_wait3A_116 : memref<1x5x2x128xi32, #tpu.memory_space<hbm>> -> memref<5x2x128xi32, #tpu.memory_space<hbm>>
      %dma_wait3A_118 = arith.constant 0 : i32
      %dma_wait3A_119 = arith.constant 0 : i32
      %dma_wait3A_120 = arith.constant 0 : i32
      %dma_wait3A_121 = tpu.memref_slice %arg6[%run_scoped3A, %dma_wait3A_118, %dma_wait3A_119, %dma_wait3A_120] : memref<2x5x2x128xi32, #tpu.memory_space<vmem>> -> memref<1x5x2x128xi32, #tpu.memory_space<vmem>>
      %dma_wait3A_122 = tpu.memref_squeeze %dma_wait3A_121 : memref<1x5x2x128xi32, #tpu.memory_space<vmem>> -> memref<5x2x128xi32, #tpu.memory_space<vmem>>
      %dma_wait3A_123 = arith.constant 0 : i32
      %dma_wait3A_124 = arith.constant 0 : i32
      %dma_wait3A_125 = tpu.memref_slice %arg3[%arg0, %mul3A_4, %dma_wait3A_123, %dma_wait3A_124] : memref<2x2560x2x128xi32, #tpu.memory_space<hbm>> -> memref<1x5x2x128xi32, #tpu.memory_space<hbm>>
      %dma_wait3A_126 = tpu.memref_squeeze %dma_wait3A_125 : memref<1x5x2x128xi32, #tpu.memory_space<hbm>> -> memref<5x2x128xi32, #tpu.memory_space<hbm>>
      tpu.wait_dma2 semaphore(%run_scoped3A_91 : memref<!tpu.dma_semaphore, #tpu.memory_space<semaphore_mem>>) src(%dma_wait3A_126 : memref<5x2x128xi32, #tpu.memory_space<hbm>>) dst(%dma_wait3A_122 : memref<5x2x128xi32, #tpu.memory_space<vmem>>)
      tpu.yield
    }) : () -> ()
    %dma_start3A = arith.constant 0 : i32
    %dma_start3A_5 = arith.constant 0 : i32
    %dma_start3A_6 = arith.constant 0 : i32
    %dma_start3A_7 = arith.constant 0 : i32
    %dma_start3A_8 = arith.constant 0 : i32
    %dma_start3A_9 = arith.constant 0 : i32
    %dma_start3A_10 = arith.constant 0 : i32
    %dma_start3A_11 = tpu.memref_slice %arg7[%dma_start3A_7, %dma_start3A_8, %dma_start3A_9, %dma_start3A_10] : memref<2x5x128x64xf32, #tpu.memory_space<vmem>> -> memref<1x1x128x64xf32, #tpu.memory_space<vmem>>
    %dma_start3A_12 = tpu.memref_squeeze %dma_start3A_11 : memref<1x1x128x64xf32, #tpu.memory_space<vmem>> -> memref<128x64xf32, #tpu.memory_space<vmem>>
    %dma_start3A_13 = arith.constant 0 : i32
    %dma_start3A_14 = tpu.memref_slice %arg6[%dma_start3A, %dma_start3A_5, %dma_start3A_6, %dma_start3A_13] : memref<2x5x2x128xi32, #tpu.memory_space<vmem>> -> memref<1x1x1x128xi32, #tpu.memory_space<vmem>>
    %dma_start3A_15 = tpu.memref_squeeze %dma_start3A_14 : memref<1x1x1x128xi32, #tpu.memory_space<vmem>> -> memref<128xi32, #tpu.memory_space<vmem>>
    %dma_start3A_16 = arith.constant 0 : i32
    %dma_start3A_17 = arith.constant 0 : i32
    %dma_start3A_18 = tpu.memref_slice %arg2[%dma_start3A_16, %dma_start3A_17] : memref<20000x64xf32, #tpu.memory_space<hbm>> -> memref<20000x64xf32, #tpu.memory_space<hbm>>
    tpu.enqueue_indirect_dma source(%dma_start3A_18 : memref<20000x64xf32, #tpu.memory_space<hbm>>) target(%dma_start3A_12 : memref<128x64xf32, #tpu.memory_space<vmem>>) offsets(%dma_start3A_15 : memref<128xi32, #tpu.memory_space<vmem>>) semaphore(%arg9 : memref<!tpu.dma_semaphore, #tpu.memory_space<semaphore_mem>>)
    %dma_start3A_19 = arith.constant 0 : i32
    %dma_start3A_20 = arith.constant 1 : i32
    %dma_start3A_21 = arith.constant 0 : i32
    %dma_start3A_22 = arith.constant 0 : i32
    %dma_start3A_23 = arith.constant 1 : i32
    %dma_start3A_24 = arith.constant 0 : i32
    %dma_start3A_25 = arith.constant 0 : i32
    %dma_start3A_26 = tpu.memref_slice %arg7[%dma_start3A_22, %dma_start3A_23, %dma_start3A_24, %dma_start3A_25] : memref<2x5x128x64xf32, #tpu.memory_space<vmem>> -> memref<1x1x128x64xf32, #tpu.memory_space<vmem>>
    %dma_start3A_27 = tpu.memref_squeeze %dma_start3A_26 : memref<1x1x128x64xf32, #tpu.memory_space<vmem>> -> memref<128x64xf32, #tpu.memory_space<vmem>>
    %dma_start3A_28 = arith.constant 0 : i32
    %dma_start3A_29 = tpu.memref_slice %arg6[%dma_start3A_19, %dma_start3A_20, %dma_start3A_21, %dma_start3A_28] : memref<2x5x2x128xi32, #tpu.memory_space<vmem>> -> memref<1x1x1x128xi32, #tpu.memory_space<vmem>>
    %dma_start3A_30 = tpu.memref_squeeze %dma_start3A_29 : memref<1x1x1x128xi32, #tpu.memory_space<vmem>> -> memref<128xi32, #tpu.memory_space<vmem>>
    %dma_start3A_31 = arith.constant 0 : i32
    %dma_start3A_32 = arith.constant 0 : i32
    %dma_start3A_33 = tpu.memref_slice %arg2[%dma_start3A_31, %dma_start3A_32] : memref<20000x64xf32, #tpu.memory_space<hbm>> -> memref<20000x64xf32, #tpu.memory_space<hbm>>
    tpu.enqueue_indirect_dma source(%dma_start3A_33 : memref<20000x64xf32, #tpu.memory_space<hbm>>) target(%dma_start3A_27 : memref<128x64xf32, #tpu.memory_space<vmem>>) offsets(%dma_start3A_30 : memref<128xi32, #tpu.memory_space<vmem>>) semaphore(%arg9 : memref<!tpu.dma_semaphore, #tpu.memory_space<semaphore_mem>>)
    %dma_start3A_34 = arith.constant 0 : i32
    %dma_start3A_35 = arith.constant 2 : i32
    %dma_start3A_36 = arith.constant 0 : i32
    %dma_start3A_37 = arith.constant 0 : i32
    %dma_start3A_38 = arith.constant 2 : i32
    %dma_start3A_39 = arith.constant 0 : i32
    %dma_start3A_40 = arith.constant 0 : i32
    %dma_start3A_41 = tpu.memref_slice %arg7[%dma_start3A_37, %dma_start3A_38, %dma_start3A_39, %dma_start3A_40] : memref<2x5x128x64xf32, #tpu.memory_space<vmem>> -> memref<1x1x128x64xf32, #tpu.memory_space<vmem>>
    %dma_start3A_42 = tpu.memref_squeeze %dma_start3A_41 : memref<1x1x128x64xf32, #tpu.memory_space<vmem>> -> memref<128x64xf32, #tpu.memory_space<vmem>>
    %dma_start3A_43 = arith.constant 0 : i32
    %dma_start3A_44 = tpu.memref_slice %arg6[%dma_start3A_34, %dma_start3A_35, %dma_start3A_36, %dma_start3A_43] : memref<2x5x2x128xi32, #tpu.memory_space<vmem>> -> memref<1x1x1x128xi32, #tpu.memory_space<vmem>>
    %dma_start3A_45 = tpu.memref_squeeze %dma_start3A_44 : memref<1x1x1x128xi32, #tpu.memory_space<vmem>> -> memref<128xi32, #tpu.memory_space<vmem>>
    %dma_start3A_46 = arith.constant 0 : i32
    %dma_start3A_47 = arith.constant 0 : i32
    %dma_start3A_48 = tpu.memref_slice %arg2[%dma_start3A_46, %dma_start3A_47] : memref<20000x64xf32, #tpu.memory_space<hbm>> -> memref<20000x64xf32, #tpu.memory_space<hbm>>
    tpu.enqueue_indirect_dma source(%dma_start3A_48 : memref<20000x64xf32, #tpu.memory_space<hbm>>) target(%dma_start3A_42 : memref<128x64xf32, #tpu.memory_space<vmem>>) offsets(%dma_start3A_45 : memref<128xi32, #tpu.memory_space<vmem>>) semaphore(%arg9 : memref<!tpu.dma_semaphore, #tpu.memory_space<semaphore_mem>>)
    %dma_start3A_49 = arith.constant 0 : i32
    %dma_start3A_50 = arith.constant 3 : i32
    %dma_start3A_51 = arith.constant 0 : i32
    %dma_start3A_52 = arith.constant 0 : i32
    %dma_start3A_53 = arith.constant 3 : i32
    %dma_start3A_54 = arith.constant 0 : i32
    %dma_start3A_55 = arith.constant 0 : i32
    %dma_start3A_56 = tpu.memref_slice %arg7[%dma_start3A_52, %dma_start3A_53, %dma_start3A_54, %dma_start3A_55] : memref<2x5x128x64xf32, #tpu.memory_space<vmem>> -> memref<1x1x128x64xf32, #tpu.memory_space<vmem>>
    %dma_start3A_57 = tpu.memref_squeeze %dma_start3A_56 : memref<1x1x128x64xf32, #tpu.memory_space<vmem>> -> memref<128x64xf32, #tpu.memory_space<vmem>>
    %dma_start3A_58 = arith.constant 0 : i32
    %dma_start3A_59 = tpu.memref_slice %arg6[%dma_start3A_49, %dma_start3A_50, %dma_start3A_51, %dma_start3A_58] : memref<2x5x2x128xi32, #tpu.memory_space<vmem>> -> memref<1x1x1x128xi32, #tpu.memory_space<vmem>>
    %dma_start3A_60 = tpu.memref_squeeze %dma_start3A_59 : memref<1x1x1x128xi32, #tpu.memory_space<vmem>> -> memref<128xi32, #tpu.memory_space<vmem>>
    %dma_start3A_61 = arith.constant 0 : i32
    %dma_start3A_62 = arith.constant 0 : i32
    %dma_start3A_63 = tpu.memref_slice %arg2[%dma_start3A_61, %dma_start3A_62] : memref<20000x64xf32, #tpu.memory_space<hbm>> -> memref<20000x64xf32, #tpu.memory_space<hbm>>
    tpu.enqueue_indirect_dma source(%dma_start3A_63 : memref<20000x64xf32, #tpu.memory_space<hbm>>) target(%dma_start3A_57 : memref<128x64xf32, #tpu.memory_space<vmem>>) offsets(%dma_start3A_60 : memref<128xi32, #tpu.memory_space<vmem>>) semaphore(%arg9 : memref<!tpu.dma_semaphore, #tpu.memory_space<semaphore_mem>>)
    %dma_start3A_64 = arith.constant 0 : i32
    %dma_start3A_65 = arith.constant 4 : i32
    %dma_start3A_66 = arith.constant 0 : i32
    %dma_start3A_67 = arith.constant 0 : i32
    %dma_start3A_68 = arith.constant 4 : i32
    %dma_start3A_69 = arith.constant 0 : i32
    %dma_start3A_70 = arith.constant 0 : i32
    %dma_start3A_71 = tpu.memref_slice %arg7[%dma_start3A_67, %dma_start3A_68, %dma_start3A_69, %dma_start3A_70] : memref<2x5x128x64xf32, #tpu.memory_space<vmem>> -> memref<1x1x128x64xf32, #tpu.memory_space<vmem>>
    %dma_start3A_72 = tpu.memref_squeeze %dma_start3A_71 : memref<1x1x128x64xf32, #tpu.memory_space<vmem>> -> memref<128x64xf32, #tpu.memory_space<vmem>>
    %dma_start3A_73 = arith.constant 0 : i32
    %dma_start3A_74 = tpu.memref_slice %arg6[%dma_start3A_64, %dma_start3A_65, %dma_start3A_66, %dma_start3A_73] : memref<2x5x2x128xi32, #tpu.memory_space<vmem>> -> memref<1x1x1x128xi32, #tpu.memory_space<vmem>>
    %dma_start3A_75 = tpu.memref_squeeze %dma_start3A_74 : memref<1x1x1x128xi32, #tpu.memory_space<vmem>> -> memref<128xi32, #tpu.memory_space<vmem>>
    %dma_start3A_76 = arith.constant 0 : i32
    %dma_start3A_77 = arith.constant 0 : i32
    %dma_start3A_78 = tpu.memref_slice %arg2[%dma_start3A_76, %dma_start3A_77] : memref<20000x64xf32, #tpu.memory_space<hbm>> -> memref<20000x64xf32, #tpu.memory_space<hbm>>
    tpu.enqueue_indirect_dma source(%dma_start3A_78 : memref<20000x64xf32, #tpu.memory_space<hbm>>) target(%dma_start3A_72 : memref<128x64xf32, #tpu.memory_space<vmem>>) offsets(%dma_start3A_75 : memref<128xi32, #tpu.memory_space<vmem>>) semaphore(%arg9 : memref<!tpu.dma_semaphore, #tpu.memory_space<semaphore_mem>>)
    %scan3A = arith.constant 0 : i32
    %scan3A_79 = arith.constant 0 : i32
    %scan3A_80 = arith.constant 16 : i32
    %scan3A_81 = arith.addi %scan3A_79, %scan3A_80 : i32
    %scan3A_82 = arith.constant 1 : i32
    scf.for %scan3A_91 = %scan3A_79 to %scan3A_81 step %scan3A_82  : i32 {
      %dma_wait3A = arith.constant 0 : i32
      %dma_wait3A_92 = arith.constant 0 : i32
      %dma_wait3A_93 = arith.constant 0 : i32
      %dma_wait3A_94 = arith.constant 0 : i32
      %dma_wait3A_95 = arith.constant 0 : i32
      %dma_wait3A_96 = arith.constant 0 : i32
      %dma_wait3A_97 = arith.constant 0 : i32
      %dma_wait3A_98 = tpu.memref_slice %arg7[%dma_wait3A_94, %dma_wait3A_95, %dma_wait3A_96, %dma_wait3A_97] : memref<2x5x128x64xf32, #tpu.memory_space<vmem>> -> memref<1x1x128x64xf32, #tpu.memory_space<vmem>>
      %dma_wait3A_99 = tpu.memref_squeeze %dma_wait3A_98 : memref<1x1x128x64xf32, #tpu.memory_space<vmem>> -> memref<128x64xf32, #tpu.memory_space<vmem>>
      %dma_wait3A_100 = arith.constant 0 : i32
      %dma_wait3A_101 = tpu.memref_slice %arg6[%dma_wait3A, %dma_wait3A_92, %dma_wait3A_93, %dma_wait3A_100] : memref<2x5x2x128xi32, #tpu.memory_space<vmem>> -> memref<1x1x1x128xi32, #tpu.memory_space<vmem>>
      %dma_wait3A_102 = tpu.memref_squeeze %dma_wait3A_101 : memref<1x1x1x128xi32, #tpu.memory_space<vmem>> -> memref<128xi32, #tpu.memory_space<vmem>>
      %dma_wait3A_103 = arith.constant 0 : i32
      %dma_wait3A_104 = arith.constant 0 : i32
      %dma_wait3A_105 = tpu.memref_slice %arg2[%dma_wait3A_103, %dma_wait3A_104] : memref<20000x64xf32, #tpu.memory_space<hbm>> -> memref<20000x64xf32, #tpu.memory_space<hbm>>
      tpu.wait_indirect_dma semaphore(%arg9 : memref<!tpu.dma_semaphore, #tpu.memory_space<semaphore_mem>>) src(%dma_wait3A_105 : memref<20000x64xf32, #tpu.memory_space<hbm>>) dst(%dma_wait3A_99 : memref<128x64xf32, #tpu.memory_space<vmem>>)
      %dma_wait3A_106 = arith.constant 0 : i32
      %dma_wait3A_107 = arith.constant 1 : i32
      %dma_wait3A_108 = arith.constant 0 : i32
      %dma_wait3A_109 = arith.constant 0 : i32
      %dma_wait3A_110 = arith.constant 1 : i32
      %dma_wait3A_111 = arith.constant 0 : i32
      %dma_wait3A_112 = arith.constant 0 : i32
      %dma_wait3A_113 = tpu.memref_slice %arg7[%dma_wait3A_109, %dma_wait3A_110, %dma_wait3A_111, %dma_wait3A_112] : memref<2x5x128x64xf32, #tpu.memory_space<vmem>> -> memref<1x1x128x64xf32, #tpu.memory_space<vmem>>
      %dma_wait3A_114 = tpu.memref_squeeze %dma_wait3A_113 : memref<1x1x128x64xf32, #tpu.memory_space<vmem>> -> memref<128x64xf32, #tpu.memory_space<vmem>>
      %dma_wait3A_115 = arith.constant 0 : i32
      %dma_wait3A_116 = tpu.memref_slice %arg6[%dma_wait3A_106, %dma_wait3A_107, %dma_wait3A_108, %dma_wait3A_115] : memref<2x5x2x128xi32, #tpu.memory_space<vmem>> -> memref<1x1x1x128xi32, #tpu.memory_space<vmem>>
      %dma_wait3A_117 = tpu.memref_squeeze %dma_wait3A_116 : memref<1x1x1x128xi32, #tpu.memory_space<vmem>> -> memref<128xi32, #tpu.memory_space<vmem>>
      %dma_wait3A_118 = arith.constant 0 : i32
      %dma_wait3A_119 = arith.constant 0 : i32
      %dma_wait3A_120 = tpu.memref_slice %arg2[%dma_wait3A_118, %dma_wait3A_119] : memref<20000x64xf32, #tpu.memory_space<hbm>> -> memref<20000x64xf32, #tpu.memory_space<hbm>>
      tpu.wait_indirect_dma semaphore(%arg9 : memref<!tpu.dma_semaphore, #tpu.memory_space<semaphore_mem>>) src(%dma_wait3A_120 : memref<20000x64xf32, #tpu.memory_space<hbm>>) dst(%dma_wait3A_114 : memref<128x64xf32, #tpu.memory_space<vmem>>)
      %dma_wait3A_121 = arith.constant 0 : i32
      %dma_wait3A_122 = arith.constant 2 : i32
      %dma_wait3A_123 = arith.constant 0 : i32
      %dma_wait3A_124 = arith.constant 0 : i32
      %dma_wait3A_125 = arith.constant 2 : i32
      %dma_wait3A_126 = arith.constant 0 : i32
      %dma_wait3A_127 = arith.constant 0 : i32
      %dma_wait3A_128 = tpu.memref_slice %arg7[%dma_wait3A_124, %dma_wait3A_125, %dma_wait3A_126, %dma_wait3A_127] : memref<2x5x128x64xf32, #tpu.memory_space<vmem>> -> memref<1x1x128x64xf32, #tpu.memory_space<vmem>>
      %dma_wait3A_129 = tpu.memref_squeeze %dma_wait3A_128 : memref<1x1x128x64xf32, #tpu.memory_space<vmem>> -> memref<128x64xf32, #tpu.memory_space<vmem>>
      %dma_wait3A_130 = arith.constant 0 : i32
      %dma_wait3A_131 = tpu.memref_slice %arg6[%dma_wait3A_121, %dma_wait3A_122, %dma_wait3A_123, %dma_wait3A_130] : memref<2x5x2x128xi32, #tpu.memory_space<vmem>> -> memref<1x1x1x128xi32, #tpu.memory_space<vmem>>
      %dma_wait3A_132 = tpu.memref_squeeze %dma_wait3A_131 : memref<1x1x1x128xi32, #tpu.memory_space<vmem>> -> memref<128xi32, #tpu.memory_space<vmem>>
      %dma_wait3A_133 = arith.constant 0 : i32
      %dma_wait3A_134 = arith.constant 0 : i32
      %dma_wait3A_135 = tpu.memref_slice %arg2[%dma_wait3A_133, %dma_wait3A_134] : memref<20000x64xf32, #tpu.memory_space<hbm>> -> memref<20000x64xf32, #tpu.memory_space<hbm>>
      tpu.wait_indirect_dma semaphore(%arg9 : memref<!tpu.dma_semaphore, #tpu.memory_space<semaphore_mem>>) src(%dma_wait3A_135 : memref<20000x64xf32, #tpu.memory_space<hbm>>) dst(%dma_wait3A_129 : memref<128x64xf32, #tpu.memory_space<vmem>>)
      %dma_wait3A_136 = arith.constant 0 : i32
      %dma_wait3A_137 = arith.constant 3 : i32
      %dma_wait3A_138 = arith.constant 0 : i32
      %dma_wait3A_139 = arith.constant 0 : i32
      %dma_wait3A_140 = arith.constant 3 : i32
      %dma_wait3A_141 = arith.constant 0 : i32
      %dma_wait3A_142 = arith.constant 0 : i32
      %dma_wait3A_143 = tpu.memref_slice %arg7[%dma_wait3A_139, %dma_wait3A_140, %dma_wait3A_141, %dma_wait3A_142] : memref<2x5x128x64xf32, #tpu.memory_space<vmem>> -> memref<1x1x128x64xf32, #tpu.memory_space<vmem>>
      %dma_wait3A_144 = tpu.memref_squeeze %dma_wait3A_143 : memref<1x1x128x64xf32, #tpu.memory_space<vmem>> -> memref<128x64xf32, #tpu.memory_space<vmem>>
      %dma_wait3A_145 = arith.constant 0 : i32
      %dma_wait3A_146 = tpu.memref_slice %arg6[%dma_wait3A_136, %dma_wait3A_137, %dma_wait3A_138, %dma_wait3A_145] : memref<2x5x2x128xi32, #tpu.memory_space<vmem>> -> memref<1x1x1x128xi32, #tpu.memory_space<vmem>>
      %dma_wait3A_147 = tpu.memref_squeeze %dma_wait3A_146 : memref<1x1x1x128xi32, #tpu.memory_space<vmem>> -> memref<128xi32, #tpu.memory_space<vmem>>
      %dma_wait3A_148 = arith.constant 0 : i32
      %dma_wait3A_149 = arith.constant 0 : i32
      %dma_wait3A_150 = tpu.memref_slice %arg2[%dma_wait3A_148, %dma_wait3A_149] : memref<20000x64xf32, #tpu.memory_space<hbm>> -> memref<20000x64xf32, #tpu.memory_space<hbm>>
      tpu.wait_indirect_dma semaphore(%arg9 : memref<!tpu.dma_semaphore, #tpu.memory_space<semaphore_mem>>) src(%dma_wait3A_150 : memref<20000x64xf32, #tpu.memory_space<hbm>>) dst(%dma_wait3A_144 : memref<128x64xf32, #tpu.memory_space<vmem>>)
      %dma_wait3A_151 = arith.constant 0 : i32
      %dma_wait3A_152 = arith.constant 4 : i32
      %dma_wait3A_153 = arith.constant 0 : i32
      %dma_wait3A_154 = arith.constant 0 : i32
      %dma_wait3A_155 = arith.constant 4 : i32
      %dma_wait3A_156 = arith.constant 0 : i32
      %dma_wait3A_157 = arith.constant 0 : i32
      %dma_wait3A_158 = tpu.memref_slice %arg7[%dma_wait3A_154, %dma_wait3A_155, %dma_wait3A_156, %dma_wait3A_157] : memref<2x5x128x64xf32, #tpu.memory_space<vmem>> -> memref<1x1x128x64xf32, #tpu.memory_space<vmem>>
      %dma_wait3A_159 = tpu.memref_squeeze %dma_wait3A_158 : memref<1x1x128x64xf32, #tpu.memory_space<vmem>> -> memref<128x64xf32, #tpu.memory_space<vmem>>
      %dma_wait3A_160 = arith.constant 0 : i32
      %dma_wait3A_161 = tpu.memref_slice %arg6[%dma_wait3A_151, %dma_wait3A_152, %dma_wait3A_153, %dma_wait3A_160] : memref<2x5x2x128xi32, #tpu.memory_space<vmem>> -> memref<1x1x1x128xi32, #tpu.memory_space<vmem>>
      %dma_wait3A_162 = tpu.memref_squeeze %dma_wait3A_161 : memref<1x1x1x128xi32, #tpu.memory_space<vmem>> -> memref<128xi32, #tpu.memory_space<vmem>>
      %dma_wait3A_163 = arith.constant 0 : i32
      %dma_wait3A_164 = arith.constant 0 : i32
      %dma_wait3A_165 = tpu.memref_slice %arg2[%dma_wait3A_163, %dma_wait3A_164] : memref<20000x64xf32, #tpu.memory_space<hbm>> -> memref<20000x64xf32, #tpu.memory_space<hbm>>
      tpu.wait_indirect_dma semaphore(%arg9 : memref<!tpu.dma_semaphore, #tpu.memory_space<semaphore_mem>>) src(%dma_wait3A_165 : memref<20000x64xf32, #tpu.memory_space<hbm>>) dst(%dma_wait3A_159 : memref<128x64xf32, #tpu.memory_space<vmem>>)
      %dma_start3A_166 = arith.constant 0 : i32
      %dma_start3A_167 = arith.constant 0 : i32
      %dma_start3A_168 = arith.constant 0 : i32
      %dma_start3A_169 = arith.constant 0 : i32
      %dma_start3A_170 = arith.constant 1 : i32
      %dma_start3A_171 = arith.constant 0 : i32
      %dma_start3A_172 = arith.constant 0 : i32
      %dma_start3A_173 = tpu.memref_slice %arg7[%dma_start3A_166, %dma_start3A_167, %dma_start3A_171, %dma_start3A_172] : memref<2x5x128x64xf32, #tpu.memory_space<vmem>> -> memref<1x1x128x64xf32, #tpu.memory_space<vmem>>
      %dma_start3A_174 = tpu.memref_squeeze %dma_start3A_173 : memref<1x1x128x64xf32, #tpu.memory_space<vmem>> -> memref<128x64xf32, #tpu.memory_space<vmem>>
      %dma_start3A_175 = arith.constant 0 : i32
      %dma_start3A_176 = tpu.memref_slice %arg6[%dma_start3A_168, %dma_start3A_169, %dma_start3A_170, %dma_start3A_175] : memref<2x5x2x128xi32, #tpu.memory_space<vmem>> -> memref<1x1x1x128xi32, #tpu.memory_space<vmem>>
      %dma_start3A_177 = tpu.memref_squeeze %dma_start3A_176 : memref<1x1x1x128xi32, #tpu.memory_space<vmem>> -> memref<128xi32, #tpu.memory_space<vmem>>
      %dma_start3A_178 = arith.constant 0 : i32
      %dma_start3A_179 = arith.constant 0 : i32
      %dma_start3A_180 = tpu.memref_slice %arg8[%dma_start3A_178, %dma_start3A_179] : memref<10240x64xf32, #tpu.memory_space<vmem_shared>> -> memref<10240x64xf32, #tpu.memory_space<vmem_shared>>
      tpu.enqueue_indirect_dma source(%dma_start3A_174 : memref<128x64xf32, #tpu.memory_space<vmem>>) target(%dma_start3A_180 : memref<10240x64xf32, #tpu.memory_space<vmem_shared>>) offsets(%dma_start3A_177 : memref<128xi32, #tpu.memory_space<vmem>>) semaphore(%arg11 : memref<!tpu.dma_semaphore, #tpu.memory_space<semaphore_mem>>) {add = true}
      %dma_start3A_181 = arith.constant 0 : i32
      %dma_start3A_182 = arith.constant 1 : i32
      %dma_start3A_183 = arith.constant 0 : i32
      %dma_start3A_184 = arith.constant 1 : i32
      %dma_start3A_185 = arith.constant 1 : i32
      %dma_start3A_186 = arith.constant 0 : i32
      %dma_start3A_187 = arith.constant 0 : i32
      %dma_start3A_188 = tpu.memref_slice %arg7[%dma_start3A_181, %dma_start3A_182, %dma_start3A_186, %dma_start3A_187] : memref<2x5x128x64xf32, #tpu.memory_space<vmem>> -> memref<1x1x128x64xf32, #tpu.memory_space<vmem>>
      %dma_start3A_189 = tpu.memref_squeeze %dma_start3A_188 : memref<1x1x128x64xf32, #tpu.memory_space<vmem>> -> memref<128x64xf32, #tpu.memory_space<vmem>>
      %dma_start3A_190 = arith.constant 0 : i32
      %dma_start3A_191 = tpu.memref_slice %arg6[%dma_start3A_183, %dma_start3A_184, %dma_start3A_185, %dma_start3A_190] : memref<2x5x2x128xi32, #tpu.memory_space<vmem>> -> memref<1x1x1x128xi32, #tpu.memory_space<vmem>>
      %dma_start3A_192 = tpu.memref_squeeze %dma_start3A_191 : memref<1x1x1x128xi32, #tpu.memory_space<vmem>> -> memref<128xi32, #tpu.memory_space<vmem>>
      %dma_start3A_193 = arith.constant 0 : i32
      %dma_start3A_194 = arith.constant 0 : i32
      %dma_start3A_195 = tpu.memref_slice %arg8[%dma_start3A_193, %dma_start3A_194] : memref<10240x64xf32, #tpu.memory_space<vmem_shared>> -> memref<10240x64xf32, #tpu.memory_space<vmem_shared>>
      tpu.enqueue_indirect_dma source(%dma_start3A_189 : memref<128x64xf32, #tpu.memory_space<vmem>>) target(%dma_start3A_195 : memref<10240x64xf32, #tpu.memory_space<vmem_shared>>) offsets(%dma_start3A_192 : memref<128xi32, #tpu.memory_space<vmem>>) semaphore(%arg11 : memref<!tpu.dma_semaphore, #tpu.memory_space<semaphore_mem>>) {add = true}
      %dma_start3A_196 = arith.constant 0 : i32
      %dma_start3A_197 = arith.constant 2 : i32
      %dma_start3A_198 = arith.constant 0 : i32
      %dma_start3A_199 = arith.constant 2 : i32
      %dma_start3A_200 = arith.constant 1 : i32
      %dma_start3A_201 = arith.constant 0 : i32
      %dma_start3A_202 = arith.constant 0 : i32
      %dma_start3A_203 = tpu.memref_slice %arg7[%dma_start3A_196, %dma_start3A_197, %dma_start3A_201, %dma_start3A_202] : memref<2x5x128x64xf32, #tpu.memory_space<vmem>> -> memref<1x1x128x64xf32, #tpu.memory_space<vmem>>
      %dma_start3A_204 = tpu.memref_squeeze %dma_start3A_203 : memref<1x1x128x64xf32, #tpu.memory_space<vmem>> -> memref<128x64xf32, #tpu.memory_space<vmem>>
      %dma_start3A_205 = arith.constant 0 : i32
      %dma_start3A_206 = tpu.memref_slice %arg6[%dma_start3A_198, %dma_start3A_199, %dma_start3A_200, %dma_start3A_205] : memref<2x5x2x128xi32, #tpu.memory_space<vmem>> -> memref<1x1x1x128xi32, #tpu.memory_space<vmem>>
      %dma_start3A_207 = tpu.memref_squeeze %dma_start3A_206 : memref<1x1x1x128xi32, #tpu.memory_space<vmem>> -> memref<128xi32, #tpu.memory_space<vmem>>
      %dma_start3A_208 = arith.constant 0 : i32
      %dma_start3A_209 = arith.constant 0 : i32
      %dma_start3A_210 = tpu.memref_slice %arg8[%dma_start3A_208, %dma_start3A_209] : memref<10240x64xf32, #tpu.memory_space<vmem_shared>> -> memref<10240x64xf32, #tpu.memory_space<vmem_shared>>
      tpu.enqueue_indirect_dma source(%dma_start3A_204 : memref<128x64xf32, #tpu.memory_space<vmem>>) target(%dma_start3A_210 : memref<10240x64xf32, #tpu.memory_space<vmem_shared>>) offsets(%dma_start3A_207 : memref<128xi32, #tpu.memory_space<vmem>>) semaphore(%arg11 : memref<!tpu.dma_semaphore, #tpu.memory_space<semaphore_mem>>) {add = true}
      %dma_start3A_211 = arith.constant 0 : i32
      %dma_start3A_212 = arith.constant 3 : i32
      %dma_start3A_213 = arith.constant 0 : i32
      %dma_start3A_214 = arith.constant 3 : i32
      %dma_start3A_215 = arith.constant 1 : i32
      %dma_start3A_216 = arith.constant 0 : i32
      %dma_start3A_217 = arith.constant 0 : i32
      %dma_start3A_218 = tpu.memref_slice %arg7[%dma_start3A_211, %dma_start3A_212, %dma_start3A_216, %dma_start3A_217] : memref<2x5x128x64xf32, #tpu.memory_space<vmem>> -> memref<1x1x128x64xf32, #tpu.memory_space<vmem>>
      %dma_start3A_219 = tpu.memref_squeeze %dma_start3A_218 : memref<1x1x128x64xf32, #tpu.memory_space<vmem>> -> memref<128x64xf32, #tpu.memory_space<vmem>>
      %dma_start3A_220 = arith.constant 0 : i32
      %dma_start3A_221 = tpu.memref_slice %arg6[%dma_start3A_213, %dma_start3A_214, %dma_start3A_215, %dma_start3A_220] : memref<2x5x2x128xi32, #tpu.memory_space<vmem>> -> memref<1x1x1x128xi32, #tpu.memory_space<vmem>>
      %dma_start3A_222 = tpu.memref_squeeze %dma_start3A_221 : memref<1x1x1x128xi32, #tpu.memory_space<vmem>> -> memref<128xi32, #tpu.memory_space<vmem>>
      %dma_start3A_223 = arith.constant 0 : i32
      %dma_start3A_224 = arith.constant 0 : i32
      %dma_start3A_225 = tpu.memref_slice %arg8[%dma_start3A_223, %dma_start3A_224] : memref<10240x64xf32, #tpu.memory_space<vmem_shared>> -> memref<10240x64xf32, #tpu.memory_space<vmem_shared>>
      tpu.enqueue_indirect_dma source(%dma_start3A_219 : memref<128x64xf32, #tpu.memory_space<vmem>>) target(%dma_start3A_225 : memref<10240x64xf32, #tpu.memory_space<vmem_shared>>) offsets(%dma_start3A_222 : memref<128xi32, #tpu.memory_space<vmem>>) semaphore(%arg11 : memref<!tpu.dma_semaphore, #tpu.memory_space<semaphore_mem>>) {add = true}
      %dma_start3A_226 = arith.constant 0 : i32
      %dma_start3A_227 = arith.constant 4 : i32
      %dma_start3A_228 = arith.constant 0 : i32
      %dma_start3A_229 = arith.constant 4 : i32
      %dma_start3A_230 = arith.constant 1 : i32
      %dma_start3A_231 = arith.constant 0 : i32
      %dma_start3A_232 = arith.constant 0 : i32
      %dma_start3A_233 = tpu.memref_slice %arg7[%dma_start3A_226, %dma_start3A_227, %dma_start3A_231, %dma_start3A_232] : memref<2x5x128x64xf32, #tpu.memory_space<vmem>> -> memref<1x1x128x64xf32, #tpu.memory_space<vmem>>
      %dma_start3A_234 = tpu.memref_squeeze %dma_start3A_233 : memref<1x1x128x64xf32, #tpu.memory_space<vmem>> -> memref<128x64xf32, #tpu.memory_space<vmem>>
      %dma_start3A_235 = arith.constant 0 : i32
      %dma_start3A_236 = tpu.memref_slice %arg6[%dma_start3A_228, %dma_start3A_229, %dma_start3A_230, %dma_start3A_235] : memref<2x5x2x128xi32, #tpu.memory_space<vmem>> -> memref<1x1x1x128xi32, #tpu.memory_space<vmem>>
      %dma_start3A_237 = tpu.memref_squeeze %dma_start3A_236 : memref<1x1x1x128xi32, #tpu.memory_space<vmem>> -> memref<128xi32, #tpu.memory_space<vmem>>
      %dma_start3A_238 = arith.constant 0 : i32
      %dma_start3A_239 = arith.constant 0 : i32
      %dma_start3A_240 = tpu.memref_slice %arg8[%dma_start3A_238, %dma_start3A_239] : memref<10240x64xf32, #tpu.memory_space<vmem_shared>> -> memref<10240x64xf32, #tpu.memory_space<vmem_shared>>
      tpu.enqueue_indirect_dma source(%dma_start3A_234 : memref<128x64xf32, #tpu.memory_space<vmem>>) target(%dma_start3A_240 : memref<10240x64xf32, #tpu.memory_space<vmem_shared>>) offsets(%dma_start3A_237 : memref<128xi32, #tpu.memory_space<vmem>>) semaphore(%arg11 : memref<!tpu.dma_semaphore, #tpu.memory_space<semaphore_mem>>) {add = true}
      %mul3A_241 = arith.constant 2 : i32
      %mul3A_242 = arith.muli %mul3A_241, %scan3A_91 : i32
      %add3A = arith.constant 1 : i32
      %add3A_243 = arith.addi %mul3A_242, %add3A : i32
      %mul3A_244 = arith.constant 5 : i32
      %mul3A_245 = arith.muli %add3A_243, %mul3A_244 : i32
      %add3A_246 = arith.addi %mul3A_4, %mul3A_245 : i32
      %run_scoped3A_247 = arith.constant 1 : i32
      "tpu.region"() ({
        %run_scoped3A_628 = tpu.sem_alloc : memref<!tpu.dma_semaphore, #tpu.memory_space<semaphore_mem>>
        %dma_start3A_629 = arith.constant 0 : i32
        %dma_start3A_630 = arith.constant 0 : i32
        %dma_start3A_631 = arith.constant 0 : i32
        %dma_start3A_632 = tpu.memref_slice %arg6[%run_scoped3A_247, %dma_start3A_629, %dma_start3A_630, %dma_start3A_631] : memref<2x5x2x128xi32, #tpu.memory_space<vmem>> -> memref<1x5x2x128xi32, #tpu.memory_space<vmem>>
        %dma_start3A_633 = tpu.memref_squeeze %dma_start3A_632 : memref<1x5x2x128xi32, #tpu.memory_space<vmem>> -> memref<5x2x128xi32, #tpu.memory_space<vmem>>
        %dma_start3A_634 = arith.constant 0 : i32
        %dma_start3A_635 = arith.constant 0 : i32
        %dma_start3A_636 = tpu.memref_slice %arg3[%arg0, %add3A_246, %dma_start3A_634, %dma_start3A_635] : memref<2x2560x2x128xi32, #tpu.memory_space<hbm>> -> memref<1x5x2x128xi32, #tpu.memory_space<hbm>>
        %dma_start3A_637 = tpu.memref_squeeze %dma_start3A_636 : memref<1x5x2x128xi32, #tpu.memory_space<hbm>> -> memref<5x2x128xi32, #tpu.memory_space<hbm>>
        %dma_start3A_638 = arith.constant 0 : i32
        %dma_start3A_639 = arith.constant 0 : i32
        %dma_start3A_640 = arith.constant 0 : i32
        %dma_start3A_641 = tpu.memref_slice %arg6[%run_scoped3A_247, %dma_start3A_638, %dma_start3A_639, %dma_start3A_640] : memref<2x5x2x128xi32, #tpu.memory_space<vmem>> -> memref<1x5x2x128xi32, #tpu.memory_space<vmem>>
        %dma_start3A_642 = tpu.memref_squeeze %dma_start3A_641 : memref<1x5x2x128xi32, #tpu.memory_space<vmem>> -> memref<5x2x128xi32, #tpu.memory_space<vmem>>
        %dma_start3A_643 = arith.constant 0 : i32
        %dma_start3A_644 = arith.constant 0 : i32
        %dma_start3A_645 = tpu.memref_slice %arg3[%arg0, %add3A_246, %dma_start3A_643, %dma_start3A_644] : memref<2x2560x2x128xi32, #tpu.memory_space<hbm>> -> memref<1x5x2x128xi32, #tpu.memory_space<hbm>>
        %dma_start3A_646 = tpu.memref_squeeze %dma_start3A_645 : memref<1x5x2x128xi32, #tpu.memory_space<hbm>> -> memref<5x2x128xi32, #tpu.memory_space<hbm>>
        tpu.enqueue_dma source(%dma_start3A_646 : memref<5x2x128xi32, #tpu.memory_space<hbm>>) target(%dma_start3A_642 : memref<5x2x128xi32, #tpu.memory_space<vmem>>) target_semaphore(%run_scoped3A_628 : memref<!tpu.dma_semaphore, #tpu.memory_space<semaphore_mem>>)
        %dma_wait3A_647 = arith.constant 0 : i32
        %dma_wait3A_648 = arith.constant 0 : i32
        %dma_wait3A_649 = arith.constant 0 : i32
        %dma_wait3A_650 = tpu.memref_slice %arg6[%run_scoped3A_247, %dma_wait3A_647, %dma_wait3A_648, %dma_wait3A_649] : memref<2x5x2x128xi32, #tpu.memory_space<vmem>> -> memref<1x5x2x128xi32, #tpu.memory_space<vmem>>
        %dma_wait3A_651 = tpu.memref_squeeze %dma_wait3A_650 : memref<1x5x2x128xi32, #tpu.memory_space<vmem>> -> memref<5x2x128xi32, #tpu.memory_space<vmem>>
        %dma_wait3A_652 = arith.constant 0 : i32
        %dma_wait3A_653 = arith.constant 0 : i32
        %dma_wait3A_654 = tpu.memref_slice %arg3[%arg0, %add3A_246, %dma_wait3A_652, %dma_wait3A_653] : memref<2x2560x2x128xi32, #tpu.memory_space<hbm>> -> memref<1x5x2x128xi32, #tpu.memory_space<hbm>>
        %dma_wait3A_655 = tpu.memref_squeeze %dma_wait3A_654 : memref<1x5x2x128xi32, #tpu.memory_space<hbm>> -> memref<5x2x128xi32, #tpu.memory_space<hbm>>
        %dma_wait3A_656 = arith.constant 0 : i32
        %dma_wait3A_657 = arith.constant 0 : i32
        %dma_wait3A_658 = arith.constant 0 : i32
        %dma_wait3A_659 = tpu.memref_slice %arg6[%run_scoped3A_247, %dma_wait3A_656, %dma_wait3A_657, %dma_wait3A_658] : memref<2x5x2x128xi32, #tpu.memory_space<vmem>> -> memref<1x5x2x128xi32, #tpu.memory_space<vmem>>
        %dma_wait3A_660 = tpu.memref_squeeze %dma_wait3A_659 : memref<1x5x2x128xi32, #tpu.memory_space<vmem>> -> memref<5x2x128xi32, #tpu.memory_space<vmem>>
        %dma_wait3A_661 = arith.constant 0 : i32
        %dma_wait3A_662 = arith.constant 0 : i32
        %dma_wait3A_663 = tpu.memref_slice %arg3[%arg0, %add3A_246, %dma_wait3A_661, %dma_wait3A_662] : memref<2x2560x2x128xi32, #tpu.memory_space<hbm>> -> memref<1x5x2x128xi32, #tpu.memory_space<hbm>>
        %dma_wait3A_664 = tpu.memref_squeeze %dma_wait3A_663 : memref<1x5x2x128xi32, #tpu.memory_space<hbm>> -> memref<5x2x128xi32, #tpu.memory_space<hbm>>
        tpu.wait_dma2 semaphore(%run_scoped3A_628 : memref<!tpu.dma_semaphore, #tpu.memory_space<semaphore_mem>>) src(%dma_wait3A_664 : memref<5x2x128xi32, #tpu.memory_space<hbm>>) dst(%dma_wait3A_660 : memref<5x2x128xi32, #tpu.memory_space<vmem>>)
        tpu.yield
      }) : () -> ()
      %dma_start3A_248 = arith.constant 1 : i32
      %dma_start3A_249 = arith.constant 0 : i32
      %dma_start3A_250 = arith.constant 0 : i32
      %dma_start3A_251 = arith.constant 1 : i32
      %dma_start3A_252 = arith.constant 0 : i32
      %dma_start3A_253 = arith.constant 0 : i32
      %dma_start3A_254 = arith.constant 0 : i32
      %dma_start3A_255 = tpu.memref_slice %arg7[%dma_start3A_251, %dma_start3A_252, %dma_start3A_253, %dma_start3A_254] : memref<2x5x128x64xf32, #tpu.memory_space<vmem>> -> memref<1x1x128x64xf32, #tpu.memory_space<vmem>>
      %dma_start3A_256 = tpu.memref_squeeze %dma_start3A_255 : memref<1x1x128x64xf32, #tpu.memory_space<vmem>> -> memref<128x64xf32, #tpu.memory_space<vmem>>
      %dma_start3A_257 = arith.constant 0 : i32
      %dma_start3A_258 = tpu.memref_slice %arg6[%dma_start3A_248, %dma_start3A_249, %dma_start3A_250, %dma_start3A_257] : memref<2x5x2x128xi32, #tpu.memory_space<vmem>> -> memref<1x1x1x128xi32, #tpu.memory_space<vmem>>
      %dma_start3A_259 = tpu.memref_squeeze %dma_start3A_258 : memref<1x1x1x128xi32, #tpu.memory_space<vmem>> -> memref<128xi32, #tpu.memory_space<vmem>>
      %dma_start3A_260 = arith.constant 0 : i32
      %dma_start3A_261 = arith.constant 0 : i32
      %dma_start3A_262 = tpu.memref_slice %arg2[%dma_start3A_260, %dma_start3A_261] : memref<20000x64xf32, #tpu.memory_space<hbm>> -> memref<20000x64xf32, #tpu.memory_space<hbm>>
      tpu.enqueue_indirect_dma source(%dma_start3A_262 : memref<20000x64xf32, #tpu.memory_space<hbm>>) target(%dma_start3A_256 : memref<128x64xf32, #tpu.memory_space<vmem>>) offsets(%dma_start3A_259 : memref<128xi32, #tpu.memory_space<vmem>>) semaphore(%arg10 : memref<!tpu.dma_semaphore, #tpu.memory_space<semaphore_mem>>)
      %dma_start3A_263 = arith.constant 1 : i32
      %dma_start3A_264 = arith.constant 1 : i32
      %dma_start3A_265 = arith.constant 0 : i32
      %dma_start3A_266 = arith.constant 1 : i32
      %dma_start3A_267 = arith.constant 1 : i32
      %dma_start3A_268 = arith.constant 0 : i32
      %dma_start3A_269 = arith.constant 0 : i32
      %dma_start3A_270 = tpu.memref_slice %arg7[%dma_start3A_266, %dma_start3A_267, %dma_start3A_268, %dma_start3A_269] : memref<2x5x128x64xf32, #tpu.memory_space<vmem>> -> memref<1x1x128x64xf32, #tpu.memory_space<vmem>>
      %dma_start3A_271 = tpu.memref_squeeze %dma_start3A_270 : memref<1x1x128x64xf32, #tpu.memory_space<vmem>> -> memref<128x64xf32, #tpu.memory_space<vmem>>
      %dma_start3A_272 = arith.constant 0 : i32
      %dma_start3A_273 = tpu.memref_slice %arg6[%dma_start3A_263, %dma_start3A_264, %dma_start3A_265, %dma_start3A_272] : memref<2x5x2x128xi32, #tpu.memory_space<vmem>> -> memref<1x1x1x128xi32, #tpu.memory_space<vmem>>
      %dma_start3A_274 = tpu.memref_squeeze %dma_start3A_273 : memref<1x1x1x128xi32, #tpu.memory_space<vmem>> -> memref<128xi32, #tpu.memory_space<vmem>>
      %dma_start3A_275 = arith.constant 0 : i32
      %dma_start3A_276 = arith.constant 0 : i32
      %dma_start3A_277 = tpu.memref_slice %arg2[%dma_start3A_275, %dma_start3A_276] : memref<20000x64xf32, #tpu.memory_space<hbm>> -> memref<20000x64xf32, #tpu.memory_space<hbm>>
      tpu.enqueue_indirect_dma source(%dma_start3A_277 : memref<20000x64xf32, #tpu.memory_space<hbm>>) target(%dma_start3A_271 : memref<128x64xf32, #tpu.memory_space<vmem>>) offsets(%dma_start3A_274 : memref<128xi32, #tpu.memory_space<vmem>>) semaphore(%arg10 : memref<!tpu.dma_semaphore, #tpu.memory_space<semaphore_mem>>)
      %dma_start3A_278 = arith.constant 1 : i32
      %dma_start3A_279 = arith.constant 2 : i32
      %dma_start3A_280 = arith.constant 0 : i32
      %dma_start3A_281 = arith.constant 1 : i32
      %dma_start3A_282 = arith.constant 2 : i32
      %dma_start3A_283 = arith.constant 0 : i32
      %dma_start3A_284 = arith.constant 0 : i32
      %dma_start3A_285 = tpu.memref_slice %arg7[%dma_start3A_281, %dma_start3A_282, %dma_start3A_283, %dma_start3A_284] : memref<2x5x128x64xf32, #tpu.memory_space<vmem>> -> memref<1x1x128x64xf32, #tpu.memory_space<vmem>>
      %dma_start3A_286 = tpu.memref_squeeze %dma_start3A_285 : memref<1x1x128x64xf32, #tpu.memory_space<vmem>> -> memref<128x64xf32, #tpu.memory_space<vmem>>
      %dma_start3A_287 = arith.constant 0 : i32
      %dma_start3A_288 = tpu.memref_slice %arg6[%dma_start3A_278, %dma_start3A_279, %dma_start3A_280, %dma_start3A_287] : memref<2x5x2x128xi32, #tpu.memory_space<vmem>> -> memref<1x1x1x128xi32, #tpu.memory_space<vmem>>
      %dma_start3A_289 = tpu.memref_squeeze %dma_start3A_288 : memref<1x1x1x128xi32, #tpu.memory_space<vmem>> -> memref<128xi32, #tpu.memory_space<vmem>>
      %dma_start3A_290 = arith.constant 0 : i32
      %dma_start3A_291 = arith.constant 0 : i32
      %dma_start3A_292 = tpu.memref_slice %arg2[%dma_start3A_290, %dma_start3A_291] : memref<20000x64xf32, #tpu.memory_space<hbm>> -> memref<20000x64xf32, #tpu.memory_space<hbm>>
      tpu.enqueue_indirect_dma source(%dma_start3A_292 : memref<20000x64xf32, #tpu.memory_space<hbm>>) target(%dma_start3A_286 : memref<128x64xf32, #tpu.memory_space<vmem>>) offsets(%dma_start3A_289 : memref<128xi32, #tpu.memory_space<vmem>>) semaphore(%arg10 : memref<!tpu.dma_semaphore, #tpu.memory_space<semaphore_mem>>)
      %dma_start3A_293 = arith.constant 1 : i32
      %dma_start3A_294 = arith.constant 3 : i32
      %dma_start3A_295 = arith.constant 0 : i32
      %dma_start3A_296 = arith.constant 1 : i32
      %dma_start3A_297 = arith.constant 3 : i32
      %dma_start3A_298 = arith.constant 0 : i32
      %dma_start3A_299 = arith.constant 0 : i32
      %dma_start3A_300 = tpu.memref_slice %arg7[%dma_start3A_296, %dma_start3A_297, %dma_start3A_298, %dma_start3A_299] : memref<2x5x128x64xf32, #tpu.memory_space<vmem>> -> memref<1x1x128x64xf32, #tpu.memory_space<vmem>>
      %dma_start3A_301 = tpu.memref_squeeze %dma_start3A_300 : memref<1x1x128x64xf32, #tpu.memory_space<vmem>> -> memref<128x64xf32, #tpu.memory_space<vmem>>
      %dma_start3A_302 = arith.constant 0 : i32
      %dma_start3A_303 = tpu.memref_slice %arg6[%dma_start3A_293, %dma_start3A_294, %dma_start3A_295, %dma_start3A_302] : memref<2x5x2x128xi32, #tpu.memory_space<vmem>> -> memref<1x1x1x128xi32, #tpu.memory_space<vmem>>
      %dma_start3A_304 = tpu.memref_squeeze %dma_start3A_303 : memref<1x1x1x128xi32, #tpu.memory_space<vmem>> -> memref<128xi32, #tpu.memory_space<vmem>>
      %dma_start3A_305 = arith.constant 0 : i32
      %dma_start3A_306 = arith.constant 0 : i32
      %dma_start3A_307 = tpu.memref_slice %arg2[%dma_start3A_305, %dma_start3A_306] : memref<20000x64xf32, #tpu.memory_space<hbm>> -> memref<20000x64xf32, #tpu.memory_space<hbm>>
      tpu.enqueue_indirect_dma source(%dma_start3A_307 : memref<20000x64xf32, #tpu.memory_space<hbm>>) target(%dma_start3A_301 : memref<128x64xf32, #tpu.memory_space<vmem>>) offsets(%dma_start3A_304 : memref<128xi32, #tpu.memory_space<vmem>>) semaphore(%arg10 : memref<!tpu.dma_semaphore, #tpu.memory_space<semaphore_mem>>)
      %dma_start3A_308 = arith.constant 1 : i32
      %dma_start3A_309 = arith.constant 4 : i32
      %dma_start3A_310 = arith.constant 0 : i32
      %dma_start3A_311 = arith.constant 1 : i32
      %dma_start3A_312 = arith.constant 4 : i32
      %dma_start3A_313 = arith.constant 0 : i32
      %dma_start3A_314 = arith.constant 0 : i32
      %dma_start3A_315 = tpu.memref_slice %arg7[%dma_start3A_311, %dma_start3A_312, %dma_start3A_313, %dma_start3A_314] : memref<2x5x128x64xf32, #tpu.memory_space<vmem>> -> memref<1x1x128x64xf32, #tpu.memory_space<vmem>>
      %dma_start3A_316 = tpu.memref_squeeze %dma_start3A_315 : memref<1x1x128x64xf32, #tpu.memory_space<vmem>> -> memref<128x64xf32, #tpu.memory_space<vmem>>
      %dma_start3A_317 = arith.constant 0 : i32
      %dma_start3A_318 = tpu.memref_slice %arg6[%dma_start3A_308, %dma_start3A_309, %dma_start3A_310, %dma_start3A_317] : memref<2x5x2x128xi32, #tpu.memory_space<vmem>> -> memref<1x1x1x128xi32, #tpu.memory_space<vmem>>
      %dma_start3A_319 = tpu.memref_squeeze %dma_start3A_318 : memref<1x1x1x128xi32, #tpu.memory_space<vmem>> -> memref<128xi32, #tpu.memory_space<vmem>>
      %dma_start3A_320 = arith.constant 0 : i32
      %dma_start3A_321 = arith.constant 0 : i32
      %dma_start3A_322 = tpu.memref_slice %arg2[%dma_start3A_320, %dma_start3A_321] : memref<20000x64xf32, #tpu.memory_space<hbm>> -> memref<20000x64xf32, #tpu.memory_space<hbm>>
      tpu.enqueue_indirect_dma source(%dma_start3A_322 : memref<20000x64xf32, #tpu.memory_space<hbm>>) target(%dma_start3A_316 : memref<128x64xf32, #tpu.memory_space<vmem>>) offsets(%dma_start3A_319 : memref<128xi32, #tpu.memory_space<vmem>>) semaphore(%arg10 : memref<!tpu.dma_semaphore, #tpu.memory_space<semaphore_mem>>)
      %dma_wait3A_323 = arith.constant 1 : i32
      %dma_wait3A_324 = arith.constant 0 : i32
      %dma_wait3A_325 = arith.constant 0 : i32
      %dma_wait3A_326 = arith.constant 1 : i32
      %dma_wait3A_327 = arith.constant 0 : i32
      %dma_wait3A_328 = arith.constant 0 : i32
      %dma_wait3A_329 = arith.constant 0 : i32
      %dma_wait3A_330 = tpu.memref_slice %arg7[%dma_wait3A_326, %dma_wait3A_327, %dma_wait3A_328, %dma_wait3A_329] : memref<2x5x128x64xf32, #tpu.memory_space<vmem>> -> memref<1x1x128x64xf32, #tpu.memory_space<vmem>>
      %dma_wait3A_331 = tpu.memref_squeeze %dma_wait3A_330 : memref<1x1x128x64xf32, #tpu.memory_space<vmem>> -> memref<128x64xf32, #tpu.memory_space<vmem>>
      %dma_wait3A_332 = arith.constant 0 : i32
      %dma_wait3A_333 = tpu.memref_slice %arg6[%dma_wait3A_323, %dma_wait3A_324, %dma_wait3A_325, %dma_wait3A_332] : memref<2x5x2x128xi32, #tpu.memory_space<vmem>> -> memref<1x1x1x128xi32, #tpu.memory_space<vmem>>
      %dma_wait3A_334 = tpu.memref_squeeze %dma_wait3A_333 : memref<1x1x1x128xi32, #tpu.memory_space<vmem>> -> memref<128xi32, #tpu.memory_space<vmem>>
      %dma_wait3A_335 = arith.constant 0 : i32
      %dma_wait3A_336 = arith.constant 0 : i32
      %dma_wait3A_337 = tpu.memref_slice %arg2[%dma_wait3A_335, %dma_wait3A_336] : memref<20000x64xf32, #tpu.memory_space<hbm>> -> memref<20000x64xf32, #tpu.memory_space<hbm>>
      tpu.wait_indirect_dma semaphore(%arg10 : memref<!tpu.dma_semaphore, #tpu.memory_space<semaphore_mem>>) src(%dma_wait3A_337 : memref<20000x64xf32, #tpu.memory_space<hbm>>) dst(%dma_wait3A_331 : memref<128x64xf32, #tpu.memory_space<vmem>>)
      %dma_wait3A_338 = arith.constant 1 : i32
      %dma_wait3A_339 = arith.constant 1 : i32
      %dma_wait3A_340 = arith.constant 0 : i32
      %dma_wait3A_341 = arith.constant 1 : i32
      %dma_wait3A_342 = arith.constant 1 : i32
      %dma_wait3A_343 = arith.constant 0 : i32
      %dma_wait3A_344 = arith.constant 0 : i32
      %dma_wait3A_345 = tpu.memref_slice %arg7[%dma_wait3A_341, %dma_wait3A_342, %dma_wait3A_343, %dma_wait3A_344] : memref<2x5x128x64xf32, #tpu.memory_space<vmem>> -> memref<1x1x128x64xf32, #tpu.memory_space<vmem>>
      %dma_wait3A_346 = tpu.memref_squeeze %dma_wait3A_345 : memref<1x1x128x64xf32, #tpu.memory_space<vmem>> -> memref<128x64xf32, #tpu.memory_space<vmem>>
      %dma_wait3A_347 = arith.constant 0 : i32
      %dma_wait3A_348 = tpu.memref_slice %arg6[%dma_wait3A_338, %dma_wait3A_339, %dma_wait3A_340, %dma_wait3A_347] : memref<2x5x2x128xi32, #tpu.memory_space<vmem>> -> memref<1x1x1x128xi32, #tpu.memory_space<vmem>>
      %dma_wait3A_349 = tpu.memref_squeeze %dma_wait3A_348 : memref<1x1x1x128xi32, #tpu.memory_space<vmem>> -> memref<128xi32, #tpu.memory_space<vmem>>
      %dma_wait3A_350 = arith.constant 0 : i32
      %dma_wait3A_351 = arith.constant 0 : i32
      %dma_wait3A_352 = tpu.memref_slice %arg2[%dma_wait3A_350, %dma_wait3A_351] : memref<20000x64xf32, #tpu.memory_space<hbm>> -> memref<20000x64xf32, #tpu.memory_space<hbm>>
      tpu.wait_indirect_dma semaphore(%arg10 : memref<!tpu.dma_semaphore, #tpu.memory_space<semaphore_mem>>) src(%dma_wait3A_352 : memref<20000x64xf32, #tpu.memory_space<hbm>>) dst(%dma_wait3A_346 : memref<128x64xf32, #tpu.memory_space<vmem>>)
      %dma_wait3A_353 = arith.constant 1 : i32
      %dma_wait3A_354 = arith.constant 2 : i32
      %dma_wait3A_355 = arith.constant 0 : i32
      %dma_wait3A_356 = arith.constant 1 : i32
      %dma_wait3A_357 = arith.constant 2 : i32
      %dma_wait3A_358 = arith.constant 0 : i32
      %dma_wait3A_359 = arith.constant 0 : i32
      %dma_wait3A_360 = tpu.memref_slice %arg7[%dma_wait3A_356, %dma_wait3A_357, %dma_wait3A_358, %dma_wait3A_359] : memref<2x5x128x64xf32, #tpu.memory_space<vmem>> -> memref<1x1x128x64xf32, #tpu.memory_space<vmem>>
      %dma_wait3A_361 = tpu.memref_squeeze %dma_wait3A_360 : memref<1x1x128x64xf32, #tpu.memory_space<vmem>> -> memref<128x64xf32, #tpu.memory_space<vmem>>
      %dma_wait3A_362 = arith.constant 0 : i32
      %dma_wait3A_363 = tpu.memref_slice %arg6[%dma_wait3A_353, %dma_wait3A_354, %dma_wait3A_355, %dma_wait3A_362] : memref<2x5x2x128xi32, #tpu.memory_space<vmem>> -> memref<1x1x1x128xi32, #tpu.memory_space<vmem>>
      %dma_wait3A_364 = tpu.memref_squeeze %dma_wait3A_363 : memref<1x1x1x128xi32, #tpu.memory_space<vmem>> -> memref<128xi32, #tpu.memory_space<vmem>>
      %dma_wait3A_365 = arith.constant 0 : i32
      %dma_wait3A_366 = arith.constant 0 : i32
      %dma_wait3A_367 = tpu.memref_slice %arg2[%dma_wait3A_365, %dma_wait3A_366] : memref<20000x64xf32, #tpu.memory_space<hbm>> -> memref<20000x64xf32, #tpu.memory_space<hbm>>
      tpu.wait_indirect_dma semaphore(%arg10 : memref<!tpu.dma_semaphore, #tpu.memory_space<semaphore_mem>>) src(%dma_wait3A_367 : memref<20000x64xf32, #tpu.memory_space<hbm>>) dst(%dma_wait3A_361 : memref<128x64xf32, #tpu.memory_space<vmem>>)
      %dma_wait3A_368 = arith.constant 1 : i32
      %dma_wait3A_369 = arith.constant 3 : i32
      %dma_wait3A_370 = arith.constant 0 : i32
      %dma_wait3A_371 = arith.constant 1 : i32
      %dma_wait3A_372 = arith.constant 3 : i32
      %dma_wait3A_373 = arith.constant 0 : i32
      %dma_wait3A_374 = arith.constant 0 : i32
      %dma_wait3A_375 = tpu.memref_slice %arg7[%dma_wait3A_371, %dma_wait3A_372, %dma_wait3A_373, %dma_wait3A_374] : memref<2x5x128x64xf32, #tpu.memory_space<vmem>> -> memref<1x1x128x64xf32, #tpu.memory_space<vmem>>
      %dma_wait3A_376 = tpu.memref_squeeze %dma_wait3A_375 : memref<1x1x128x64xf32, #tpu.memory_space<vmem>> -> memref<128x64xf32, #tpu.memory_space<vmem>>
      %dma_wait3A_377 = arith.constant 0 : i32
      %dma_wait3A_378 = tpu.memref_slice %arg6[%dma_wait3A_368, %dma_wait3A_369, %dma_wait3A_370, %dma_wait3A_377] : memref<2x5x2x128xi32, #tpu.memory_space<vmem>> -> memref<1x1x1x128xi32, #tpu.memory_space<vmem>>
      %dma_wait3A_379 = tpu.memref_squeeze %dma_wait3A_378 : memref<1x1x1x128xi32, #tpu.memory_space<vmem>> -> memref<128xi32, #tpu.memory_space<vmem>>
      %dma_wait3A_380 = arith.constant 0 : i32
      %dma_wait3A_381 = arith.constant 0 : i32
      %dma_wait3A_382 = tpu.memref_slice %arg2[%dma_wait3A_380, %dma_wait3A_381] : memref<20000x64xf32, #tpu.memory_space<hbm>> -> memref<20000x64xf32, #tpu.memory_space<hbm>>
      tpu.wait_indirect_dma semaphore(%arg10 : memref<!tpu.dma_semaphore, #tpu.memory_space<semaphore_mem>>) src(%dma_wait3A_382 : memref<20000x64xf32, #tpu.memory_space<hbm>>) dst(%dma_wait3A_376 : memref<128x64xf32, #tpu.memory_space<vmem>>)
      %dma_wait3A_383 = arith.constant 1 : i32
      %dma_wait3A_384 = arith.constant 4 : i32
      %dma_wait3A_385 = arith.constant 0 : i32
      %dma_wait3A_386 = arith.constant 1 : i32
      %dma_wait3A_387 = arith.constant 4 : i32
      %dma_wait3A_388 = arith.constant 0 : i32
      %dma_wait3A_389 = arith.constant 0 : i32
      %dma_wait3A_390 = tpu.memref_slice %arg7[%dma_wait3A_386, %dma_wait3A_387, %dma_wait3A_388, %dma_wait3A_389] : memref<2x5x128x64xf32, #tpu.memory_space<vmem>> -> memref<1x1x128x64xf32, #tpu.memory_space<vmem>>
      %dma_wait3A_391 = tpu.memref_squeeze %dma_wait3A_390 : memref<1x1x128x64xf32, #tpu.memory_space<vmem>> -> memref<128x64xf32, #tpu.memory_space<vmem>>
      %dma_wait3A_392 = arith.constant 0 : i32
      %dma_wait3A_393 = tpu.memref_slice %arg6[%dma_wait3A_383, %dma_wait3A_384, %dma_wait3A_385, %dma_wait3A_392] : memref<2x5x2x128xi32, #tpu.memory_space<vmem>> -> memref<1x1x1x128xi32, #tpu.memory_space<vmem>>
      %dma_wait3A_394 = tpu.memref_squeeze %dma_wait3A_393 : memref<1x1x1x128xi32, #tpu.memory_space<vmem>> -> memref<128xi32, #tpu.memory_space<vmem>>
      %dma_wait3A_395 = arith.constant 0 : i32
      %dma_wait3A_396 = arith.constant 0 : i32
      %dma_wait3A_397 = tpu.memref_slice %arg2[%dma_wait3A_395, %dma_wait3A_396] : memref<20000x64xf32, #tpu.memory_space<hbm>> -> memref<20000x64xf32, #tpu.memory_space<hbm>>
      tpu.wait_indirect_dma semaphore(%arg10 : memref<!tpu.dma_semaphore, #tpu.memory_space<semaphore_mem>>) src(%dma_wait3A_397 : memref<20000x64xf32, #tpu.memory_space<hbm>>) dst(%dma_wait3A_391 : memref<128x64xf32, #tpu.memory_space<vmem>>)
      %dma_start3A_398 = arith.constant 1 : i32
      %dma_start3A_399 = arith.constant 0 : i32
      %dma_start3A_400 = arith.constant 1 : i32
      %dma_start3A_401 = arith.constant 0 : i32
      %dma_start3A_402 = arith.constant 1 : i32
      %dma_start3A_403 = arith.constant 0 : i32
      %dma_start3A_404 = arith.constant 0 : i32
      %dma_start3A_405 = tpu.memref_slice %arg7[%dma_start3A_398, %dma_start3A_399, %dma_start3A_403, %dma_start3A_404] : memref<2x5x128x64xf32, #tpu.memory_space<vmem>> -> memref<1x1x128x64xf32, #tpu.memory_space<vmem>>
      %dma_start3A_406 = tpu.memref_squeeze %dma_start3A_405 : memref<1x1x128x64xf32, #tpu.memory_space<vmem>> -> memref<128x64xf32, #tpu.memory_space<vmem>>
      %dma_start3A_407 = arith.constant 0 : i32
      %dma_start3A_408 = tpu.memref_slice %arg6[%dma_start3A_400, %dma_start3A_401, %dma_start3A_402, %dma_start3A_407] : memref<2x5x2x128xi32, #tpu.memory_space<vmem>> -> memref<1x1x1x128xi32, #tpu.memory_space<vmem>>
      %dma_start3A_409 = tpu.memref_squeeze %dma_start3A_408 : memref<1x1x1x128xi32, #tpu.memory_space<vmem>> -> memref<128xi32, #tpu.memory_space<vmem>>
      %dma_start3A_410 = arith.constant 0 : i32
      %dma_start3A_411 = arith.constant 0 : i32
      %dma_start3A_412 = tpu.memref_slice %arg8[%dma_start3A_410, %dma_start3A_411] : memref<10240x64xf32, #tpu.memory_space<vmem_shared>> -> memref<10240x64xf32, #tpu.memory_space<vmem_shared>>
      tpu.enqueue_indirect_dma source(%dma_start3A_406 : memref<128x64xf32, #tpu.memory_space<vmem>>) target(%dma_start3A_412 : memref<10240x64xf32, #tpu.memory_space<vmem_shared>>) offsets(%dma_start3A_409 : memref<128xi32, #tpu.memory_space<vmem>>) semaphore(%arg12 : memref<!tpu.dma_semaphore, #tpu.memory_space<semaphore_mem>>) {add = true}
      %dma_start3A_413 = arith.constant 1 : i32
      %dma_start3A_414 = arith.constant 1 : i32
      %dma_start3A_415 = arith.constant 1 : i32
      %dma_start3A_416 = arith.constant 1 : i32
      %dma_start3A_417 = arith.constant 1 : i32
      %dma_start3A_418 = arith.constant 0 : i32
      %dma_start3A_419 = arith.constant 0 : i32
      %dma_start3A_420 = tpu.memref_slice %arg7[%dma_start3A_413, %dma_start3A_414, %dma_start3A_418, %dma_start3A_419] : memref<2x5x128x64xf32, #tpu.memory_space<vmem>> -> memref<1x1x128x64xf32, #tpu.memory_space<vmem>>
      %dma_start3A_421 = tpu.memref_squeeze %dma_start3A_420 : memref<1x1x128x64xf32, #tpu.memory_space<vmem>> -> memref<128x64xf32, #tpu.memory_space<vmem>>
      %dma_start3A_422 = arith.constant 0 : i32
      %dma_start3A_423 = tpu.memref_slice %arg6[%dma_start3A_415, %dma_start3A_416, %dma_start3A_417, %dma_start3A_422] : memref<2x5x2x128xi32, #tpu.memory_space<vmem>> -> memref<1x1x1x128xi32, #tpu.memory_space<vmem>>
      %dma_start3A_424 = tpu.memref_squeeze %dma_start3A_423 : memref<1x1x1x128xi32, #tpu.memory_space<vmem>> -> memref<128xi32, #tpu.memory_space<vmem>>
      %dma_start3A_425 = arith.constant 0 : i32
      %dma_start3A_426 = arith.constant 0 : i32
      %dma_start3A_427 = tpu.memref_slice %arg8[%dma_start3A_425, %dma_start3A_426] : memref<10240x64xf32, #tpu.memory_space<vmem_shared>> -> memref<10240x64xf32, #tpu.memory_space<vmem_shared>>
      tpu.enqueue_indirect_dma source(%dma_start3A_421 : memref<128x64xf32, #tpu.memory_space<vmem>>) target(%dma_start3A_427 : memref<10240x64xf32, #tpu.memory_space<vmem_shared>>) offsets(%dma_start3A_424 : memref<128xi32, #tpu.memory_space<vmem>>) semaphore(%arg12 : memref<!tpu.dma_semaphore, #tpu.memory_space<semaphore_mem>>) {add = true}
      %dma_start3A_428 = arith.constant 1 : i32
      %dma_start3A_429 = arith.constant 2 : i32
      %dma_start3A_430 = arith.constant 1 : i32
      %dma_start3A_431 = arith.constant 2 : i32
      %dma_start3A_432 = arith.constant 1 : i32
      %dma_start3A_433 = arith.constant 0 : i32
      %dma_start3A_434 = arith.constant 0 : i32
      %dma_start3A_435 = tpu.memref_slice %arg7[%dma_start3A_428, %dma_start3A_429, %dma_start3A_433, %dma_start3A_434] : memref<2x5x128x64xf32, #tpu.memory_space<vmem>> -> memref<1x1x128x64xf32, #tpu.memory_space<vmem>>
      %dma_start3A_436 = tpu.memref_squeeze %dma_start3A_435 : memref<1x1x128x64xf32, #tpu.memory_space<vmem>> -> memref<128x64xf32, #tpu.memory_space<vmem>>
      %dma_start3A_437 = arith.constant 0 : i32
      %dma_start3A_438 = tpu.memref_slice %arg6[%dma_start3A_430, %dma_start3A_431, %dma_start3A_432, %dma_start3A_437] : memref<2x5x2x128xi32, #tpu.memory_space<vmem>> -> memref<1x1x1x128xi32, #tpu.memory_space<vmem>>
      %dma_start3A_439 = tpu.memref_squeeze %dma_start3A_438 : memref<1x1x1x128xi32, #tpu.memory_space<vmem>> -> memref<128xi32, #tpu.memory_space<vmem>>
      %dma_start3A_440 = arith.constant 0 : i32
      %dma_start3A_441 = arith.constant 0 : i32
      %dma_start3A_442 = tpu.memref_slice %arg8[%dma_start3A_440, %dma_start3A_441] : memref<10240x64xf32, #tpu.memory_space<vmem_shared>> -> memref<10240x64xf32, #tpu.memory_space<vmem_shared>>
      tpu.enqueue_indirect_dma source(%dma_start3A_436 : memref<128x64xf32, #tpu.memory_space<vmem>>) target(%dma_start3A_442 : memref<10240x64xf32, #tpu.memory_space<vmem_shared>>) offsets(%dma_start3A_439 : memref<128xi32, #tpu.memory_space<vmem>>) semaphore(%arg12 : memref<!tpu.dma_semaphore, #tpu.memory_space<semaphore_mem>>) {add = true}
      %dma_start3A_443 = arith.constant 1 : i32
      %dma_start3A_444 = arith.constant 3 : i32
      %dma_start3A_445 = arith.constant 1 : i32
      %dma_start3A_446 = arith.constant 3 : i32
      %dma_start3A_447 = arith.constant 1 : i32
      %dma_start3A_448 = arith.constant 0 : i32
      %dma_start3A_449 = arith.constant 0 : i32
      %dma_start3A_450 = tpu.memref_slice %arg7[%dma_start3A_443, %dma_start3A_444, %dma_start3A_448, %dma_start3A_449] : memref<2x5x128x64xf32, #tpu.memory_space<vmem>> -> memref<1x1x128x64xf32, #tpu.memory_space<vmem>>
      %dma_start3A_451 = tpu.memref_squeeze %dma_start3A_450 : memref<1x1x128x64xf32, #tpu.memory_space<vmem>> -> memref<128x64xf32, #tpu.memory_space<vmem>>
      %dma_start3A_452 = arith.constant 0 : i32
      %dma_start3A_453 = tpu.memref_slice %arg6[%dma_start3A_445, %dma_start3A_446, %dma_start3A_447, %dma_start3A_452] : memref<2x5x2x128xi32, #tpu.memory_space<vmem>> -> memref<1x1x1x128xi32, #tpu.memory_space<vmem>>
      %dma_start3A_454 = tpu.memref_squeeze %dma_start3A_453 : memref<1x1x1x128xi32, #tpu.memory_space<vmem>> -> memref<128xi32, #tpu.memory_space<vmem>>
      %dma_start3A_455 = arith.constant 0 : i32
      %dma_start3A_456 = arith.constant 0 : i32
      %dma_start3A_457 = tpu.memref_slice %arg8[%dma_start3A_455, %dma_start3A_456] : memref<10240x64xf32, #tpu.memory_space<vmem_shared>> -> memref<10240x64xf32, #tpu.memory_space<vmem_shared>>
      tpu.enqueue_indirect_dma source(%dma_start3A_451 : memref<128x64xf32, #tpu.memory_space<vmem>>) target(%dma_start3A_457 : memref<10240x64xf32, #tpu.memory_space<vmem_shared>>) offsets(%dma_start3A_454 : memref<128xi32, #tpu.memory_space<vmem>>) semaphore(%arg12 : memref<!tpu.dma_semaphore, #tpu.memory_space<semaphore_mem>>) {add = true}
      %dma_start3A_458 = arith.constant 1 : i32
      %dma_start3A_459 = arith.constant 4 : i32
      %dma_start3A_460 = arith.constant 1 : i32
      %dma_start3A_461 = arith.constant 4 : i32
      %dma_start3A_462 = arith.constant 1 : i32
      %dma_start3A_463 = arith.constant 0 : i32
      %dma_start3A_464 = arith.constant 0 : i32
      %dma_start3A_465 = tpu.memref_slice %arg7[%dma_start3A_458, %dma_start3A_459, %dma_start3A_463, %dma_start3A_464] : memref<2x5x128x64xf32, #tpu.memory_space<vmem>> -> memref<1x1x128x64xf32, #tpu.memory_space<vmem>>
      %dma_start3A_466 = tpu.memref_squeeze %dma_start3A_465 : memref<1x1x128x64xf32, #tpu.memory_space<vmem>> -> memref<128x64xf32, #tpu.memory_space<vmem>>
      %dma_start3A_467 = arith.constant 0 : i32
      %dma_start3A_468 = tpu.memref_slice %arg6[%dma_start3A_460, %dma_start3A_461, %dma_start3A_462, %dma_start3A_467] : memref<2x5x2x128xi32, #tpu.memory_space<vmem>> -> memref<1x1x1x128xi32, #tpu.memory_space<vmem>>
      %dma_start3A_469 = tpu.memref_squeeze %dma_start3A_468 : memref<1x1x1x128xi32, #tpu.memory_space<vmem>> -> memref<128xi32, #tpu.memory_space<vmem>>
      %dma_start3A_470 = arith.constant 0 : i32
      %dma_start3A_471 = arith.constant 0 : i32
      %dma_start3A_472 = tpu.memref_slice %arg8[%dma_start3A_470, %dma_start3A_471] : memref<10240x64xf32, #tpu.memory_space<vmem_shared>> -> memref<10240x64xf32, #tpu.memory_space<vmem_shared>>
      tpu.enqueue_indirect_dma source(%dma_start3A_466 : memref<128x64xf32, #tpu.memory_space<vmem>>) target(%dma_start3A_472 : memref<10240x64xf32, #tpu.memory_space<vmem_shared>>) offsets(%dma_start3A_469 : memref<128xi32, #tpu.memory_space<vmem>>) semaphore(%arg12 : memref<!tpu.dma_semaphore, #tpu.memory_space<semaphore_mem>>) {add = true}
      %dma_wait3A_473 = arith.constant 0 : i32
      %dma_wait3A_474 = arith.constant 0 : i32
      %dma_wait3A_475 = arith.constant 0 : i32
      %dma_wait3A_476 = arith.constant 0 : i32
      %dma_wait3A_477 = arith.constant 1 : i32
      %dma_wait3A_478 = arith.constant 0 : i32
      %dma_wait3A_479 = arith.constant 0 : i32
      %dma_wait3A_480 = tpu.memref_slice %arg7[%dma_wait3A_473, %dma_wait3A_474, %dma_wait3A_478, %dma_wait3A_479] : memref<2x5x128x64xf32, #tpu.memory_space<vmem>> -> memref<1x1x128x64xf32, #tpu.memory_space<vmem>>
      %dma_wait3A_481 = tpu.memref_squeeze %dma_wait3A_480 : memref<1x1x128x64xf32, #tpu.memory_space<vmem>> -> memref<128x64xf32, #tpu.memory_space<vmem>>
      %dma_wait3A_482 = arith.constant 0 : i32
      %dma_wait3A_483 = tpu.memref_slice %arg6[%dma_wait3A_475, %dma_wait3A_476, %dma_wait3A_477, %dma_wait3A_482] : memref<2x5x2x128xi32, #tpu.memory_space<vmem>> -> memref<1x1x1x128xi32, #tpu.memory_space<vmem>>
      %dma_wait3A_484 = tpu.memref_squeeze %dma_wait3A_483 : memref<1x1x1x128xi32, #tpu.memory_space<vmem>> -> memref<128xi32, #tpu.memory_space<vmem>>
      %dma_wait3A_485 = arith.constant 0 : i32
      %dma_wait3A_486 = arith.constant 0 : i32
      %dma_wait3A_487 = tpu.memref_slice %arg8[%dma_wait3A_485, %dma_wait3A_486] : memref<10240x64xf32, #tpu.memory_space<vmem_shared>> -> memref<10240x64xf32, #tpu.memory_space<vmem_shared>>
      tpu.wait_indirect_dma semaphore(%arg11 : memref<!tpu.dma_semaphore, #tpu.memory_space<semaphore_mem>>) src(%dma_wait3A_481 : memref<128x64xf32, #tpu.memory_space<vmem>>) dst(%dma_wait3A_487 : memref<10240x64xf32, #tpu.memory_space<vmem_shared>>)
      %dma_wait3A_488 = arith.constant 0 : i32
      %dma_wait3A_489 = arith.constant 1 : i32
      %dma_wait3A_490 = arith.constant 0 : i32
      %dma_wait3A_491 = arith.constant 1 : i32
      %dma_wait3A_492 = arith.constant 1 : i32
      %dma_wait3A_493 = arith.constant 0 : i32
      %dma_wait3A_494 = arith.constant 0 : i32
      %dma_wait3A_495 = tpu.memref_slice %arg7[%dma_wait3A_488, %dma_wait3A_489, %dma_wait3A_493, %dma_wait3A_494] : memref<2x5x128x64xf32, #tpu.memory_space<vmem>> -> memref<1x1x128x64xf32, #tpu.memory_space<vmem>>
      %dma_wait3A_496 = tpu.memref_squeeze %dma_wait3A_495 : memref<1x1x128x64xf32, #tpu.memory_space<vmem>> -> memref<128x64xf32, #tpu.memory_space<vmem>>
      %dma_wait3A_497 = arith.constant 0 : i32
      %dma_wait3A_498 = tpu.memref_slice %arg6[%dma_wait3A_490, %dma_wait3A_491, %dma_wait3A_492, %dma_wait3A_497] : memref<2x5x2x128xi32, #tpu.memory_space<vmem>> -> memref<1x1x1x128xi32, #tpu.memory_space<vmem>>
      %dma_wait3A_499 = tpu.memref_squeeze %dma_wait3A_498 : memref<1x1x1x128xi32, #tpu.memory_space<vmem>> -> memref<128xi32, #tpu.memory_space<vmem>>
      %dma_wait3A_500 = arith.constant 0 : i32
      %dma_wait3A_501 = arith.constant 0 : i32
      %dma_wait3A_502 = tpu.memref_slice %arg8[%dma_wait3A_500, %dma_wait3A_501] : memref<10240x64xf32, #tpu.memory_space<vmem_shared>> -> memref<10240x64xf32, #tpu.memory_space<vmem_shared>>
      tpu.wait_indirect_dma semaphore(%arg11 : memref<!tpu.dma_semaphore, #tpu.memory_space<semaphore_mem>>) src(%dma_wait3A_496 : memref<128x64xf32, #tpu.memory_space<vmem>>) dst(%dma_wait3A_502 : memref<10240x64xf32, #tpu.memory_space<vmem_shared>>)
      %dma_wait3A_503 = arith.constant 0 : i32
      %dma_wait3A_504 = arith.constant 2 : i32
      %dma_wait3A_505 = arith.constant 0 : i32
      %dma_wait3A_506 = arith.constant 2 : i32
      %dma_wait3A_507 = arith.constant 1 : i32
      %dma_wait3A_508 = arith.constant 0 : i32
      %dma_wait3A_509 = arith.constant 0 : i32
      %dma_wait3A_510 = tpu.memref_slice %arg7[%dma_wait3A_503, %dma_wait3A_504, %dma_wait3A_508, %dma_wait3A_509] : memref<2x5x128x64xf32, #tpu.memory_space<vmem>> -> memref<1x1x128x64xf32, #tpu.memory_space<vmem>>
      %dma_wait3A_511 = tpu.memref_squeeze %dma_wait3A_510 : memref<1x1x128x64xf32, #tpu.memory_space<vmem>> -> memref<128x64xf32, #tpu.memory_space<vmem>>
      %dma_wait3A_512 = arith.constant 0 : i32
      %dma_wait3A_513 = tpu.memref_slice %arg6[%dma_wait3A_505, %dma_wait3A_506, %dma_wait3A_507, %dma_wait3A_512] : memref<2x5x2x128xi32, #tpu.memory_space<vmem>> -> memref<1x1x1x128xi32, #tpu.memory_space<vmem>>
      %dma_wait3A_514 = tpu.memref_squeeze %dma_wait3A_513 : memref<1x1x1x128xi32, #tpu.memory_space<vmem>> -> memref<128xi32, #tpu.memory_space<vmem>>
      %dma_wait3A_515 = arith.constant 0 : i32
      %dma_wait3A_516 = arith.constant 0 : i32
      %dma_wait3A_517 = tpu.memref_slice %arg8[%dma_wait3A_515, %dma_wait3A_516] : memref<10240x64xf32, #tpu.memory_space<vmem_shared>> -> memref<10240x64xf32, #tpu.memory_space<vmem_shared>>
      tpu.wait_indirect_dma semaphore(%arg11 : memref<!tpu.dma_semaphore, #tpu.memory_space<semaphore_mem>>) src(%dma_wait3A_511 : memref<128x64xf32, #tpu.memory_space<vmem>>) dst(%dma_wait3A_517 : memref<10240x64xf32, #tpu.memory_space<vmem_shared>>)
      %dma_wait3A_518 = arith.constant 0 : i32
      %dma_wait3A_519 = arith.constant 3 : i32
      %dma_wait3A_520 = arith.constant 0 : i32
      %dma_wait3A_521 = arith.constant 3 : i32
      %dma_wait3A_522 = arith.constant 1 : i32
      %dma_wait3A_523 = arith.constant 0 : i32
      %dma_wait3A_524 = arith.constant 0 : i32
      %dma_wait3A_525 = tpu.memref_slice %arg7[%dma_wait3A_518, %dma_wait3A_519, %dma_wait3A_523, %dma_wait3A_524] : memref<2x5x128x64xf32, #tpu.memory_space<vmem>> -> memref<1x1x128x64xf32, #tpu.memory_space<vmem>>
      %dma_wait3A_526 = tpu.memref_squeeze %dma_wait3A_525 : memref<1x1x128x64xf32, #tpu.memory_space<vmem>> -> memref<128x64xf32, #tpu.memory_space<vmem>>
      %dma_wait3A_527 = arith.constant 0 : i32
      %dma_wait3A_528 = tpu.memref_slice %arg6[%dma_wait3A_520, %dma_wait3A_521, %dma_wait3A_522, %dma_wait3A_527] : memref<2x5x2x128xi32, #tpu.memory_space<vmem>> -> memref<1x1x1x128xi32, #tpu.memory_space<vmem>>
      %dma_wait3A_529 = tpu.memref_squeeze %dma_wait3A_528 : memref<1x1x1x128xi32, #tpu.memory_space<vmem>> -> memref<128xi32, #tpu.memory_space<vmem>>
      %dma_wait3A_530 = arith.constant 0 : i32
      %dma_wait3A_531 = arith.constant 0 : i32
      %dma_wait3A_532 = tpu.memref_slice %arg8[%dma_wait3A_530, %dma_wait3A_531] : memref<10240x64xf32, #tpu.memory_space<vmem_shared>> -> memref<10240x64xf32, #tpu.memory_space<vmem_shared>>
      tpu.wait_indirect_dma semaphore(%arg11 : memref<!tpu.dma_semaphore, #tpu.memory_space<semaphore_mem>>) src(%dma_wait3A_526 : memref<128x64xf32, #tpu.memory_space<vmem>>) dst(%dma_wait3A_532 : memref<10240x64xf32, #tpu.memory_space<vmem_shared>>)
      %dma_wait3A_533 = arith.constant 0 : i32
      %dma_wait3A_534 = arith.constant 4 : i32
      %dma_wait3A_535 = arith.constant 0 : i32
      %dma_wait3A_536 = arith.constant 4 : i32
      %dma_wait3A_537 = arith.constant 1 : i32
      %dma_wait3A_538 = arith.constant 0 : i32
      %dma_wait3A_539 = arith.constant 0 : i32
      %dma_wait3A_540 = tpu.memref_slice %arg7[%dma_wait3A_533, %dma_wait3A_534, %dma_wait3A_538, %dma_wait3A_539] : memref<2x5x128x64xf32, #tpu.memory_space<vmem>> -> memref<1x1x128x64xf32, #tpu.memory_space<vmem>>
      %dma_wait3A_541 = tpu.memref_squeeze %dma_wait3A_540 : memref<1x1x128x64xf32, #tpu.memory_space<vmem>> -> memref<128x64xf32, #tpu.memory_space<vmem>>
      %dma_wait3A_542 = arith.constant 0 : i32
      %dma_wait3A_543 = tpu.memref_slice %arg6[%dma_wait3A_535, %dma_wait3A_536, %dma_wait3A_537, %dma_wait3A_542] : memref<2x5x2x128xi32, #tpu.memory_space<vmem>> -> memref<1x1x1x128xi32, #tpu.memory_space<vmem>>
      %dma_wait3A_544 = tpu.memref_squeeze %dma_wait3A_543 : memref<1x1x1x128xi32, #tpu.memory_space<vmem>> -> memref<128xi32, #tpu.memory_space<vmem>>
      %dma_wait3A_545 = arith.constant 0 : i32
      %dma_wait3A_546 = arith.constant 0 : i32
      %dma_wait3A_547 = tpu.memref_slice %arg8[%dma_wait3A_545, %dma_wait3A_546] : memref<10240x64xf32, #tpu.memory_space<vmem_shared>> -> memref<10240x64xf32, #tpu.memory_space<vmem_shared>>
      tpu.wait_indirect_dma semaphore(%arg11 : memref<!tpu.dma_semaphore, #tpu.memory_space<semaphore_mem>>) src(%dma_wait3A_541 : memref<128x64xf32, #tpu.memory_space<vmem>>) dst(%dma_wait3A_547 : memref<10240x64xf32, #tpu.memory_space<vmem_shared>>)
      %lt3A_548 = arith.constant 15 : i32
      %lt3A_549 = arith.cmpi slt, %scan3A_91, %lt3A_548 : i32
      %convert_element_type3A_550 = arith.extui %lt3A_549 : i1 to i32
      %cond3A_551 = arith.constant 0 : i32
      %cond3A_552 = arith.cmpi ne, %convert_element_type3A_550, %cond3A_551 : i32
      scf.if %cond3A_552 {
        %mul3A_628 = arith.constant 2 : i32
        %mul3A_629 = arith.muli %mul3A_628, %scan3A_91 : i32
        %add3A_630 = arith.constant 2 : i32
        %add3A_631 = arith.addi %mul3A_629, %add3A_630 : i32
        %mul3A_632 = arith.constant 5 : i32
        %mul3A_633 = arith.muli %add3A_631, %mul3A_632 : i32
        %add3A_634 = arith.addi %mul3A_4, %mul3A_633 : i32
        %run_scoped3A_635 = arith.constant 0 : i32
        "tpu.region"() ({
          %run_scoped3A_711 = tpu.sem_alloc : memref<!tpu.dma_semaphore, #tpu.memory_space<semaphore_mem>>
          %dma_start3A_712 = arith.constant 0 : i32
          %dma_start3A_713 = arith.constant 0 : i32
          %dma_start3A_714 = arith.constant 0 : i32
          %dma_start3A_715 = tpu.memref_slice %arg6[%run_scoped3A_635, %dma_start3A_712, %dma_start3A_713, %dma_start3A_714] : memref<2x5x2x128xi32, #tpu.memory_space<vmem>> -> memref<1x5x2x128xi32, #tpu.memory_space<vmem>>
          %dma_start3A_716 = tpu.memref_squeeze %dma_start3A_715 : memref<1x5x2x128xi32, #tpu.memory_space<vmem>> -> memref<5x2x128xi32, #tpu.memory_space<vmem>>
          %dma_start3A_717 = arith.constant 0 : i32
          %dma_start3A_718 = arith.constant 0 : i32
          %dma_start3A_719 = tpu.memref_slice %arg3[%arg0, %add3A_634, %dma_start3A_717, %dma_start3A_718] : memref<2x2560x2x128xi32, #tpu.memory_space<hbm>> -> memref<1x5x2x128xi32, #tpu.memory_space<hbm>>
          %dma_start3A_720 = tpu.memref_squeeze %dma_start3A_719 : memref<1x5x2x128xi32, #tpu.memory_space<hbm>> -> memref<5x2x128xi32, #tpu.memory_space<hbm>>
          %dma_start3A_721 = arith.constant 0 : i32
          %dma_start3A_722 = arith.constant 0 : i32
          %dma_start3A_723 = arith.constant 0 : i32
          %dma_start3A_724 = tpu.memref_slice %arg6[%run_scoped3A_635, %dma_start3A_721, %dma_start3A_722, %dma_start3A_723] : memref<2x5x2x128xi32, #tpu.memory_space<vmem>> -> memref<1x5x2x128xi32, #tpu.memory_space<vmem>>
          %dma_start3A_725 = tpu.memref_squeeze %dma_start3A_724 : memref<1x5x2x128xi32, #tpu.memory_space<vmem>> -> memref<5x2x128xi32, #tpu.memory_space<vmem>>
          %dma_start3A_726 = arith.constant 0 : i32
          %dma_start3A_727 = arith.constant 0 : i32
          %dma_start3A_728 = tpu.memref_slice %arg3[%arg0, %add3A_634, %dma_start3A_726, %dma_start3A_727] : memref<2x2560x2x128xi32, #tpu.memory_space<hbm>> -> memref<1x5x2x128xi32, #tpu.memory_space<hbm>>
          %dma_start3A_729 = tpu.memref_squeeze %dma_start3A_728 : memref<1x5x2x128xi32, #tpu.memory_space<hbm>> -> memref<5x2x128xi32, #tpu.memory_space<hbm>>
          tpu.enqueue_dma source(%dma_start3A_729 : memref<5x2x128xi32, #tpu.memory_space<hbm>>) target(%dma_start3A_725 : memref<5x2x128xi32, #tpu.memory_space<vmem>>) target_semaphore(%run_scoped3A_711 : memref<!tpu.dma_semaphore, #tpu.memory_space<semaphore_mem>>)
          %dma_wait3A_730 = arith.constant 0 : i32
          %dma_wait3A_731 = arith.constant 0 : i32
          %dma_wait3A_732 = arith.constant 0 : i32
          %dma_wait3A_733 = tpu.memref_slice %arg6[%run_scoped3A_635, %dma_wait3A_730, %dma_wait3A_731, %dma_wait3A_732] : memref<2x5x2x128xi32, #tpu.memory_space<vmem>> -> memref<1x5x2x128xi32, #tpu.memory_space<vmem>>
          %dma_wait3A_734 = tpu.memref_squeeze %dma_wait3A_733 : memref<1x5x2x128xi32, #tpu.memory_space<vmem>> -> memref<5x2x128xi32, #tpu.memory_space<vmem>>
          %dma_wait3A_735 = arith.constant 0 : i32
          %dma_wait3A_736 = arith.constant 0 : i32
          %dma_wait3A_737 = tpu.memref_slice %arg3[%arg0, %add3A_634, %dma_wait3A_735, %dma_wait3A_736] : memref<2x2560x2x128xi32, #tpu.memory_space<hbm>> -> memref<1x5x2x128xi32, #tpu.memory_space<hbm>>
          %dma_wait3A_738 = tpu.memref_squeeze %dma_wait3A_737 : memref<1x5x2x128xi32, #tpu.memory_space<hbm>> -> memref<5x2x128xi32, #tpu.memory_space<hbm>>
          %dma_wait3A_739 = arith.constant 0 : i32
          %dma_wait3A_740 = arith.constant 0 : i32
          %dma_wait3A_741 = arith.constant 0 : i32
          %dma_wait3A_742 = tpu.memref_slice %arg6[%run_scoped3A_635, %dma_wait3A_739, %dma_wait3A_740, %dma_wait3A_741] : memref<2x5x2x128xi32, #tpu.memory_space<vmem>> -> memref<1x5x2x128xi32, #tpu.memory_space<vmem>>
          %dma_wait3A_743 = tpu.memref_squeeze %dma_wait3A_742 : memref<1x5x2x128xi32, #tpu.memory_space<vmem>> -> memref<5x2x128xi32, #tpu.memory_space<vmem>>
          %dma_wait3A_744 = arith.constant 0 : i32
          %dma_wait3A_745 = arith.constant 0 : i32
          %dma_wait3A_746 = tpu.memref_slice %arg3[%arg0, %add3A_634, %dma_wait3A_744, %dma_wait3A_745] : memref<2x2560x2x128xi32, #tpu.memory_space<hbm>> -> memref<1x5x2x128xi32, #tpu.memory_space<hbm>>
          %dma_wait3A_747 = tpu.memref_squeeze %dma_wait3A_746 : memref<1x5x2x128xi32, #tpu.memory_space<hbm>> -> memref<5x2x128xi32, #tpu.memory_space<hbm>>
          tpu.wait_dma2 semaphore(%run_scoped3A_711 : memref<!tpu.dma_semaphore, #tpu.memory_space<semaphore_mem>>) src(%dma_wait3A_747 : memref<5x2x128xi32, #tpu.memory_space<hbm>>) dst(%dma_wait3A_743 : memref<5x2x128xi32, #tpu.memory_space<vmem>>)
          tpu.yield
        }) : () -> ()
        %dma_start3A_636 = arith.constant 0 : i32
        %dma_start3A_637 = arith.constant 0 : i32
        %dma_start3A_638 = arith.constant 0 : i32
        %dma_start3A_639 = arith.constant 0 : i32
        %dma_start3A_640 = arith.constant 0 : i32
        %dma_start3A_641 = arith.constant 0 : i32
        %dma_start3A_642 = arith.constant 0 : i32
        %dma_start3A_643 = tpu.memref_slice %arg7[%dma_start3A_639, %dma_start3A_640, %dma_start3A_641, %dma_start3A_642] : memref<2x5x128x64xf32, #tpu.memory_space<vmem>> -> memref<1x1x128x64xf32, #tpu.memory_space<vmem>>
        %dma_start3A_644 = tpu.memref_squeeze %dma_start3A_643 : memref<1x1x128x64xf32, #tpu.memory_space<vmem>> -> memref<128x64xf32, #tpu.memory_space<vmem>>
        %dma_start3A_645 = arith.constant 0 : i32
        %dma_start3A_646 = tpu.memref_slice %arg6[%dma_start3A_636, %dma_start3A_637, %dma_start3A_638, %dma_start3A_645] : memref<2x5x2x128xi32, #tpu.memory_space<vmem>> -> memref<1x1x1x128xi32, #tpu.memory_space<vmem>>
        %dma_start3A_647 = tpu.memref_squeeze %dma_start3A_646 : memref<1x1x1x128xi32, #tpu.memory_space<vmem>> -> memref<128xi32, #tpu.memory_space<vmem>>
        %dma_start3A_648 = arith.constant 0 : i32
        %dma_start3A_649 = arith.constant 0 : i32
        %dma_start3A_650 = tpu.memref_slice %arg2[%dma_start3A_648, %dma_start3A_649] : memref<20000x64xf32, #tpu.memory_space<hbm>> -> memref<20000x64xf32, #tpu.memory_space<hbm>>
        tpu.enqueue_indirect_dma source(%dma_start3A_650 : memref<20000x64xf32, #tpu.memory_space<hbm>>) target(%dma_start3A_644 : memref<128x64xf32, #tpu.memory_space<vmem>>) offsets(%dma_start3A_647 : memref<128xi32, #tpu.memory_space<vmem>>) semaphore(%arg9 : memref<!tpu.dma_semaphore, #tpu.memory_space<semaphore_mem>>)
        %dma_start3A_651 = arith.constant 0 : i32
        %dma_start3A_652 = arith.constant 1 : i32
        %dma_start3A_653 = arith.constant 0 : i32
        %dma_start3A_654 = arith.constant 0 : i32
        %dma_start3A_655 = arith.constant 1 : i32
        %dma_start3A_656 = arith.constant 0 : i32
        %dma_start3A_657 = arith.constant 0 : i32
        %dma_start3A_658 = tpu.memref_slice %arg7[%dma_start3A_654, %dma_start3A_655, %dma_start3A_656, %dma_start3A_657] : memref<2x5x128x64xf32, #tpu.memory_space<vmem>> -> memref<1x1x128x64xf32, #tpu.memory_space<vmem>>
        %dma_start3A_659 = tpu.memref_squeeze %dma_start3A_658 : memref<1x1x128x64xf32, #tpu.memory_space<vmem>> -> memref<128x64xf32, #tpu.memory_space<vmem>>
        %dma_start3A_660 = arith.constant 0 : i32
        %dma_start3A_661 = tpu.memref_slice %arg6[%dma_start3A_651, %dma_start3A_652, %dma_start3A_653, %dma_start3A_660] : memref<2x5x2x128xi32, #tpu.memory_space<vmem>> -> memref<1x1x1x128xi32, #tpu.memory_space<vmem>>
        %dma_start3A_662 = tpu.memref_squeeze %dma_start3A_661 : memref<1x1x1x128xi32, #tpu.memory_space<vmem>> -> memref<128xi32, #tpu.memory_space<vmem>>
        %dma_start3A_663 = arith.constant 0 : i32
        %dma_start3A_664 = arith.constant 0 : i32
        %dma_start3A_665 = tpu.memref_slice %arg2[%dma_start3A_663, %dma_start3A_664] : memref<20000x64xf32, #tpu.memory_space<hbm>> -> memref<20000x64xf32, #tpu.memory_space<hbm>>
        tpu.enqueue_indirect_dma source(%dma_start3A_665 : memref<20000x64xf32, #tpu.memory_space<hbm>>) target(%dma_start3A_659 : memref<128x64xf32, #tpu.memory_space<vmem>>) offsets(%dma_start3A_662 : memref<128xi32, #tpu.memory_space<vmem>>) semaphore(%arg9 : memref<!tpu.dma_semaphore, #tpu.memory_space<semaphore_mem>>)
        %dma_start3A_666 = arith.constant 0 : i32
        %dma_start3A_667 = arith.constant 2 : i32
        %dma_start3A_668 = arith.constant 0 : i32
        %dma_start3A_669 = arith.constant 0 : i32
        %dma_start3A_670 = arith.constant 2 : i32
        %dma_start3A_671 = arith.constant 0 : i32
        %dma_start3A_672 = arith.constant 0 : i32
        %dma_start3A_673 = tpu.memref_slice %arg7[%dma_start3A_669, %dma_start3A_670, %dma_start3A_671, %dma_start3A_672] : memref<2x5x128x64xf32, #tpu.memory_space<vmem>> -> memref<1x1x128x64xf32, #tpu.memory_space<vmem>>
        %dma_start3A_674 = tpu.memref_squeeze %dma_start3A_673 : memref<1x1x128x64xf32, #tpu.memory_space<vmem>> -> memref<128x64xf32, #tpu.memory_space<vmem>>
        %dma_start3A_675 = arith.constant 0 : i32
        %dma_start3A_676 = tpu.memref_slice %arg6[%dma_start3A_666, %dma_start3A_667, %dma_start3A_668, %dma_start3A_675] : memref<2x5x2x128xi32, #tpu.memory_space<vmem>> -> memref<1x1x1x128xi32, #tpu.memory_space<vmem>>
        %dma_start3A_677 = tpu.memref_squeeze %dma_start3A_676 : memref<1x1x1x128xi32, #tpu.memory_space<vmem>> -> memref<128xi32, #tpu.memory_space<vmem>>
        %dma_start3A_678 = arith.constant 0 : i32
        %dma_start3A_679 = arith.constant 0 : i32
        %dma_start3A_680 = tpu.memref_slice %arg2[%dma_start3A_678, %dma_start3A_679] : memref<20000x64xf32, #tpu.memory_space<hbm>> -> memref<20000x64xf32, #tpu.memory_space<hbm>>
        tpu.enqueue_indirect_dma source(%dma_start3A_680 : memref<20000x64xf32, #tpu.memory_space<hbm>>) target(%dma_start3A_674 : memref<128x64xf32, #tpu.memory_space<vmem>>) offsets(%dma_start3A_677 : memref<128xi32, #tpu.memory_space<vmem>>) semaphore(%arg9 : memref<!tpu.dma_semaphore, #tpu.memory_space<semaphore_mem>>)
        %dma_start3A_681 = arith.constant 0 : i32
        %dma_start3A_682 = arith.constant 3 : i32
        %dma_start3A_683 = arith.constant 0 : i32
        %dma_start3A_684 = arith.constant 0 : i32
        %dma_start3A_685 = arith.constant 3 : i32
        %dma_start3A_686 = arith.constant 0 : i32
        %dma_start3A_687 = arith.constant 0 : i32
        %dma_start3A_688 = tpu.memref_slice %arg7[%dma_start3A_684, %dma_start3A_685, %dma_start3A_686, %dma_start3A_687] : memref<2x5x128x64xf32, #tpu.memory_space<vmem>> -> memref<1x1x128x64xf32, #tpu.memory_space<vmem>>
        %dma_start3A_689 = tpu.memref_squeeze %dma_start3A_688 : memref<1x1x128x64xf32, #tpu.memory_space<vmem>> -> memref<128x64xf32, #tpu.memory_space<vmem>>
        %dma_start3A_690 = arith.constant 0 : i32
        %dma_start3A_691 = tpu.memref_slice %arg6[%dma_start3A_681, %dma_start3A_682, %dma_start3A_683, %dma_start3A_690] : memref<2x5x2x128xi32, #tpu.memory_space<vmem>> -> memref<1x1x1x128xi32, #tpu.memory_space<vmem>>
        %dma_start3A_692 = tpu.memref_squeeze %dma_start3A_691 : memref<1x1x1x128xi32, #tpu.memory_space<vmem>> -> memref<128xi32, #tpu.memory_space<vmem>>
        %dma_start3A_693 = arith.constant 0 : i32
        %dma_start3A_694 = arith.constant 0 : i32
        %dma_start3A_695 = tpu.memref_slice %arg2[%dma_start3A_693, %dma_start3A_694] : memref<20000x64xf32, #tpu.memory_space<hbm>> -> memref<20000x64xf32, #tpu.memory_space<hbm>>
        tpu.enqueue_indirect_dma source(%dma_start3A_695 : memref<20000x64xf32, #tpu.memory_space<hbm>>) target(%dma_start3A_689 : memref<128x64xf32, #tpu.memory_space<vmem>>) offsets(%dma_start3A_692 : memref<128xi32, #tpu.memory_space<vmem>>) semaphore(%arg9 : memref<!tpu.dma_semaphore, #tpu.memory_space<semaphore_mem>>)
        %dma_start3A_696 = arith.constant 0 : i32
        %dma_start3A_697 = arith.constant 4 : i32
        %dma_start3A_698 = arith.constant 0 : i32
        %dma_start3A_699 = arith.constant 0 : i32
        %dma_start3A_700 = arith.constant 4 : i32
        %dma_start3A_701 = arith.constant 0 : i32
        %dma_start3A_702 = arith.constant 0 : i32
        %dma_start3A_703 = tpu.memref_slice %arg7[%dma_start3A_699, %dma_start3A_700, %dma_start3A_701, %dma_start3A_702] : memref<2x5x128x64xf32, #tpu.memory_space<vmem>> -> memref<1x1x128x64xf32, #tpu.memory_space<vmem>>
        %dma_start3A_704 = tpu.memref_squeeze %dma_start3A_703 : memref<1x1x128x64xf32, #tpu.memory_space<vmem>> -> memref<128x64xf32, #tpu.memory_space<vmem>>
        %dma_start3A_705 = arith.constant 0 : i32
        %dma_start3A_706 = tpu.memref_slice %arg6[%dma_start3A_696, %dma_start3A_697, %dma_start3A_698, %dma_start3A_705] : memref<2x5x2x128xi32, #tpu.memory_space<vmem>> -> memref<1x1x1x128xi32, #tpu.memory_space<vmem>>
        %dma_start3A_707 = tpu.memref_squeeze %dma_start3A_706 : memref<1x1x1x128xi32, #tpu.memory_space<vmem>> -> memref<128xi32, #tpu.memory_space<vmem>>
        %dma_start3A_708 = arith.constant 0 : i32
        %dma_start3A_709 = arith.constant 0 : i32
        %dma_start3A_710 = tpu.memref_slice %arg2[%dma_start3A_708, %dma_start3A_709] : memref<20000x64xf32, #tpu.memory_space<hbm>> -> memref<20000x64xf32, #tpu.memory_space<hbm>>
        tpu.enqueue_indirect_dma source(%dma_start3A_710 : memref<20000x64xf32, #tpu.memory_space<hbm>>) target(%dma_start3A_704 : memref<128x64xf32, #tpu.memory_space<vmem>>) offsets(%dma_start3A_707 : memref<128xi32, #tpu.memory_space<vmem>>) semaphore(%arg9 : memref<!tpu.dma_semaphore, #tpu.memory_space<semaphore_mem>>)
      } else {
      }
      %dma_wait3A_553 = arith.constant 1 : i32
      %dma_wait3A_554 = arith.constant 0 : i32
      %dma_wait3A_555 = arith.constant 1 : i32
      %dma_wait3A_556 = arith.constant 0 : i32
      %dma_wait3A_557 = arith.constant 1 : i32
      %dma_wait3A_558 = arith.constant 0 : i32
      %dma_wait3A_559 = arith.constant 0 : i32
      %dma_wait3A_560 = tpu.memref_slice %arg7[%dma_wait3A_553, %dma_wait3A_554, %dma_wait3A_558, %dma_wait3A_559] : memref<2x5x128x64xf32, #tpu.memory_space<vmem>> -> memref<1x1x128x64xf32, #tpu.memory_space<vmem>>
      %dma_wait3A_561 = tpu.memref_squeeze %dma_wait3A_560 : memref<1x1x128x64xf32, #tpu.memory_space<vmem>> -> memref<128x64xf32, #tpu.memory_space<vmem>>
      %dma_wait3A_562 = arith.constant 0 : i32
      %dma_wait3A_563 = tpu.memref_slice %arg6[%dma_wait3A_555, %dma_wait3A_556, %dma_wait3A_557, %dma_wait3A_562] : memref<2x5x2x128xi32, #tpu.memory_space<vmem>> -> memref<1x1x1x128xi32, #tpu.memory_space<vmem>>
      %dma_wait3A_564 = tpu.memref_squeeze %dma_wait3A_563 : memref<1x1x1x128xi32, #tpu.memory_space<vmem>> -> memref<128xi32, #tpu.memory_space<vmem>>
      %dma_wait3A_565 = arith.constant 0 : i32
      %dma_wait3A_566 = arith.constant 0 : i32
      %dma_wait3A_567 = tpu.memref_slice %arg8[%dma_wait3A_565, %dma_wait3A_566] : memref<10240x64xf32, #tpu.memory_space<vmem_shared>> -> memref<10240x64xf32, #tpu.memory_space<vmem_shared>>
      tpu.wait_indirect_dma semaphore(%arg12 : memref<!tpu.dma_semaphore, #tpu.memory_space<semaphore_mem>>) src(%dma_wait3A_561 : memref<128x64xf32, #tpu.memory_space<vmem>>) dst(%dma_wait3A_567 : memref<10240x64xf32, #tpu.memory_space<vmem_shared>>)
      %dma_wait3A_568 = arith.constant 1 : i32
      %dma_wait3A_569 = arith.constant 1 : i32
      %dma_wait3A_570 = arith.constant 1 : i32
      %dma_wait3A_571 = arith.constant 1 : i32
      %dma_wait3A_572 = arith.constant 1 : i32
      %dma_wait3A_573 = arith.constant 0 : i32
      %dma_wait3A_574 = arith.constant 0 : i32
      %dma_wait3A_575 = tpu.memref_slice %arg7[%dma_wait3A_568, %dma_wait3A_569, %dma_wait3A_573, %dma_wait3A_574] : memref<2x5x128x64xf32, #tpu.memory_space<vmem>> -> memref<1x1x128x64xf32, #tpu.memory_space<vmem>>
      %dma_wait3A_576 = tpu.memref_squeeze %dma_wait3A_575 : memref<1x1x128x64xf32, #tpu.memory_space<vmem>> -> memref<128x64xf32, #tpu.memory_space<vmem>>
      %dma_wait3A_577 = arith.constant 0 : i32
      %dma_wait3A_578 = tpu.memref_slice %arg6[%dma_wait3A_570, %dma_wait3A_571, %dma_wait3A_572, %dma_wait3A_577] : memref<2x5x2x128xi32, #tpu.memory_space<vmem>> -> memref<1x1x1x128xi32, #tpu.memory_space<vmem>>
      %dma_wait3A_579 = tpu.memref_squeeze %dma_wait3A_578 : memref<1x1x1x128xi32, #tpu.memory_space<vmem>> -> memref<128xi32, #tpu.memory_space<vmem>>
      %dma_wait3A_580 = arith.constant 0 : i32
      %dma_wait3A_581 = arith.constant 0 : i32
      %dma_wait3A_582 = tpu.memref_slice %arg8[%dma_wait3A_580, %dma_wait3A_581] : memref<10240x64xf32, #tpu.memory_space<vmem_shared>> -> memref<10240x64xf32, #tpu.memory_space<vmem_shared>>
      tpu.wait_indirect_dma semaphore(%arg12 : memref<!tpu.dma_semaphore, #tpu.memory_space<semaphore_mem>>) src(%dma_wait3A_576 : memref<128x64xf32, #tpu.memory_space<vmem>>) dst(%dma_wait3A_582 : memref<10240x64xf32, #tpu.memory_space<vmem_shared>>)
      %dma_wait3A_583 = arith.constant 1 : i32
      %dma_wait3A_584 = arith.constant 2 : i32
      %dma_wait3A_585 = arith.constant 1 : i32
      %dma_wait3A_586 = arith.constant 2 : i32
      %dma_wait3A_587 = arith.constant 1 : i32
      %dma_wait3A_588 = arith.constant 0 : i32
      %dma_wait3A_589 = arith.constant 0 : i32
      %dma_wait3A_590 = tpu.memref_slice %arg7[%dma_wait3A_583, %dma_wait3A_584, %dma_wait3A_588, %dma_wait3A_589] : memref<2x5x128x64xf32, #tpu.memory_space<vmem>> -> memref<1x1x128x64xf32, #tpu.memory_space<vmem>>
      %dma_wait3A_591 = tpu.memref_squeeze %dma_wait3A_590 : memref<1x1x128x64xf32, #tpu.memory_space<vmem>> -> memref<128x64xf32, #tpu.memory_space<vmem>>
      %dma_wait3A_592 = arith.constant 0 : i32
      %dma_wait3A_593 = tpu.memref_slice %arg6[%dma_wait3A_585, %dma_wait3A_586, %dma_wait3A_587, %dma_wait3A_592] : memref<2x5x2x128xi32, #tpu.memory_space<vmem>> -> memref<1x1x1x128xi32, #tpu.memory_space<vmem>>
      %dma_wait3A_594 = tpu.memref_squeeze %dma_wait3A_593 : memref<1x1x1x128xi32, #tpu.memory_space<vmem>> -> memref<128xi32, #tpu.memory_space<vmem>>
      %dma_wait3A_595 = arith.constant 0 : i32
      %dma_wait3A_596 = arith.constant 0 : i32
      %dma_wait3A_597 = tpu.memref_slice %arg8[%dma_wait3A_595, %dma_wait3A_596] : memref<10240x64xf32, #tpu.memory_space<vmem_shared>> -> memref<10240x64xf32, #tpu.memory_space<vmem_shared>>
      tpu.wait_indirect_dma semaphore(%arg12 : memref<!tpu.dma_semaphore, #tpu.memory_space<semaphore_mem>>) src(%dma_wait3A_591 : memref<128x64xf32, #tpu.memory_space<vmem>>) dst(%dma_wait3A_597 : memref<10240x64xf32, #tpu.memory_space<vmem_shared>>)
      %dma_wait3A_598 = arith.constant 1 : i32
      %dma_wait3A_599 = arith.constant 3 : i32
      %dma_wait3A_600 = arith.constant 1 : i32
      %dma_wait3A_601 = arith.constant 3 : i32
      %dma_wait3A_602 = arith.constant 1 : i32
      %dma_wait3A_603 = arith.constant 0 : i32
      %dma_wait3A_604 = arith.constant 0 : i32
      %dma_wait3A_605 = tpu.memref_slice %arg7[%dma_wait3A_598, %dma_wait3A_599, %dma_wait3A_603, %dma_wait3A_604] : memref<2x5x128x64xf32, #tpu.memory_space<vmem>> -> memref<1x1x128x64xf32, #tpu.memory_space<vmem>>
      %dma_wait3A_606 = tpu.memref_squeeze %dma_wait3A_605 : memref<1x1x128x64xf32, #tpu.memory_space<vmem>> -> memref<128x64xf32, #tpu.memory_space<vmem>>
      %dma_wait3A_607 = arith.constant 0 : i32
      %dma_wait3A_608 = tpu.memref_slice %arg6[%dma_wait3A_600, %dma_wait3A_601, %dma_wait3A_602, %dma_wait3A_607] : memref<2x5x2x128xi32, #tpu.memory_space<vmem>> -> memref<1x1x1x128xi32, #tpu.memory_space<vmem>>
      %dma_wait3A_609 = tpu.memref_squeeze %dma_wait3A_608 : memref<1x1x1x128xi32, #tpu.memory_space<vmem>> -> memref<128xi32, #tpu.memory_space<vmem>>
      %dma_wait3A_610 = arith.constant 0 : i32
      %dma_wait3A_611 = arith.constant 0 : i32
      %dma_wait3A_612 = tpu.memref_slice %arg8[%dma_wait3A_610, %dma_wait3A_611] : memref<10240x64xf32, #tpu.memory_space<vmem_shared>> -> memref<10240x64xf32, #tpu.memory_space<vmem_shared>>
      tpu.wait_indirect_dma semaphore(%arg12 : memref<!tpu.dma_semaphore, #tpu.memory_space<semaphore_mem>>) src(%dma_wait3A_606 : memref<128x64xf32, #tpu.memory_space<vmem>>) dst(%dma_wait3A_612 : memref<10240x64xf32, #tpu.memory_space<vmem_shared>>)
      %dma_wait3A_613 = arith.constant 1 : i32
      %dma_wait3A_614 = arith.constant 4 : i32
      %dma_wait3A_615 = arith.constant 1 : i32
      %dma_wait3A_616 = arith.constant 4 : i32
      %dma_wait3A_617 = arith.constant 1 : i32
      %dma_wait3A_618 = arith.constant 0 : i32
      %dma_wait3A_619 = arith.constant 0 : i32
      %dma_wait3A_620 = tpu.memref_slice %arg7[%dma_wait3A_613, %dma_wait3A_614, %dma_wait3A_618, %dma_wait3A_619] : memref<2x5x128x64xf32, #tpu.memory_space<vmem>> -> memref<1x1x128x64xf32, #tpu.memory_space<vmem>>
      %dma_wait3A_621 = tpu.memref_squeeze %dma_wait3A_620 : memref<1x1x128x64xf32, #tpu.memory_space<vmem>> -> memref<128x64xf32, #tpu.memory_space<vmem>>
      %dma_wait3A_622 = arith.constant 0 : i32
      %dma_wait3A_623 = tpu.memref_slice %arg6[%dma_wait3A_615, %dma_wait3A_616, %dma_wait3A_617, %dma_wait3A_622] : memref<2x5x2x128xi32, #tpu.memory_space<vmem>> -> memref<1x1x1x128xi32, #tpu.memory_space<vmem>>
      %dma_wait3A_624 = tpu.memref_squeeze %dma_wait3A_623 : memref<1x1x1x128xi32, #tpu.memory_space<vmem>> -> memref<128xi32, #tpu.memory_space<vmem>>
      %dma_wait3A_625 = arith.constant 0 : i32
      %dma_wait3A_626 = arith.constant 0 : i32
      %dma_wait3A_627 = tpu.memref_slice %arg8[%dma_wait3A_625, %dma_wait3A_626] : memref<10240x64xf32, #tpu.memory_space<vmem_shared>> -> memref<10240x64xf32, #tpu.memory_space<vmem_shared>>
      tpu.wait_indirect_dma semaphore(%arg12 : memref<!tpu.dma_semaphore, #tpu.memory_space<semaphore_mem>>) src(%dma_wait3A_621 : memref<128x64xf32, #tpu.memory_space<vmem>>) dst(%dma_wait3A_627 : memref<10240x64xf32, #tpu.memory_space<vmem_shared>>)
    }
    %scan3A_83 = arith.constant 16 : i32
    %barrier3A_84 = arith.constant 0 : index
    tpu.barrier barrier_id(%barrier3A_84)
    %lt3A = arith.constant 15 : i32
    %lt3A_85 = arith.cmpi slt, %arg1, %lt3A : i32
    %convert_element_type3A = arith.extui %lt3A_85 : i1 to i32
    %cond3A = arith.constant 0 : i32
    %cond3A_86 = arith.cmpi ne, %convert_element_type3A, %cond3A : i32
    scf.if %cond3A_86 {
      %mul3A_91 = arith.constant 640 : i32
      %mul3A_92 = arith.muli %mul3A_91, %arg1 : i32
      "tpu.region"() ({
        %run_scoped3A_93 = tpu.sem_alloc : memref<!tpu.dma_semaphore, #tpu.memory_space<semaphore_mem>>
        %dma_start3A_94 = tpu.memref_slice %arg5[%mul3A_92, %mul3A_0] : memref<10000x128xf32, #tpu.memory_space<hbm>> -> memref<640x64xf32, #tpu.memory_space<hbm>>
        %dma_start3A_95 = arith.constant 0 : i32
        %dma_start3A_96 = tpu.memref_slice %arg8[%mul3A_92, %dma_start3A_95] : memref<10240x64xf32, #tpu.memory_space<vmem_shared>> -> memref<640x64xf32, #tpu.memory_space<vmem_shared>>
        tpu.enqueue_dma source(%dma_start3A_96 : memref<640x64xf32, #tpu.memory_space<vmem_shared>>) target(%dma_start3A_94 : memref<640x64xf32, #tpu.memory_space<hbm>>) target_semaphore(%run_scoped3A_93 : memref<!tpu.dma_semaphore, #tpu.memory_space<semaphore_mem>>)
        %dma_wait3A = tpu.memref_slice %arg5[%mul3A_92, %mul3A_0] : memref<10000x128xf32, #tpu.memory_space<hbm>> -> memref<640x64xf32, #tpu.memory_space<hbm>>
        %dma_wait3A_97 = arith.constant 0 : i32
        %dma_wait3A_98 = tpu.memref_slice %arg8[%mul3A_92, %dma_wait3A_97] : memref<10240x64xf32, #tpu.memory_space<vmem_shared>> -> memref<640x64xf32, #tpu.memory_space<vmem_shared>>
        tpu.wait_dma2 semaphore(%run_scoped3A_93 : memref<!tpu.dma_semaphore, #tpu.memory_space<semaphore_mem>>) src(%dma_wait3A_98 : memref<640x64xf32, #tpu.memory_space<vmem_shared>>) dst(%dma_wait3A : memref<640x64xf32, #tpu.memory_space<hbm>>)
        tpu.yield
      }) : () -> ()
    } else {
    }
    %eq3A = arith.constant 15 : i32
    %eq3A_87 = arith.cmpi eq, %arg1, %eq3A : i32
    %convert_element_type3A_88 = arith.extui %eq3A_87 : i1 to i32
    %cond3A_89 = arith.constant 0 : i32
    %cond3A_90 = arith.cmpi ne, %convert_element_type3A_88, %cond3A_89 : i32
    scf.if %cond3A_90 {
      "tpu.region"() ({
        %run_scoped3A_91 = tpu.sem_alloc : memref<!tpu.dma_semaphore, #tpu.memory_space<semaphore_mem>>
        %dma_start3A_92 = arith.constant 9600 : i32
        %dma_start3A_93 = tpu.memref_slice %arg5[%dma_start3A_92, %mul3A_0] : memref<10000x128xf32, #tpu.memory_space<hbm>> -> memref<400x64xf32, #tpu.memory_space<hbm>>
        %dma_start3A_94 = arith.constant 9600 : i32
        %dma_start3A_95 = arith.constant 0 : i32
        %dma_start3A_96 = tpu.memref_slice %arg8[%dma_start3A_94, %dma_start3A_95] : memref<10240x64xf32, #tpu.memory_space<vmem_shared>> -> memref<400x64xf32, #tpu.memory_space<vmem_shared>>
        tpu.enqueue_dma source(%dma_start3A_96 : memref<400x64xf32, #tpu.memory_space<vmem_shared>>) target(%dma_start3A_93 : memref<400x64xf32, #tpu.memory_space<hbm>>) target_semaphore(%run_scoped3A_91 : memref<!tpu.dma_semaphore, #tpu.memory_space<semaphore_mem>>)
        %dma_wait3A = arith.constant 9600 : i32
        %dma_wait3A_97 = tpu.memref_slice %arg5[%dma_wait3A, %mul3A_0] : memref<10000x128xf32, #tpu.memory_space<hbm>> -> memref<400x64xf32, #tpu.memory_space<hbm>>
        %dma_wait3A_98 = arith.constant 9600 : i32
        %dma_wait3A_99 = arith.constant 0 : i32
        %dma_wait3A_100 = tpu.memref_slice %arg8[%dma_wait3A_98, %dma_wait3A_99] : memref<10240x64xf32, #tpu.memory_space<vmem_shared>> -> memref<400x64xf32, #tpu.memory_space<vmem_shared>>
        tpu.wait_dma2 semaphore(%run_scoped3A_91 : memref<!tpu.dma_semaphore, #tpu.memory_space<semaphore_mem>>) src(%dma_wait3A_100 : memref<400x64xf32, #tpu.memory_space<vmem_shared>>) dst(%dma_wait3A_97 : memref<400x64xf32, #tpu.memory_space<hbm>>)
        tpu.yield
      }) : () -> ()
    } else {
    }
    return
  }
}

#map = affine_map<(d0, d1) -> (0, 0)>
#map1 = affine_map<(d0, d1) -> (0, 0, 0, 0)>
module attributes {stable_mosaic.version = 14 : i64} {
  func.func @_sc_prop(%arg0: i32, %arg1: i32, %arg2: memref<20000x64xf32, #tpu.memory_space<hbm>>, %arg3: memref<2x2560x2x128xi32, #tpu.memory_space<hbm>>, %arg4: memref<640x64xf32, #tpu.memory_space<hbm>>, %arg5: memref<10000x128xf32, #tpu.memory_space<hbm>>, %arg6: memref<2x5x2x128xi32, #tpu.memory_space<vmem>>, %arg7: memref<2x5x128x64xf32, #tpu.memory_space<vmem>>, %arg8: memref<10240x64xf32, #tpu.memory_space<vmem_shared>>, %arg9: memref<!tpu.dma_semaphore, #tpu.memory_space<semaphore_mem>>, %arg10: memref<!tpu.dma_semaphore, #tpu.memory_space<semaphore_mem>>, %arg11: memref<!tpu.dma_semaphore, #tpu.memory_space<semaphore_mem>>, %arg12: memref<!tpu.dma_semaphore, #tpu.memory_space<semaphore_mem>>) attributes {dimension_semantics = [#tpu.dimension_semantics<core_parallel>, #tpu.dimension_semantics<subcore_parallel>], iteration_bounds = array<i64: 2, 16>, scalar_prefetch = 0 : i64, scratch_operands = 7 : i64, tpu.core_type = #tpu.core_type<sc_vector_subcore>, window_params = [{transform_indices = #map}, {transform_indices = #map1}, {transform_indices = #map}, {transform_indices = #map}]} {
    %mul3A = arith.constant 64 : i32
    %mul3A_0 = arith.muli %arg0, %mul3A : i32
    %mul3A_1 = arith.constant 640 : i32
    %mul3A_2 = arith.muli %mul3A_1, %arg1 : i32
    "tpu.region"() ({
      %run_scoped3A_91 = tpu.sem_alloc : memref<!tpu.dma_semaphore, #tpu.memory_space<semaphore_mem>>
      %dma_start3A_92 = arith.constant 0 : i32
      %dma_start3A_93 = tpu.memref_slice %arg8[%mul3A_2, %dma_start3A_92] : memref<10240x64xf32, #tpu.memory_space<vmem_shared>> -> memref<640x64xf32, #tpu.memory_space<vmem_shared>>
      tpu.enqueue_dma source(%arg4 : memref<640x64xf32, #tpu.memory_space<hbm>>) target(%dma_start3A_93 : memref<640x64xf32, #tpu.memory_space<vmem_shared>>) target_semaphore(%run_scoped3A_91 : memref<!tpu.dma_semaphore, #tpu.memory_space<semaphore_mem>>)
      %dma_wait3A = arith.constant 0 : i32
      %dma_wait3A_94 = tpu.memref_slice %arg8[%mul3A_2, %dma_wait3A] : memref<10240x64xf32, #tpu.memory_space<vmem_shared>> -> memref<640x64xf32, #tpu.memory_space<vmem_shared>>
      tpu.wait_dma2 semaphore(%run_scoped3A_91 : memref<!tpu.dma_semaphore, #tpu.memory_space<semaphore_mem>>) src(%arg4 : memref<640x64xf32, #tpu.memory_space<hbm>>) dst(%dma_wait3A_94 : memref<640x64xf32, #tpu.memory_space<vmem_shared>>)
      tpu.yield
    }) : () -> ()
    %barrier3A = arith.constant 0 : index
    tpu.barrier barrier_id(%barrier3A)
    %mul3A_3 = arith.constant 160 : i32
    %mul3A_4 = arith.muli %arg1, %mul3A_3 : i32
    %run_scoped3A = arith.constant 0 : i32
    "tpu.region"() ({
      %run_scoped3A_91 = tpu.sem_alloc : memref<!tpu.dma_semaphore, #tpu.memory_space<semaphore_mem>>
      %dma_start3A_92 = arith.constant 0 : i32
      %dma_start3A_93 = arith.constant 0 : i32
      %dma_start3A_94 = arith.constant 0 : i32
      %dma_start3A_95 = tpu.memref_slice %arg6[%run_scoped3A, %dma_start3A_92, %dma_start3A_93, %dma_start3A_94] : memref<2x5x2x128xi32, #tpu.memory_space<vmem>> -> memref<1x5x2x128xi32, #tpu.memory_space<vmem>>
      %dma_start3A_96 = tpu.memref_squeeze %dma_start3A_95 : memref<1x5x2x128xi32, #tpu.memory_space<vmem>> -> memref<5x2x128xi32, #tpu.memory_space<vmem>>
      %dma_start3A_97 = arith.constant 0 : i32
      %dma_start3A_98 = arith.constant 0 : i32
      %dma_start3A_99 = tpu.memref_slice %arg3[%arg0, %mul3A_4, %dma_start3A_97, %dma_start3A_98] : memref<2x2560x2x128xi32, #tpu.memory_space<hbm>> -> memref<1x5x2x128xi32, #tpu.memory_space<hbm>>
      %dma_start3A_100 = tpu.memref_squeeze %dma_start3A_99 : memref<1x5x2x128xi32, #tpu.memory_space<hbm>> -> memref<5x2x128xi32, #tpu.memory_space<hbm>>
      %dma_start3A_101 = arith.constant 0 : i32
      %dma_start3A_102 = arith.constant 0 : i32
      %dma_start3A_103 = arith.constant 0 : i32
      %dma_start3A_104 = tpu.memref_slice %arg6[%run_scoped3A, %dma_start3A_101, %dma_start3A_102, %dma_start3A_103] : memref<2x5x2x128xi32, #tpu.memory_space<vmem>> -> memref<1x5x2x128xi32, #tpu.memory_space<vmem>>
      %dma_start3A_105 = tpu.memref_squeeze %dma_start3A_104 : memref<1x5x2x128xi32, #tpu.memory_space<vmem>> -> memref<5x2x128xi32, #tpu.memory_space<vmem>>
      %dma_start3A_106 = arith.constant 0 : i32
      %dma_start3A_107 = arith.constant 0 : i32
      %dma_start3A_108 = tpu.memref_slice %arg3[%arg0, %mul3A_4, %dma_start3A_106, %dma_start3A_107] : memref<2x2560x2x128xi32, #tpu.memory_space<hbm>> -> memref<1x5x2x128xi32, #tpu.memory_space<hbm>>
      %dma_start3A_109 = tpu.memref_squeeze %dma_start3A_108 : memref<1x5x2x128xi32, #tpu.memory_space<hbm>> -> memref<5x2x128xi32, #tpu.memory_space<hbm>>
      tpu.enqueue_dma source(%dma_start3A_109 : memref<5x2x128xi32, #tpu.memory_space<hbm>>) target(%dma_start3A_105 : memref<5x2x128xi32, #tpu.memory_space<vmem>>) target_semaphore(%run_scoped3A_91 : memref<!tpu.dma_semaphore, #tpu.memory_space<semaphore_mem>>)
      %dma_wait3A = arith.constant 0 : i32
      %dma_wait3A_110 = arith.constant 0 : i32
      %dma_wait3A_111 = arith.constant 0 : i32
      %dma_wait3A_112 = tpu.memref_slice %arg6[%run_scoped3A, %dma_wait3A, %dma_wait3A_110, %dma_wait3A_111] : memref<2x5x2x128xi32, #tpu.memory_space<vmem>> -> memref<1x5x2x128xi32, #tpu.memory_space<vmem>>
      %dma_wait3A_113 = tpu.memref_squeeze %dma_wait3A_112 : memref<1x5x2x128xi32, #tpu.memory_space<vmem>> -> memref<5x2x128xi32, #tpu.memory_space<vmem>>
      %dma_wait3A_114 = arith.constant 0 : i32
      %dma_wait3A_115 = arith.constant 0 : i32
      %dma_wait3A_116 = tpu.memref_slice %arg3[%arg0, %mul3A_4, %dma_wait3A_114, %dma_wait3A_115] : memref<2x2560x2x128xi32, #tpu.memory_space<hbm>> -> memref<1x5x2x128xi32, #tpu.memory_space<hbm>>
      %dma_wait3A_117 = tpu.memref_squeeze %dma_wait3A_116 : memref<1x5x2x128xi32, #tpu.memory_space<hbm>> -> memref<5x2x128xi32, #tpu.memory_space<hbm>>
      %dma_wait3A_118 = arith.constant 0 : i32
      %dma_wait3A_119 = arith.constant 0 : i32
      %dma_wait3A_120 = arith.constant 0 : i32
      %dma_wait3A_121 = tpu.memref_slice %arg6[%run_scoped3A, %dma_wait3A_118, %dma_wait3A_119, %dma_wait3A_120] : memref<2x5x2x128xi32, #tpu.memory_space<vmem>> -> memref<1x5x2x128xi32, #tpu.memory_space<vmem>>
      %dma_wait3A_122 = tpu.memref_squeeze %dma_wait3A_121 : memref<1x5x2x128xi32, #tpu.memory_space<vmem>> -> memref<5x2x128xi32, #tpu.memory_space<vmem>>
      %dma_wait3A_123 = arith.constant 0 : i32
      %dma_wait3A_124 = arith.constant 0 : i32
      %dma_wait3A_125 = tpu.memref_slice %arg3[%arg0, %mul3A_4, %dma_wait3A_123, %dma_wait3A_124] : memref<2x2560x2x128xi32, #tpu.memory_space<hbm>> -> memref<1x5x2x128xi32, #tpu.memory_space<hbm>>
      %dma_wait3A_126 = tpu.memref_squeeze %dma_wait3A_125 : memref<1x5x2x128xi32, #tpu.memory_space<hbm>> -> memref<5x2x128xi32, #tpu.memory_space<hbm>>
      tpu.wait_dma2 semaphore(%run_scoped3A_91 : memref<!tpu.dma_semaphore, #tpu.memory_space<semaphore_mem>>) src(%dma_wait3A_126 : memref<5x2x128xi32, #tpu.memory_space<hbm>>) dst(%dma_wait3A_122 : memref<5x2x128xi32, #tpu.memory_space<vmem>>)
      tpu.yield
    }) : () -> ()
    %dma_start3A = arith.constant 0 : i32
    %dma_start3A_5 = arith.constant 0 : i32
    %dma_start3A_6 = arith.constant 0 : i32
    %dma_start3A_7 = arith.constant 0 : i32
    %dma_start3A_8 = arith.constant 0 : i32
    %dma_start3A_9 = arith.constant 0 : i32
    %dma_start3A_10 = arith.constant 0 : i32
    %dma_start3A_11 = tpu.memref_slice %arg7[%dma_start3A_7, %dma_start3A_8, %dma_start3A_9, %dma_start3A_10] : memref<2x5x128x64xf32, #tpu.memory_space<vmem>> -> memref<1x1x128x64xf32, #tpu.memory_space<vmem>>
    %dma_start3A_12 = tpu.memref_squeeze %dma_start3A_11 : memref<1x1x128x64xf32, #tpu.memory_space<vmem>> -> memref<128x64xf32, #tpu.memory_space<vmem>>
    %dma_start3A_13 = arith.constant 0 : i32
    %dma_start3A_14 = tpu.memref_slice %arg6[%dma_start3A, %dma_start3A_5, %dma_start3A_6, %dma_start3A_13] : memref<2x5x2x128xi32, #tpu.memory_space<vmem>> -> memref<1x1x1x128xi32, #tpu.memory_space<vmem>>
    %dma_start3A_15 = tpu.memref_squeeze %dma_start3A_14 : memref<1x1x1x128xi32, #tpu.memory_space<vmem>> -> memref<128xi32, #tpu.memory_space<vmem>>
    %dma_start3A_16 = arith.constant 0 : i32
    %dma_start3A_17 = arith.constant 0 : i32
    %dma_start3A_18 = tpu.memref_slice %arg2[%dma_start3A_16, %dma_start3A_17] : memref<20000x64xf32, #tpu.memory_space<hbm>> -> memref<20000x64xf32, #tpu.memory_space<hbm>>
    tpu.enqueue_indirect_dma source(%dma_start3A_18 : memref<20000x64xf32, #tpu.memory_space<hbm>>) target(%dma_start3A_12 : memref<128x64xf32, #tpu.memory_space<vmem>>) offsets(%dma_start3A_15 : memref<128xi32, #tpu.memory_space<vmem>>) semaphore(%arg9 : memref<!tpu.dma_semaphore, #tpu.memory_space<semaphore_mem>>)
    %dma_start3A_19 = arith.constant 0 : i32
    %dma_start3A_20 = arith.constant 1 : i32
    %dma_start3A_21 = arith.constant 0 : i32
    %dma_start3A_22 = arith.constant 0 : i32
    %dma_start3A_23 = arith.constant 1 : i32
    %dma_start3A_24 = arith.constant 0 : i32
    %dma_start3A_25 = arith.constant 0 : i32
    %dma_start3A_26 = tpu.memref_slice %arg7[%dma_start3A_22, %dma_start3A_23, %dma_start3A_24, %dma_start3A_25] : memref<2x5x128x64xf32, #tpu.memory_space<vmem>> -> memref<1x1x128x64xf32, #tpu.memory_space<vmem>>
    %dma_start3A_27 = tpu.memref_squeeze %dma_start3A_26 : memref<1x1x128x64xf32, #tpu.memory_space<vmem>> -> memref<128x64xf32, #tpu.memory_space<vmem>>
    %dma_start3A_28 = arith.constant 0 : i32
    %dma_start3A_29 = tpu.memref_slice %arg6[%dma_start3A_19, %dma_start3A_20, %dma_start3A_21, %dma_start3A_28] : memref<2x5x2x128xi32, #tpu.memory_space<vmem>> -> memref<1x1x1x128xi32, #tpu.memory_space<vmem>>
    %dma_start3A_30 = tpu.memref_squeeze %dma_start3A_29 : memref<1x1x1x128xi32, #tpu.memory_space<vmem>> -> memref<128xi32, #tpu.memory_space<vmem>>
    %dma_start3A_31 = arith.constant 0 : i32
    %dma_start3A_32 = arith.constant 0 : i32
    %dma_start3A_33 = tpu.memref_slice %arg2[%dma_start3A_31, %dma_start3A_32] : memref<20000x64xf32, #tpu.memory_space<hbm>> -> memref<20000x64xf32, #tpu.memory_space<hbm>>
    tpu.enqueue_indirect_dma source(%dma_start3A_33 : memref<20000x64xf32, #tpu.memory_space<hbm>>) target(%dma_start3A_27 : memref<128x64xf32, #tpu.memory_space<vmem>>) offsets(%dma_start3A_30 : memref<128xi32, #tpu.memory_space<vmem>>) semaphore(%arg9 : memref<!tpu.dma_semaphore, #tpu.memory_space<semaphore_mem>>)
    %dma_start3A_34 = arith.constant 0 : i32
    %dma_start3A_35 = arith.constant 2 : i32
    %dma_start3A_36 = arith.constant 0 : i32
    %dma_start3A_37 = arith.constant 0 : i32
    %dma_start3A_38 = arith.constant 2 : i32
    %dma_start3A_39 = arith.constant 0 : i32
    %dma_start3A_40 = arith.constant 0 : i32
    %dma_start3A_41 = tpu.memref_slice %arg7[%dma_start3A_37, %dma_start3A_38, %dma_start3A_39, %dma_start3A_40] : memref<2x5x128x64xf32, #tpu.memory_space<vmem>> -> memref<1x1x128x64xf32, #tpu.memory_space<vmem>>
    %dma_start3A_42 = tpu.memref_squeeze %dma_start3A_41 : memref<1x1x128x64xf32, #tpu.memory_space<vmem>> -> memref<128x64xf32, #tpu.memory_space<vmem>>
    %dma_start3A_43 = arith.constant 0 : i32
    %dma_start3A_44 = tpu.memref_slice %arg6[%dma_start3A_34, %dma_start3A_35, %dma_start3A_36, %dma_start3A_43] : memref<2x5x2x128xi32, #tpu.memory_space<vmem>> -> memref<1x1x1x128xi32, #tpu.memory_space<vmem>>
    %dma_start3A_45 = tpu.memref_squeeze %dma_start3A_44 : memref<1x1x1x128xi32, #tpu.memory_space<vmem>> -> memref<128xi32, #tpu.memory_space<vmem>>
    %dma_start3A_46 = arith.constant 0 : i32
    %dma_start3A_47 = arith.constant 0 : i32
    %dma_start3A_48 = tpu.memref_slice %arg2[%dma_start3A_46, %dma_start3A_47] : memref<20000x64xf32, #tpu.memory_space<hbm>> -> memref<20000x64xf32, #tpu.memory_space<hbm>>
    tpu.enqueue_indirect_dma source(%dma_start3A_48 : memref<20000x64xf32, #tpu.memory_space<hbm>>) target(%dma_start3A_42 : memref<128x64xf32, #tpu.memory_space<vmem>>) offsets(%dma_start3A_45 : memref<128xi32, #tpu.memory_space<vmem>>) semaphore(%arg9 : memref<!tpu.dma_semaphore, #tpu.memory_space<semaphore_mem>>)
    %dma_start3A_49 = arith.constant 0 : i32
    %dma_start3A_50 = arith.constant 3 : i32
    %dma_start3A_51 = arith.constant 0 : i32
    %dma_start3A_52 = arith.constant 0 : i32
    %dma_start3A_53 = arith.constant 3 : i32
    %dma_start3A_54 = arith.constant 0 : i32
    %dma_start3A_55 = arith.constant 0 : i32
    %dma_start3A_56 = tpu.memref_slice %arg7[%dma_start3A_52, %dma_start3A_53, %dma_start3A_54, %dma_start3A_55] : memref<2x5x128x64xf32, #tpu.memory_space<vmem>> -> memref<1x1x128x64xf32, #tpu.memory_space<vmem>>
    %dma_start3A_57 = tpu.memref_squeeze %dma_start3A_56 : memref<1x1x128x64xf32, #tpu.memory_space<vmem>> -> memref<128x64xf32, #tpu.memory_space<vmem>>
    %dma_start3A_58 = arith.constant 0 : i32
    %dma_start3A_59 = tpu.memref_slice %arg6[%dma_start3A_49, %dma_start3A_50, %dma_start3A_51, %dma_start3A_58] : memref<2x5x2x128xi32, #tpu.memory_space<vmem>> -> memref<1x1x1x128xi32, #tpu.memory_space<vmem>>
    %dma_start3A_60 = tpu.memref_squeeze %dma_start3A_59 : memref<1x1x1x128xi32, #tpu.memory_space<vmem>> -> memref<128xi32, #tpu.memory_space<vmem>>
    %dma_start3A_61 = arith.constant 0 : i32
    %dma_start3A_62 = arith.constant 0 : i32
    %dma_start3A_63 = tpu.memref_slice %arg2[%dma_start3A_61, %dma_start3A_62] : memref<20000x64xf32, #tpu.memory_space<hbm>> -> memref<20000x64xf32, #tpu.memory_space<hbm>>
    tpu.enqueue_indirect_dma source(%dma_start3A_63 : memref<20000x64xf32, #tpu.memory_space<hbm>>) target(%dma_start3A_57 : memref<128x64xf32, #tpu.memory_space<vmem>>) offsets(%dma_start3A_60 : memref<128xi32, #tpu.memory_space<vmem>>) semaphore(%arg9 : memref<!tpu.dma_semaphore, #tpu.memory_space<semaphore_mem>>)
    %dma_start3A_64 = arith.constant 0 : i32
    %dma_start3A_65 = arith.constant 4 : i32
    %dma_start3A_66 = arith.constant 0 : i32
    %dma_start3A_67 = arith.constant 0 : i32
    %dma_start3A_68 = arith.constant 4 : i32
    %dma_start3A_69 = arith.constant 0 : i32
    %dma_start3A_70 = arith.constant 0 : i32
    %dma_start3A_71 = tpu.memref_slice %arg7[%dma_start3A_67, %dma_start3A_68, %dma_start3A_69, %dma_start3A_70] : memref<2x5x128x64xf32, #tpu.memory_space<vmem>> -> memref<1x1x128x64xf32, #tpu.memory_space<vmem>>
    %dma_start3A_72 = tpu.memref_squeeze %dma_start3A_71 : memref<1x1x128x64xf32, #tpu.memory_space<vmem>> -> memref<128x64xf32, #tpu.memory_space<vmem>>
    %dma_start3A_73 = arith.constant 0 : i32
    %dma_start3A_74 = tpu.memref_slice %arg6[%dma_start3A_64, %dma_start3A_65, %dma_start3A_66, %dma_start3A_73] : memref<2x5x2x128xi32, #tpu.memory_space<vmem>> -> memref<1x1x1x128xi32, #tpu.memory_space<vmem>>
    %dma_start3A_75 = tpu.memref_squeeze %dma_start3A_74 : memref<1x1x1x128xi32, #tpu.memory_space<vmem>> -> memref<128xi32, #tpu.memory_space<vmem>>
    %dma_start3A_76 = arith.constant 0 : i32
    %dma_start3A_77 = arith.constant 0 : i32
    %dma_start3A_78 = tpu.memref_slice %arg2[%dma_start3A_76, %dma_start3A_77] : memref<20000x64xf32, #tpu.memory_space<hbm>> -> memref<20000x64xf32, #tpu.memory_space<hbm>>
    tpu.enqueue_indirect_dma source(%dma_start3A_78 : memref<20000x64xf32, #tpu.memory_space<hbm>>) target(%dma_start3A_72 : memref<128x64xf32, #tpu.memory_space<vmem>>) offsets(%dma_start3A_75 : memref<128xi32, #tpu.memory_space<vmem>>) semaphore(%arg9 : memref<!tpu.dma_semaphore, #tpu.memory_space<semaphore_mem>>)
    %scan3A = arith.constant 0 : i32
    %scan3A_79 = arith.constant 0 : i32
    %scan3A_80 = arith.constant 16 : i32
    %scan3A_81 = arith.addi %scan3A_79, %scan3A_80 : i32
    %scan3A_82 = arith.constant 1 : i32
    scf.for %scan3A_91 = %scan3A_79 to %scan3A_81 step %scan3A_82  : i32 {
      %dma_wait3A = arith.constant 0 : i32
      %dma_wait3A_92 = arith.constant 0 : i32
      %dma_wait3A_93 = arith.constant 0 : i32
      %dma_wait3A_94 = arith.constant 0 : i32
      %dma_wait3A_95 = arith.constant 0 : i32
      %dma_wait3A_96 = arith.constant 0 : i32
      %dma_wait3A_97 = arith.constant 0 : i32
      %dma_wait3A_98 = tpu.memref_slice %arg7[%dma_wait3A_94, %dma_wait3A_95, %dma_wait3A_96, %dma_wait3A_97] : memref<2x5x128x64xf32, #tpu.memory_space<vmem>> -> memref<1x1x128x64xf32, #tpu.memory_space<vmem>>
      %dma_wait3A_99 = tpu.memref_squeeze %dma_wait3A_98 : memref<1x1x128x64xf32, #tpu.memory_space<vmem>> -> memref<128x64xf32, #tpu.memory_space<vmem>>
      %dma_wait3A_100 = arith.constant 0 : i32
      %dma_wait3A_101 = tpu.memref_slice %arg6[%dma_wait3A, %dma_wait3A_92, %dma_wait3A_93, %dma_wait3A_100] : memref<2x5x2x128xi32, #tpu.memory_space<vmem>> -> memref<1x1x1x128xi32, #tpu.memory_space<vmem>>
      %dma_wait3A_102 = tpu.memref_squeeze %dma_wait3A_101 : memref<1x1x1x128xi32, #tpu.memory_space<vmem>> -> memref<128xi32, #tpu.memory_space<vmem>>
      %dma_wait3A_103 = arith.constant 0 : i32
      %dma_wait3A_104 = arith.constant 0 : i32
      %dma_wait3A_105 = tpu.memref_slice %arg2[%dma_wait3A_103, %dma_wait3A_104] : memref<20000x64xf32, #tpu.memory_space<hbm>> -> memref<20000x64xf32, #tpu.memory_space<hbm>>
      tpu.wait_indirect_dma semaphore(%arg9 : memref<!tpu.dma_semaphore, #tpu.memory_space<semaphore_mem>>) src(%dma_wait3A_105 : memref<20000x64xf32, #tpu.memory_space<hbm>>) dst(%dma_wait3A_99 : memref<128x64xf32, #tpu.memory_space<vmem>>)
      %dma_wait3A_106 = arith.constant 0 : i32
      %dma_wait3A_107 = arith.constant 1 : i32
      %dma_wait3A_108 = arith.constant 0 : i32
      %dma_wait3A_109 = arith.constant 0 : i32
      %dma_wait3A_110 = arith.constant 1 : i32
      %dma_wait3A_111 = arith.constant 0 : i32
      %dma_wait3A_112 = arith.constant 0 : i32
      %dma_wait3A_113 = tpu.memref_slice %arg7[%dma_wait3A_109, %dma_wait3A_110, %dma_wait3A_111, %dma_wait3A_112] : memref<2x5x128x64xf32, #tpu.memory_space<vmem>> -> memref<1x1x128x64xf32, #tpu.memory_space<vmem>>
      %dma_wait3A_114 = tpu.memref_squeeze %dma_wait3A_113 : memref<1x1x128x64xf32, #tpu.memory_space<vmem>> -> memref<128x64xf32, #tpu.memory_space<vmem>>
      %dma_wait3A_115 = arith.constant 0 : i32
      %dma_wait3A_116 = tpu.memref_slice %arg6[%dma_wait3A_106, %dma_wait3A_107, %dma_wait3A_108, %dma_wait3A_115] : memref<2x5x2x128xi32, #tpu.memory_space<vmem>> -> memref<1x1x1x128xi32, #tpu.memory_space<vmem>>
      %dma_wait3A_117 = tpu.memref_squeeze %dma_wait3A_116 : memref<1x1x1x128xi32, #tpu.memory_space<vmem>> -> memref<128xi32, #tpu.memory_space<vmem>>
      %dma_wait3A_118 = arith.constant 0 : i32
      %dma_wait3A_119 = arith.constant 0 : i32
      %dma_wait3A_120 = tpu.memref_slice %arg2[%dma_wait3A_118, %dma_wait3A_119] : memref<20000x64xf32, #tpu.memory_space<hbm>> -> memref<20000x64xf32, #tpu.memory_space<hbm>>
      tpu.wait_indirect_dma semaphore(%arg9 : memref<!tpu.dma_semaphore, #tpu.memory_space<semaphore_mem>>) src(%dma_wait3A_120 : memref<20000x64xf32, #tpu.memory_space<hbm>>) dst(%dma_wait3A_114 : memref<128x64xf32, #tpu.memory_space<vmem>>)
      %dma_wait3A_121 = arith.constant 0 : i32
      %dma_wait3A_122 = arith.constant 2 : i32
      %dma_wait3A_123 = arith.constant 0 : i32
      %dma_wait3A_124 = arith.constant 0 : i32
      %dma_wait3A_125 = arith.constant 2 : i32
      %dma_wait3A_126 = arith.constant 0 : i32
      %dma_wait3A_127 = arith.constant 0 : i32
      %dma_wait3A_128 = tpu.memref_slice %arg7[%dma_wait3A_124, %dma_wait3A_125, %dma_wait3A_126, %dma_wait3A_127] : memref<2x5x128x64xf32, #tpu.memory_space<vmem>> -> memref<1x1x128x64xf32, #tpu.memory_space<vmem>>
      %dma_wait3A_129 = tpu.memref_squeeze %dma_wait3A_128 : memref<1x1x128x64xf32, #tpu.memory_space<vmem>> -> memref<128x64xf32, #tpu.memory_space<vmem>>
      %dma_wait3A_130 = arith.constant 0 : i32
      %dma_wait3A_131 = tpu.memref_slice %arg6[%dma_wait3A_121, %dma_wait3A_122, %dma_wait3A_123, %dma_wait3A_130] : memref<2x5x2x128xi32, #tpu.memory_space<vmem>> -> memref<1x1x1x128xi32, #tpu.memory_space<vmem>>
      %dma_wait3A_132 = tpu.memref_squeeze %dma_wait3A_131 : memref<1x1x1x128xi32, #tpu.memory_space<vmem>> -> memref<128xi32, #tpu.memory_space<vmem>>
      %dma_wait3A_133 = arith.constant 0 : i32
      %dma_wait3A_134 = arith.constant 0 : i32
      %dma_wait3A_135 = tpu.memref_slice %arg2[%dma_wait3A_133, %dma_wait3A_134] : memref<20000x64xf32, #tpu.memory_space<hbm>> -> memref<20000x64xf32, #tpu.memory_space<hbm>>
      tpu.wait_indirect_dma semaphore(%arg9 : memref<!tpu.dma_semaphore, #tpu.memory_space<semaphore_mem>>) src(%dma_wait3A_135 : memref<20000x64xf32, #tpu.memory_space<hbm>>) dst(%dma_wait3A_129 : memref<128x64xf32, #tpu.memory_space<vmem>>)
      %dma_wait3A_136 = arith.constant 0 : i32
      %dma_wait3A_137 = arith.constant 3 : i32
      %dma_wait3A_138 = arith.constant 0 : i32
      %dma_wait3A_139 = arith.constant 0 : i32
      %dma_wait3A_140 = arith.constant 3 : i32
      %dma_wait3A_141 = arith.constant 0 : i32
      %dma_wait3A_142 = arith.constant 0 : i32
      %dma_wait3A_143 = tpu.memref_slice %arg7[%dma_wait3A_139, %dma_wait3A_140, %dma_wait3A_141, %dma_wait3A_142] : memref<2x5x128x64xf32, #tpu.memory_space<vmem>> -> memref<1x1x128x64xf32, #tpu.memory_space<vmem>>
      %dma_wait3A_144 = tpu.memref_squeeze %dma_wait3A_143 : memref<1x1x128x64xf32, #tpu.memory_space<vmem>> -> memref<128x64xf32, #tpu.memory_space<vmem>>
      %dma_wait3A_145 = arith.constant 0 : i32
      %dma_wait3A_146 = tpu.memref_slice %arg6[%dma_wait3A_136, %dma_wait3A_137, %dma_wait3A_138, %dma_wait3A_145] : memref<2x5x2x128xi32, #tpu.memory_space<vmem>> -> memref<1x1x1x128xi32, #tpu.memory_space<vmem>>
      %dma_wait3A_147 = tpu.memref_squeeze %dma_wait3A_146 : memref<1x1x1x128xi32, #tpu.memory_space<vmem>> -> memref<128xi32, #tpu.memory_space<vmem>>
      %dma_wait3A_148 = arith.constant 0 : i32
      %dma_wait3A_149 = arith.constant 0 : i32
      %dma_wait3A_150 = tpu.memref_slice %arg2[%dma_wait3A_148, %dma_wait3A_149] : memref<20000x64xf32, #tpu.memory_space<hbm>> -> memref<20000x64xf32, #tpu.memory_space<hbm>>
      tpu.wait_indirect_dma semaphore(%arg9 : memref<!tpu.dma_semaphore, #tpu.memory_space<semaphore_mem>>) src(%dma_wait3A_150 : memref<20000x64xf32, #tpu.memory_space<hbm>>) dst(%dma_wait3A_144 : memref<128x64xf32, #tpu.memory_space<vmem>>)
      %dma_wait3A_151 = arith.constant 0 : i32
      %dma_wait3A_152 = arith.constant 4 : i32
      %dma_wait3A_153 = arith.constant 0 : i32
      %dma_wait3A_154 = arith.constant 0 : i32
      %dma_wait3A_155 = arith.constant 4 : i32
      %dma_wait3A_156 = arith.constant 0 : i32
      %dma_wait3A_157 = arith.constant 0 : i32
      %dma_wait3A_158 = tpu.memref_slice %arg7[%dma_wait3A_154, %dma_wait3A_155, %dma_wait3A_156, %dma_wait3A_157] : memref<2x5x128x64xf32, #tpu.memory_space<vmem>> -> memref<1x1x128x64xf32, #tpu.memory_space<vmem>>
      %dma_wait3A_159 = tpu.memref_squeeze %dma_wait3A_158 : memref<1x1x128x64xf32, #tpu.memory_space<vmem>> -> memref<128x64xf32, #tpu.memory_space<vmem>>
      %dma_wait3A_160 = arith.constant 0 : i32
      %dma_wait3A_161 = tpu.memref_slice %arg6[%dma_wait3A_151, %dma_wait3A_152, %dma_wait3A_153, %dma_wait3A_160] : memref<2x5x2x128xi32, #tpu.memory_space<vmem>> -> memref<1x1x1x128xi32, #tpu.memory_space<vmem>>
      %dma_wait3A_162 = tpu.memref_squeeze %dma_wait3A_161 : memref<1x1x1x128xi32, #tpu.memory_space<vmem>> -> memref<128xi32, #tpu.memory_space<vmem>>
      %dma_wait3A_163 = arith.constant 0 : i32
      %dma_wait3A_164 = arith.constant 0 : i32
      %dma_wait3A_165 = tpu.memref_slice %arg2[%dma_wait3A_163, %dma_wait3A_164] : memref<20000x64xf32, #tpu.memory_space<hbm>> -> memref<20000x64xf32, #tpu.memory_space<hbm>>
      tpu.wait_indirect_dma semaphore(%arg9 : memref<!tpu.dma_semaphore, #tpu.memory_space<semaphore_mem>>) src(%dma_wait3A_165 : memref<20000x64xf32, #tpu.memory_space<hbm>>) dst(%dma_wait3A_159 : memref<128x64xf32, #tpu.memory_space<vmem>>)
      %dma_start3A_166 = arith.constant 0 : i32
      %dma_start3A_167 = arith.constant 0 : i32
      %dma_start3A_168 = arith.constant 0 : i32
      %dma_start3A_169 = arith.constant 0 : i32
      %dma_start3A_170 = arith.constant 1 : i32
      %dma_start3A_171 = arith.constant 0 : i32
      %dma_start3A_172 = arith.constant 0 : i32
      %dma_start3A_173 = tpu.memref_slice %arg7[%dma_start3A_166, %dma_start3A_167, %dma_start3A_171, %dma_start3A_172] : memref<2x5x128x64xf32, #tpu.memory_space<vmem>> -> memref<1x1x128x64xf32, #tpu.memory_space<vmem>>
      %dma_start3A_174 = tpu.memref_squeeze %dma_start3A_173 : memref<1x1x128x64xf32, #tpu.memory_space<vmem>> -> memref<128x64xf32, #tpu.memory_space<vmem>>
      %dma_start3A_175 = arith.constant 0 : i32
      %dma_start3A_176 = tpu.memref_slice %arg6[%dma_start3A_168, %dma_start3A_169, %dma_start3A_170, %dma_start3A_175] : memref<2x5x2x128xi32, #tpu.memory_space<vmem>> -> memref<1x1x1x128xi32, #tpu.memory_space<vmem>>
      %dma_start3A_177 = tpu.memref_squeeze %dma_start3A_176 : memref<1x1x1x128xi32, #tpu.memory_space<vmem>> -> memref<128xi32, #tpu.memory_space<vmem>>
      %dma_start3A_178 = arith.constant 0 : i32
      %dma_start3A_179 = arith.constant 0 : i32
      %dma_start3A_180 = tpu.memref_slice %arg8[%dma_start3A_178, %dma_start3A_179] : memref<10240x64xf32, #tpu.memory_space<vmem_shared>> -> memref<10240x64xf32, #tpu.memory_space<vmem_shared>>
      tpu.enqueue_indirect_dma source(%dma_start3A_174 : memref<128x64xf32, #tpu.memory_space<vmem>>) target(%dma_start3A_180 : memref<10240x64xf32, #tpu.memory_space<vmem_shared>>) offsets(%dma_start3A_177 : memref<128xi32, #tpu.memory_space<vmem>>) semaphore(%arg11 : memref<!tpu.dma_semaphore, #tpu.memory_space<semaphore_mem>>) {add = true}
      %dma_start3A_181 = arith.constant 0 : i32
      %dma_start3A_182 = arith.constant 1 : i32
      %dma_start3A_183 = arith.constant 0 : i32
      %dma_start3A_184 = arith.constant 1 : i32
      %dma_start3A_185 = arith.constant 1 : i32
      %dma_start3A_186 = arith.constant 0 : i32
      %dma_start3A_187 = arith.constant 0 : i32
      %dma_start3A_188 = tpu.memref_slice %arg7[%dma_start3A_181, %dma_start3A_182, %dma_start3A_186, %dma_start3A_187] : memref<2x5x128x64xf32, #tpu.memory_space<vmem>> -> memref<1x1x128x64xf32, #tpu.memory_space<vmem>>
      %dma_start3A_189 = tpu.memref_squeeze %dma_start3A_188 : memref<1x1x128x64xf32, #tpu.memory_space<vmem>> -> memref<128x64xf32, #tpu.memory_space<vmem>>
      %dma_start3A_190 = arith.constant 0 : i32
      %dma_start3A_191 = tpu.memref_slice %arg6[%dma_start3A_183, %dma_start3A_184, %dma_start3A_185, %dma_start3A_190] : memref<2x5x2x128xi32, #tpu.memory_space<vmem>> -> memref<1x1x1x128xi32, #tpu.memory_space<vmem>>
      %dma_start3A_192 = tpu.memref_squeeze %dma_start3A_191 : memref<1x1x1x128xi32, #tpu.memory_space<vmem>> -> memref<128xi32, #tpu.memory_space<vmem>>
      %dma_start3A_193 = arith.constant 0 : i32
      %dma_start3A_194 = arith.constant 0 : i32
      %dma_start3A_195 = tpu.memref_slice %arg8[%dma_start3A_193, %dma_start3A_194] : memref<10240x64xf32, #tpu.memory_space<vmem_shared>> -> memref<10240x64xf32, #tpu.memory_space<vmem_shared>>
      tpu.enqueue_indirect_dma source(%dma_start3A_189 : memref<128x64xf32, #tpu.memory_space<vmem>>) target(%dma_start3A_195 : memref<10240x64xf32, #tpu.memory_space<vmem_shared>>) offsets(%dma_start3A_192 : memref<128xi32, #tpu.memory_space<vmem>>) semaphore(%arg11 : memref<!tpu.dma_semaphore, #tpu.memory_space<semaphore_mem>>) {add = true}
      %dma_start3A_196 = arith.constant 0 : i32
      %dma_start3A_197 = arith.constant 2 : i32
      %dma_start3A_198 = arith.constant 0 : i32
      %dma_start3A_199 = arith.constant 2 : i32
      %dma_start3A_200 = arith.constant 1 : i32
      %dma_start3A_201 = arith.constant 0 : i32
      %dma_start3A_202 = arith.constant 0 : i32
      %dma_start3A_203 = tpu.memref_slice %arg7[%dma_start3A_196, %dma_start3A_197, %dma_start3A_201, %dma_start3A_202] : memref<2x5x128x64xf32, #tpu.memory_space<vmem>> -> memref<1x1x128x64xf32, #tpu.memory_space<vmem>>
      %dma_start3A_204 = tpu.memref_squeeze %dma_start3A_203 : memref<1x1x128x64xf32, #tpu.memory_space<vmem>> -> memref<128x64xf32, #tpu.memory_space<vmem>>
      %dma_start3A_205 = arith.constant 0 : i32
      %dma_start3A_206 = tpu.memref_slice %arg6[%dma_start3A_198, %dma_start3A_199, %dma_start3A_200, %dma_start3A_205] : memref<2x5x2x128xi32, #tpu.memory_space<vmem>> -> memref<1x1x1x128xi32, #tpu.memory_space<vmem>>
      %dma_start3A_207 = tpu.memref_squeeze %dma_start3A_206 : memref<1x1x1x128xi32, #tpu.memory_space<vmem>> -> memref<128xi32, #tpu.memory_space<vmem>>
      %dma_start3A_208 = arith.constant 0 : i32
      %dma_start3A_209 = arith.constant 0 : i32
      %dma_start3A_210 = tpu.memref_slice %arg8[%dma_start3A_208, %dma_start3A_209] : memref<10240x64xf32, #tpu.memory_space<vmem_shared>> -> memref<10240x64xf32, #tpu.memory_space<vmem_shared>>
      tpu.enqueue_indirect_dma source(%dma_start3A_204 : memref<128x64xf32, #tpu.memory_space<vmem>>) target(%dma_start3A_210 : memref<10240x64xf32, #tpu.memory_space<vmem_shared>>) offsets(%dma_start3A_207 : memref<128xi32, #tpu.memory_space<vmem>>) semaphore(%arg11 : memref<!tpu.dma_semaphore, #tpu.memory_space<semaphore_mem>>) {add = true}
      %dma_start3A_211 = arith.constant 0 : i32
      %dma_start3A_212 = arith.constant 3 : i32
      %dma_start3A_213 = arith.constant 0 : i32
      %dma_start3A_214 = arith.constant 3 : i32
      %dma_start3A_215 = arith.constant 1 : i32
      %dma_start3A_216 = arith.constant 0 : i32
      %dma_start3A_217 = arith.constant 0 : i32
      %dma_start3A_218 = tpu.memref_slice %arg7[%dma_start3A_211, %dma_start3A_212, %dma_start3A_216, %dma_start3A_217] : memref<2x5x128x64xf32, #tpu.memory_space<vmem>> -> memref<1x1x128x64xf32, #tpu.memory_space<vmem>>
      %dma_start3A_219 = tpu.memref_squeeze %dma_start3A_218 : memref<1x1x128x64xf32, #tpu.memory_space<vmem>> -> memref<128x64xf32, #tpu.memory_space<vmem>>
      %dma_start3A_220 = arith.constant 0 : i32
      %dma_start3A_221 = tpu.memref_slice %arg6[%dma_start3A_213, %dma_start3A_214, %dma_start3A_215, %dma_start3A_220] : memref<2x5x2x128xi32, #tpu.memory_space<vmem>> -> memref<1x1x1x128xi32, #tpu.memory_space<vmem>>
      %dma_start3A_222 = tpu.memref_squeeze %dma_start3A_221 : memref<1x1x1x128xi32, #tpu.memory_space<vmem>> -> memref<128xi32, #tpu.memory_space<vmem>>
      %dma_start3A_223 = arith.constant 0 : i32
      %dma_start3A_224 = arith.constant 0 : i32
      %dma_start3A_225 = tpu.memref_slice %arg8[%dma_start3A_223, %dma_start3A_224] : memref<10240x64xf32, #tpu.memory_space<vmem_shared>> -> memref<10240x64xf32, #tpu.memory_space<vmem_shared>>
      tpu.enqueue_indirect_dma source(%dma_start3A_219 : memref<128x64xf32, #tpu.memory_space<vmem>>) target(%dma_start3A_225 : memref<10240x64xf32, #tpu.memory_space<vmem_shared>>) offsets(%dma_start3A_222 : memref<128xi32, #tpu.memory_space<vmem>>) semaphore(%arg11 : memref<!tpu.dma_semaphore, #tpu.memory_space<semaphore_mem>>) {add = true}
      %dma_start3A_226 = arith.constant 0 : i32
      %dma_start3A_227 = arith.constant 4 : i32
      %dma_start3A_228 = arith.constant 0 : i32
      %dma_start3A_229 = arith.constant 4 : i32
      %dma_start3A_230 = arith.constant 1 : i32
      %dma_start3A_231 = arith.constant 0 : i32
      %dma_start3A_232 = arith.constant 0 : i32
      %dma_start3A_233 = tpu.memref_slice %arg7[%dma_start3A_226, %dma_start3A_227, %dma_start3A_231, %dma_start3A_232] : memref<2x5x128x64xf32, #tpu.memory_space<vmem>> -> memref<1x1x128x64xf32, #tpu.memory_space<vmem>>
      %dma_start3A_234 = tpu.memref_squeeze %dma_start3A_233 : memref<1x1x128x64xf32, #tpu.memory_space<vmem>> -> memref<128x64xf32, #tpu.memory_space<vmem>>
      %dma_start3A_235 = arith.constant 0 : i32
      %dma_start3A_236 = tpu.memref_slice %arg6[%dma_start3A_228, %dma_start3A_229, %dma_start3A_230, %dma_start3A_235] : memref<2x5x2x128xi32, #tpu.memory_space<vmem>> -> memref<1x1x1x128xi32, #tpu.memory_space<vmem>>
      %dma_start3A_237 = tpu.memref_squeeze %dma_start3A_236 : memref<1x1x1x128xi32, #tpu.memory_space<vmem>> -> memref<128xi32, #tpu.memory_space<vmem>>
      %dma_start3A_238 = arith.constant 0 : i32
      %dma_start3A_239 = arith.constant 0 : i32
      %dma_start3A_240 = tpu.memref_slice %arg8[%dma_start3A_238, %dma_start3A_239] : memref<10240x64xf32, #tpu.memory_space<vmem_shared>> -> memref<10240x64xf32, #tpu.memory_space<vmem_shared>>
      tpu.enqueue_indirect_dma source(%dma_start3A_234 : memref<128x64xf32, #tpu.memory_space<vmem>>) target(%dma_start3A_240 : memref<10240x64xf32, #tpu.memory_space<vmem_shared>>) offsets(%dma_start3A_237 : memref<128xi32, #tpu.memory_space<vmem>>) semaphore(%arg11 : memref<!tpu.dma_semaphore, #tpu.memory_space<semaphore_mem>>) {add = true}
      %mul3A_241 = arith.constant 2 : i32
      %mul3A_242 = arith.muli %mul3A_241, %scan3A_91 : i32
      %add3A = arith.constant 1 : i32
      %add3A_243 = arith.addi %mul3A_242, %add3A : i32
      %mul3A_244 = arith.constant 5 : i32
      %mul3A_245 = arith.muli %add3A_243, %mul3A_244 : i32
      %add3A_246 = arith.addi %mul3A_4, %mul3A_245 : i32
      %run_scoped3A_247 = arith.constant 1 : i32
      "tpu.region"() ({
        %run_scoped3A_628 = tpu.sem_alloc : memref<!tpu.dma_semaphore, #tpu.memory_space<semaphore_mem>>
        %dma_start3A_629 = arith.constant 0 : i32
        %dma_start3A_630 = arith.constant 0 : i32
        %dma_start3A_631 = arith.constant 0 : i32
        %dma_start3A_632 = tpu.memref_slice %arg6[%run_scoped3A_247, %dma_start3A_629, %dma_start3A_630, %dma_start3A_631] : memref<2x5x2x128xi32, #tpu.memory_space<vmem>> -> memref<1x5x2x128xi32, #tpu.memory_space<vmem>>
        %dma_start3A_633 = tpu.memref_squeeze %dma_start3A_632 : memref<1x5x2x128xi32, #tpu.memory_space<vmem>> -> memref<5x2x128xi32, #tpu.memory_space<vmem>>
        %dma_start3A_634 = arith.constant 0 : i32
        %dma_start3A_635 = arith.constant 0 : i32
        %dma_start3A_636 = tpu.memref_slice %arg3[%arg0, %add3A_246, %dma_start3A_634, %dma_start3A_635] : memref<2x2560x2x128xi32, #tpu.memory_space<hbm>> -> memref<1x5x2x128xi32, #tpu.memory_space<hbm>>
        %dma_start3A_637 = tpu.memref_squeeze %dma_start3A_636 : memref<1x5x2x128xi32, #tpu.memory_space<hbm>> -> memref<5x2x128xi32, #tpu.memory_space<hbm>>
        %dma_start3A_638 = arith.constant 0 : i32
        %dma_start3A_639 = arith.constant 0 : i32
        %dma_start3A_640 = arith.constant 0 : i32
        %dma_start3A_641 = tpu.memref_slice %arg6[%run_scoped3A_247, %dma_start3A_638, %dma_start3A_639, %dma_start3A_640] : memref<2x5x2x128xi32, #tpu.memory_space<vmem>> -> memref<1x5x2x128xi32, #tpu.memory_space<vmem>>
        %dma_start3A_642 = tpu.memref_squeeze %dma_start3A_641 : memref<1x5x2x128xi32, #tpu.memory_space<vmem>> -> memref<5x2x128xi32, #tpu.memory_space<vmem>>
        %dma_start3A_643 = arith.constant 0 : i32
        %dma_start3A_644 = arith.constant 0 : i32
        %dma_start3A_645 = tpu.memref_slice %arg3[%arg0, %add3A_246, %dma_start3A_643, %dma_start3A_644] : memref<2x2560x2x128xi32, #tpu.memory_space<hbm>> -> memref<1x5x2x128xi32, #tpu.memory_space<hbm>>
        %dma_start3A_646 = tpu.memref_squeeze %dma_start3A_645 : memref<1x5x2x128xi32, #tpu.memory_space<hbm>> -> memref<5x2x128xi32, #tpu.memory_space<hbm>>
        tpu.enqueue_dma source(%dma_start3A_646 : memref<5x2x128xi32, #tpu.memory_space<hbm>>) target(%dma_start3A_642 : memref<5x2x128xi32, #tpu.memory_space<vmem>>) target_semaphore(%run_scoped3A_628 : memref<!tpu.dma_semaphore, #tpu.memory_space<semaphore_mem>>)
        %dma_wait3A_647 = arith.constant 0 : i32
        %dma_wait3A_648 = arith.constant 0 : i32
        %dma_wait3A_649 = arith.constant 0 : i32
        %dma_wait3A_650 = tpu.memref_slice %arg6[%run_scoped3A_247, %dma_wait3A_647, %dma_wait3A_648, %dma_wait3A_649] : memref<2x5x2x128xi32, #tpu.memory_space<vmem>> -> memref<1x5x2x128xi32, #tpu.memory_space<vmem>>
        %dma_wait3A_651 = tpu.memref_squeeze %dma_wait3A_650 : memref<1x5x2x128xi32, #tpu.memory_space<vmem>> -> memref<5x2x128xi32, #tpu.memory_space<vmem>>
        %dma_wait3A_652 = arith.constant 0 : i32
        %dma_wait3A_653 = arith.constant 0 : i32
        %dma_wait3A_654 = tpu.memref_slice %arg3[%arg0, %add3A_246, %dma_wait3A_652, %dma_wait3A_653] : memref<2x2560x2x128xi32, #tpu.memory_space<hbm>> -> memref<1x5x2x128xi32, #tpu.memory_space<hbm>>
        %dma_wait3A_655 = tpu.memref_squeeze %dma_wait3A_654 : memref<1x5x2x128xi32, #tpu.memory_space<hbm>> -> memref<5x2x128xi32, #tpu.memory_space<hbm>>
        %dma_wait3A_656 = arith.constant 0 : i32
        %dma_wait3A_657 = arith.constant 0 : i32
        %dma_wait3A_658 = arith.constant 0 : i32
        %dma_wait3A_659 = tpu.memref_slice %arg6[%run_scoped3A_247, %dma_wait3A_656, %dma_wait3A_657, %dma_wait3A_658] : memref<2x5x2x128xi32, #tpu.memory_space<vmem>> -> memref<1x5x2x128xi32, #tpu.memory_space<vmem>>
        %dma_wait3A_660 = tpu.memref_squeeze %dma_wait3A_659 : memref<1x5x2x128xi32, #tpu.memory_space<vmem>> -> memref<5x2x128xi32, #tpu.memory_space<vmem>>
        %dma_wait3A_661 = arith.constant 0 : i32
        %dma_wait3A_662 = arith.constant 0 : i32
        %dma_wait3A_663 = tpu.memref_slice %arg3[%arg0, %add3A_246, %dma_wait3A_661, %dma_wait3A_662] : memref<2x2560x2x128xi32, #tpu.memory_space<hbm>> -> memref<1x5x2x128xi32, #tpu.memory_space<hbm>>
        %dma_wait3A_664 = tpu.memref_squeeze %dma_wait3A_663 : memref<1x5x2x128xi32, #tpu.memory_space<hbm>> -> memref<5x2x128xi32, #tpu.memory_space<hbm>>
        tpu.wait_dma2 semaphore(%run_scoped3A_628 : memref<!tpu.dma_semaphore, #tpu.memory_space<semaphore_mem>>) src(%dma_wait3A_664 : memref<5x2x128xi32, #tpu.memory_space<hbm>>) dst(%dma_wait3A_660 : memref<5x2x128xi32, #tpu.memory_space<vmem>>)
        tpu.yield
      }) : () -> ()
      %dma_start3A_248 = arith.constant 1 : i32
      %dma_start3A_249 = arith.constant 0 : i32
      %dma_start3A_250 = arith.constant 0 : i32
      %dma_start3A_251 = arith.constant 1 : i32
      %dma_start3A_252 = arith.constant 0 : i32
      %dma_start3A_253 = arith.constant 0 : i32
      %dma_start3A_254 = arith.constant 0 : i32
      %dma_start3A_255 = tpu.memref_slice %arg7[%dma_start3A_251, %dma_start3A_252, %dma_start3A_253, %dma_start3A_254] : memref<2x5x128x64xf32, #tpu.memory_space<vmem>> -> memref<1x1x128x64xf32, #tpu.memory_space<vmem>>
      %dma_start3A_256 = tpu.memref_squeeze %dma_start3A_255 : memref<1x1x128x64xf32, #tpu.memory_space<vmem>> -> memref<128x64xf32, #tpu.memory_space<vmem>>
      %dma_start3A_257 = arith.constant 0 : i32
      %dma_start3A_258 = tpu.memref_slice %arg6[%dma_start3A_248, %dma_start3A_249, %dma_start3A_250, %dma_start3A_257] : memref<2x5x2x128xi32, #tpu.memory_space<vmem>> -> memref<1x1x1x128xi32, #tpu.memory_space<vmem>>
      %dma_start3A_259 = tpu.memref_squeeze %dma_start3A_258 : memref<1x1x1x128xi32, #tpu.memory_space<vmem>> -> memref<128xi32, #tpu.memory_space<vmem>>
      %dma_start3A_260 = arith.constant 0 : i32
      %dma_start3A_261 = arith.constant 0 : i32
      %dma_start3A_262 = tpu.memref_slice %arg2[%dma_start3A_260, %dma_start3A_261] : memref<20000x64xf32, #tpu.memory_space<hbm>> -> memref<20000x64xf32, #tpu.memory_space<hbm>>
      tpu.enqueue_indirect_dma source(%dma_start3A_262 : memref<20000x64xf32, #tpu.memory_space<hbm>>) target(%dma_start3A_256 : memref<128x64xf32, #tpu.memory_space<vmem>>) offsets(%dma_start3A_259 : memref<128xi32, #tpu.memory_space<vmem>>) semaphore(%arg10 : memref<!tpu.dma_semaphore, #tpu.memory_space<semaphore_mem>>)
      %dma_start3A_263 = arith.constant 1 : i32
      %dma_start3A_264 = arith.constant 1 : i32
      %dma_start3A_265 = arith.constant 0 : i32
      %dma_start3A_266 = arith.constant 1 : i32
      %dma_start3A_267 = arith.constant 1 : i32
      %dma_start3A_268 = arith.constant 0 : i32
      %dma_start3A_269 = arith.constant 0 : i32
      %dma_start3A_270 = tpu.memref_slice %arg7[%dma_start3A_266, %dma_start3A_267, %dma_start3A_268, %dma_start3A_269] : memref<2x5x128x64xf32, #tpu.memory_space<vmem>> -> memref<1x1x128x64xf32, #tpu.memory_space<vmem>>
      %dma_start3A_271 = tpu.memref_squeeze %dma_start3A_270 : memref<1x1x128x64xf32, #tpu.memory_space<vmem>> -> memref<128x64xf32, #tpu.memory_space<vmem>>
      %dma_start3A_272 = arith.constant 0 : i32
      %dma_start3A_273 = tpu.memref_slice %arg6[%dma_start3A_263, %dma_start3A_264, %dma_start3A_265, %dma_start3A_272] : memref<2x5x2x128xi32, #tpu.memory_space<vmem>> -> memref<1x1x1x128xi32, #tpu.memory_space<vmem>>
      %dma_start3A_274 = tpu.memref_squeeze %dma_start3A_273 : memref<1x1x1x128xi32, #tpu.memory_space<vmem>> -> memref<128xi32, #tpu.memory_space<vmem>>
      %dma_start3A_275 = arith.constant 0 : i32
      %dma_start3A_276 = arith.constant 0 : i32
      %dma_start3A_277 = tpu.memref_slice %arg2[%dma_start3A_275, %dma_start3A_276] : memref<20000x64xf32, #tpu.memory_space<hbm>> -> memref<20000x64xf32, #tpu.memory_space<hbm>>
      tpu.enqueue_indirect_dma source(%dma_start3A_277 : memref<20000x64xf32, #tpu.memory_space<hbm>>) target(%dma_start3A_271 : memref<128x64xf32, #tpu.memory_space<vmem>>) offsets(%dma_start3A_274 : memref<128xi32, #tpu.memory_space<vmem>>) semaphore(%arg10 : memref<!tpu.dma_semaphore, #tpu.memory_space<semaphore_mem>>)
      %dma_start3A_278 = arith.constant 1 : i32
      %dma_start3A_279 = arith.constant 2 : i32
      %dma_start3A_280 = arith.constant 0 : i32
      %dma_start3A_281 = arith.constant 1 : i32
      %dma_start3A_282 = arith.constant 2 : i32
      %dma_start3A_283 = arith.constant 0 : i32
      %dma_start3A_284 = arith.constant 0 : i32
      %dma_start3A_285 = tpu.memref_slice %arg7[%dma_start3A_281, %dma_start3A_282, %dma_start3A_283, %dma_start3A_284] : memref<2x5x128x64xf32, #tpu.memory_space<vmem>> -> memref<1x1x128x64xf32, #tpu.memory_space<vmem>>
      %dma_start3A_286 = tpu.memref_squeeze %dma_start3A_285 : memref<1x1x128x64xf32, #tpu.memory_space<vmem>> -> memref<128x64xf32, #tpu.memory_space<vmem>>
      %dma_start3A_287 = arith.constant 0 : i32
      %dma_start3A_288 = tpu.memref_slice %arg6[%dma_start3A_278, %dma_start3A_279, %dma_start3A_280, %dma_start3A_287] : memref<2x5x2x128xi32, #tpu.memory_space<vmem>> -> memref<1x1x1x128xi32, #tpu.memory_space<vmem>>
      %dma_start3A_289 = tpu.memref_squeeze %dma_start3A_288 : memref<1x1x1x128xi32, #tpu.memory_space<vmem>> -> memref<128xi32, #tpu.memory_space<vmem>>
      %dma_start3A_290 = arith.constant 0 : i32
      %dma_start3A_291 = arith.constant 0 : i32
      %dma_start3A_292 = tpu.memref_slice %arg2[%dma_start3A_290, %dma_start3A_291] : memref<20000x64xf32, #tpu.memory_space<hbm>> -> memref<20000x64xf32, #tpu.memory_space<hbm>>
      tpu.enqueue_indirect_dma source(%dma_start3A_292 : memref<20000x64xf32, #tpu.memory_space<hbm>>) target(%dma_start3A_286 : memref<128x64xf32, #tpu.memory_space<vmem>>) offsets(%dma_start3A_289 : memref<128xi32, #tpu.memory_space<vmem>>) semaphore(%arg10 : memref<!tpu.dma_semaphore, #tpu.memory_space<semaphore_mem>>)
      %dma_start3A_293 = arith.constant 1 : i32
      %dma_start3A_294 = arith.constant 3 : i32
      %dma_start3A_295 = arith.constant 0 : i32
      %dma_start3A_296 = arith.constant 1 : i32
      %dma_start3A_297 = arith.constant 3 : i32
      %dma_start3A_298 = arith.constant 0 : i32
      %dma_start3A_299 = arith.constant 0 : i32
      %dma_start3A_300 = tpu.memref_slice %arg7[%dma_start3A_296, %dma_start3A_297, %dma_start3A_298, %dma_start3A_299] : memref<2x5x128x64xf32, #tpu.memory_space<vmem>> -> memref<1x1x128x64xf32, #tpu.memory_space<vmem>>
      %dma_start3A_301 = tpu.memref_squeeze %dma_start3A_300 : memref<1x1x128x64xf32, #tpu.memory_space<vmem>> -> memref<128x64xf32, #tpu.memory_space<vmem>>
      %dma_start3A_302 = arith.constant 0 : i32
      %dma_start3A_303 = tpu.memref_slice %arg6[%dma_start3A_293, %dma_start3A_294, %dma_start3A_295, %dma_start3A_302] : memref<2x5x2x128xi32, #tpu.memory_space<vmem>> -> memref<1x1x1x128xi32, #tpu.memory_space<vmem>>
      %dma_start3A_304 = tpu.memref_squeeze %dma_start3A_303 : memref<1x1x1x128xi32, #tpu.memory_space<vmem>> -> memref<128xi32, #tpu.memory_space<vmem>>
      %dma_start3A_305 = arith.constant 0 : i32
      %dma_start3A_306 = arith.constant 0 : i32
      %dma_start3A_307 = tpu.memref_slice %arg2[%dma_start3A_305, %dma_start3A_306] : memref<20000x64xf32, #tpu.memory_space<hbm>> -> memref<20000x64xf32, #tpu.memory_space<hbm>>
      tpu.enqueue_indirect_dma source(%dma_start3A_307 : memref<20000x64xf32, #tpu.memory_space<hbm>>) target(%dma_start3A_301 : memref<128x64xf32, #tpu.memory_space<vmem>>) offsets(%dma_start3A_304 : memref<128xi32, #tpu.memory_space<vmem>>) semaphore(%arg10 : memref<!tpu.dma_semaphore, #tpu.memory_space<semaphore_mem>>)
      %dma_start3A_308 = arith.constant 1 : i32
      %dma_start3A_309 = arith.constant 4 : i32
      %dma_start3A_310 = arith.constant 0 : i32
      %dma_start3A_311 = arith.constant 1 : i32
      %dma_start3A_312 = arith.constant 4 : i32
      %dma_start3A_313 = arith.constant 0 : i32
      %dma_start3A_314 = arith.constant 0 : i32
      %dma_start3A_315 = tpu.memref_slice %arg7[%dma_start3A_311, %dma_start3A_312, %dma_start3A_313, %dma_start3A_314] : memref<2x5x128x64xf32, #tpu.memory_space<vmem>> -> memref<1x1x128x64xf32, #tpu.memory_space<vmem>>
      %dma_start3A_316 = tpu.memref_squeeze %dma_start3A_315 : memref<1x1x128x64xf32, #tpu.memory_space<vmem>> -> memref<128x64xf32, #tpu.memory_space<vmem>>
      %dma_start3A_317 = arith.constant 0 : i32
      %dma_start3A_318 = tpu.memref_slice %arg6[%dma_start3A_308, %dma_start3A_309, %dma_start3A_310, %dma_start3A_317] : memref<2x5x2x128xi32, #tpu.memory_space<vmem>> -> memref<1x1x1x128xi32, #tpu.memory_space<vmem>>
      %dma_start3A_319 = tpu.memref_squeeze %dma_start3A_318 : memref<1x1x1x128xi32, #tpu.memory_space<vmem>> -> memref<128xi32, #tpu.memory_space<vmem>>
      %dma_start3A_320 = arith.constant 0 : i32
      %dma_start3A_321 = arith.constant 0 : i32
      %dma_start3A_322 = tpu.memref_slice %arg2[%dma_start3A_320, %dma_start3A_321] : memref<20000x64xf32, #tpu.memory_space<hbm>> -> memref<20000x64xf32, #tpu.memory_space<hbm>>
      tpu.enqueue_indirect_dma source(%dma_start3A_322 : memref<20000x64xf32, #tpu.memory_space<hbm>>) target(%dma_start3A_316 : memref<128x64xf32, #tpu.memory_space<vmem>>) offsets(%dma_start3A_319 : memref<128xi32, #tpu.memory_space<vmem>>) semaphore(%arg10 : memref<!tpu.dma_semaphore, #tpu.memory_space<semaphore_mem>>)
      %dma_wait3A_323 = arith.constant 1 : i32
      %dma_wait3A_324 = arith.constant 0 : i32
      %dma_wait3A_325 = arith.constant 0 : i32
      %dma_wait3A_326 = arith.constant 1 : i32
      %dma_wait3A_327 = arith.constant 0 : i32
      %dma_wait3A_328 = arith.constant 0 : i32
      %dma_wait3A_329 = arith.constant 0 : i32
      %dma_wait3A_330 = tpu.memref_slice %arg7[%dma_wait3A_326, %dma_wait3A_327, %dma_wait3A_328, %dma_wait3A_329] : memref<2x5x128x64xf32, #tpu.memory_space<vmem>> -> memref<1x1x128x64xf32, #tpu.memory_space<vmem>>
      %dma_wait3A_331 = tpu.memref_squeeze %dma_wait3A_330 : memref<1x1x128x64xf32, #tpu.memory_space<vmem>> -> memref<128x64xf32, #tpu.memory_space<vmem>>
      %dma_wait3A_332 = arith.constant 0 : i32
      %dma_wait3A_333 = tpu.memref_slice %arg6[%dma_wait3A_323, %dma_wait3A_324, %dma_wait3A_325, %dma_wait3A_332] : memref<2x5x2x128xi32, #tpu.memory_space<vmem>> -> memref<1x1x1x128xi32, #tpu.memory_space<vmem>>
      %dma_wait3A_334 = tpu.memref_squeeze %dma_wait3A_333 : memref<1x1x1x128xi32, #tpu.memory_space<vmem>> -> memref<128xi32, #tpu.memory_space<vmem>>
      %dma_wait3A_335 = arith.constant 0 : i32
      %dma_wait3A_336 = arith.constant 0 : i32
      %dma_wait3A_337 = tpu.memref_slice %arg2[%dma_wait3A_335, %dma_wait3A_336] : memref<20000x64xf32, #tpu.memory_space<hbm>> -> memref<20000x64xf32, #tpu.memory_space<hbm>>
      tpu.wait_indirect_dma semaphore(%arg10 : memref<!tpu.dma_semaphore, #tpu.memory_space<semaphore_mem>>) src(%dma_wait3A_337 : memref<20000x64xf32, #tpu.memory_space<hbm>>) dst(%dma_wait3A_331 : memref<128x64xf32, #tpu.memory_space<vmem>>)
      %dma_wait3A_338 = arith.constant 1 : i32
      %dma_wait3A_339 = arith.constant 1 : i32
      %dma_wait3A_340 = arith.constant 0 : i32
      %dma_wait3A_341 = arith.constant 1 : i32
      %dma_wait3A_342 = arith.constant 1 : i32
      %dma_wait3A_343 = arith.constant 0 : i32
      %dma_wait3A_344 = arith.constant 0 : i32
      %dma_wait3A_345 = tpu.memref_slice %arg7[%dma_wait3A_341, %dma_wait3A_342, %dma_wait3A_343, %dma_wait3A_344] : memref<2x5x128x64xf32, #tpu.memory_space<vmem>> -> memref<1x1x128x64xf32, #tpu.memory_space<vmem>>
      %dma_wait3A_346 = tpu.memref_squeeze %dma_wait3A_345 : memref<1x1x128x64xf32, #tpu.memory_space<vmem>> -> memref<128x64xf32, #tpu.memory_space<vmem>>
      %dma_wait3A_347 = arith.constant 0 : i32
      %dma_wait3A_348 = tpu.memref_slice %arg6[%dma_wait3A_338, %dma_wait3A_339, %dma_wait3A_340, %dma_wait3A_347] : memref<2x5x2x128xi32, #tpu.memory_space<vmem>> -> memref<1x1x1x128xi32, #tpu.memory_space<vmem>>
      %dma_wait3A_349 = tpu.memref_squeeze %dma_wait3A_348 : memref<1x1x1x128xi32, #tpu.memory_space<vmem>> -> memref<128xi32, #tpu.memory_space<vmem>>
      %dma_wait3A_350 = arith.constant 0 : i32
      %dma_wait3A_351 = arith.constant 0 : i32
      %dma_wait3A_352 = tpu.memref_slice %arg2[%dma_wait3A_350, %dma_wait3A_351] : memref<20000x64xf32, #tpu.memory_space<hbm>> -> memref<20000x64xf32, #tpu.memory_space<hbm>>
      tpu.wait_indirect_dma semaphore(%arg10 : memref<!tpu.dma_semaphore, #tpu.memory_space<semaphore_mem>>) src(%dma_wait3A_352 : memref<20000x64xf32, #tpu.memory_space<hbm>>) dst(%dma_wait3A_346 : memref<128x64xf32, #tpu.memory_space<vmem>>)
      %dma_wait3A_353 = arith.constant 1 : i32
      %dma_wait3A_354 = arith.constant 2 : i32
      %dma_wait3A_355 = arith.constant 0 : i32
      %dma_wait3A_356 = arith.constant 1 : i32
      %dma_wait3A_357 = arith.constant 2 : i32
      %dma_wait3A_358 = arith.constant 0 : i32
      %dma_wait3A_359 = arith.constant 0 : i32
      %dma_wait3A_360 = tpu.memref_slice %arg7[%dma_wait3A_356, %dma_wait3A_357, %dma_wait3A_358, %dma_wait3A_359] : memref<2x5x128x64xf32, #tpu.memory_space<vmem>> -> memref<1x1x128x64xf32, #tpu.memory_space<vmem>>
      %dma_wait3A_361 = tpu.memref_squeeze %dma_wait3A_360 : memref<1x1x128x64xf32, #tpu.memory_space<vmem>> -> memref<128x64xf32, #tpu.memory_space<vmem>>
      %dma_wait3A_362 = arith.constant 0 : i32
      %dma_wait3A_363 = tpu.memref_slice %arg6[%dma_wait3A_353, %dma_wait3A_354, %dma_wait3A_355, %dma_wait3A_362] : memref<2x5x2x128xi32, #tpu.memory_space<vmem>> -> memref<1x1x1x128xi32, #tpu.memory_space<vmem>>
      %dma_wait3A_364 = tpu.memref_squeeze %dma_wait3A_363 : memref<1x1x1x128xi32, #tpu.memory_space<vmem>> -> memref<128xi32, #tpu.memory_space<vmem>>
      %dma_wait3A_365 = arith.constant 0 : i32
      %dma_wait3A_366 = arith.constant 0 : i32
      %dma_wait3A_367 = tpu.memref_slice %arg2[%dma_wait3A_365, %dma_wait3A_366] : memref<20000x64xf32, #tpu.memory_space<hbm>> -> memref<20000x64xf32, #tpu.memory_space<hbm>>
      tpu.wait_indirect_dma semaphore(%arg10 : memref<!tpu.dma_semaphore, #tpu.memory_space<semaphore_mem>>) src(%dma_wait3A_367 : memref<20000x64xf32, #tpu.memory_space<hbm>>) dst(%dma_wait3A_361 : memref<128x64xf32, #tpu.memory_space<vmem>>)
      %dma_wait3A_368 = arith.constant 1 : i32
      %dma_wait3A_369 = arith.constant 3 : i32
      %dma_wait3A_370 = arith.constant 0 : i32
      %dma_wait3A_371 = arith.constant 1 : i32
      %dma_wait3A_372 = arith.constant 3 : i32
      %dma_wait3A_373 = arith.constant 0 : i32
      %dma_wait3A_374 = arith.constant 0 : i32
      %dma_wait3A_375 = tpu.memref_slice %arg7[%dma_wait3A_371, %dma_wait3A_372, %dma_wait3A_373, %dma_wait3A_374] : memref<2x5x128x64xf32, #tpu.memory_space<vmem>> -> memref<1x1x128x64xf32, #tpu.memory_space<vmem>>
      %dma_wait3A_376 = tpu.memref_squeeze %dma_wait3A_375 : memref<1x1x128x64xf32, #tpu.memory_space<vmem>> -> memref<128x64xf32, #tpu.memory_space<vmem>>
      %dma_wait3A_377 = arith.constant 0 : i32
      %dma_wait3A_378 = tpu.memref_slice %arg6[%dma_wait3A_368, %dma_wait3A_369, %dma_wait3A_370, %dma_wait3A_377] : memref<2x5x2x128xi32, #tpu.memory_space<vmem>> -> memref<1x1x1x128xi32, #tpu.memory_space<vmem>>
      %dma_wait3A_379 = tpu.memref_squeeze %dma_wait3A_378 : memref<1x1x1x128xi32, #tpu.memory_space<vmem>> -> memref<128xi32, #tpu.memory_space<vmem>>
      %dma_wait3A_380 = arith.constant 0 : i32
      %dma_wait3A_381 = arith.constant 0 : i32
      %dma_wait3A_382 = tpu.memref_slice %arg2[%dma_wait3A_380, %dma_wait3A_381] : memref<20000x64xf32, #tpu.memory_space<hbm>> -> memref<20000x64xf32, #tpu.memory_space<hbm>>
      tpu.wait_indirect_dma semaphore(%arg10 : memref<!tpu.dma_semaphore, #tpu.memory_space<semaphore_mem>>) src(%dma_wait3A_382 : memref<20000x64xf32, #tpu.memory_space<hbm>>) dst(%dma_wait3A_376 : memref<128x64xf32, #tpu.memory_space<vmem>>)
      %dma_wait3A_383 = arith.constant 1 : i32
      %dma_wait3A_384 = arith.constant 4 : i32
      %dma_wait3A_385 = arith.constant 0 : i32
      %dma_wait3A_386 = arith.constant 1 : i32
      %dma_wait3A_387 = arith.constant 4 : i32
      %dma_wait3A_388 = arith.constant 0 : i32
      %dma_wait3A_389 = arith.constant 0 : i32
      %dma_wait3A_390 = tpu.memref_slice %arg7[%dma_wait3A_386, %dma_wait3A_387, %dma_wait3A_388, %dma_wait3A_389] : memref<2x5x128x64xf32, #tpu.memory_space<vmem>> -> memref<1x1x128x64xf32, #tpu.memory_space<vmem>>
      %dma_wait3A_391 = tpu.memref_squeeze %dma_wait3A_390 : memref<1x1x128x64xf32, #tpu.memory_space<vmem>> -> memref<128x64xf32, #tpu.memory_space<vmem>>
      %dma_wait3A_392 = arith.constant 0 : i32
      %dma_wait3A_393 = tpu.memref_slice %arg6[%dma_wait3A_383, %dma_wait3A_384, %dma_wait3A_385, %dma_wait3A_392] : memref<2x5x2x128xi32, #tpu.memory_space<vmem>> -> memref<1x1x1x128xi32, #tpu.memory_space<vmem>>
      %dma_wait3A_394 = tpu.memref_squeeze %dma_wait3A_393 : memref<1x1x1x128xi32, #tpu.memory_space<vmem>> -> memref<128xi32, #tpu.memory_space<vmem>>
      %dma_wait3A_395 = arith.constant 0 : i32
      %dma_wait3A_396 = arith.constant 0 : i32
      %dma_wait3A_397 = tpu.memref_slice %arg2[%dma_wait3A_395, %dma_wait3A_396] : memref<20000x64xf32, #tpu.memory_space<hbm>> -> memref<20000x64xf32, #tpu.memory_space<hbm>>
      tpu.wait_indirect_dma semaphore(%arg10 : memref<!tpu.dma_semaphore, #tpu.memory_space<semaphore_mem>>) src(%dma_wait3A_397 : memref<20000x64xf32, #tpu.memory_space<hbm>>) dst(%dma_wait3A_391 : memref<128x64xf32, #tpu.memory_space<vmem>>)
      %dma_start3A_398 = arith.constant 1 : i32
      %dma_start3A_399 = arith.constant 0 : i32
      %dma_start3A_400 = arith.constant 1 : i32
      %dma_start3A_401 = arith.constant 0 : i32
      %dma_start3A_402 = arith.constant 1 : i32
      %dma_start3A_403 = arith.constant 0 : i32
      %dma_start3A_404 = arith.constant 0 : i32
      %dma_start3A_405 = tpu.memref_slice %arg7[%dma_start3A_398, %dma_start3A_399, %dma_start3A_403, %dma_start3A_404] : memref<2x5x128x64xf32, #tpu.memory_space<vmem>> -> memref<1x1x128x64xf32, #tpu.memory_space<vmem>>
      %dma_start3A_406 = tpu.memref_squeeze %dma_start3A_405 : memref<1x1x128x64xf32, #tpu.memory_space<vmem>> -> memref<128x64xf32, #tpu.memory_space<vmem>>
      %dma_start3A_407 = arith.constant 0 : i32
      %dma_start3A_408 = tpu.memref_slice %arg6[%dma_start3A_400, %dma_start3A_401, %dma_start3A_402, %dma_start3A_407] : memref<2x5x2x128xi32, #tpu.memory_space<vmem>> -> memref<1x1x1x128xi32, #tpu.memory_space<vmem>>
      %dma_start3A_409 = tpu.memref_squeeze %dma_start3A_408 : memref<1x1x1x128xi32, #tpu.memory_space<vmem>> -> memref<128xi32, #tpu.memory_space<vmem>>
      %dma_start3A_410 = arith.constant 0 : i32
      %dma_start3A_411 = arith.constant 0 : i32
      %dma_start3A_412 = tpu.memref_slice %arg8[%dma_start3A_410, %dma_start3A_411] : memref<10240x64xf32, #tpu.memory_space<vmem_shared>> -> memref<10240x64xf32, #tpu.memory_space<vmem_shared>>
      tpu.enqueue_indirect_dma source(%dma_start3A_406 : memref<128x64xf32, #tpu.memory_space<vmem>>) target(%dma_start3A_412 : memref<10240x64xf32, #tpu.memory_space<vmem_shared>>) offsets(%dma_start3A_409 : memref<128xi32, #tpu.memory_space<vmem>>) semaphore(%arg12 : memref<!tpu.dma_semaphore, #tpu.memory_space<semaphore_mem>>) {add = true}
      %dma_start3A_413 = arith.constant 1 : i32
      %dma_start3A_414 = arith.constant 1 : i32
      %dma_start3A_415 = arith.constant 1 : i32
      %dma_start3A_416 = arith.constant 1 : i32
      %dma_start3A_417 = arith.constant 1 : i32
      %dma_start3A_418 = arith.constant 0 : i32
      %dma_start3A_419 = arith.constant 0 : i32
      %dma_start3A_420 = tpu.memref_slice %arg7[%dma_start3A_413, %dma_start3A_414, %dma_start3A_418, %dma_start3A_419] : memref<2x5x128x64xf32, #tpu.memory_space<vmem>> -> memref<1x1x128x64xf32, #tpu.memory_space<vmem>>
      %dma_start3A_421 = tpu.memref_squeeze %dma_start3A_420 : memref<1x1x128x64xf32, #tpu.memory_space<vmem>> -> memref<128x64xf32, #tpu.memory_space<vmem>>
      %dma_start3A_422 = arith.constant 0 : i32
      %dma_start3A_423 = tpu.memref_slice %arg6[%dma_start3A_415, %dma_start3A_416, %dma_start3A_417, %dma_start3A_422] : memref<2x5x2x128xi32, #tpu.memory_space<vmem>> -> memref<1x1x1x128xi32, #tpu.memory_space<vmem>>
      %dma_start3A_424 = tpu.memref_squeeze %dma_start3A_423 : memref<1x1x1x128xi32, #tpu.memory_space<vmem>> -> memref<128xi32, #tpu.memory_space<vmem>>
      %dma_start3A_425 = arith.constant 0 : i32
      %dma_start3A_426 = arith.constant 0 : i32
      %dma_start3A_427 = tpu.memref_slice %arg8[%dma_start3A_425, %dma_start3A_426] : memref<10240x64xf32, #tpu.memory_space<vmem_shared>> -> memref<10240x64xf32, #tpu.memory_space<vmem_shared>>
      tpu.enqueue_indirect_dma source(%dma_start3A_421 : memref<128x64xf32, #tpu.memory_space<vmem>>) target(%dma_start3A_427 : memref<10240x64xf32, #tpu.memory_space<vmem_shared>>) offsets(%dma_start3A_424 : memref<128xi32, #tpu.memory_space<vmem>>) semaphore(%arg12 : memref<!tpu.dma_semaphore, #tpu.memory_space<semaphore_mem>>) {add = true}
      %dma_start3A_428 = arith.constant 1 : i32
      %dma_start3A_429 = arith.constant 2 : i32
      %dma_start3A_430 = arith.constant 1 : i32
      %dma_start3A_431 = arith.constant 2 : i32
      %dma_start3A_432 = arith.constant 1 : i32
      %dma_start3A_433 = arith.constant 0 : i32
      %dma_start3A_434 = arith.constant 0 : i32
      %dma_start3A_435 = tpu.memref_slice %arg7[%dma_start3A_428, %dma_start3A_429, %dma_start3A_433, %dma_start3A_434] : memref<2x5x128x64xf32, #tpu.memory_space<vmem>> -> memref<1x1x128x64xf32, #tpu.memory_space<vmem>>
      %dma_start3A_436 = tpu.memref_squeeze %dma_start3A_435 : memref<1x1x128x64xf32, #tpu.memory_space<vmem>> -> memref<128x64xf32, #tpu.memory_space<vmem>>
      %dma_start3A_437 = arith.constant 0 : i32
      %dma_start3A_438 = tpu.memref_slice %arg6[%dma_start3A_430, %dma_start3A_431, %dma_start3A_432, %dma_start3A_437] : memref<2x5x2x128xi32, #tpu.memory_space<vmem>> -> memref<1x1x1x128xi32, #tpu.memory_space<vmem>>
      %dma_start3A_439 = tpu.memref_squeeze %dma_start3A_438 : memref<1x1x1x128xi32, #tpu.memory_space<vmem>> -> memref<128xi32, #tpu.memory_space<vmem>>
      %dma_start3A_440 = arith.constant 0 : i32
      %dma_start3A_441 = arith.constant 0 : i32
      %dma_start3A_442 = tpu.memref_slice %arg8[%dma_start3A_440, %dma_start3A_441] : memref<10240x64xf32, #tpu.memory_space<vmem_shared>> -> memref<10240x64xf32, #tpu.memory_space<vmem_shared>>
      tpu.enqueue_indirect_dma source(%dma_start3A_436 : memref<128x64xf32, #tpu.memory_space<vmem>>) target(%dma_start3A_442 : memref<10240x64xf32, #tpu.memory_space<vmem_shared>>) offsets(%dma_start3A_439 : memref<128xi32, #tpu.memory_space<vmem>>) semaphore(%arg12 : memref<!tpu.dma_semaphore, #tpu.memory_space<semaphore_mem>>) {add = true}
      %dma_start3A_443 = arith.constant 1 : i32
      %dma_start3A_444 = arith.constant 3 : i32
      %dma_start3A_445 = arith.constant 1 : i32
      %dma_start3A_446 = arith.constant 3 : i32
      %dma_start3A_447 = arith.constant 1 : i32
      %dma_start3A_448 = arith.constant 0 : i32
      %dma_start3A_449 = arith.constant 0 : i32
      %dma_start3A_450 = tpu.memref_slice %arg7[%dma_start3A_443, %dma_start3A_444, %dma_start3A_448, %dma_start3A_449] : memref<2x5x128x64xf32, #tpu.memory_space<vmem>> -> memref<1x1x128x64xf32, #tpu.memory_space<vmem>>
      %dma_start3A_451 = tpu.memref_squeeze %dma_start3A_450 : memref<1x1x128x64xf32, #tpu.memory_space<vmem>> -> memref<128x64xf32, #tpu.memory_space<vmem>>
      %dma_start3A_452 = arith.constant 0 : i32
      %dma_start3A_453 = tpu.memref_slice %arg6[%dma_start3A_445, %dma_start3A_446, %dma_start3A_447, %dma_start3A_452] : memref<2x5x2x128xi32, #tpu.memory_space<vmem>> -> memref<1x1x1x128xi32, #tpu.memory_space<vmem>>
      %dma_start3A_454 = tpu.memref_squeeze %dma_start3A_453 : memref<1x1x1x128xi32, #tpu.memory_space<vmem>> -> memref<128xi32, #tpu.memory_space<vmem>>
      %dma_start3A_455 = arith.constant 0 : i32
      %dma_start3A_456 = arith.constant 0 : i32
      %dma_start3A_457 = tpu.memref_slice %arg8[%dma_start3A_455, %dma_start3A_456] : memref<10240x64xf32, #tpu.memory_space<vmem_shared>> -> memref<10240x64xf32, #tpu.memory_space<vmem_shared>>
      tpu.enqueue_indirect_dma source(%dma_start3A_451 : memref<128x64xf32, #tpu.memory_space<vmem>>) target(%dma_start3A_457 : memref<10240x64xf32, #tpu.memory_space<vmem_shared>>) offsets(%dma_start3A_454 : memref<128xi32, #tpu.memory_space<vmem>>) semaphore(%arg12 : memref<!tpu.dma_semaphore, #tpu.memory_space<semaphore_mem>>) {add = true}
      %dma_start3A_458 = arith.constant 1 : i32
      %dma_start3A_459 = arith.constant 4 : i32
      %dma_start3A_460 = arith.constant 1 : i32
      %dma_start3A_461 = arith.constant 4 : i32
      %dma_start3A_462 = arith.constant 1 : i32
      %dma_start3A_463 = arith.constant 0 : i32
      %dma_start3A_464 = arith.constant 0 : i32
      %dma_start3A_465 = tpu.memref_slice %arg7[%dma_start3A_458, %dma_start3A_459, %dma_start3A_463, %dma_start3A_464] : memref<2x5x128x64xf32, #tpu.memory_space<vmem>> -> memref<1x1x128x64xf32, #tpu.memory_space<vmem>>
      %dma_start3A_466 = tpu.memref_squeeze %dma_start3A_465 : memref<1x1x128x64xf32, #tpu.memory_space<vmem>> -> memref<128x64xf32, #tpu.memory_space<vmem>>
      %dma_start3A_467 = arith.constant 0 : i32
      %dma_start3A_468 = tpu.memref_slice %arg6[%dma_start3A_460, %dma_start3A_461, %dma_start3A_462, %dma_start3A_467] : memref<2x5x2x128xi32, #tpu.memory_space<vmem>> -> memref<1x1x1x128xi32, #tpu.memory_space<vmem>>
      %dma_start3A_469 = tpu.memref_squeeze %dma_start3A_468 : memref<1x1x1x128xi32, #tpu.memory_space<vmem>> -> memref<128xi32, #tpu.memory_space<vmem>>
      %dma_start3A_470 = arith.constant 0 : i32
      %dma_start3A_471 = arith.constant 0 : i32
      %dma_start3A_472 = tpu.memref_slice %arg8[%dma_start3A_470, %dma_start3A_471] : memref<10240x64xf32, #tpu.memory_space<vmem_shared>> -> memref<10240x64xf32, #tpu.memory_space<vmem_shared>>
      tpu.enqueue_indirect_dma source(%dma_start3A_466 : memref<128x64xf32, #tpu.memory_space<vmem>>) target(%dma_start3A_472 : memref<10240x64xf32, #tpu.memory_space<vmem_shared>>) offsets(%dma_start3A_469 : memref<128xi32, #tpu.memory_space<vmem>>) semaphore(%arg12 : memref<!tpu.dma_semaphore, #tpu.memory_space<semaphore_mem>>) {add = true}
      %dma_wait3A_473 = arith.constant 0 : i32
      %dma_wait3A_474 = arith.constant 0 : i32
      %dma_wait3A_475 = arith.constant 0 : i32
      %dma_wait3A_476 = arith.constant 0 : i32
      %dma_wait3A_477 = arith.constant 1 : i32
      %dma_wait3A_478 = arith.constant 0 : i32
      %dma_wait3A_479 = arith.constant 0 : i32
      %dma_wait3A_480 = tpu.memref_slice %arg7[%dma_wait3A_473, %dma_wait3A_474, %dma_wait3A_478, %dma_wait3A_479] : memref<2x5x128x64xf32, #tpu.memory_space<vmem>> -> memref<1x1x128x64xf32, #tpu.memory_space<vmem>>
      %dma_wait3A_481 = tpu.memref_squeeze %dma_wait3A_480 : memref<1x1x128x64xf32, #tpu.memory_space<vmem>> -> memref<128x64xf32, #tpu.memory_space<vmem>>
      %dma_wait3A_482 = arith.constant 0 : i32
      %dma_wait3A_483 = tpu.memref_slice %arg6[%dma_wait3A_475, %dma_wait3A_476, %dma_wait3A_477, %dma_wait3A_482] : memref<2x5x2x128xi32, #tpu.memory_space<vmem>> -> memref<1x1x1x128xi32, #tpu.memory_space<vmem>>
      %dma_wait3A_484 = tpu.memref_squeeze %dma_wait3A_483 : memref<1x1x1x128xi32, #tpu.memory_space<vmem>> -> memref<128xi32, #tpu.memory_space<vmem>>
      %dma_wait3A_485 = arith.constant 0 : i32
      %dma_wait3A_486 = arith.constant 0 : i32
      %dma_wait3A_487 = tpu.memref_slice %arg8[%dma_wait3A_485, %dma_wait3A_486] : memref<10240x64xf32, #tpu.memory_space<vmem_shared>> -> memref<10240x64xf32, #tpu.memory_space<vmem_shared>>
      tpu.wait_indirect_dma semaphore(%arg11 : memref<!tpu.dma_semaphore, #tpu.memory_space<semaphore_mem>>) src(%dma_wait3A_481 : memref<128x64xf32, #tpu.memory_space<vmem>>) dst(%dma_wait3A_487 : memref<10240x64xf32, #tpu.memory_space<vmem_shared>>)
      %dma_wait3A_488 = arith.constant 0 : i32
      %dma_wait3A_489 = arith.constant 1 : i32
      %dma_wait3A_490 = arith.constant 0 : i32
      %dma_wait3A_491 = arith.constant 1 : i32
      %dma_wait3A_492 = arith.constant 1 : i32
      %dma_wait3A_493 = arith.constant 0 : i32
      %dma_wait3A_494 = arith.constant 0 : i32
      %dma_wait3A_495 = tpu.memref_slice %arg7[%dma_wait3A_488, %dma_wait3A_489, %dma_wait3A_493, %dma_wait3A_494] : memref<2x5x128x64xf32, #tpu.memory_space<vmem>> -> memref<1x1x128x64xf32, #tpu.memory_space<vmem>>
      %dma_wait3A_496 = tpu.memref_squeeze %dma_wait3A_495 : memref<1x1x128x64xf32, #tpu.memory_space<vmem>> -> memref<128x64xf32, #tpu.memory_space<vmem>>
      %dma_wait3A_497 = arith.constant 0 : i32
      %dma_wait3A_498 = tpu.memref_slice %arg6[%dma_wait3A_490, %dma_wait3A_491, %dma_wait3A_492, %dma_wait3A_497] : memref<2x5x2x128xi32, #tpu.memory_space<vmem>> -> memref<1x1x1x128xi32, #tpu.memory_space<vmem>>
      %dma_wait3A_499 = tpu.memref_squeeze %dma_wait3A_498 : memref<1x1x1x128xi32, #tpu.memory_space<vmem>> -> memref<128xi32, #tpu.memory_space<vmem>>
      %dma_wait3A_500 = arith.constant 0 : i32
      %dma_wait3A_501 = arith.constant 0 : i32
      %dma_wait3A_502 = tpu.memref_slice %arg8[%dma_wait3A_500, %dma_wait3A_501] : memref<10240x64xf32, #tpu.memory_space<vmem_shared>> -> memref<10240x64xf32, #tpu.memory_space<vmem_shared>>
      tpu.wait_indirect_dma semaphore(%arg11 : memref<!tpu.dma_semaphore, #tpu.memory_space<semaphore_mem>>) src(%dma_wait3A_496 : memref<128x64xf32, #tpu.memory_space<vmem>>) dst(%dma_wait3A_502 : memref<10240x64xf32, #tpu.memory_space<vmem_shared>>)
      %dma_wait3A_503 = arith.constant 0 : i32
      %dma_wait3A_504 = arith.constant 2 : i32
      %dma_wait3A_505 = arith.constant 0 : i32
      %dma_wait3A_506 = arith.constant 2 : i32
      %dma_wait3A_507 = arith.constant 1 : i32
      %dma_wait3A_508 = arith.constant 0 : i32
      %dma_wait3A_509 = arith.constant 0 : i32
      %dma_wait3A_510 = tpu.memref_slice %arg7[%dma_wait3A_503, %dma_wait3A_504, %dma_wait3A_508, %dma_wait3A_509] : memref<2x5x128x64xf32, #tpu.memory_space<vmem>> -> memref<1x1x128x64xf32, #tpu.memory_space<vmem>>
      %dma_wait3A_511 = tpu.memref_squeeze %dma_wait3A_510 : memref<1x1x128x64xf32, #tpu.memory_space<vmem>> -> memref<128x64xf32, #tpu.memory_space<vmem>>
      %dma_wait3A_512 = arith.constant 0 : i32
      %dma_wait3A_513 = tpu.memref_slice %arg6[%dma_wait3A_505, %dma_wait3A_506, %dma_wait3A_507, %dma_wait3A_512] : memref<2x5x2x128xi32, #tpu.memory_space<vmem>> -> memref<1x1x1x128xi32, #tpu.memory_space<vmem>>
      %dma_wait3A_514 = tpu.memref_squeeze %dma_wait3A_513 : memref<1x1x1x128xi32, #tpu.memory_space<vmem>> -> memref<128xi32, #tpu.memory_space<vmem>>
      %dma_wait3A_515 = arith.constant 0 : i32
      %dma_wait3A_516 = arith.constant 0 : i32
      %dma_wait3A_517 = tpu.memref_slice %arg8[%dma_wait3A_515, %dma_wait3A_516] : memref<10240x64xf32, #tpu.memory_space<vmem_shared>> -> memref<10240x64xf32, #tpu.memory_space<vmem_shared>>
      tpu.wait_indirect_dma semaphore(%arg11 : memref<!tpu.dma_semaphore, #tpu.memory_space<semaphore_mem>>) src(%dma_wait3A_511 : memref<128x64xf32, #tpu.memory_space<vmem>>) dst(%dma_wait3A_517 : memref<10240x64xf32, #tpu.memory_space<vmem_shared>>)
      %dma_wait3A_518 = arith.constant 0 : i32
      %dma_wait3A_519 = arith.constant 3 : i32
      %dma_wait3A_520 = arith.constant 0 : i32
      %dma_wait3A_521 = arith.constant 3 : i32
      %dma_wait3A_522 = arith.constant 1 : i32
      %dma_wait3A_523 = arith.constant 0 : i32
      %dma_wait3A_524 = arith.constant 0 : i32
      %dma_wait3A_525 = tpu.memref_slice %arg7[%dma_wait3A_518, %dma_wait3A_519, %dma_wait3A_523, %dma_wait3A_524] : memref<2x5x128x64xf32, #tpu.memory_space<vmem>> -> memref<1x1x128x64xf32, #tpu.memory_space<vmem>>
      %dma_wait3A_526 = tpu.memref_squeeze %dma_wait3A_525 : memref<1x1x128x64xf32, #tpu.memory_space<vmem>> -> memref<128x64xf32, #tpu.memory_space<vmem>>
      %dma_wait3A_527 = arith.constant 0 : i32
      %dma_wait3A_528 = tpu.memref_slice %arg6[%dma_wait3A_520, %dma_wait3A_521, %dma_wait3A_522, %dma_wait3A_527] : memref<2x5x2x128xi32, #tpu.memory_space<vmem>> -> memref<1x1x1x128xi32, #tpu.memory_space<vmem>>
      %dma_wait3A_529 = tpu.memref_squeeze %dma_wait3A_528 : memref<1x1x1x128xi32, #tpu.memory_space<vmem>> -> memref<128xi32, #tpu.memory_space<vmem>>
      %dma_wait3A_530 = arith.constant 0 : i32
      %dma_wait3A_531 = arith.constant 0 : i32
      %dma_wait3A_532 = tpu.memref_slice %arg8[%dma_wait3A_530, %dma_wait3A_531] : memref<10240x64xf32, #tpu.memory_space<vmem_shared>> -> memref<10240x64xf32, #tpu.memory_space<vmem_shared>>
      tpu.wait_indirect_dma semaphore(%arg11 : memref<!tpu.dma_semaphore, #tpu.memory_space<semaphore_mem>>) src(%dma_wait3A_526 : memref<128x64xf32, #tpu.memory_space<vmem>>) dst(%dma_wait3A_532 : memref<10240x64xf32, #tpu.memory_space<vmem_shared>>)
      %dma_wait3A_533 = arith.constant 0 : i32
      %dma_wait3A_534 = arith.constant 4 : i32
      %dma_wait3A_535 = arith.constant 0 : i32
      %dma_wait3A_536 = arith.constant 4 : i32
      %dma_wait3A_537 = arith.constant 1 : i32
      %dma_wait3A_538 = arith.constant 0 : i32
      %dma_wait3A_539 = arith.constant 0 : i32
      %dma_wait3A_540 = tpu.memref_slice %arg7[%dma_wait3A_533, %dma_wait3A_534, %dma_wait3A_538, %dma_wait3A_539] : memref<2x5x128x64xf32, #tpu.memory_space<vmem>> -> memref<1x1x128x64xf32, #tpu.memory_space<vmem>>
      %dma_wait3A_541 = tpu.memref_squeeze %dma_wait3A_540 : memref<1x1x128x64xf32, #tpu.memory_space<vmem>> -> memref<128x64xf32, #tpu.memory_space<vmem>>
      %dma_wait3A_542 = arith.constant 0 : i32
      %dma_wait3A_543 = tpu.memref_slice %arg6[%dma_wait3A_535, %dma_wait3A_536, %dma_wait3A_537, %dma_wait3A_542] : memref<2x5x2x128xi32, #tpu.memory_space<vmem>> -> memref<1x1x1x128xi32, #tpu.memory_space<vmem>>
      %dma_wait3A_544 = tpu.memref_squeeze %dma_wait3A_543 : memref<1x1x1x128xi32, #tpu.memory_space<vmem>> -> memref<128xi32, #tpu.memory_space<vmem>>
      %dma_wait3A_545 = arith.constant 0 : i32
      %dma_wait3A_546 = arith.constant 0 : i32
      %dma_wait3A_547 = tpu.memref_slice %arg8[%dma_wait3A_545, %dma_wait3A_546] : memref<10240x64xf32, #tpu.memory_space<vmem_shared>> -> memref<10240x64xf32, #tpu.memory_space<vmem_shared>>
      tpu.wait_indirect_dma semaphore(%arg11 : memref<!tpu.dma_semaphore, #tpu.memory_space<semaphore_mem>>) src(%dma_wait3A_541 : memref<128x64xf32, #tpu.memory_space<vmem>>) dst(%dma_wait3A_547 : memref<10240x64xf32, #tpu.memory_space<vmem_shared>>)
      %lt3A_548 = arith.constant 15 : i32
      %lt3A_549 = arith.cmpi slt, %scan3A_91, %lt3A_548 : i32
      %convert_element_type3A_550 = arith.extui %lt3A_549 : i1 to i32
      %cond3A_551 = arith.constant 0 : i32
      %cond3A_552 = arith.cmpi ne, %convert_element_type3A_550, %cond3A_551 : i32
      scf.if %cond3A_552 {
        %mul3A_628 = arith.constant 2 : i32
        %mul3A_629 = arith.muli %mul3A_628, %scan3A_91 : i32
        %add3A_630 = arith.constant 2 : i32
        %add3A_631 = arith.addi %mul3A_629, %add3A_630 : i32
        %mul3A_632 = arith.constant 5 : i32
        %mul3A_633 = arith.muli %add3A_631, %mul3A_632 : i32
        %add3A_634 = arith.addi %mul3A_4, %mul3A_633 : i32
        %run_scoped3A_635 = arith.constant 0 : i32
        "tpu.region"() ({
          %run_scoped3A_711 = tpu.sem_alloc : memref<!tpu.dma_semaphore, #tpu.memory_space<semaphore_mem>>
          %dma_start3A_712 = arith.constant 0 : i32
          %dma_start3A_713 = arith.constant 0 : i32
          %dma_start3A_714 = arith.constant 0 : i32
          %dma_start3A_715 = tpu.memref_slice %arg6[%run_scoped3A_635, %dma_start3A_712, %dma_start3A_713, %dma_start3A_714] : memref<2x5x2x128xi32, #tpu.memory_space<vmem>> -> memref<1x5x2x128xi32, #tpu.memory_space<vmem>>
          %dma_start3A_716 = tpu.memref_squeeze %dma_start3A_715 : memref<1x5x2x128xi32, #tpu.memory_space<vmem>> -> memref<5x2x128xi32, #tpu.memory_space<vmem>>
          %dma_start3A_717 = arith.constant 0 : i32
          %dma_start3A_718 = arith.constant 0 : i32
          %dma_start3A_719 = tpu.memref_slice %arg3[%arg0, %add3A_634, %dma_start3A_717, %dma_start3A_718] : memref<2x2560x2x128xi32, #tpu.memory_space<hbm>> -> memref<1x5x2x128xi32, #tpu.memory_space<hbm>>
          %dma_start3A_720 = tpu.memref_squeeze %dma_start3A_719 : memref<1x5x2x128xi32, #tpu.memory_space<hbm>> -> memref<5x2x128xi32, #tpu.memory_space<hbm>>
          %dma_start3A_721 = arith.constant 0 : i32
          %dma_start3A_722 = arith.constant 0 : i32
          %dma_start3A_723 = arith.constant 0 : i32
          %dma_start3A_724 = tpu.memref_slice %arg6[%run_scoped3A_635, %dma_start3A_721, %dma_start3A_722, %dma_start3A_723] : memref<2x5x2x128xi32, #tpu.memory_space<vmem>> -> memref<1x5x2x128xi32, #tpu.memory_space<vmem>>
          %dma_start3A_725 = tpu.memref_squeeze %dma_start3A_724 : memref<1x5x2x128xi32, #tpu.memory_space<vmem>> -> memref<5x2x128xi32, #tpu.memory_space<vmem>>
          %dma_start3A_726 = arith.constant 0 : i32
          %dma_start3A_727 = arith.constant 0 : i32
          %dma_start3A_728 = tpu.memref_slice %arg3[%arg0, %add3A_634, %dma_start3A_726, %dma_start3A_727] : memref<2x2560x2x128xi32, #tpu.memory_space<hbm>> -> memref<1x5x2x128xi32, #tpu.memory_space<hbm>>
          %dma_start3A_729 = tpu.memref_squeeze %dma_start3A_728 : memref<1x5x2x128xi32, #tpu.memory_space<hbm>> -> memref<5x2x128xi32, #tpu.memory_space<hbm>>
          tpu.enqueue_dma source(%dma_start3A_729 : memref<5x2x128xi32, #tpu.memory_space<hbm>>) target(%dma_start3A_725 : memref<5x2x128xi32, #tpu.memory_space<vmem>>) target_semaphore(%run_scoped3A_711 : memref<!tpu.dma_semaphore, #tpu.memory_space<semaphore_mem>>)
          %dma_wait3A_730 = arith.constant 0 : i32
          %dma_wait3A_731 = arith.constant 0 : i32
          %dma_wait3A_732 = arith.constant 0 : i32
          %dma_wait3A_733 = tpu.memref_slice %arg6[%run_scoped3A_635, %dma_wait3A_730, %dma_wait3A_731, %dma_wait3A_732] : memref<2x5x2x128xi32, #tpu.memory_space<vmem>> -> memref<1x5x2x128xi32, #tpu.memory_space<vmem>>
          %dma_wait3A_734 = tpu.memref_squeeze %dma_wait3A_733 : memref<1x5x2x128xi32, #tpu.memory_space<vmem>> -> memref<5x2x128xi32, #tpu.memory_space<vmem>>
          %dma_wait3A_735 = arith.constant 0 : i32
          %dma_wait3A_736 = arith.constant 0 : i32
          %dma_wait3A_737 = tpu.memref_slice %arg3[%arg0, %add3A_634, %dma_wait3A_735, %dma_wait3A_736] : memref<2x2560x2x128xi32, #tpu.memory_space<hbm>> -> memref<1x5x2x128xi32, #tpu.memory_space<hbm>>
          %dma_wait3A_738 = tpu.memref_squeeze %dma_wait3A_737 : memref<1x5x2x128xi32, #tpu.memory_space<hbm>> -> memref<5x2x128xi32, #tpu.memory_space<hbm>>
          %dma_wait3A_739 = arith.constant 0 : i32
          %dma_wait3A_740 = arith.constant 0 : i32
          %dma_wait3A_741 = arith.constant 0 : i32
          %dma_wait3A_742 = tpu.memref_slice %arg6[%run_scoped3A_635, %dma_wait3A_739, %dma_wait3A_740, %dma_wait3A_741] : memref<2x5x2x128xi32, #tpu.memory_space<vmem>> -> memref<1x5x2x128xi32, #tpu.memory_space<vmem>>
          %dma_wait3A_743 = tpu.memref_squeeze %dma_wait3A_742 : memref<1x5x2x128xi32, #tpu.memory_space<vmem>> -> memref<5x2x128xi32, #tpu.memory_space<vmem>>
          %dma_wait3A_744 = arith.constant 0 : i32
          %dma_wait3A_745 = arith.constant 0 : i32
          %dma_wait3A_746 = tpu.memref_slice %arg3[%arg0, %add3A_634, %dma_wait3A_744, %dma_wait3A_745] : memref<2x2560x2x128xi32, #tpu.memory_space<hbm>> -> memref<1x5x2x128xi32, #tpu.memory_space<hbm>>
          %dma_wait3A_747 = tpu.memref_squeeze %dma_wait3A_746 : memref<1x5x2x128xi32, #tpu.memory_space<hbm>> -> memref<5x2x128xi32, #tpu.memory_space<hbm>>
          tpu.wait_dma2 semaphore(%run_scoped3A_711 : memref<!tpu.dma_semaphore, #tpu.memory_space<semaphore_mem>>) src(%dma_wait3A_747 : memref<5x2x128xi32, #tpu.memory_space<hbm>>) dst(%dma_wait3A_743 : memref<5x2x128xi32, #tpu.memory_space<vmem>>)
          tpu.yield
        }) : () -> ()
        %dma_start3A_636 = arith.constant 0 : i32
        %dma_start3A_637 = arith.constant 0 : i32
        %dma_start3A_638 = arith.constant 0 : i32
        %dma_start3A_639 = arith.constant 0 : i32
        %dma_start3A_640 = arith.constant 0 : i32
        %dma_start3A_641 = arith.constant 0 : i32
        %dma_start3A_642 = arith.constant 0 : i32
        %dma_start3A_643 = tpu.memref_slice %arg7[%dma_start3A_639, %dma_start3A_640, %dma_start3A_641, %dma_start3A_642] : memref<2x5x128x64xf32, #tpu.memory_space<vmem>> -> memref<1x1x128x64xf32, #tpu.memory_space<vmem>>
        %dma_start3A_644 = tpu.memref_squeeze %dma_start3A_643 : memref<1x1x128x64xf32, #tpu.memory_space<vmem>> -> memref<128x64xf32, #tpu.memory_space<vmem>>
        %dma_start3A_645 = arith.constant 0 : i32
        %dma_start3A_646 = tpu.memref_slice %arg6[%dma_start3A_636, %dma_start3A_637, %dma_start3A_638, %dma_start3A_645] : memref<2x5x2x128xi32, #tpu.memory_space<vmem>> -> memref<1x1x1x128xi32, #tpu.memory_space<vmem>>
        %dma_start3A_647 = tpu.memref_squeeze %dma_start3A_646 : memref<1x1x1x128xi32, #tpu.memory_space<vmem>> -> memref<128xi32, #tpu.memory_space<vmem>>
        %dma_start3A_648 = arith.constant 0 : i32
        %dma_start3A_649 = arith.constant 0 : i32
        %dma_start3A_650 = tpu.memref_slice %arg2[%dma_start3A_648, %dma_start3A_649] : memref<20000x64xf32, #tpu.memory_space<hbm>> -> memref<20000x64xf32, #tpu.memory_space<hbm>>
        tpu.enqueue_indirect_dma source(%dma_start3A_650 : memref<20000x64xf32, #tpu.memory_space<hbm>>) target(%dma_start3A_644 : memref<128x64xf32, #tpu.memory_space<vmem>>) offsets(%dma_start3A_647 : memref<128xi32, #tpu.memory_space<vmem>>) semaphore(%arg9 : memref<!tpu.dma_semaphore, #tpu.memory_space<semaphore_mem>>)
        %dma_start3A_651 = arith.constant 0 : i32
        %dma_start3A_652 = arith.constant 1 : i32
        %dma_start3A_653 = arith.constant 0 : i32
        %dma_start3A_654 = arith.constant 0 : i32
        %dma_start3A_655 = arith.constant 1 : i32
        %dma_start3A_656 = arith.constant 0 : i32
        %dma_start3A_657 = arith.constant 0 : i32
        %dma_start3A_658 = tpu.memref_slice %arg7[%dma_start3A_654, %dma_start3A_655, %dma_start3A_656, %dma_start3A_657] : memref<2x5x128x64xf32, #tpu.memory_space<vmem>> -> memref<1x1x128x64xf32, #tpu.memory_space<vmem>>
        %dma_start3A_659 = tpu.memref_squeeze %dma_start3A_658 : memref<1x1x128x64xf32, #tpu.memory_space<vmem>> -> memref<128x64xf32, #tpu.memory_space<vmem>>
        %dma_start3A_660 = arith.constant 0 : i32
        %dma_start3A_661 = tpu.memref_slice %arg6[%dma_start3A_651, %dma_start3A_652, %dma_start3A_653, %dma_start3A_660] : memref<2x5x2x128xi32, #tpu.memory_space<vmem>> -> memref<1x1x1x128xi32, #tpu.memory_space<vmem>>
        %dma_start3A_662 = tpu.memref_squeeze %dma_start3A_661 : memref<1x1x1x128xi32, #tpu.memory_space<vmem>> -> memref<128xi32, #tpu.memory_space<vmem>>
        %dma_start3A_663 = arith.constant 0 : i32
        %dma_start3A_664 = arith.constant 0 : i32
        %dma_start3A_665 = tpu.memref_slice %arg2[%dma_start3A_663, %dma_start3A_664] : memref<20000x64xf32, #tpu.memory_space<hbm>> -> memref<20000x64xf32, #tpu.memory_space<hbm>>
        tpu.enqueue_indirect_dma source(%dma_start3A_665 : memref<20000x64xf32, #tpu.memory_space<hbm>>) target(%dma_start3A_659 : memref<128x64xf32, #tpu.memory_space<vmem>>) offsets(%dma_start3A_662 : memref<128xi32, #tpu.memory_space<vmem>>) semaphore(%arg9 : memref<!tpu.dma_semaphore, #tpu.memory_space<semaphore_mem>>)
        %dma_start3A_666 = arith.constant 0 : i32
        %dma_start3A_667 = arith.constant 2 : i32
        %dma_start3A_668 = arith.constant 0 : i32
        %dma_start3A_669 = arith.constant 0 : i32
        %dma_start3A_670 = arith.constant 2 : i32
        %dma_start3A_671 = arith.constant 0 : i32
        %dma_start3A_672 = arith.constant 0 : i32
        %dma_start3A_673 = tpu.memref_slice %arg7[%dma_start3A_669, %dma_start3A_670, %dma_start3A_671, %dma_start3A_672] : memref<2x5x128x64xf32, #tpu.memory_space<vmem>> -> memref<1x1x128x64xf32, #tpu.memory_space<vmem>>
        %dma_start3A_674 = tpu.memref_squeeze %dma_start3A_673 : memref<1x1x128x64xf32, #tpu.memory_space<vmem>> -> memref<128x64xf32, #tpu.memory_space<vmem>>
        %dma_start3A_675 = arith.constant 0 : i32
        %dma_start3A_676 = tpu.memref_slice %arg6[%dma_start3A_666, %dma_start3A_667, %dma_start3A_668, %dma_start3A_675] : memref<2x5x2x128xi32, #tpu.memory_space<vmem>> -> memref<1x1x1x128xi32, #tpu.memory_space<vmem>>
        %dma_start3A_677 = tpu.memref_squeeze %dma_start3A_676 : memref<1x1x1x128xi32, #tpu.memory_space<vmem>> -> memref<128xi32, #tpu.memory_space<vmem>>
        %dma_start3A_678 = arith.constant 0 : i32
        %dma_start3A_679 = arith.constant 0 : i32
        %dma_start3A_680 = tpu.memref_slice %arg2[%dma_start3A_678, %dma_start3A_679] : memref<20000x64xf32, #tpu.memory_space<hbm>> -> memref<20000x64xf32, #tpu.memory_space<hbm>>
        tpu.enqueue_indirect_dma source(%dma_start3A_680 : memref<20000x64xf32, #tpu.memory_space<hbm>>) target(%dma_start3A_674 : memref<128x64xf32, #tpu.memory_space<vmem>>) offsets(%dma_start3A_677 : memref<128xi32, #tpu.memory_space<vmem>>) semaphore(%arg9 : memref<!tpu.dma_semaphore, #tpu.memory_space<semaphore_mem>>)
        %dma_start3A_681 = arith.constant 0 : i32
        %dma_start3A_682 = arith.constant 3 : i32
        %dma_start3A_683 = arith.constant 0 : i32
        %dma_start3A_684 = arith.constant 0 : i32
        %dma_start3A_685 = arith.constant 3 : i32
        %dma_start3A_686 = arith.constant 0 : i32
        %dma_start3A_687 = arith.constant 0 : i32
        %dma_start3A_688 = tpu.memref_slice %arg7[%dma_start3A_684, %dma_start3A_685, %dma_start3A_686, %dma_start3A_687] : memref<2x5x128x64xf32, #tpu.memory_space<vmem>> -> memref<1x1x128x64xf32, #tpu.memory_space<vmem>>
        %dma_start3A_689 = tpu.memref_squeeze %dma_start3A_688 : memref<1x1x128x64xf32, #tpu.memory_space<vmem>> -> memref<128x64xf32, #tpu.memory_space<vmem>>
        %dma_start3A_690 = arith.constant 0 : i32
        %dma_start3A_691 = tpu.memref_slice %arg6[%dma_start3A_681, %dma_start3A_682, %dma_start3A_683, %dma_start3A_690] : memref<2x5x2x128xi32, #tpu.memory_space<vmem>> -> memref<1x1x1x128xi32, #tpu.memory_space<vmem>>
        %dma_start3A_692 = tpu.memref_squeeze %dma_start3A_691 : memref<1x1x1x128xi32, #tpu.memory_space<vmem>> -> memref<128xi32, #tpu.memory_space<vmem>>
        %dma_start3A_693 = arith.constant 0 : i32
        %dma_start3A_694 = arith.constant 0 : i32
        %dma_start3A_695 = tpu.memref_slice %arg2[%dma_start3A_693, %dma_start3A_694] : memref<20000x64xf32, #tpu.memory_space<hbm>> -> memref<20000x64xf32, #tpu.memory_space<hbm>>
        tpu.enqueue_indirect_dma source(%dma_start3A_695 : memref<20000x64xf32, #tpu.memory_space<hbm>>) target(%dma_start3A_689 : memref<128x64xf32, #tpu.memory_space<vmem>>) offsets(%dma_start3A_692 : memref<128xi32, #tpu.memory_space<vmem>>) semaphore(%arg9 : memref<!tpu.dma_semaphore, #tpu.memory_space<semaphore_mem>>)
        %dma_start3A_696 = arith.constant 0 : i32
        %dma_start3A_697 = arith.constant 4 : i32
        %dma_start3A_698 = arith.constant 0 : i32
        %dma_start3A_699 = arith.constant 0 : i32
        %dma_start3A_700 = arith.constant 4 : i32
        %dma_start3A_701 = arith.constant 0 : i32
        %dma_start3A_702 = arith.constant 0 : i32
        %dma_start3A_703 = tpu.memref_slice %arg7[%dma_start3A_699, %dma_start3A_700, %dma_start3A_701, %dma_start3A_702] : memref<2x5x128x64xf32, #tpu.memory_space<vmem>> -> memref<1x1x128x64xf32, #tpu.memory_space<vmem>>
        %dma_start3A_704 = tpu.memref_squeeze %dma_start3A_703 : memref<1x1x128x64xf32, #tpu.memory_space<vmem>> -> memref<128x64xf32, #tpu.memory_space<vmem>>
        %dma_start3A_705 = arith.constant 0 : i32
        %dma_start3A_706 = tpu.memref_slice %arg6[%dma_start3A_696, %dma_start3A_697, %dma_start3A_698, %dma_start3A_705] : memref<2x5x2x128xi32, #tpu.memory_space<vmem>> -> memref<1x1x1x128xi32, #tpu.memory_space<vmem>>
        %dma_start3A_707 = tpu.memref_squeeze %dma_start3A_706 : memref<1x1x1x128xi32, #tpu.memory_space<vmem>> -> memref<128xi32, #tpu.memory_space<vmem>>
        %dma_start3A_708 = arith.constant 0 : i32
        %dma_start3A_709 = arith.constant 0 : i32
        %dma_start3A_710 = tpu.memref_slice %arg2[%dma_start3A_708, %dma_start3A_709] : memref<20000x64xf32, #tpu.memory_space<hbm>> -> memref<20000x64xf32, #tpu.memory_space<hbm>>
        tpu.enqueue_indirect_dma source(%dma_start3A_710 : memref<20000x64xf32, #tpu.memory_space<hbm>>) target(%dma_start3A_704 : memref<128x64xf32, #tpu.memory_space<vmem>>) offsets(%dma_start3A_707 : memref<128xi32, #tpu.memory_space<vmem>>) semaphore(%arg9 : memref<!tpu.dma_semaphore, #tpu.memory_space<semaphore_mem>>)
      } else {
      }
      %dma_wait3A_553 = arith.constant 1 : i32
      %dma_wait3A_554 = arith.constant 0 : i32
      %dma_wait3A_555 = arith.constant 1 : i32
      %dma_wait3A_556 = arith.constant 0 : i32
      %dma_wait3A_557 = arith.constant 1 : i32
      %dma_wait3A_558 = arith.constant 0 : i32
      %dma_wait3A_559 = arith.constant 0 : i32
      %dma_wait3A_560 = tpu.memref_slice %arg7[%dma_wait3A_553, %dma_wait3A_554, %dma_wait3A_558, %dma_wait3A_559] : memref<2x5x128x64xf32, #tpu.memory_space<vmem>> -> memref<1x1x128x64xf32, #tpu.memory_space<vmem>>
      %dma_wait3A_561 = tpu.memref_squeeze %dma_wait3A_560 : memref<1x1x128x64xf32, #tpu.memory_space<vmem>> -> memref<128x64xf32, #tpu.memory_space<vmem>>
      %dma_wait3A_562 = arith.constant 0 : i32
      %dma_wait3A_563 = tpu.memref_slice %arg6[%dma_wait3A_555, %dma_wait3A_556, %dma_wait3A_557, %dma_wait3A_562] : memref<2x5x2x128xi32, #tpu.memory_space<vmem>> -> memref<1x1x1x128xi32, #tpu.memory_space<vmem>>
      %dma_wait3A_564 = tpu.memref_squeeze %dma_wait3A_563 : memref<1x1x1x128xi32, #tpu.memory_space<vmem>> -> memref<128xi32, #tpu.memory_space<vmem>>
      %dma_wait3A_565 = arith.constant 0 : i32
      %dma_wait3A_566 = arith.constant 0 : i32
      %dma_wait3A_567 = tpu.memref_slice %arg8[%dma_wait3A_565, %dma_wait3A_566] : memref<10240x64xf32, #tpu.memory_space<vmem_shared>> -> memref<10240x64xf32, #tpu.memory_space<vmem_shared>>
      tpu.wait_indirect_dma semaphore(%arg12 : memref<!tpu.dma_semaphore, #tpu.memory_space<semaphore_mem>>) src(%dma_wait3A_561 : memref<128x64xf32, #tpu.memory_space<vmem>>) dst(%dma_wait3A_567 : memref<10240x64xf32, #tpu.memory_space<vmem_shared>>)
      %dma_wait3A_568 = arith.constant 1 : i32
      %dma_wait3A_569 = arith.constant 1 : i32
      %dma_wait3A_570 = arith.constant 1 : i32
      %dma_wait3A_571 = arith.constant 1 : i32
      %dma_wait3A_572 = arith.constant 1 : i32
      %dma_wait3A_573 = arith.constant 0 : i32
      %dma_wait3A_574 = arith.constant 0 : i32
      %dma_wait3A_575 = tpu.memref_slice %arg7[%dma_wait3A_568, %dma_wait3A_569, %dma_wait3A_573, %dma_wait3A_574] : memref<2x5x128x64xf32, #tpu.memory_space<vmem>> -> memref<1x1x128x64xf32, #tpu.memory_space<vmem>>
      %dma_wait3A_576 = tpu.memref_squeeze %dma_wait3A_575 : memref<1x1x128x64xf32, #tpu.memory_space<vmem>> -> memref<128x64xf32, #tpu.memory_space<vmem>>
      %dma_wait3A_577 = arith.constant 0 : i32
      %dma_wait3A_578 = tpu.memref_slice %arg6[%dma_wait3A_570, %dma_wait3A_571, %dma_wait3A_572, %dma_wait3A_577] : memref<2x5x2x128xi32, #tpu.memory_space<vmem>> -> memref<1x1x1x128xi32, #tpu.memory_space<vmem>>
      %dma_wait3A_579 = tpu.memref_squeeze %dma_wait3A_578 : memref<1x1x1x128xi32, #tpu.memory_space<vmem>> -> memref<128xi32, #tpu.memory_space<vmem>>
      %dma_wait3A_580 = arith.constant 0 : i32
      %dma_wait3A_581 = arith.constant 0 : i32
      %dma_wait3A_582 = tpu.memref_slice %arg8[%dma_wait3A_580, %dma_wait3A_581] : memref<10240x64xf32, #tpu.memory_space<vmem_shared>> -> memref<10240x64xf32, #tpu.memory_space<vmem_shared>>
      tpu.wait_indirect_dma semaphore(%arg12 : memref<!tpu.dma_semaphore, #tpu.memory_space<semaphore_mem>>) src(%dma_wait3A_576 : memref<128x64xf32, #tpu.memory_space<vmem>>) dst(%dma_wait3A_582 : memref<10240x64xf32, #tpu.memory_space<vmem_shared>>)
      %dma_wait3A_583 = arith.constant 1 : i32
      %dma_wait3A_584 = arith.constant 2 : i32
      %dma_wait3A_585 = arith.constant 1 : i32
      %dma_wait3A_586 = arith.constant 2 : i32
      %dma_wait3A_587 = arith.constant 1 : i32
      %dma_wait3A_588 = arith.constant 0 : i32
      %dma_wait3A_589 = arith.constant 0 : i32
      %dma_wait3A_590 = tpu.memref_slice %arg7[%dma_wait3A_583, %dma_wait3A_584, %dma_wait3A_588, %dma_wait3A_589] : memref<2x5x128x64xf32, #tpu.memory_space<vmem>> -> memref<1x1x128x64xf32, #tpu.memory_space<vmem>>
      %dma_wait3A_591 = tpu.memref_squeeze %dma_wait3A_590 : memref<1x1x128x64xf32, #tpu.memory_space<vmem>> -> memref<128x64xf32, #tpu.memory_space<vmem>>
      %dma_wait3A_592 = arith.constant 0 : i32
      %dma_wait3A_593 = tpu.memref_slice %arg6[%dma_wait3A_585, %dma_wait3A_586, %dma_wait3A_587, %dma_wait3A_592] : memref<2x5x2x128xi32, #tpu.memory_space<vmem>> -> memref<1x1x1x128xi32, #tpu.memory_space<vmem>>
      %dma_wait3A_594 = tpu.memref_squeeze %dma_wait3A_593 : memref<1x1x1x128xi32, #tpu.memory_space<vmem>> -> memref<128xi32, #tpu.memory_space<vmem>>
      %dma_wait3A_595 = arith.constant 0 : i32
      %dma_wait3A_596 = arith.constant 0 : i32
      %dma_wait3A_597 = tpu.memref_slice %arg8[%dma_wait3A_595, %dma_wait3A_596] : memref<10240x64xf32, #tpu.memory_space<vmem_shared>> -> memref<10240x64xf32, #tpu.memory_space<vmem_shared>>
      tpu.wait_indirect_dma semaphore(%arg12 : memref<!tpu.dma_semaphore, #tpu.memory_space<semaphore_mem>>) src(%dma_wait3A_591 : memref<128x64xf32, #tpu.memory_space<vmem>>) dst(%dma_wait3A_597 : memref<10240x64xf32, #tpu.memory_space<vmem_shared>>)
      %dma_wait3A_598 = arith.constant 1 : i32
      %dma_wait3A_599 = arith.constant 3 : i32
      %dma_wait3A_600 = arith.constant 1 : i32
      %dma_wait3A_601 = arith.constant 3 : i32
      %dma_wait3A_602 = arith.constant 1 : i32
      %dma_wait3A_603 = arith.constant 0 : i32
      %dma_wait3A_604 = arith.constant 0 : i32
      %dma_wait3A_605 = tpu.memref_slice %arg7[%dma_wait3A_598, %dma_wait3A_599, %dma_wait3A_603, %dma_wait3A_604] : memref<2x5x128x64xf32, #tpu.memory_space<vmem>> -> memref<1x1x128x64xf32, #tpu.memory_space<vmem>>
      %dma_wait3A_606 = tpu.memref_squeeze %dma_wait3A_605 : memref<1x1x128x64xf32, #tpu.memory_space<vmem>> -> memref<128x64xf32, #tpu.memory_space<vmem>>
      %dma_wait3A_607 = arith.constant 0 : i32
      %dma_wait3A_608 = tpu.memref_slice %arg6[%dma_wait3A_600, %dma_wait3A_601, %dma_wait3A_602, %dma_wait3A_607] : memref<2x5x2x128xi32, #tpu.memory_space<vmem>> -> memref<1x1x1x128xi32, #tpu.memory_space<vmem>>
      %dma_wait3A_609 = tpu.memref_squeeze %dma_wait3A_608 : memref<1x1x1x128xi32, #tpu.memory_space<vmem>> -> memref<128xi32, #tpu.memory_space<vmem>>
      %dma_wait3A_610 = arith.constant 0 : i32
      %dma_wait3A_611 = arith.constant 0 : i32
      %dma_wait3A_612 = tpu.memref_slice %arg8[%dma_wait3A_610, %dma_wait3A_611] : memref<10240x64xf32, #tpu.memory_space<vmem_shared>> -> memref<10240x64xf32, #tpu.memory_space<vmem_shared>>
      tpu.wait_indirect_dma semaphore(%arg12 : memref<!tpu.dma_semaphore, #tpu.memory_space<semaphore_mem>>) src(%dma_wait3A_606 : memref<128x64xf32, #tpu.memory_space<vmem>>) dst(%dma_wait3A_612 : memref<10240x64xf32, #tpu.memory_space<vmem_shared>>)
      %dma_wait3A_613 = arith.constant 1 : i32
      %dma_wait3A_614 = arith.constant 4 : i32
      %dma_wait3A_615 = arith.constant 1 : i32
      %dma_wait3A_616 = arith.constant 4 : i32
      %dma_wait3A_617 = arith.constant 1 : i32
      %dma_wait3A_618 = arith.constant 0 : i32
      %dma_wait3A_619 = arith.constant 0 : i32
      %dma_wait3A_620 = tpu.memref_slice %arg7[%dma_wait3A_613, %dma_wait3A_614, %dma_wait3A_618, %dma_wait3A_619] : memref<2x5x128x64xf32, #tpu.memory_space<vmem>> -> memref<1x1x128x64xf32, #tpu.memory_space<vmem>>
      %dma_wait3A_621 = tpu.memref_squeeze %dma_wait3A_620 : memref<1x1x128x64xf32, #tpu.memory_space<vmem>> -> memref<128x64xf32, #tpu.memory_space<vmem>>
      %dma_wait3A_622 = arith.constant 0 : i32
      %dma_wait3A_623 = tpu.memref_slice %arg6[%dma_wait3A_615, %dma_wait3A_616, %dma_wait3A_617, %dma_wait3A_622] : memref<2x5x2x128xi32, #tpu.memory_space<vmem>> -> memref<1x1x1x128xi32, #tpu.memory_space<vmem>>
      %dma_wait3A_624 = tpu.memref_squeeze %dma_wait3A_623 : memref<1x1x1x128xi32, #tpu.memory_space<vmem>> -> memref<128xi32, #tpu.memory_space<vmem>>
      %dma_wait3A_625 = arith.constant 0 : i32
      %dma_wait3A_626 = arith.constant 0 : i32
      %dma_wait3A_627 = tpu.memref_slice %arg8[%dma_wait3A_625, %dma_wait3A_626] : memref<10240x64xf32, #tpu.memory_space<vmem_shared>> -> memref<10240x64xf32, #tpu.memory_space<vmem_shared>>
      tpu.wait_indirect_dma semaphore(%arg12 : memref<!tpu.dma_semaphore, #tpu.memory_space<semaphore_mem>>) src(%dma_wait3A_621 : memref<128x64xf32, #tpu.memory_space<vmem>>) dst(%dma_wait3A_627 : memref<10240x64xf32, #tpu.memory_space<vmem_shared>>)
    }
    %scan3A_83 = arith.constant 16 : i32
    %barrier3A_84 = arith.constant 0 : index
    tpu.barrier barrier_id(%barrier3A_84)
    %lt3A = arith.constant 15 : i32
    %lt3A_85 = arith.cmpi slt, %arg1, %lt3A : i32
    %convert_element_type3A = arith.extui %lt3A_85 : i1 to i32
    %cond3A = arith.constant 0 : i32
    %cond3A_86 = arith.cmpi ne, %convert_element_type3A, %cond3A : i32
    scf.if %cond3A_86 {
      %mul3A_91 = arith.constant 640 : i32
      %mul3A_92 = arith.muli %mul3A_91, %arg1 : i32
      "tpu.region"() ({
        %run_scoped3A_93 = tpu.sem_alloc : memref<!tpu.dma_semaphore, #tpu.memory_space<semaphore_mem>>
        %dma_start3A_94 = tpu.memref_slice %arg5[%mul3A_92, %mul3A_0] : memref<10000x128xf32, #tpu.memory_space<hbm>> -> memref<640x64xf32, #tpu.memory_space<hbm>>
        %dma_start3A_95 = arith.constant 0 : i32
        %dma_start3A_96 = tpu.memref_slice %arg8[%mul3A_92, %dma_start3A_95] : memref<10240x64xf32, #tpu.memory_space<vmem_shared>> -> memref<640x64xf32, #tpu.memory_space<vmem_shared>>
        tpu.enqueue_dma source(%dma_start3A_96 : memref<640x64xf32, #tpu.memory_space<vmem_shared>>) target(%dma_start3A_94 : memref<640x64xf32, #tpu.memory_space<hbm>>) target_semaphore(%run_scoped3A_93 : memref<!tpu.dma_semaphore, #tpu.memory_space<semaphore_mem>>)
        %dma_wait3A = tpu.memref_slice %arg5[%mul3A_92, %mul3A_0] : memref<10000x128xf32, #tpu.memory_space<hbm>> -> memref<640x64xf32, #tpu.memory_space<hbm>>
        %dma_wait3A_97 = arith.constant 0 : i32
        %dma_wait3A_98 = tpu.memref_slice %arg8[%mul3A_92, %dma_wait3A_97] : memref<10240x64xf32, #tpu.memory_space<vmem_shared>> -> memref<640x64xf32, #tpu.memory_space<vmem_shared>>
        tpu.wait_dma2 semaphore(%run_scoped3A_93 : memref<!tpu.dma_semaphore, #tpu.memory_space<semaphore_mem>>) src(%dma_wait3A_98 : memref<640x64xf32, #tpu.memory_space<vmem_shared>>) dst(%dma_wait3A : memref<640x64xf32, #tpu.memory_space<hbm>>)
        tpu.yield
      }) : () -> ()
    } else {
    }
    %eq3A = arith.constant 15 : i32
    %eq3A_87 = arith.cmpi eq, %arg1, %eq3A : i32
    %convert_element_type3A_88 = arith.extui %eq3A_87 : i1 to i32
    %cond3A_89 = arith.constant 0 : i32
    %cond3A_90 = arith.cmpi ne, %convert_element_type3A_88, %cond3A_89 : i32
    scf.if %cond3A_90 {
      "tpu.region"() ({
        %run_scoped3A_91 = tpu.sem_alloc : memref<!tpu.dma_semaphore, #tpu.memory_space<semaphore_mem>>
        %dma_start3A_92 = arith.constant 9600 : i32
        %dma_start3A_93 = tpu.memref_slice %arg5[%dma_start3A_92, %mul3A_0] : memref<10000x128xf32, #tpu.memory_space<hbm>> -> memref<400x64xf32, #tpu.memory_space<hbm>>
        %dma_start3A_94 = arith.constant 9600 : i32
        %dma_start3A_95 = arith.constant 0 : i32
        %dma_start3A_96 = tpu.memref_slice %arg8[%dma_start3A_94, %dma_start3A_95] : memref<10240x64xf32, #tpu.memory_space<vmem_shared>> -> memref<400x64xf32, #tpu.memory_space<vmem_shared>>
        tpu.enqueue_dma source(%dma_start3A_96 : memref<400x64xf32, #tpu.memory_space<vmem_shared>>) target(%dma_start3A_93 : memref<400x64xf32, #tpu.memory_space<hbm>>) target_semaphore(%run_scoped3A_91 : memref<!tpu.dma_semaphore, #tpu.memory_space<semaphore_mem>>)
        %dma_wait3A = arith.constant 9600 : i32
        %dma_wait3A_97 = tpu.memref_slice %arg5[%dma_wait3A, %mul3A_0] : memref<10000x128xf32, #tpu.memory_space<hbm>> -> memref<400x64xf32, #tpu.memory_space<hbm>>
        %dma_wait3A_98 = arith.constant 9600 : i32
        %dma_wait3A_99 = arith.constant 0 : i32
        %dma_wait3A_100 = tpu.memref_slice %arg8[%dma_wait3A_98, %dma_wait3A_99] : memref<10240x64xf32, #tpu.memory_space<vmem_shared>> -> memref<400x64xf32, #tpu.memory_space<vmem_shared>>
        tpu.wait_dma2 semaphore(%run_scoped3A_91 : memref<!tpu.dma_semaphore, #tpu.memory_space<semaphore_mem>>) src(%dma_wait3A_100 : memref<400x64xf32, #tpu.memory_space<vmem_shared>>) dst(%dma_wait3A_97 : memref<400x64xf32, #tpu.memory_space<hbm>>)
        tpu.yield
      }) : () -> ()
    } else {
    }
    return
  }
}

module attributes {stable_mosaic.version = 14 : i64} {
  func.func @_tc1_body(%arg0: i32, %arg1: memref<1000x128xf32, #tpu.memory_space<vmem>>, %arg2: memref<128x128xf32, #tpu.memory_space<vmem>>, %arg3: memref<1000x2xf32, #tpu.memory_space<vmem>>, %arg4: memref<1000x128xf32, #tpu.memory_space<vmem>>, %arg5: memref<1000x1xf32, #tpu.memory_space<vmem>>) attributes {dimension_semantics = [#tpu.dimension_semantics<arbitrary>], iteration_bounds = array<i64: 10>, scalar_prefetch = 0 : i64, scratch_operands = 0 : i64, tpu.core_type = #tpu.core_type<tc>, window_params = [{transform_indices = @transform_0, window_bounds = array<i64: 1000, 128>}, {pipeline_mode = #tpu.pipeline_mode<synchronous>, transform_indices = @transform_1, window_bounds = array<i64: 128, 128>}, {transform_indices = @transform_2, window_bounds = array<i64: 1000, 2>}, {transform_indices = @transform_3, window_bounds = array<i64: 1000, 128>}, {transform_indices = @transform_4, window_bounds = array<i64: 1000, 1>}]} {
    %get3A = arith.constant 0 : index
    %get3A_0 = arith.constant 0 : index
    %get3A_1 = vector.load %arg3[%get3A, %get3A_0] : memref<1000x2xf32, #tpu.memory_space<vmem>>, vector<1000x2xf32>
    %reduce_sum3A = arith.constant dense<0.000000e+00> : vector<1000xf32>
    %reduce_sum3A_2 = vector.multi_reduction <add>, %get3A_1, %reduce_sum3A [1] : vector<1000x2xf32> to vector<1000xf32>
    %broadcast_in_dim3A = vector.shape_cast %reduce_sum3A_2 : vector<1000xf32> to vector<1000x1xf32>
    %add3A = arith.constant 1.000000e+00 : f32
    %add3A_3 = vector.broadcast %add3A : f32 to vector<1000x1xf32>
    %add3A_4 = arith.addf %broadcast_in_dim3A, %add3A_3 : vector<1000x1xf32>
    %rsqrt3A = math.rsqrt %add3A_4 : vector<1000x1xf32>
    %get3A_5 = arith.constant 0 : index
    %get3A_6 = arith.constant 0 : index
    %get3A_7 = vector.load %arg1[%get3A_5, %get3A_6] : memref<1000x128xf32, #tpu.memory_space<vmem>>, vector<1000x128xf32>
    %get3A_8 = arith.constant 0 : index
    %get3A_9 = arith.constant 0 : index
    %get3A_10 = vector.load %arg2[%get3A_8, %get3A_9] : memref<128x128xf32, #tpu.memory_space<vmem>>, vector<128x128xf32>
    %dot_general3A = arith.constant dense<0.000000e+00> : vector<1000x128xf32>
    %dot_general3A_11 = tpu.matmul %get3A_7, %get3A_10, %dot_general3A {dimension_numbers = #tpu.dot_dimension_numbers<[1], [1], [0], [0], [0, 0, 1, 0], [], []>, transpose_lhs_hint = false} : vector<1000x128xf32>, vector<128x128xf32>, vector<1000x128xf32> -> vector<1000x128xf32>
    %mul3A = vector.broadcast %rsqrt3A : vector<1000x1xf32> to vector<1000x128xf32>
    %mul3A_12 = arith.mulf %dot_general3A_11, %mul3A : vector<1000x128xf32>
    %swap3A = arith.constant 0 : index
    %swap3A_13 = arith.constant 0 : index
    %swap3A_14 = vector.load %arg4[%swap3A, %swap3A_13] : memref<1000x128xf32, #tpu.memory_space<vmem>>, vector<1000x128xf32>
    tpu.vector_store %arg4[%swap3A, %swap3A_13], %mul3A_12 {strides = array<i32>} : memref<1000x128xf32, #tpu.memory_space<vmem>>, vector<1000x128xf32>,
    %swap3A_15 = arith.constant 0 : index
    %swap3A_16 = arith.constant 0 : index
    %swap3A_17 = vector.load %arg5[%swap3A_15, %swap3A_16] : memref<1000x1xf32, #tpu.memory_space<vmem>>, vector<1000x1xf32>
    tpu.vector_store %arg5[%swap3A_15, %swap3A_16], %rsqrt3A {strides = array<i32>} : memref<1000x1xf32, #tpu.memory_space<vmem>>, vector<1000x1xf32>,
    return
  }
  func.func @transform_0(%arg0: i32) -> (i32, i32) {
    %c0_i32 = arith.constant 0 : i32
    %c0_i32_0 = arith.constant 0 : i32
    return %arg0, %c0_i32 : i32, i32
  }
  func.func @transform_1(%arg0: i32) -> (i32, i32) {
    %c0_i32 = arith.constant 0 : i32
    %c0_i32_0 = arith.constant 0 : i32
    %c0_i32_1 = arith.constant 0 : i32
    return %c0_i32, %c0_i32_0 : i32, i32
  }
  func.func @transform_2(%arg0: i32) -> (i32, i32) {
    %c0_i32 = arith.constant 0 : i32
    %c0_i32_0 = arith.constant 0 : i32
    return %arg0, %c0_i32 : i32, i32
  }
  func.func @transform_3(%arg0: i32) -> (i32, i32) {
    %c0_i32 = arith.constant 0 : i32
    %c0_i32_0 = arith.constant 0 : i32
    return %arg0, %c0_i32 : i32, i32
  }
  func.func @transform_4(%arg0: i32) -> (i32, i32) {
    %c0_i32 = arith.constant 0 : i32
    %c0_i32_0 = arith.constant 0 : i32
    return %arg0, %c0_i32 : i32, i32
  }
}

module attributes {stable_mosaic.version = 14 : i64} {
  func.func @_tc_mid_body(%arg0: i32, %arg1: memref<1000x128xf32, #tpu.memory_space<vmem>>, %arg2: memref<1000x128xf32, #tpu.memory_space<vmem>>, %arg3: memref<128x128xf32, #tpu.memory_space<vmem>>, %arg4: memref<1000x1xf32, #tpu.memory_space<vmem>>, %arg5: memref<1000x128xf32, #tpu.memory_space<vmem>>) attributes {dimension_semantics = [#tpu.dimension_semantics<arbitrary>], iteration_bounds = array<i64: 10>, scalar_prefetch = 0 : i64, scratch_operands = 0 : i64, tpu.core_type = #tpu.core_type<tc>, window_params = [{transform_indices = @transform_0, window_bounds = array<i64: 1000, 128>}, {transform_indices = @transform_1, window_bounds = array<i64: 1000, 128>}, {pipeline_mode = #tpu.pipeline_mode<synchronous>, transform_indices = @transform_2, window_bounds = array<i64: 128, 128>}, {transform_indices = @transform_3, window_bounds = array<i64: 1000, 1>}, {transform_indices = @transform_4, window_bounds = array<i64: 1000, 128>}]} {
    %get3A = arith.constant 0 : index
    %get3A_0 = arith.constant 0 : index
    %get3A_1 = vector.load %arg4[%get3A, %get3A_0] : memref<1000x1xf32, #tpu.memory_space<vmem>>, vector<1000x1xf32>
    %get3A_2 = arith.constant 0 : index
    %get3A_3 = arith.constant 0 : index
    %get3A_4 = vector.load %arg1[%get3A_2, %get3A_3] : memref<1000x128xf32, #tpu.memory_space<vmem>>, vector<1000x128xf32>
    %get3A_5 = arith.constant 0 : index
    %get3A_6 = arith.constant 0 : index
    %get3A_7 = vector.load %arg2[%get3A_5, %get3A_6] : memref<1000x128xf32, #tpu.memory_space<vmem>>, vector<1000x128xf32>
    %add3A = arith.addf %get3A_4, %get3A_7 : vector<1000x128xf32>
    %get3A_8 = arith.constant 0 : index
    %get3A_9 = arith.constant 0 : index
    %get3A_10 = vector.load %arg3[%get3A_8, %get3A_9] : memref<128x128xf32, #tpu.memory_space<vmem>>, vector<128x128xf32>
    %dot_general3A = arith.constant dense<0.000000e+00> : vector<1000x128xf32>
    %dot_general3A_11 = tpu.matmul %add3A, %get3A_10, %dot_general3A {dimension_numbers = #tpu.dot_dimension_numbers<[1], [1], [0], [0], [0, 0, 1, 0], [], []>, transpose_lhs_hint = false} : vector<1000x128xf32>, vector<128x128xf32>, vector<1000x128xf32> -> vector<1000x128xf32>
    %mul3A = arith.mulf %get3A_1, %get3A_1 : vector<1000x1xf32>
    %mul3A_12 = vector.broadcast %mul3A : vector<1000x1xf32> to vector<1000x128xf32>
    %mul3A_13 = arith.mulf %dot_general3A_11, %mul3A_12 : vector<1000x128xf32>
    %swap3A = arith.constant 0 : index
    %swap3A_14 = arith.constant 0 : index
    %swap3A_15 = vector.load %arg5[%swap3A, %swap3A_14] : memref<1000x128xf32, #tpu.memory_space<vmem>>, vector<1000x128xf32>
    tpu.vector_store %arg5[%swap3A, %swap3A_14], %mul3A_13 {strides = array<i32>} : memref<1000x128xf32, #tpu.memory_space<vmem>>, vector<1000x128xf32>,
    return
  }
  func.func @transform_0(%arg0: i32) -> (i32, i32) {
    %c0_i32 = arith.constant 0 : i32
    %c0_i32_0 = arith.constant 0 : i32
    return %arg0, %c0_i32 : i32, i32
  }
  func.func @transform_1(%arg0: i32) -> (i32, i32) {
    %c0_i32 = arith.constant 0 : i32
    %c0_i32_0 = arith.constant 0 : i32
    return %arg0, %c0_i32 : i32, i32
  }
  func.func @transform_2(%arg0: i32) -> (i32, i32) {
    %c0_i32 = arith.constant 0 : i32
    %c0_i32_0 = arith.constant 0 : i32
    %c0_i32_1 = arith.constant 0 : i32
    return %c0_i32, %c0_i32_0 : i32, i32
  }
  func.func @transform_3(%arg0: i32) -> (i32, i32) {
    %c0_i32 = arith.constant 0 : i32
    %c0_i32_0 = arith.constant 0 : i32
    return %arg0, %c0_i32 : i32, i32
  }
  func.func @transform_4(%arg0: i32) -> (i32, i32) {
    %c0_i32 = arith.constant 0 : i32
    %c0_i32_0 = arith.constant 0 : i32
    return %arg0, %c0_i32 : i32, i32
  }
}

module attributes {stable_mosaic.version = 14 : i64} {
  func.func @_tc_out_body(%arg0: i32, %arg1: memref<1000x128xf32, #tpu.memory_space<vmem>>, %arg2: memref<1000x128xf32, #tpu.memory_space<vmem>>, %arg3: memref<1000x1xf32, #tpu.memory_space<vmem>>, %arg4: memref<1000x128xf32, #tpu.memory_space<vmem>>) attributes {dimension_semantics = [#tpu.dimension_semantics<arbitrary>], iteration_bounds = array<i64: 10>, scalar_prefetch = 0 : i64, scratch_operands = 0 : i64, tpu.core_type = #tpu.core_type<tc>, window_params = [{transform_indices = @transform_0, window_bounds = array<i64: 1000, 128>}, {transform_indices = @transform_1, window_bounds = array<i64: 1000, 128>}, {transform_indices = @transform_2, window_bounds = array<i64: 1000, 1>}, {transform_indices = @transform_3, window_bounds = array<i64: 1000, 128>}]} {
    %get3A = arith.constant 0 : index
    %get3A_0 = arith.constant 0 : index
    %get3A_1 = vector.load %arg1[%get3A, %get3A_0] : memref<1000x128xf32, #tpu.memory_space<vmem>>, vector<1000x128xf32>
    %get3A_2 = arith.constant 0 : index
    %get3A_3 = arith.constant 0 : index
    %get3A_4 = vector.load %arg2[%get3A_2, %get3A_3] : memref<1000x128xf32, #tpu.memory_space<vmem>>, vector<1000x128xf32>
    %add3A = arith.addf %get3A_1, %get3A_4 : vector<1000x128xf32>
    %get3A_5 = arith.constant 0 : index
    %get3A_6 = arith.constant 0 : index
    %get3A_7 = vector.load %arg3[%get3A_5, %get3A_6] : memref<1000x1xf32, #tpu.memory_space<vmem>>, vector<1000x1xf32>
    %mul3A = vector.broadcast %get3A_7 : vector<1000x1xf32> to vector<1000x128xf32>
    %mul3A_8 = arith.mulf %add3A, %mul3A : vector<1000x128xf32>
    %swap3A = arith.constant 0 : index
    %swap3A_9 = arith.constant 0 : index
    %swap3A_10 = vector.load %arg4[%swap3A, %swap3A_9] : memref<1000x128xf32, #tpu.memory_space<vmem>>, vector<1000x128xf32>
    tpu.vector_store %arg4[%swap3A, %swap3A_9], %mul3A_8 {strides = array<i32>} : memref<1000x128xf32, #tpu.memory_space<vmem>>, vector<1000x128xf32>,
    return
  }
  func.func @transform_0(%arg0: i32) -> (i32, i32) {
    %c0_i32 = arith.constant 0 : i32
    %c0_i32_0 = arith.constant 0 : i32
    return %arg0, %c0_i32 : i32, i32
  }
  func.func @transform_1(%arg0: i32) -> (i32, i32) {
    %c0_i32 = arith.constant 0 : i32
    %c0_i32_0 = arith.constant 0 : i32
    return %arg0, %c0_i32 : i32, i32
  }
  func.func @transform_2(%arg0: i32) -> (i32, i32) {
    %c0_i32 = arith.constant 0 : i32
    %c0_i32_0 = arith.constant 0 : i32
    return %arg0, %c0_i32 : i32, i32
  }
  func.func @transform_3(%arg0: i32) -> (i32, i32) {
    %c0_i32 = arith.constant 0 : i32
    %c0_i32_0 = arith.constant 0 : i32
    return %arg0, %c0_i32 : i32, i32
  }
}

</mosaic_0001>

<sc_bundles>
// kernel: kernel.10.cloned.1.call-start
scs
__scs_entry_jumppad:
0x0: {  	(pc) =	sbr.rel $0x88, $3  }
0x1: {  	(tag) =	ssettag $0x0;
	lr =	simm.s32 $0x1  }
0x2: {  	[smem:$0x3F9D] =	sst lr;
	_ =	strace $0xD0000000  }
0x3: {  	_ = 	snop  }
0x4: {  	_ = 	snop  }
0x5: {  	_ = 	snop  }
0x6: {  	_ = 	snop  }
0x7: {  	_ = 	snop  }
__scs_overlays_trampoline_lowered:
0x8: {  	[smem:$0x3FAC] =	sst s0  }
0x9: {  	[smem:$0x3FAD] =	sst s1  }
0xa: {  	[smem:$0x3FAE] =	sst s2  }
0xb: {  	[smem:$0x3FAF] =	sst s3  }
0xc: {  	[smem:$0x3FB0] =	sst s4  }
0xd: {  	[smem:$0x3FB1] =	sst s5  }
0xe: {  	[smem:$0x3FB2] =	sst s6  }
0xf: {  	[smem:$0x3FB3] =	sst s7  }
0x10: {  	[smem:$0x3FB4] =	sst s8  }
0x11: {  	[smem:$0x3FB5] =	sst s9;
	s0 =	simm.s32 @!p0 $0x0  }
0x12: {  	s1 =	sld [smem:$0x3F9B];
	s0 =	simm.s32 @p0 $0x1  }
0x13: {  	[smem:$0x3FB6] =	sst s0;
	s0 =	simm.s32 @!p1 $0x0  }
0x14: {  	s2 =	sld [smem:$0x3F9A];
	s0 =	simm.s32 @p1 $0x1  }
0x15: {  	[smem:$0x3FB7] =	sst s0;
	s0 =	simm.s32 @!p2 $0x0  }
0x16: {  	s3 =	sld [smem:$0x3FDB];
	s0 =	simm.s32 @p2 $0x1  }
0x17: {  	s4 =	simm.s32 $0x1BF5;
	[smem:$0x3FB9] =	sst s0  }
0x18: {  	s0 =	sld [smem:$0x3F9C];
	_ =	swait.ge [sflag:s4], $0x0  }
0x19: {  	s7 =	sld [smem:$0x3F9D]  }
0x1a: {  	s8 =	sadd.s32 $0xFFFFE003, lr  }
0x1b: {  	s9 =	sadd.s32 $0xFFFFFEF7, lr;
	s5 =	simm.s32 $0xFFFFFFFF;
	p2 =	slt.u32 s8, $0xFFFFF086  }
0x1c: {  	p1 =	slt.u32 s9, $0xF7A;
	s5 =	simm.s32 @!p2 $0x0  }
0x1d: {  	s5 =	simm.s32 @p1 $0x1;
	p0 =	seq.s32 s7, s2  }
0x1e: {  	s7 =	smul.u32 @!p0 $0xF7A, s2;
	p2 =	seq.s32 @!p0 s5, $0x0  }
0x1f: {  	s9 =	smul.u32 $0xF7A, s1;
	s8 =	simm.s32 @!p0 $0x1BF5;
	p2 =	por !p2, p0  }
0x20: {  	[sflag:s8] =	ssyncset.s32 @!p0 $0xFFFFF086;
	s6 =	sadd.s32 @!p0 s3, s7;
	s7 =	simm.s32 @!p0 $0x108  }
0x21: {  	s3 =	sadd.s32 s3, s9;
	s6 =	sadd.s32 @!p0 $0x88, s6;
	s7 =	simm.s32 @p2 $0x1082  }
0x22: {  	[simem:s7], [sflag:s8] =	dma.local @!p0 [hbm:s6], $0xF7A  }
0x23: {  	s9 =	sor.u32 $0xD0000000, s2;
	s6 =	simm.s32 $0x108;
	_ =	swait.ge @!p0 [sflag:s8], $0x0  }
0x24: {  	s3 =	sadd.s32 $0x88, s3;
	s6 =	simm.s32 @!p1 $0x1082;
	[sflag:s4] =	ssyncset.s32 $0xFFFFF086  }
0x25: {  	[simem:s6], [sflag:s4] =	dma.local [hbm:s3], $0xF7A  }
0x26: {  	[smem:$0x3F9D] =	sst s1;
	(tag) =	ssettag s2;
	_ =	strace s9  }
0x27: {  	s1 =	sld [smem:$0x3FAD]  }
0x28: {  	s2 =	sld [smem:$0x3FAE]  }
0x29: {  	s4 =	sld [smem:$0x3FB0]  }
0x2a: {  	p0 =	seq.s32 s5, $0x0;
	s5 =	sld [smem:$0x3FB1]  }
0x2b: {  	s6 =	sld [smem:$0x3FB2]  }
0x2c: {  	s7 =	sld [smem:$0x3FB3]  }
0x2d: {  	s3 =	simm.s32 $0x108;
	s8 =	sld [smem:$0x3FB4]  }
0x2e: {  	s3 =	simm.s32 @!p0 $0x1082;
	s9 =	sld [smem:$0x3FB5]  }
0x2f: {  	lr =	sadd.s32 s0, s3;
	s0 =	sld [smem:$0x3FAC]  }
0x30: {  	s3 =	sld [smem:$0x3FAF]  }
0x31: {  	[smem:$0x3FB8] =	sst s10  }
0x32: {  	s10 =	sld [smem:$0x3FB6];
	_ =	sdelay $0x3  }
0x33: {  	p0 =	seq.s32 s10, $0x1;
	s10 =	sld [smem:$0x3FB8];
	_ =	sdelay $0x3  }
0x34: {  	[smem:$0x3FB8] =	sst s10  }
0x35: {  	s10 =	sld [smem:$0x3FB7];
	_ =	sdelay $0x3  }
0x36: {  	p1 =	seq.s32 s10, $0x1;
	s10 =	sld [smem:$0x3FB8];
	_ =	sdelay $0x3  }
0x37: {  	[smem:$0x3FB8] =	sst s10  }
0x38: {  	s10 =	sld [smem:$0x3FB9]  }
0x39: {  	_ = 	snop;
	(pc) =	sbr.ind lr, $3  }
0x3a: {  	_ = 	snop  }
0x3b: {  	_ = 	snop  }
0x3c: {  	p2 =	seq.s32 s10, $0x1;
	s10 =	sld [smem:$0x3FB8]  }
0x3d: {  	_ =	shalt  }
0x3e: {  	_ =	shalt  }
0x3f: {  	_ =	shalt  }
0x40: {  	_ =	shalt  }
0x41: {  	_ =	shalt  }
0x42: {  	_ =	shalt  }
0x43: {  	_ =	shalt  }
0x44: {  	_ =	shalt  }
0x45: {  	_ =	shalt  }
0x46: {  	_ =	shalt  }
0x47: {  	_ =	shalt  }
0x48: {  	_ =	shalt  }
0x49: {  	_ =	shalt  }
0x4a: {  	_ =	shalt  }
0x4b: {  	_ =	shalt  }
0x4c: {  	_ =	shalt  }
0x4d: {  	_ =	shalt  }
0x4e: {  	_ =	shalt  }
0x4f: {  	_ =	shalt  }
0x50: {  	_ =	shalt  }
0x51: {  	_ =	shalt  }
0x52: {  	_ =	shalt  }
0x53: {  	_ =	shalt  }
0x54: {  	_ =	shalt  }
0x55: {  	_ =	shalt  }
0x56: {  	_ =	shalt  }
0x57: {  	_ =	shalt  }
0x58: {  	_ =	shalt  }
0x59: {  	_ =	shalt  }
0x5a: {  	_ =	shalt  }
0x5b: {  	_ =	shalt  }
0x5c: {  	_ =	shalt  }
0x5d: {  	_ =	shalt  }
0x5e: {  	_ =	shalt  }
0x5f: {  	_ =	shalt  }
0x60: {  	_ =	shalt  }
0x61: {  	_ =	shalt  }
0x62: {  	_ =	shalt  }
0x63: {  	_ =	shalt  }
0x64: {  	_ =	shalt  }
0x65: {  	_ =	shalt  }
0x66: {  	_ =	shalt  }
0x67: {  	_ =	shalt  }
0x68: {  	_ =	shalt  }
0x69: {  	_ =	shalt  }
0x6a: {  	_ =	shalt  }
0x6b: {  	_ =	shalt  }
0x6c: {  	_ =	shalt  }
0x6d: {  	_ =	shalt  }
0x6e: {  	_ =	shalt  }
0x6f: {  	_ =	shalt  }
0x70: {  	_ =	shalt  }
0x71: {  	_ =	shalt  }
0x72: {  	_ =	shalt  }
0x73: {  	_ =	shalt  }
0x74: {  	_ =	shalt  }
0x75: {  	_ =	shalt  }
0x76: {  	_ =	shalt  }
0x77: {  	_ =	shalt  }
0x78: {  	_ =	shalt  }
0x79: {  	_ =	shalt  }
0x7a: {  	_ =	shalt  }
0x7b: {  	_ =	shalt  }
0x7c: {  	_ =	shalt  }
0x7d: {  	_ =	shalt  }
0x7e: {  	_ =	shalt  }
0x7f: {  	_ =	shalt  }
0x80: {  	_ =	shalt  }
0x81: {  	_ =	shalt  }
0x82: {  	_ =	shalt  }
0x83: {  	_ =	shalt  }
0x84: {  	_ =	shalt  }
0x85: {  	_ =	shalt  }
0x86: {  	_ =	shalt  }
0x87: {  	_ =	shalt  }
.Lfunc_end0:
.L_simem_size_0:
called_computation_lowered:
.L_overlay_start_0:
0x88: {  	s2 =	sld [smem:$0x3FD9]  }
0x89: {  	s3 =	sld [smem:$0x3FFE];
	_ =	sdelay $0x1  }
0x8a: {  	s1 =	srdreg.scid  }
0x8b: {  	s0 =	sand.u32 $0x1, s1  }
0x8c: {  	s17 =	sshll.u32 s0, $0xA;
	s2 =	sadd.s32 s3, s2  }
0x8d: {  	s2 =	sadd.s32 s2, s17  }
0x8e: {  	[smem:$0x3FC4] =	sst s2  }
0x8f: {  	_ = 	snop  }
0x90: {  	s2 =	sld [smem:$0x3FD0];
	(tm) =	ssettm $0x1  }
0x91: {  	s18 =	sld [smem:$0x3FFB];
	_ =	sdelay $0x3  }
0x92: {  	_ =	strace s18  }
0x93: {  	s3 =	sld [smem:$0x3FFC];
	_ =	sdelay $0x3  }
0x94: {  	_ =	strace s3  }
0x95: {  	s3 =	sld [smem:$0x3FFD];
	_ =	sdelay $0x3  }
0x96: {  	_ =	strace s3  }
0x97: {  	_ =	strace $0x8FFFFFFF  }
0x98: {  	s19 =	sld [smem:$0x3FDB];
	_ =	sdelay $0x1  }
0x99: {  	s4 =	simm.s32 $_scs_section_size  }
0x9a: {  	s5 =	simm.s32 $_size__tile_overlayer_lowered;
	s6 =	simm.s32 $_tile_overlayer_lowered  }
0x9b: {  	s22 =	simm.s32 $0x1BFF;
	s21 =	sshll.u32 s6, $0x1;
	s3 =	sadd.s32 s4, s19  }
0x9c: {  	s7 =	simm.s32 $0x0;
	s20 =	sshll.u32 s5, $0x1;
	s5 =	sadd.s32 s21, s3  }
0x9d: {  	[timem:s7], [sflag:s22] =	dma.local [hbm:s5], s20  }
0x9e: {  	_ =	swait.ge [sflag:s22], s20  }
0x9f: {  	s4 =	ssub.s32 $0x0, s20;
	[sflag:s22] =	ssyncset.done $0x0  }
0xa0: {  	[sflag:s22] =	ssyncadd.s32 s4;
	_ =	sdelay $0x1  }
0xa1: {  	s23 =	simm.s32 $0x1B8B  }
0xa2: {  	_ =	swait.ge [sflag:s23], $0x1  }
0xa3: {  	[sflag:s23] =	ssyncset.done $0x0  }
0xa4: {  	s25 =	simm.s32 $0x1B8E;
	s24 =	sld [smem:$0x3FFE];
	[sflag:s23] =	ssyncadd.s32 $0xFFFFFFFF  }
0xa5: {  	s26 =	simm.s32 $execute0_lowered;
	[smem:$0x3FD2] =	sst s25  }
0xa6: {  	s5 =	sshll.u32 s26, $0x1;
	_ =	strace $0x80000046;
	[dreg:$0x1] =	wrdreg $0xFFFFFFFF  }
0xa7: {  	s28 =	simm.s32 $_size_execute0_lowered;
	s3 =	sadd.s32 s3, s5;
	[dreg:$0x0] =	wrdreg $0x0  }
0xa8: {  	s5 =	sshll.u32 s28, $0x1;
	[dreg:$0x2] =	wrdreg s3  }
0xa9: {  	[dreg:$0x3] =	wrdreg s5  }
0xaa: {  	[dreg:$0x4] =	wrdreg $0xC0  }
0xab: {  	_ =	task [dreg:s7], $0x5FFFF  }
0xac: {  	[dreg:$0x1] =	wrdreg $0xFFFFFFFF  }
0xad: {  	[dreg:$0x0] =	wrdreg $0x60  }
0xae: {  	[dreg:$0x2] =	wrdreg s2  }
0xaf: {  	[dreg:$0x3] =	wrdreg s24  }
0xb0: {  	[dreg:$0x4] =	wrdreg $0x7000  }
0xb1: {  	[dreg:$0x5] =	wrdreg $0x9  }
0xb2: {  	_ =	task.clear_ibuf [dreg:s7], $0x6FFFF;
	_ =	strace $0x90000046  }
0xb3: {  	s29 =	simm.s32 $0x9;
	_ =	strace $0x80000048  }
0xb4: {  	_ =	swait.ge [sflag:s29], $0x1  }
0xb5: {  	[sflag:s29] =	ssyncadd.s32 $0xFFFFFFFF  }
0xb6: {  	_ =	strace $0x90000048  }
0xb7: {  	_ =	sfence  }
0xb8: {  	s30 =	sld [smem:$0x0];
	_ =	sdelay $0x2  }
0xb9: {  	s31 =	sshll.u32 s1, $0xD;
	s1 =	sshrl.u32 s1, $0x2  }
0xba: {  	s3 =	sand.u32 $0x4000, s31;
	s1 =	sadd.s32 s1, s30  }
0xbb: {  	s0 =	sor.u32 s3, s0;
	s1 =	sshll.u32 s1, $0x11  }
0xbc: {  	s0 =	sor.u32 s1, s0  }
0xbd: {  	s0 =	sadd.s32 $0x8F2B, s0  }
0xbe: {  	[sflag:s0] =	ssyncadd.remote.s32 $0x1  }
0xbf: {  	_ =	sfence.sel $0xFFFF  }
0xc0: {  	[dreg:$0x0] =	wrdreg $0xFFFFFFFF;
	(pc) =	sbr.abs _section_cstart, $3  }
0xc1: {  	[dreg:$0x1] =	wrdreg $0xFFFFFFFF  }
0xc2: {  	_ =	task.clear_ibuf [dreg:s7], $0x2FFFF;
	_ =	strace $0x9FFFFFFF  }
0xc3: {  	(tm) =	ssettm $0x7FFFFFFF  }
tec
execute0_lowered:
.L_overlay_start_1:
0x0: {  	(tag) =	ssettag $0x1  }
0x1: {  	s7 =	rddreg [dreg:$0x0]  }
0x2: {  	s4 =	rddreg [dreg:$0x1];
	s1 =	srdreg.scid  }
0x3: {  	s0 =	stileid.u32;
	s2 =	rddreg [dreg:$0x2];
	s3 =	simm.s32 $0x0  }
0x4: {  	s12 =	simm.s32 $0x380;
	s13 =	simm.s32 $0x400;
	s14 =	simm.s32 $0x480  }
0x5: {  	s15 =	simm.s32 $0x500;
	s16 =	simm.s32 $0x580;
	s17 =	simm.s32 $0x600  }
0x6: {  	s18 =	simm.s32 $0x680;
	s19 =	simm.s32 $0x1;
	s6 =	smul.u32 $0x280, s0  }
0x7: {  	s5 =	sand.u32 $0x1, s1;
	s1 =	rddreg [dreg:$0x3];
	s10 =	smul.u32 $0x2800, s0  }
0x8: {  	s22 =	simm.s32 $0x0;
	[smem:$0x7FF] =	sst s3;
	s8 =	smul.u32 $0x2800, s5  }
0x9: {  	s20 =	sshll.u32 s0, $0x6;
	s9 =	smul.u32 $0x28000, s5;
	s5 =	ssub.s32 $0x2, s5  }
0xa: {  	_ =	strace $0x80000047;
	s20 =	sor.u32 $0x1C02, s20;
	s11 =	sshrl.u32 s5, $0x1  }
0xb: {  	s8 =	sadd.s32 s6, s8;
	s11 =	ssub.s32 s5, s11;
	s9 =	sadd.s32 s10, s9  }
0xc: {  	s10 =	simm.s32 $0x80;
	s8 =	sshrl.u32 s8, $0x3;
	s31 =	sshrl.u32 s9, $0x3  }
0xd: {  	s9 =	simm.s32 $0x300;
	s8 =	sadd.s32 s8, s4;
	s4 =	sadd.s32 s6, s2  }
0xe: {  	s6 =	smax.u32 s11, $0x1;
	s7 =	sadd.s32 s31, s7;
	s11 =	simm.s32 $0x280  }
0xf: {  	v0 =	vimm.f32 $0.0e+00;
	v1 =	vimm.f32 $1.000000000e+00;
	s5 =	sadd.s32 $0x4000, s8;
	s8 =	simm.s32 $0x2;
	s21 =	sshrl.u32 s4, $0x3  }
.LBB2_1:
0x10: {  	[tilespmem:$0x0] =	vst v0  }
0x11: {  	[tilespmem:$0x10] =	vst v0  }
0x12: {  	[tilespmem:$0x20] =	vst v0  }
0x13: {  	[tilespmem:$0x30] =	vst v0  }
0x14: {  	[tilespmem:$0x40] =	vst v0  }
0x15: {  	[tilespmem:$0x50] =	vst v0  }
0x16: {  	[tilespmem:$0x60] =	vst v0  }
0x17: {  	[tilespmem:$0x70] =	vst v0  }
0x18: {  	[tilespmem:$0x80] =	vst v0  }
0x19: {  	[tilespmem:$0x90] =	vst v0  }
0x1a: {  	[tilespmem:$0xA0] =	vst v0  }
0x1b: {  	[tilespmem:$0xB0] =	vst v0  }
0x1c: {  	[tilespmem:$0xC0] =	vst v0  }
0x1d: {  	[tilespmem:$0xD0] =	vst v0  }
0x1e: {  	[tilespmem:$0xE0] =	vst v0  }
0x1f: {  	[tilespmem:$0xF0] =	vst v0  }
0x20: {  	[tilespmem:$0x100] =	vst v0  }
0x21: {  	[tilespmem:$0x110] =	vst v0  }
0x22: {  	[tilespmem:$0x120] =	vst v0  }
0x23: {  	[tilespmem:$0x130] =	vst v0  }
0x24: {  	[tilespmem:$0x140] =	vst v0  }
0x25: {  	[tilespmem:$0x150] =	vst v0  }
0x26: {  	[tilespmem:$0x160] =	vst v0  }
0x27: {  	[tilespmem:$0x170] =	vst v0  }
0x28: {  	[tilespmem:$0x180] =	vst v0  }
0x29: {  	[tilespmem:$0x190] =	vst v0  }
0x2a: {  	[tilespmem:$0x1A0] =	vst v0  }
0x2b: {  	[tilespmem:$0x1B0] =	vst v0  }
0x2c: {  	[tilespmem:$0x1C0] =	vst v0  }
0x2d: {  	[tilespmem:$0x1D0] =	vst v0  }
0x2e: {  	[tilespmem:$0x1E0] =	vst v0  }
0x2f: {  	[tilespmem:$0x1F0] =	vst v0  }
0x30: {  	[tilespmem:$0x200] =	vst v0  }
0x31: {  	[tilespmem:$0x210] =	vst v0  }
0x32: {  	[tilespmem:$0x220] =	vst v0  }
0x33: {  	[tilespmem:$0x230] =	vst v0  }
0x34: {  	[tilespmem:$0x240] =	vst v0  }
0x35: {  	[tilespmem:$0x250] =	vst v0  }
0x36: {  	[tilespmem:$0x260] =	vst v0  }
0x37: {  	[tilespmem:$0x270] =	vst v0  }
0x38: {  	[tilespmem:$0x280] =	vst v1  }
0x39: {  	[tilespmem:$0x290] =	vst v1  }
0x3a: {  	[tilespmem:$0x2A0] =	vst v1  }
0x3b: {  	[tilespmem:$0x2B0] =	vst v1  }
0x3c: {  	[tilespmem:$0x2C0] =	vst v1  }
0x3d: {  	[tilespmem:$0x2D0] =	vst v1  }
0x3e: {  	[tilespmem:$0x2E0] =	vst v1  }
0x3f: {  	[tilespmem:$0x2F0] =	vst v1  }
0x40: {  	[spmem:s4] =	stream.linear.scatter [tilespmem:s3], [sflag:$0x2], $0x280, $0x38;
	[tilespmem:$0x980] =	vst v63  }
0x41: {  	_ =	swait.ge [sflag:s8], $0x280  }
0x42: {  	[sflag:s8] =	ssyncset.done $0x0  }
0x43: {  	[sflag:s8] =	ssyncadd.s32 $0xFFFFFD80  }
0x44: {  	s23 =	sadd.s32 $0x0, s7;
	[bflag:$0x0] =	sbarrier.arrive $0xFFFF  }
0x45: {  	[tilespmem:s9], [sflag:$0x2] =	stream.linear.gather [hbm4b:s23+s3], $0x400, $0x38;
	[tilespmem:$0x980] =	vst v63  }
0x46: {  	_ =	swait.ge [sflag:s8], $0x400  }
0x47: {  	[sflag:s8] =	ssyncset.done $0x0  }
0x48: {  	[sflag:s8] =	ssyncadd.s32 $0xFFFFFC00  }
0x49: {  	[spmem:s2] =	stream.indirect.scatter.add.f32 [tilespmem:s11], [sflag:$0x1], $0x1, s9, s10, $0xb8;
	[tilespmem:$0x980] =	vst v63  }
0x4a: {  	_ = 	snop  }
0x4b: {  	[spmem:s2] =	stream.indirect.scatter.add.f32 [tilespmem:s11], [sflag:$0x1], $0x1, s12, s10, $0xb8;
	[tilespmem:$0x980] =	vst v63  }
0x4c: {  	_ = 	snop  }
0x4d: {  	[spmem:s2] =	stream.indirect.scatter.add.f32 [tilespmem:s11], [sflag:$0x1], $0x1, s13, s10, $0xb8;
	[tilespmem:$0x980] =	vst v63  }
0x4e: {  	_ = 	snop  }
0x4f: {  	[spmem:s2] =	stream.indirect.scatter.add.f32 [tilespmem:s11], [sflag:$0x1], $0x1, s14, s10, $0xb8;
	[tilespmem:$0x980] =	vst v63  }
0x50: {  	_ = 	snop  }
0x51: {  	[spmem:s2] =	stream.indirect.scatter.add.f32 [tilespmem:s11], [sflag:$0x1], $0x1, s15, s10, $0xb8;
	[tilespmem:$0x980] =	vst v63  }
0x52: {  	_ = 	snop  }
0x53: {  	[spmem:s2] =	stream.indirect.scatter.add.f32 [tilespmem:s11], [sflag:$0x1], $0x1, s16, s10, $0xb8;
	[tilespmem:$0x980] =	vst v63  }
0x54: {  	_ = 	snop  }
0x55: {  	[spmem:s2] =	stream.indirect.scatter.add.f32 [tilespmem:s11], [sflag:$0x1], $0x1, s17, s10, $0xb8;
	[tilespmem:$0x980] =	vst v63  }
0x56: {  	_ = 	snop  }
0x57: {  	[spmem:s2] =	stream.indirect.scatter.add.f32 [tilespmem:s11], [sflag:$0x1], $0x1, s18, s10, $0xb8;
	[tilespmem:$0x980] =	vst v63  }
0x58: {  	_ =	swait.ge [sflag:s19], $0x80  }
0x59: {  	[sflag:s19] =	ssyncset.done $0x0  }
0x5a: {  	[sflag:s19] =	ssyncadd.s32 $0xFFFFFF80  }
0x5b: {  	_ =	swait.ge [sflag:s19], $0x80  }
0x5c: {  	[sflag:s19] =	ssyncset.done $0x0  }
0x5d: {  	[sflag:s19] =	ssyncadd.s32 $0xFFFFFF80  }
0x5e: {  	_ =	swait.ge [sflag:s19], $0x80  }
0x5f: {  	[sflag:s19] =	ssyncset.done $0x0  }
0x60: {  	[sflag:s19] =	ssyncadd.s32 $0xFFFFFF80  }
0x61: {  	_ =	swait.ge [sflag:s19], $0x80  }
0x62: {  	[sflag:s19] =	ssyncset.done $0x0  }
0x63: {  	[sflag:s19] =	ssyncadd.s32 $0xFFFFFF80  }
0x64: {  	_ =	swait.ge [sflag:s19], $0x80  }
0x65: {  	[sflag:s19] =	ssyncset.done $0x0  }
0x66: {  	[sflag:s19] =	ssyncadd.s32 $0xFFFFFF80  }
0x67: {  	_ =	swait.ge [sflag:s19], $0x80  }
0x68: {  	[sflag:s19] =	ssyncset.done $0x0  }
0x69: {  	[sflag:s19] =	ssyncadd.s32 $0xFFFFFF80  }
0x6a: {  	_ =	swait.ge [sflag:s19], $0x80  }
0x6b: {  	[sflag:s19] =	ssyncset.done $0x0  }
0x6c: {  	[sflag:s19] =	ssyncadd.s32 $0xFFFFFF80  }
0x6d: {  	_ =	swait.ge [sflag:s19], $0x80  }
0x6e: {  	s25 =	simm.s32 $0x100;
	s23 =	simm.s32 $0x80;
	[sflag:s19] =	ssyncset.done $0x0  }
.LBB2_2:
0x6f: {  	s26 =	sadd.s32 s23, s7  }
0x70: {  	[sflag:s19] =	ssyncadd.s32 $0xFFFFFF80;
	s23 =	smov.u32 s25;
	s24 =	sadd.s32 $0x80, s25  }
0x71: {  	[tilespmem:s9], [sflag:$0x2] =	stream.linear.gather [hbm4b:s26+s3], $0x400, $0x38;
	[tilespmem:$0x980] =	vst v63  }
0x72: {  	p0 =	sne.s32 s25, $0x480;
	_ =	swait.ge [sflag:s8], $0x400  }
0x73: {  	[sflag:s8] =	ssyncset.done $0x0  }
0x74: {  	[sflag:s8] =	ssyncadd.s32 $0xFFFFFC00  }
0x75: {  	[spmem:s2] =	stream.indirect.scatter.add.f32 [tilespmem:s11], [sflag:$0x1], $0x1, s9, s10, $0xb8;
	[tilespmem:$0x980] =	vst v63  }
0x76: {  	_ = 	snop  }
0x77: {  	[spmem:s2] =	stream.indirect.scatter.add.f32 [tilespmem:s11], [sflag:$0x1], $0x1, s12, s10, $0xb8;
	[tilespmem:$0x980] =	vst v63  }
0x78: {  	_ = 	snop  }
0x79: {  	[spmem:s2] =	stream.indirect.scatter.add.f32 [tilespmem:s11], [sflag:$0x1], $0x1, s13, s10, $0xb8;
	[tilespmem:$0x980] =	vst v63  }
0x7a: {  	_ = 	snop  }
0x7b: {  	[spmem:s2] =	stream.indirect.scatter.add.f32 [tilespmem:s11], [sflag:$0x1], $0x1, s14, s10, $0xb8;
	[tilespmem:$0x980] =	vst v63  }
0x7c: {  	_ = 	snop  }
0x7d: {  	[spmem:s2] =	stream.indirect.scatter.add.f32 [tilespmem:s11], [sflag:$0x1], $0x1, s15, s10, $0xb8;
	[tilespmem:$0x980] =	vst v63  }
0x7e: {  	_ = 	snop  }
0x7f: {  	[spmem:s2] =	stream.indirect.scatter.add.f32 [tilespmem:s11], [sflag:$0x1], $0x1, s16, s10, $0xb8;
	[tilespmem:$0x980] =	vst v63  }
0x80: {  	_ = 	snop  }
0x81: {  	[spmem:s2] =	stream.indirect.scatter.add.f32 [tilespmem:s11], [sflag:$0x1], $0x1, s17, s10, $0xb8;
	[tilespmem:$0x980] =	vst v63  }
0x82: {  	_ = 	snop  }
0x83: {  	[spmem:s2] =	stream.indirect.scatter.add.f32 [tilespmem:s11], [sflag:$0x1], $0x1, s18, s10, $0xb8;
	[tilespmem:$0x980] =	vst v63  }
0x84: {  	_ =	swait.ge [sflag:s19], $0x80  }
0x85: {  	[sflag:s19] =	ssyncset.done $0x0  }
0x86: {  	[sflag:s19] =	ssyncadd.s32 $0xFFFFFF80  }
0x87: {  	_ =	swait.ge [sflag:s19], $0x80  }
0x88: {  	[sflag:s19] =	ssyncset.done $0x0  }
0x89: {  	[sflag:s19] =	ssyncadd.s32 $0xFFFFFF80  }
0x8a: {  	_ =	swait.ge [sflag:s19], $0x80  }
0x8b: {  	[sflag:s19] =	ssyncset.done $0x0  }
0x8c: {  	[sflag:s19] =	ssyncadd.s32 $0xFFFFFF80  }
0x8d: {  	_ =	swait.ge [sflag:s19], $0x80  }
0x8e: {  	[sflag:s19] =	ssyncset.done $0x0  }
0x8f: {  	[sflag:s19] =	ssyncadd.s32 $0xFFFFFF80  }
0x90: {  	_ =	swait.ge [sflag:s19], $0x80  }
0x91: {  	[sflag:s19] =	ssyncset.done $0x0  }
0x92: {  	[sflag:s19] =	ssyncadd.s32 $0xFFFFFF80  }
0x93: {  	_ =	swait.ge [sflag:s19], $0x80  }
0x94: {  	[sflag:s19] =	ssyncset.done $0x0  }
0x95: {  	[sflag:s19] =	ssyncadd.s32 $0xFFFFFF80  }
.Ltmp0:
0x96: {  	_ =	swait.ge [sflag:s19], $0x80;
	(pc) =	sbr.rel @p0 .LBB2_2-.Ltmp0, $4  }
0x97: {  	[sflag:s19] =	ssyncset.done $0x0  }
0x98: {  	[sflag:s19] =	ssyncadd.s32 $0xFFFFFF80  }
0x99: {  	_ =	swait.ge [sflag:s19], $0x80  }
0x9a: {  	s25 =	smov.u32 s24;
	[sflag:s19] =	ssyncset.done $0x0  }
0x9b: {  	s23 =	sadd.s32 s23, s7;
	[sflag:s19] =	ssyncadd.s32 $0xFFFFFF80  }
0x9c: {  	[tilespmem:s9], [sflag:$0x2] =	stream.linear.gather [hbm4b:s23+s3], $0x400, $0x38;
	[tilespmem:$0x980] =	vst v63  }
0x9d: {  	_ =	swait.ge [sflag:s8], $0x400  }
0x9e: {  	[sflag:s8] =	ssyncset.done $0x0  }
0x9f: {  	[sflag:s8] =	ssyncadd.s32 $0xFFFFFC00  }
0xa0: {  	[spmem:s2] =	stream.indirect.scatter.add.f32 [tilespmem:s11], [sflag:$0x1], $0x1, s9, s10, $0xb8;
	[tilespmem:$0x980] =	vst v63  }
0xa1: {  	_ = 	snop  }
0xa2: {  	[spmem:s2] =	stream.indirect.scatter.add.f32 [tilespmem:s11], [sflag:$0x1], $0x1, s12, s10, $0xb8;
	[tilespmem:$0x980] =	vst v63  }
0xa3: {  	_ = 	snop  }
0xa4: {  	[spmem:s2] =	stream.indirect.scatter.add.f32 [tilespmem:s11], [sflag:$0x1], $0x1, s13, s10, $0xb8;
	[tilespmem:$0x980] =	vst v63  }
0xa5: {  	_ = 	snop  }
0xa6: {  	[spmem:s2] =	stream.indirect.scatter.add.f32 [tilespmem:s11], [sflag:$0x1], $0x1, s14, s10, $0xb8;
	[tilespmem:$0x980] =	vst v63  }
0xa7: {  	_ = 	snop  }
0xa8: {  	[spmem:s2] =	stream.indirect.scatter.add.f32 [tilespmem:s11], [sflag:$0x1], $0x1, s15, s10, $0xb8;
	[tilespmem:$0x980] =	vst v63  }
0xa9: {  	_ = 	snop  }
0xaa: {  	[spmem:s2] =	stream.indirect.scatter.add.f32 [tilespmem:s11], [sflag:$0x1], $0x1, s16, s10, $0xb8;
	[tilespmem:$0x980] =	vst v63  }
0xab: {  	_ = 	snop  }
0xac: {  	[spmem:s2] =	stream.indirect.scatter.add.f32 [tilespmem:s11], [sflag:$0x1], $0x1, s17, s10, $0xb8;
	[tilespmem:$0x980] =	vst v63  }
0xad: {  	_ = 	snop  }
0xae: {  	[spmem:s2] =	stream.indirect.scatter.add.f32 [tilespmem:s11], [sflag:$0x1], $0x1, s18, s10, $0xb8;
	[tilespmem:$0x980] =	vst v63  }
0xaf: {  	_ =	swait.ge [sflag:s19], $0x80  }
0xb0: {  	[sflag:s19] =	ssyncset.done $0x0  }
0xb1: {  	[sflag:s19] =	ssyncadd.s32 $0xFFFFFF80  }
0xb2: {  	_ =	swait.ge [sflag:s19], $0x80  }
0xb3: {  	[sflag:s19] =	ssyncset.done $0x0  }
0xb4: {  	[sflag:s19] =	ssyncadd.s32 $0xFFFFFF80  }
0xb5: {  	_ =	swait.ge [sflag:s19], $0x80  }
0xb6: {  	[sflag:s19] =	ssyncset.done $0x0  }
0xb7: {  	[sflag:s19] =	ssyncadd.s32 $0xFFFFFF80  }
0xb8: {  	_ =	swait.ge [sflag:s19], $0x80  }
0xb9: {  	[sflag:s19] =	ssyncset.done $0x0  }
0xba: {  	[sflag:s19] =	ssyncadd.s32 $0xFFFFFF80  }
0xbb: {  	_ =	swait.ge [sflag:s19], $0x80  }
0xbc: {  	[sflag:s19] =	ssyncset.done $0x0  }
0xbd: {  	[sflag:s19] =	ssyncadd.s32 $0xFFFFFF80  }
0xbe: {  	_ =	swait.ge [sflag:s19], $0x80  }
0xbf: {  	[sflag:s19] =	ssyncset.done $0x0  }
0xc0: {  	[sflag:s19] =	ssyncadd.s32 $0xFFFFFF80  }
0xc1: {  	_ =	swait.ge [sflag:s19], $0x80  }
0xc2: {  	[sflag:s19] =	ssyncset.done $0x0  }
0xc3: {  	[sflag:s19] =	ssyncadd.s32 $0xFFFFFF80  }
0xc4: {  	_ =	swait.ge [sflag:s19], $0x80  }
0xc5: {  	s22 =	sadd.s32 $0x1, s22;
	[sflag:s19] =	ssyncset.done $0x0  }
0xc6: {  	p0 =	sne.s32 s22, s6;
	[sflag:s19] =	ssyncadd.s32 $0xFFFFFF80  }
.Ltmp1:
0xc7: {  	[bflag:$0x0] =	sbarrier.arrive $0xFFFF;
	(pc) =	sbr.rel @p0 .LBB2_1-.Ltmp1, $4  }
0xc8: {  	[hbm:s5], [sflag:s20] =	dma.local [spmem:s21], $0x50  }
0xc9: {  	_ =	swait.ge [sflag:s8], $0x50  }
0xca: {  	[sflag:s8] =	ssyncset.done $0x0  }
0xcb: {  	[sflag:s8] =	ssyncadd.s32 $0xFFFFFFB0  }
0xcc: {  	_ =	sfence.sel $0x180000  }
0xcd: {  	[bflag:$0x0] =	sbarrier.arrive $0xFFFF  }
0xce: {  	p0 =	sne.s32 s0, $0x0;
	_ =	strace $0x90000047  }
0xcf: {  	s0 =	sadd.s32 @!p0 $0x100000, s1;
	[bflag:$0x2] =	sbarrier.arrive $0xFFFF  }
0xd0: {  	[sflag:s0] =	ssyncadd.tile.s32 @!p0 $0x1;
	_ =	shalt  }
.Lfunc_end2:
_tile_overlayer_lowered:
.L_overlay_start_2:
0xd1: {  	(tag) =	ssettag $0x2  }
0xd2: {  	s0 =	rddreg [dreg:$0x0];
	s2 =	stileid.u32  }
0xd3: {  	s1 =	rddreg [dreg:$0x1];
	p0 =	sne.s32 s2, $0x0  }
0xd4: {  	s3 =	rddreg [dreg:$0x2];
	[bflag:$0x3] =	sbarrier.arrive $0xFFFF;
	s2 =	simm.s32 @!p0 $0x1C02  }
0xd5: {  	[timem:s3], [sflag:s2] =	dma.local @!p0 [hbm:s0], s1  }
0xd6: {  	s0 =	simm.s32 @!p0 $0x2  }
0xd7: {  	_ =	swait.ge @!p0 [sflag:s0], s1  }
0xd8: {  	s1 =	ssub.s32 @!p0 $0x0, s1;
	[sflag:s0] =	ssyncset.done @!p0 $0x0  }
0xd9: {  	[sflag:s0] =	ssyncadd.s32 @!p0 s1  }
0xda: {  	[bflag:$0x3] =	sbarrier.arrive $0xFFFF  }
0xdb: {  	_ =	shalt  }

// kernel: kernel.13.cloned.1.call-start
scs
__scs_entry_jumppad:
0x0: {  	(pc) =	sbr.rel $0x88, $3  }
0x1: {  	(tag) =	ssettag $0x0;
	lr =	simm.s32 $0x1  }
0x2: {  	[smem:$0x3F9D] =	sst lr;
	_ =	strace $0xD0000000  }
0x3: {  	_ = 	snop  }
0x4: {  	_ = 	snop  }
0x5: {  	_ = 	snop  }
0x6: {  	_ = 	snop  }
0x7: {  	_ = 	snop  }
__scs_overlays_trampoline_lowered:
0x8: {  	[smem:$0x3FAC] =	sst s0  }
0x9: {  	[smem:$0x3FAD] =	sst s1  }
0xa: {  	[smem:$0x3FAE] =	sst s2  }
0xb: {  	[smem:$0x3FAF] =	sst s3  }
0xc: {  	[smem:$0x3FB0] =	sst s4  }
0xd: {  	[smem:$0x3FB1] =	sst s5  }
0xe: {  	[smem:$0x3FB2] =	sst s6  }
0xf: {  	[smem:$0x3FB3] =	sst s7  }
0x10: {  	[smem:$0x3FB4] =	sst s8  }
0x11: {  	[smem:$0x3FB5] =	sst s9;
	s0 =	simm.s32 @!p0 $0x0  }
0x12: {  	s1 =	sld [smem:$0x3F9B];
	s0 =	simm.s32 @p0 $0x1  }
0x13: {  	[smem:$0x3FB6] =	sst s0;
	s0 =	simm.s32 @!p1 $0x0  }
0x14: {  	s2 =	sld [smem:$0x3F9A];
	s0 =	simm.s32 @p1 $0x1  }
0x15: {  	[smem:$0x3FB7] =	sst s0;
	s0 =	simm.s32 @!p2 $0x0  }
0x16: {  	s3 =	sld [smem:$0x3FDB];
	s0 =	simm.s32 @p2 $0x1  }
0x17: {  	s4 =	simm.s32 $0x1BF5;
	[smem:$0x3FB9] =	sst s0  }
0x18: {  	s0 =	sld [smem:$0x3F9C];
	_ =	swait.ge [sflag:s4], $0x0  }
0x19: {  	s7 =	sld [smem:$0x3F9D]  }
0x1a: {  	s8 =	sadd.s32 $0xFFFFE003, lr  }
0x1b: {  	s9 =	sadd.s32 $0xFFFFFEF7, lr;
	s5 =	simm.s32 $0xFFFFFFFF;
	p2 =	slt.u32 s8, $0xFFFFF086  }
0x1c: {  	p1 =	slt.u32 s9, $0xF7A;
	s5 =	simm.s32 @!p2 $0x0  }
0x1d: {  	s5 =	simm.s32 @p1 $0x1;
	p0 =	seq.s32 s7, s2  }
0x1e: {  	s7 =	smul.u32 @!p0 $0xF7A, s2;
	p2 =	seq.s32 @!p0 s5, $0x0  }
0x1f: {  	s9 =	smul.u32 $0xF7A, s1;
	s8 =	simm.s32 @!p0 $0x1BF5;
	p2 =	por !p2, p0  }
0x20: {  	[sflag:s8] =	ssyncset.s32 @!p0 $0xFFFFF086;
	s6 =	sadd.s32 @!p0 s3, s7;
	s7 =	simm.s32 @!p0 $0x108  }
0x21: {  	s3 =	sadd.s32 s3, s9;
	s6 =	sadd.s32 @!p0 $0x88, s6;
	s7 =	simm.s32 @p2 $0x1082  }
0x22: {  	[simem:s7], [sflag:s8] =	dma.local @!p0 [hbm:s6], $0xF7A  }
0x23: {  	s9 =	sor.u32 $0xD0000000, s2;
	s6 =	simm.s32 $0x108;
	_ =	swait.ge @!p0 [sflag:s8], $0x0  }
0x24: {  	s3 =	sadd.s32 $0x88, s3;
	s6 =	simm.s32 @!p1 $0x1082;
	[sflag:s4] =	ssyncset.s32 $0xFFFFF086  }
0x25: {  	[simem:s6], [sflag:s4] =	dma.local [hbm:s3], $0xF7A  }
0x26: {  	[smem:$0x3F9D] =	sst s1;
	(tag) =	ssettag s2;
	_ =	strace s9  }
0x27: {  	s1 =	sld [smem:$0x3FAD]  }
0x28: {  	s2 =	sld [smem:$0x3FAE]  }
0x29: {  	s4 =	sld [smem:$0x3FB0]  }
0x2a: {  	p0 =	seq.s32 s5, $0x0;
	s5 =	sld [smem:$0x3FB1]  }
0x2b: {  	s6 =	sld [smem:$0x3FB2]  }
0x2c: {  	s7 =	sld [smem:$0x3FB3]  }
0x2d: {  	s3 =	simm.s32 $0x108;
	s8 =	sld [smem:$0x3FB4]  }
0x2e: {  	s3 =	simm.s32 @!p0 $0x1082;
	s9 =	sld [smem:$0x3FB5]  }
0x2f: {  	lr =	sadd.s32 s0, s3;
	s0 =	sld [smem:$0x3FAC]  }
0x30: {  	s3 =	sld [smem:$0x3FAF]  }
0x31: {  	[smem:$0x3FB8] =	sst s10  }
0x32: {  	s10 =	sld [smem:$0x3FB6];
	_ =	sdelay $0x3  }
0x33: {  	p0 =	seq.s32 s10, $0x1;
	s10 =	sld [smem:$0x3FB8];
	_ =	sdelay $0x3  }
0x34: {  	[smem:$0x3FB8] =	sst s10  }
0x35: {  	s10 =	sld [smem:$0x3FB7];
	_ =	sdelay $0x3  }
0x36: {  	p1 =	seq.s32 s10, $0x1;
	s10 =	sld [smem:$0x3FB8];
	_ =	sdelay $0x3  }
0x37: {  	[smem:$0x3FB8] =	sst s10  }
0x38: {  	s10 =	sld [smem:$0x3FB9]  }
0x39: {  	_ = 	snop;
	(pc) =	sbr.ind lr, $3  }
0x3a: {  	_ = 	snop  }
0x3b: {  	_ = 	snop  }
0x3c: {  	p2 =	seq.s32 s10, $0x1;
	s10 =	sld [smem:$0x3FB8]  }
0x3d: {  	_ =	shalt  }
0x3e: {  	_ =	shalt  }
0x3f: {  	_ =	shalt  }
0x40: {  	_ =	shalt  }
0x41: {  	_ =	shalt  }
0x42: {  	_ =	shalt  }
0x43: {  	_ =	shalt  }
0x44: {  	_ =	shalt  }
0x45: {  	_ =	shalt  }
0x46: {  	_ =	shalt  }
0x47: {  	_ =	shalt  }
0x48: {  	_ =	shalt  }
0x49: {  	_ =	shalt  }
0x4a: {  	_ =	shalt  }
0x4b: {  	_ =	shalt  }
0x4c: {  	_ =	shalt  }
0x4d: {  	_ =	shalt  }
0x4e: {  	_ =	shalt  }
0x4f: {  	_ =	shalt  }
0x50: {  	_ =	shalt  }
0x51: {  	_ =	shalt  }
0x52: {  	_ =	shalt  }
0x53: {  	_ =	shalt  }
0x54: {  	_ =	shalt  }
0x55: {  	_ =	shalt  }
0x56: {  	_ =	shalt  }
0x57: {  	_ =	shalt  }
0x58: {  	_ =	shalt  }
0x59: {  	_ =	shalt  }
0x5a: {  	_ =	shalt  }
0x5b: {  	_ =	shalt  }
0x5c: {  	_ =	shalt  }
0x5d: {  	_ =	shalt  }
0x5e: {  	_ =	shalt  }
0x5f: {  	_ =	shalt  }
0x60: {  	_ =	shalt  }
0x61: {  	_ =	shalt  }
0x62: {  	_ =	shalt  }
0x63: {  	_ =	shalt  }
0x64: {  	_ =	shalt  }
0x65: {  	_ =	shalt  }
0x66: {  	_ =	shalt  }
0x67: {  	_ =	shalt  }
0x68: {  	_ =	shalt  }
0x69: {  	_ =	shalt  }
0x6a: {  	_ =	shalt  }
0x6b: {  	_ =	shalt  }
0x6c: {  	_ =	shalt  }
0x6d: {  	_ =	shalt  }
0x6e: {  	_ =	shalt  }
0x6f: {  	_ =	shalt  }
0x70: {  	_ =	shalt  }
0x71: {  	_ =	shalt  }
0x72: {  	_ =	shalt  }
0x73: {  	_ =	shalt  }
0x74: {  	_ =	shalt  }
0x75: {  	_ =	shalt  }
0x76: {  	_ =	shalt  }
0x77: {  	_ =	shalt  }
0x78: {  	_ =	shalt  }
0x79: {  	_ =	shalt  }
0x7a: {  	_ =	shalt  }
0x7b: {  	_ =	shalt  }
0x7c: {  	_ =	shalt  }
0x7d: {  	_ =	shalt  }
0x7e: {  	_ =	shalt  }
0x7f: {  	_ =	shalt  }
0x80: {  	_ =	shalt  }
0x81: {  	_ =	shalt  }
0x82: {  	_ =	shalt  }
0x83: {  	_ =	shalt  }
0x84: {  	_ =	shalt  }
0x85: {  	_ =	shalt  }
0x86: {  	_ =	shalt  }
0x87: {  	_ =	shalt  }
.Lfunc_end0:
.L_simem_size_0:
called_computation.1_lowered:
.L_overlay_start_0:
0x88: {  	s2 =	sld [smem:$0x3FD9]  }
0x89: {  	s3 =	sld [smem:$0x3FFE];
	_ =	sdelay $0x1  }
0x8a: {  	s1 =	srdreg.scid  }
0x8b: {  	s0 =	sand.u32 $0x1, s1  }
0x8c: {  	s17 =	sshll.u32 s0, $0xA;
	s2 =	sadd.s32 s3, s2  }
0x8d: {  	s2 =	sadd.s32 s2, s17  }
0x8e: {  	[smem:$0x3FC4] =	sst s2  }
0x8f: {  	_ = 	snop  }
0x90: {  	s2 =	sld [smem:$0x3FD0];
	(tm) =	ssettm $0x1  }
0x91: {  	s18 =	sld [smem:$0x3FFB];
	_ =	sdelay $0x3  }
0x92: {  	_ =	strace s18  }
0x93: {  	s3 =	sld [smem:$0x3FFC];
	_ =	sdelay $0x3  }
0x94: {  	_ =	strace s3  }
0x95: {  	s3 =	sld [smem:$0x3FFD];
	_ =	sdelay $0x3  }
0x96: {  	_ =	strace s3  }
0x97: {  	_ =	strace $0x8FFFFFFF  }
0x98: {  	s19 =	sld [smem:$0x3FDB];
	_ =	sdelay $0x1  }
0x99: {  	s4 =	simm.s32 $_scs_section_size  }
0x9a: {  	s5 =	simm.s32 $_size__tile_overlayer_lowered;
	s6 =	simm.s32 $_tile_overlayer_lowered  }
0x9b: {  	s22 =	simm.s32 $0x1BFF;
	s21 =	sshll.u32 s6, $0x1;
	s3 =	sadd.s32 s4, s19  }
0x9c: {  	s7 =	simm.s32 $0x0;
	s20 =	sshll.u32 s5, $0x1;
	s5 =	sadd.s32 s21, s3  }
0x9d: {  	[timem:s7], [sflag:s22] =	dma.local [hbm:s5], s20  }
0x9e: {  	_ =	swait.ge [sflag:s22], s20  }
0x9f: {  	s4 =	ssub.s32 $0x0, s20;
	[sflag:s22] =	ssyncset.done $0x0  }
0xa0: {  	[sflag:s22] =	ssyncadd.s32 s4;
	_ =	sdelay $0x1  }
0xa1: {  	s23 =	simm.s32 $0x1B8B  }
0xa2: {  	_ =	swait.ge [sflag:s23], $0x1  }
0xa3: {  	[sflag:s23] =	ssyncset.done $0x0  }
0xa4: {  	s25 =	simm.s32 $0x1B8E;
	s24 =	sld [smem:$0x3FFE];
	[sflag:s23] =	ssyncadd.s32 $0xFFFFFFFF  }
0xa5: {  	s26 =	simm.s32 $execute0_lowered;
	[smem:$0x3FD2] =	sst s25  }
0xa6: {  	s5 =	sshll.u32 s26, $0x1;
	_ =	strace $0x80000049;
	[dreg:$0x1] =	wrdreg $0xFFFFFFFF  }
0xa7: {  	s28 =	simm.s32 $_size_execute0_lowered;
	s3 =	sadd.s32 s3, s5;
	[dreg:$0x0] =	wrdreg $0x0  }
0xa8: {  	s5 =	sshll.u32 s28, $0x1;
	[dreg:$0x2] =	wrdreg s3  }
0xa9: {  	[dreg:$0x3] =	wrdreg s5  }
0xaa: {  	[dreg:$0x4] =	wrdreg $0xC0  }
0xab: {  	_ =	task [dreg:s7], $0x5FFFF  }
0xac: {  	[dreg:$0x1] =	wrdreg $0xFFFFFFFF  }
0xad: {  	[dreg:$0x0] =	wrdreg $0x60  }
0xae: {  	[dreg:$0x2] =	wrdreg s2  }
0xaf: {  	[dreg:$0x3] =	wrdreg s24  }
0xb0: {  	[dreg:$0x4] =	wrdreg $0x14A000  }
0xb1: {  	[dreg:$0x5] =	wrdreg $0x9  }
0xb2: {  	_ =	task.clear_ibuf [dreg:s7], $0x6FFFF;
	_ =	strace $0x90000049  }
0xb3: {  	s29 =	simm.s32 $0x9;
	_ =	strace $0x8000004B  }
0xb4: {  	_ =	swait.ge [sflag:s29], $0x1  }
0xb5: {  	[sflag:s29] =	ssyncadd.s32 $0xFFFFFFFF  }
0xb6: {  	_ =	strace $0x9000004B  }
0xb7: {  	_ =	sfence  }
0xb8: {  	s30 =	sld [smem:$0x0];
	_ =	sdelay $0x2  }
0xb9: {  	s31 =	sshll.u32 s1, $0xD;
	s1 =	sshrl.u32 s1, $0x2  }
0xba: {  	s3 =	sand.u32 $0x4000, s31;
	s1 =	sadd.s32 s1, s30  }
0xbb: {  	s0 =	sor.u32 s3, s0;
	s1 =	sshll.u32 s1, $0x11  }
0xbc: {  	s0 =	sor.u32 s1, s0  }
0xbd: {  	s0 =	sadd.s32 $0x8F2B, s0  }
0xbe: {  	[sflag:s0] =	ssyncadd.remote.s32 $0x1  }
0xbf: {  	_ =	sfence.sel $0xFFFF  }
0xc0: {  	[dreg:$0x0] =	wrdreg $0xFFFFFFFF;
	(pc) =	sbr.abs _section_cstart, $3  }
0xc1: {  	[dreg:$0x1] =	wrdreg $0xFFFFFFFF  }
0xc2: {  	_ =	task.clear_ibuf [dreg:s7], $0x2FFFF;
	_ =	strace $0x9FFFFFFF  }
0xc3: {  	(tm) =	ssettm $0x7FFFFFFF  }
tec
execute0_lowered:
.L_overlay_start_1:
0x0: {  	(tag) =	ssettag $0x1  }
0x1: {  	s1 =	rddreg [dreg:$0x0]  }
0x2: {  	s0 =	rddreg [dreg:$0x1]  }
0x3: {  	s2 =	rddreg [dreg:$0x2]  }
0x4: {  	s4 =	simm.s32 $0x0;
	s3 =	srdreg.scid;
	s16 =	stileid.u32  }
0x5: {  	s14 =	simm.s32 $0x280;
	s15 =	simm.s32 $0x380;
	s17 =	simm.s32 $0x480  }
0x6: {  	s28 =	simm.s32 $0xAA00;
	s29 =	simm.s32 $0xCA00;
	s30 =	simm.s32 $0xEA00  }
0x7: {  	s31 =	simm.s32 $0x10A00;
	[smem:$0x7FF] =	sst s4;
	s5 =	smul.u32 $0x28000, s16  }
0x8: {  	s3 =	sand.u32 $0x1, s3;
	s11 =	sadd.s32 $0x4A00, s0;
	s8 =	smul.u32 $0xA000, s16  }
0x9: {  	s6 =	sadd.s32 $0x2CA00, s0;
	s0 =	sadd.s32 $0x2DE00, s0;
	s10 =	smul.u32 $0x14000, s16  }
0xa: {  	s21 =	sshll.u32 s16, $0x6;
	p0 =	seq.s32 s16, $0xF;
	s16 =	simm.s32 $0x3  }
0xb: {  	_ =	strace $0x8000004A;
	[dreg:$0x13] =	wrdreg s6;
	s7 =	smul.u32 $0xA0000, s3  }
0xc: {  	s18 =	ssub.s32 $0x2, s3;
	s19 =	sshll.u32 s3, $0x6;
	[dreg:$0x7] =	wrdreg s14  }
0xd: {  	s3 =	sshll.u32 s3, $0x3;
	[dreg:$0x8] =	wrdreg s15;
	s14 =	simm.s32 $0x80  }
0xe: {  	[dreg:$0x9] =	wrdreg s17;
	s15 =	simm.s32 $0xA00;
	s17 =	simm.s32 $0x2A00  }
0xf: {  	s9 =	sshrl.u32 s18, $0x1;
	s5 =	sshrl.u32 s5, $0x2;
	s22 =	sor.u32 s19, s10  }
0x10: {  	s19 =	simm.s32 $0x700;
	s12 =	ssub.s32 s18, s9;
	s20 =	sadd.s32 s5, s2  }
0x11: {  	s13 =	sadd.s32 s8, s7;
	s7 =	sor.u32 $0x1C05, s21;
	s9 =	sshrl.u32 s22, $0x3  }
0x12: {  	s18 =	simm.s32 $0x600;
	[dreg:$0xb] =	wrdreg s19;
	s21 =	simm.s32 $0x900  }
0x13: {  	s22 =	simm.s32 $0x580;
	s19 =	simm.s32 $0x4A00;
	s23 =	sshrl.u32 s13, $0x3  }
0x14: {  	s24 =	sadd.s32 s0, s9;
	s25 =	sor.u32 $0xA00, s13;
	[dreg:$0xa] =	wrdreg s18  }
0x15: {  	s26 =	sor.u32 $0x500, s13;
	s0 =	sadd.s32 s3, s0;
	[dreg:$0xd] =	wrdreg s21  }
0x16: {  	s3 =	sadd.s32 $0x96000, s2;
	s13 =	smax.u32 s12, $0x1;
	[dreg:$0xe] =	wrdreg s22  }
0x17: {  	s12 =	sshrl.u32 s20, $0x3;
	s21 =	simm.s32 $0x6A00;
	[dreg:$0x15] =	wrdreg s24  }
0x18: {  	s18 =	simm.s32 $0x4;
	s5 =	sadd.s32 s11, s23;
	[dreg:$0x17] =	wrdreg s13  }
0x19: {  	s9 =	sshrl.u32 s26, $0x3;
	s0 =	sadd.s32 $0x25800, s0;
	[dreg:$0x14] =	wrdreg s5  }
0x1a: {  	s13 =	simm.s32 $0x5;
	s23 =	simm.s32 $0x680;
	[dreg:$0x16] =	wrdreg s0  }
0x1b: {  	s24 =	simm.s32 $0x780;
	s26 =	simm.s32 $0x980;
	[dreg:$0xf] =	wrdreg s23  }
0x1c: {  	s5 =	sshrl.u32 s25, $0x3;
	s10 =	sadd.s32 s9, s11;
	[dreg:$0x10] =	wrdreg s24  }
0x1d: {  	s25 =	simm.s32 $0x880;
	s23 =	simm.s32 $0x8A00;
	[dreg:$0x12] =	wrdreg s26  }
0x1e: {  	s24 =	simm.s32 $0x1;
	s26 =	simm.s32 $0x500;
	[dreg:$0x5] =	wrdreg s10  }
0x1f: {  	s0 =	simm.s32 $0x12A00;
	s8 =	sadd.s32 s5, s11;
	[dreg:$0x11] =	wrdreg s25  }
0x20: {  	s11 =	simm.s32 $0x180;
	s25 =	sshrl.u32 @p0 s3, $0x3;
	[dreg:$0x4] =	wrdreg s8  }
0x21: {  	[dreg:$0x6] =	wrdreg s11;
	s11 =	smov.u32 s20;
	s20 =	simm.s32 $0x800  }
0x22: {  	s3 =	simm.s32 $0x2;
	[dreg:$0xc] =	wrdreg s20;
	s20 =	simm.s32 $0x0  }
.LBB2_1:
0x23: {  	s5 =	rddreg [dreg:$0x13]  }
0x24: {  	[spmem:s12], [sflag:s7] =	dma.local [hbm:s5], $0x1400  }
0x25: {  	_ =	swait.ge [sflag:s13], $0x1400  }
0x26: {  	[sflag:s13] =	ssyncset.done $0x0  }
0x27: {  	[sflag:s13] =	ssyncadd.s32 $0xFFFFEC00  }
0x28: {  	[bflag:$0x0] =	sbarrier.arrive $0xFFFF  }
0x29: {  	s10 =	rddreg [dreg:$0x14]  }
0x2a: {  	[tilespmem:s4], [sflag:$0x5] =	stream.linear.gather [hbm4b:s10+s4], $0x500, $0x38;
	[tilespmem:$0x1EA00] =	vst v63  }
0x2b: {  	_ =	swait.ge [sflag:s13], $0x500  }
0x2c: {  	[sflag:s13] =	ssyncset.done $0x0  }
0x2d: {  	[sflag:s13] =	ssyncadd.s32 $0xFFFFFB00  }
0x2e: {  	[tilespmem:s15], [sflag:$0x1] =	stream.indirect.gather [hbm4b:s1+s14], $0x40, s4, s14, $0xb8;
	[tilespmem:$0x1EA00] =	vst v63  }
0x2f: {  	s22 =	simm.s32 $0x100  }
0x30: {  	[tilespmem:s17], [sflag:$0x1] =	stream.indirect.gather [hbm4b:s1+s14], $0x40, s22, s14, $0xb8;
	[tilespmem:$0x1EA00] =	vst v63  }
0x31: {  	s6 =	simm.s32 $0x200  }
0x32: {  	[tilespmem:s19], [sflag:$0x1] =	stream.indirect.gather [hbm4b:s1+s14], $0x40, s6, s14, $0xb8;
	[tilespmem:$0x1EA00] =	vst v63  }
0x33: {  	s8 =	simm.s32 $0x300  }
0x34: {  	[tilespmem:s21], [sflag:$0x1] =	stream.indirect.gather [hbm4b:s1+s14], $0x40, s8, s14, $0xb8;
	[tilespmem:$0x1EA00] =	vst v63  }
0x35: {  	s9 =	simm.s32 $0x400  }
0x36: {  	[tilespmem:s23], [sflag:$0x1] =	stream.indirect.gather [hbm4b:s1+s14], $0x40, s9, s14, $0xb8;
	[tilespmem:$0x1EA00] =	vst v63  }
0x37: {  	_ =	swait.ge [sflag:s24], $0x2000  }
0x38: {  	[sflag:s24] =	ssyncset.done $0x0  }
0x39: {  	[sflag:s24] =	ssyncadd.s32 $0xFFFFE000  }
0x3a: {  	_ =	swait.ge [sflag:s24], $0x2000  }
0x3b: {  	[sflag:s24] =	ssyncset.done $0x0  }
0x3c: {  	[sflag:s24] =	ssyncadd.s32 $0xFFFFE000  }
0x3d: {  	_ =	swait.ge [sflag:s24], $0x2000  }
0x3e: {  	[sflag:s24] =	ssyncset.done $0x0  }
0x3f: {  	[sflag:s24] =	ssyncadd.s32 $0xFFFFE000  }
0x40: {  	_ =	swait.ge [sflag:s24], $0x2000  }
0x41: {  	[sflag:s24] =	ssyncset.done $0x0  }
0x42: {  	[sflag:s24] =	ssyncadd.s32 $0xFFFFE000  }
0x43: {  	_ =	swait.ge [sflag:s24], $0x2000  }
0x44: {  	[sflag:s24] =	ssyncset.done $0x0  }
0x45: {  	s10 =	rddreg [dreg:$0x6];
	[sflag:s24] =	ssyncadd.s32 $0xFFFFE000  }
0x46: {  	[spmem:s2] =	stream.indirect.scatter.add.f32 [tilespmem:s15], [sflag:$0x3], $0x40, s14, s14, $0xb8;
	[tilespmem:$0x1EA00] =	vst v63  }
0x47: {  	s22 =	rddreg [dreg:$0x5]  }
0x48: {  	[spmem:s2] =	stream.indirect.scatter.add.f32 [tilespmem:s17], [sflag:$0x3], $0x40, s10, s14, $0xb8;
	[tilespmem:$0x1EA00] =	vst v63  }
0x49: {  	s8 =	rddreg [dreg:$0x7]  }
0x4a: {  	[spmem:s2] =	stream.indirect.scatter.add.f32 [tilespmem:s19], [sflag:$0x3], $0x40, s8, s14, $0xb8;
	[tilespmem:$0x1EA00] =	vst v63  }
0x4b: {  	s6 =	rddreg [dreg:$0x8]  }
0x4c: {  	[spmem:s2] =	stream.indirect.scatter.add.f32 [tilespmem:s21], [sflag:$0x3], $0x40, s6, s14, $0xb8;
	[tilespmem:$0x1EA00] =	vst v63  }
0x4d: {  	s9 =	rddreg [dreg:$0x9]  }
0x4e: {  	[spmem:s2] =	stream.indirect.scatter.add.f32 [tilespmem:s23], [sflag:$0x3], $0x40, s9, s14, $0xb8;
	[tilespmem:$0x1EA00] =	vst v63  }
0x4f: {  	s10 =	sadd.s32 $0x0, s22  }
0x50: {  	[tilespmem:s26], [sflag:$0x5] =	stream.linear.gather [hbm4b:s10+s4], $0x500, $0x38;
	[tilespmem:$0x1EA00] =	vst v63  }
0x51: {  	_ =	swait.ge [sflag:s13], $0x500  }
0x52: {  	[sflag:s13] =	ssyncset.done $0x0  }
0x53: {  	[sflag:s13] =	ssyncadd.s32 $0xFFFFFB00  }
0x54: {  	[tilespmem:s28], [sflag:$0x2] =	stream.indirect.gather [hbm4b:s1+s14], $0x40, s26, s14, $0xb8;
	[tilespmem:$0x1EA00] =	vst v63  }
0x55: {  	s22 =	rddreg [dreg:$0xa]  }
0x56: {  	[tilespmem:s29], [sflag:$0x2] =	stream.indirect.gather [hbm4b:s1+s14], $0x40, s22, s14, $0xb8;
	[tilespmem:$0x1EA00] =	vst v63  }
0x57: {  	s6 =	rddreg [dreg:$0xb]  }
0x58: {  	[tilespmem:s30], [sflag:$0x2] =	stream.indirect.gather [hbm4b:s1+s14], $0x40, s6, s14, $0xb8;
	[tilespmem:$0x1EA00] =	vst v63  }
0x59: {  	s9 =	rddreg [dreg:$0xc]  }
0x5a: {  	[tilespmem:s31], [sflag:$0x2] =	stream.indirect.gather [hbm4b:s1+s14], $0x40, s9, s14, $0xb8;
	[tilespmem:$0x1EA00] =	vst v63  }
0x5b: {  	s10 =	rddreg [dreg:$0xd]  }
0x5c: {  	[tilespmem:s0], [sflag:$0x2] =	stream.indirect.gather [hbm4b:s1+s14], $0x40, s10, s14, $0xb8;
	[tilespmem:$0x1EA00] =	vst v63  }
0x5d: {  	_ =	swait.ge [sflag:s3], $0x2000  }
0x5e: {  	[sflag:s3] =	ssyncset.done $0x0  }
0x5f: {  	[sflag:s3] =	ssyncadd.s32 $0xFFFFE000  }
0x60: {  	_ =	swait.ge [sflag:s3], $0x2000  }
0x61: {  	[sflag:s3] =	ssyncset.done $0x0  }
0x62: {  	[sflag:s3] =	ssyncadd.s32 $0xFFFFE000  }
0x63: {  	_ =	swait.ge [sflag:s3], $0x2000  }
0x64: {  	[sflag:s3] =	ssyncset.done $0x0  }
0x65: {  	[sflag:s3] =	ssyncadd.s32 $0xFFFFE000  }
0x66: {  	_ =	swait.ge [sflag:s3], $0x2000  }
0x67: {  	[sflag:s3] =	ssyncset.done $0x0  }
0x68: {  	[sflag:s3] =	ssyncadd.s32 $0xFFFFE000  }
0x69: {  	_ =	swait.ge [sflag:s3], $0x2000  }
0x6a: {  	[sflag:s3] =	ssyncset.done $0x0  }
0x6b: {  	s22 =	rddreg [dreg:$0xe];
	[sflag:s3] =	ssyncadd.s32 $0xFFFFE000  }
0x6c: {  	[spmem:s2] =	stream.indirect.scatter.add.f32 [tilespmem:s28], [sflag:$0x4], $0x40, s22, s14, $0xb8;
	[tilespmem:$0x1EA00] =	vst v63  }
0x6d: {  	s6 =	rddreg [dreg:$0xf]  }
0x6e: {  	[spmem:s2] =	stream.indirect.scatter.add.f32 [tilespmem:s29], [sflag:$0x4], $0x40, s6, s14, $0xb8;
	[tilespmem:$0x1EA00] =	vst v63  }
0x6f: {  	s9 =	rddreg [dreg:$0x10]  }
0x70: {  	[spmem:s2] =	stream.indirect.scatter.add.f32 [tilespmem:s30], [sflag:$0x4], $0x40, s9, s14, $0xb8;
	[tilespmem:$0x1EA00] =	vst v63  }
0x71: {  	s10 =	rddreg [dreg:$0x11]  }
0x72: {  	[spmem:s2] =	stream.indirect.scatter.add.f32 [tilespmem:s31], [sflag:$0x4], $0x40, s10, s14, $0xb8;
	[tilespmem:$0x1EA00] =	vst v63  }
0x73: {  	s22 =	rddreg [dreg:$0x12]  }
0x74: {  	[spmem:s2] =	stream.indirect.scatter.add.f32 [tilespmem:s0], [sflag:$0x4], $0x40, s22, s14, $0xb8;
	[tilespmem:$0x1EA00] =	vst v63  }
0x75: {  	_ =	swait.ge [sflag:s16], $0x2000  }
0x76: {  	[sflag:s16] =	ssyncset.done $0x0  }
0x77: {  	[sflag:s16] =	ssyncadd.s32 $0xFFFFE000  }
0x78: {  	_ =	swait.ge [sflag:s16], $0x2000  }
0x79: {  	[sflag:s16] =	ssyncset.done $0x0  }
0x7a: {  	[sflag:s16] =	ssyncadd.s32 $0xFFFFE000  }
0x7b: {  	_ =	swait.ge [sflag:s16], $0x2000  }
0x7c: {  	[sflag:s16] =	ssyncset.done $0x0  }
0x7d: {  	[sflag:s16] =	ssyncadd.s32 $0xFFFFE000  }
0x7e: {  	_ =	swait.ge [sflag:s16], $0x2000  }
0x7f: {  	[sflag:s16] =	ssyncset.done $0x0  }
0x80: {  	[sflag:s16] =	ssyncadd.s32 $0xFFFFE000  }
0x81: {  	p1 =	por $0x0, $0x0;
	_ =	swait.ge [sflag:s16], $0x2000  }
0x82: {  	s8 =	simm.s32 @!p1 $0x0;
	s5 =	rddreg [dreg:$0x4];
	[sflag:s16] =	ssyncset.done $0x0  }
0x83: {  	s22 =	simm.s32 @!p1 $0x5;
	[sflag:s16] =	ssyncadd.s32 $0xFFFFE000;
	s5 =	sadd.s32 @!p1 $0x0, s5  }
0x84: {  	[tilespmem:s8], [sflag:$0x5] =	stream.linear.gather @!p1 [hbm4b:s5+s8], $0x500, $0x38;
	[tilespmem:$0x1EA00] =	vst v63  }
0x85: {  	_ =	swait.ge @!p1 [sflag:s22], $0x500  }
0x86: {  	[sflag:s22] =	ssyncset.done @!p1 $0x0  }
0x87: {  	s5 =	simm.s32 @!p1 $0x80;
	[sflag:s22] =	ssyncadd.s32 @!p1 $0xFFFFFB00;
	s22 =	simm.s32 @!p1 $0xA00  }
0x88: {  	[tilespmem:s22], [sflag:$0x1] =	stream.indirect.gather @!p1 [hbm4b:s1+s5], $0x40, s8, s5, $0xb8;
	[tilespmem:$0x1EA00] =	vst v63  }
0x89: {  	s8 =	simm.s32 @!p1 $0x100;
	s22 =	simm.s32 @!p1 $0x2A00  }
0x8a: {  	[tilespmem:s22], [sflag:$0x1] =	stream.indirect.gather @!p1 [hbm4b:s1+s5], $0x40, s8, s5, $0xb8;
	[tilespmem:$0x1EA00] =	vst v63  }
0x8b: {  	s8 =	simm.s32 @!p1 $0x200;
	s22 =	simm.s32 @!p1 $0x4A00  }
0x8c: {  	[tilespmem:s22], [sflag:$0x1] =	stream.indirect.gather @!p1 [hbm4b:s1+s5], $0x40, s8, s5, $0xb8;
	[tilespmem:$0x1EA00] =	vst v63  }
0x8d: {  	s8 =	simm.s32 @!p1 $0x300;
	s22 =	simm.s32 @!p1 $0x6A00  }
0x8e: {  	[tilespmem:s22], [sflag:$0x1] =	stream.indirect.gather @!p1 [hbm4b:s1+s5], $0x40, s8, s5, $0xb8;
	[tilespmem:$0x1EA00] =	vst v63  }
0x8f: {  	s8 =	simm.s32 @!p1 $0x400;
	s22 =	simm.s32 @!p1 $0x8A00  }
0x90: {  	[tilespmem:s22], [sflag:$0x1] =	stream.indirect.gather @!p1 [hbm4b:s1+s5], $0x40, s8, s5, $0xb8;
	[tilespmem:$0x1EA00] =	vst v63  }
0x91: {  	_ =	swait.ge [sflag:s18], $0x2000  }
0x92: {  	[sflag:s18] =	ssyncset.done $0x0  }
0x93: {  	[sflag:s18] =	ssyncadd.s32 $0xFFFFE000  }
0x94: {  	_ =	swait.ge [sflag:s18], $0x2000  }
0x95: {  	[sflag:s18] =	ssyncset.done $0x0  }
0x96: {  	[sflag:s18] =	ssyncadd.s32 $0xFFFFE000  }
0x97: {  	_ =	swait.ge [sflag:s18], $0x2000  }
0x98: {  	[sflag:s18] =	ssyncset.done $0x0  }
0x99: {  	[sflag:s18] =	ssyncadd.s32 $0xFFFFE000  }
0x9a: {  	_ =	swait.ge [sflag:s18], $0x2000  }
0x9b: {  	[sflag:s18] =	ssyncset.done $0x0  }
0x9c: {  	[sflag:s18] =	ssyncadd.s32 $0xFFFFE000  }
0x9d: {  	s22 =	simm.s32 $0x140;
	_ =	swait.ge [sflag:s18], $0x2000  }
.LBB2_2:
0x9e: {  	[sflag:s18] =	ssyncset.done $0x0  }
0x9f: {  	[sflag:s18] =	ssyncadd.s32 $0xFFFFE000  }
0xa0: {  	_ =	swait.ge [sflag:s24], $0x2000  }
0xa1: {  	[sflag:s24] =	ssyncset.done $0x0  }
0xa2: {  	[sflag:s24] =	ssyncadd.s32 $0xFFFFE000  }
0xa3: {  	_ =	swait.ge [sflag:s24], $0x2000  }
0xa4: {  	[sflag:s24] =	ssyncset.done $0x0  }
0xa5: {  	[sflag:s24] =	ssyncadd.s32 $0xFFFFE000  }
0xa6: {  	_ =	swait.ge [sflag:s24], $0x2000  }
0xa7: {  	[sflag:s24] =	ssyncset.done $0x0  }
0xa8: {  	[sflag:s24] =	ssyncadd.s32 $0xFFFFE000  }
0xa9: {  	_ =	swait.ge [sflag:s24], $0x2000  }
0xaa: {  	[sflag:s24] =	ssyncset.done $0x0  }
0xab: {  	[sflag:s24] =	ssyncadd.s32 $0xFFFFE000  }
0xac: {  	_ =	swait.ge [sflag:s24], $0x2000  }
0xad: {  	[sflag:s24] =	ssyncset.done $0x0  }
0xae: {  	s8 =	rddreg [dreg:$0x6];
	[sflag:s24] =	ssyncadd.s32 $0xFFFFE000  }
0xaf: {  	[spmem:s2] =	stream.indirect.scatter.add.f32 [tilespmem:s15], [sflag:$0x3], $0x40, s14, s14, $0xb8;
	[tilespmem:$0x1EA00] =	vst v63  }
0xb0: {  	s9 =	rddreg [dreg:$0x5]  }
0xb1: {  	[spmem:s2] =	stream.indirect.scatter.add.f32 [tilespmem:s17], [sflag:$0x3], $0x40, s8, s14, $0xb8;
	[tilespmem:$0x1EA00] =	vst v63  }
0xb2: {  	s6 =	rddreg [dreg:$0x7]  }
0xb3: {  	[spmem:s2] =	stream.indirect.scatter.add.f32 [tilespmem:s19], [sflag:$0x3], $0x40, s6, s14, $0xb8;
	[tilespmem:$0x1EA00] =	vst v63  }
0xb4: {  	s8 =	rddreg [dreg:$0x8]  }
0xb5: {  	[spmem:s2] =	stream.indirect.scatter.add.f32 [tilespmem:s21], [sflag:$0x3], $0x40, s8, s14, $0xb8;
	[tilespmem:$0x1EA00] =	vst v63  }
0xb6: {  	s5 =	smov.u32 s22;
	s10 =	rddreg [dreg:$0x9]  }
0xb7: {  	[spmem:s2] =	stream.indirect.scatter.add.f32 [tilespmem:s23], [sflag:$0x3], $0x40, s10, s14, $0xb8;
	[tilespmem:$0x1EA00] =	vst v63  }
0xb8: {  	s8 =	sadd.s32 s5, s9  }
0xb9: {  	[tilespmem:s26], [sflag:$0x5] =	stream.linear.gather [hbm4b:s8+s4], $0x500, $0x38;
	[tilespmem:$0x1EA00] =	vst v63  }
0xba: {  	_ =	swait.ge [sflag:s13], $0x500  }
0xbb: {  	[sflag:s13] =	ssyncset.done $0x0  }
0xbc: {  	[sflag:s13] =	ssyncadd.s32 $0xFFFFFB00  }
0xbd: {  	[tilespmem:s28], [sflag:$0x2] =	stream.indirect.gather [hbm4b:s1+s14], $0x40, s26, s14, $0xb8;
	[tilespmem:$0x1EA00] =	vst v63  }
0xbe: {  	s9 =	rddreg [dreg:$0xa]  }
0xbf: {  	[tilespmem:s29], [sflag:$0x2] =	stream.indirect.gather [hbm4b:s1+s14], $0x40, s9, s14, $0xb8;
	[tilespmem:$0x1EA00] =	vst v63  }
0xc0: {  	s10 =	rddreg [dreg:$0xb]  }
0xc1: {  	[tilespmem:s30], [sflag:$0x2] =	stream.indirect.gather [hbm4b:s1+s14], $0x40, s10, s14, $0xb8;
	[tilespmem:$0x1EA00] =	vst v63  }
0xc2: {  	s9 =	rddreg [dreg:$0xc]  }
0xc3: {  	[tilespmem:s31], [sflag:$0x2] =	stream.indirect.gather [hbm4b:s1+s14], $0x40, s9, s14, $0xb8;
	[tilespmem:$0x1EA00] =	vst v63  }
0xc4: {  	s10 =	rddreg [dreg:$0xd]  }
0xc5: {  	[tilespmem:s0], [sflag:$0x2] =	stream.indirect.gather [hbm4b:s1+s14], $0x40, s10, s14, $0xb8;
	[tilespmem:$0x1EA00] =	vst v63  }
0xc6: {  	_ =	swait.ge [sflag:s3], $0x2000  }
0xc7: {  	[sflag:s3] =	ssyncset.done $0x0  }
0xc8: {  	[sflag:s3] =	ssyncadd.s32 $0xFFFFE000  }
0xc9: {  	_ =	swait.ge [sflag:s3], $0x2000  }
0xca: {  	[sflag:s3] =	ssyncset.done $0x0  }
0xcb: {  	[sflag:s3] =	ssyncadd.s32 $0xFFFFE000  }
0xcc: {  	_ =	swait.ge [sflag:s3], $0x2000  }
0xcd: {  	[sflag:s3] =	ssyncset.done $0x0  }
0xce: {  	[sflag:s3] =	ssyncadd.s32 $0xFFFFE000  }
0xcf: {  	_ =	swait.ge [sflag:s3], $0x2000  }
0xd0: {  	[sflag:s3] =	ssyncset.done $0x0  }
0xd1: {  	[sflag:s3] =	ssyncadd.s32 $0xFFFFE000  }
0xd2: {  	_ =	swait.ge [sflag:s3], $0x2000  }
0xd3: {  	[sflag:s3] =	ssyncset.done $0x0  }
0xd4: {  	s8 =	rddreg [dreg:$0xe];
	[sflag:s3] =	ssyncadd.s32 $0xFFFFE000  }
0xd5: {  	[spmem:s2] =	stream.indirect.scatter.add.f32 [tilespmem:s28], [sflag:$0x4], $0x40, s8, s14, $0xb8;
	[tilespmem:$0x1EA00] =	vst v63  }
0xd6: {  	s9 =	rddreg [dreg:$0xf]  }
0xd7: {  	[spmem:s2] =	stream.indirect.scatter.add.f32 [tilespmem:s29], [sflag:$0x4], $0x40, s9, s14, $0xb8;
	[tilespmem:$0x1EA00] =	vst v63  }
0xd8: {  	s10 =	rddreg [dreg:$0x10]  }
0xd9: {  	[spmem:s2] =	stream.indirect.scatter.add.f32 [tilespmem:s30], [sflag:$0x4], $0x40, s10, s14, $0xb8;
	[tilespmem:$0x1EA00] =	vst v63  }
0xda: {  	s9 =	rddreg [dreg:$0x11]  }
0xdb: {  	[spmem:s2] =	stream.indirect.scatter.add.f32 [tilespmem:s31], [sflag:$0x4], $0x40, s9, s14, $0xb8;
	[tilespmem:$0x1EA00] =	vst v63  }
0xdc: {  	s10 =	rddreg [dreg:$0x12]  }
0xdd: {  	[spmem:s2] =	stream.indirect.scatter.add.f32 [tilespmem:s0], [sflag:$0x4], $0x40, s10, s14, $0xb8;
	[tilespmem:$0x1EA00] =	vst v63  }
0xde: {  	_ =	swait.ge [sflag:s16], $0x2000  }
0xdf: {  	[sflag:s16] =	ssyncset.done $0x0  }
0xe0: {  	[sflag:s16] =	ssyncadd.s32 $0xFFFFE000  }
0xe1: {  	_ =	swait.ge [sflag:s16], $0x2000  }
0xe2: {  	[sflag:s16] =	ssyncset.done $0x0  }
0xe3: {  	[sflag:s16] =	ssyncadd.s32 $0xFFFFE000  }
0xe4: {  	_ =	swait.ge [sflag:s16], $0x2000  }
0xe5: {  	[sflag:s16] =	ssyncset.done $0x0  }
0xe6: {  	[sflag:s16] =	ssyncadd.s32 $0xFFFFE000  }
0xe7: {  	_ =	swait.ge [sflag:s16], $0x2000  }
0xe8: {  	[sflag:s16] =	ssyncset.done $0x0  }
0xe9: {  	[sflag:s16] =	ssyncadd.s32 $0xFFFFE000  }
0xea: {  	p2 =	seq.s32 s5, $0x12C0;
	_ =	swait.ge [sflag:s16], $0x2000  }
0xeb: {  	s8 =	simm.s32 @!p2 $0x0;
	s6 =	rddreg [dreg:$0x4];
	[sflag:s16] =	ssyncset.done $0x0  }
0xec: {  	[sflag:s16] =	ssyncadd.s32 $0xFFFFE000;
	s5 =	sadd.s32 @!p2 s5, s6;
	s6 =	simm.s32 @!p2 $0x5  }
0xed: {  	[tilespmem:s8], [sflag:$0x5] =	stream.linear.gather @!p2 [hbm4b:s5+s8], $0x500, $0x38;
	[tilespmem:$0x1EA00] =	vst v63  }
0xee: {  	_ =	swait.ge @!p2 [sflag:s6], $0x500  }
0xef: {  	[sflag:s6] =	ssyncset.done @!p2 $0x0  }
0xf0: {  	s9 =	simm.s32 @!p2 $0xA00;
	s5 =	simm.s32 @!p2 $0x80;
	[sflag:s6] =	ssyncadd.s32 @!p2 $0xFFFFFB00  }
0xf1: {  	[tilespmem:s9], [sflag:$0x1] =	stream.indirect.gather @!p2 [hbm4b:s1+s5], $0x40, s8, s5, $0xb8;
	[tilespmem:$0x1EA00] =	vst v63  }
0xf2: {  	s10 =	simm.s32 @!p2 $0x2A00;
	s6 =	simm.s32 @!p2 $0x100  }
0xf3: {  	[tilespmem:s10], [sflag:$0x1] =	stream.indirect.gather @!p2 [hbm4b:s1+s5], $0x40, s6, s5, $0xb8;
	[tilespmem:$0x1EA00] =	vst v63  }
0xf4: {  	s8 =	simm.s32 @!p2 $0x200;
	s9 =	simm.s32 @!p2 $0x4A00  }
0xf5: {  	[tilespmem:s9], [sflag:$0x1] =	stream.indirect.gather @!p2 [hbm4b:s1+s5], $0x40, s8, s5, $0xb8;
	[tilespmem:$0x1EA00] =	vst v63  }
0xf6: {  	s6 =	simm.s32 @!p2 $0x300;
	s10 =	simm.s32 @!p2 $0x6A00  }
0xf7: {  	[tilespmem:s10], [sflag:$0x1] =	stream.indirect.gather @!p2 [hbm4b:s1+s5], $0x40, s6, s5, $0xb8;
	[tilespmem:$0x1EA00] =	vst v63  }
0xf8: {  	s8 =	simm.s32 @!p2 $0x400;
	s9 =	simm.s32 @!p2 $0x8A00  }
0xf9: {  	[tilespmem:s9], [sflag:$0x1] =	stream.indirect.gather @!p2 [hbm4b:s1+s5], $0x40, s8, s5, $0xb8;
	[tilespmem:$0x1EA00] =	vst v63  }
0xfa: {  	_ =	swait.ge [sflag:s18], $0x2000  }
0xfb: {  	[sflag:s18] =	ssyncset.done $0x0  }
0xfc: {  	[sflag:s18] =	ssyncadd.s32 $0xFFFFE000  }
0xfd: {  	_ =	swait.ge [sflag:s18], $0x2000  }
0xfe: {  	[sflag:s18] =	ssyncset.done $0x0  }
0xff: {  	[sflag:s18] =	ssyncadd.s32 $0xFFFFE000  }
0x100: {  	s22 =	sadd.s32 $0x140, s22;
	_ =	swait.ge [sflag:s18], $0x2000  }
0x101: {  	p1 =	sne.s32 s22, $0x1400;
	[sflag:s18] =	ssyncset.done $0x0  }
.Ltmp0:
0x102: {  	[sflag:s18] =	ssyncadd.s32 $0xFFFFE000;
	(pc) =	sbr.rel @p1 .LBB2_2-.Ltmp0, $4  }
0x103: {  	_ =	swait.ge [sflag:s18], $0x2000  }
0x104: {  	[sflag:s18] =	ssyncset.done $0x0  }
0x105: {  	[sflag:s18] =	ssyncadd.s32 $0xFFFFE000  }
0x106: {  	_ =	swait.ge [sflag:s18], $0x2000  }
0x107: {  	[sflag:s18] =	ssyncset.done $0x0  }
0x108: {  	[sflag:s18] =	ssyncadd.s32 $0xFFFFE000  }
0x109: {  	s5 =	simm.s32 @p0 $0x1;
	[bflag:$0x0] =	sbarrier.arrive $0xFFFF  }
0x10a: {  	s6 =	simm.s32 @p0 $0x10;
	s8 =	simm.s32 @p0 $0x8;
	s9 =	rddreg [dreg:$0x16]  }
0x10b: {  	[hbm:s9@s6], [sflag:s7] =	dma.strided @p0 [spmem:s25@s8], $0xC80, s5, $0x8   }
0x10c: {  	s5 =	simm.s32 @p0 $0x5  }
0x10d: {  	s6 =	simm.s32 @!p0 $0x1;
	_ =	swait.ge @p0 [sflag:s5], $0xC80  }
0x10e: {  	s8 =	simm.s32 @!p0 $0x10;
	s9 =	simm.s32 @!p0 $0x8;
	[sflag:s5] =	ssyncset.done @p0 $0x0  }
0x10f: {  	s10 =	rddreg [dreg:$0x15];
	[sflag:s5] =	ssyncadd.s32 @p0 $0xFFFFF380;
	s5 =	sshrl.u32 @!p0 s11, $0x3  }
0x110: {  	[hbm:s10@s8], [sflag:s7] =	dma.strided @!p0 [spmem:s5@s9], $0x1400, s6, $0x8   }
0x111: {  	s5 =	simm.s32 @!p0 $0x5  }
0x112: {  	_ =	swait.ge @!p0 [sflag:s5], $0x1400  }
0x113: {  	s20 =	sadd.s32 $0x1, s20;
	s22 =	rddreg [dreg:$0x17]  }
0x114: {  	p1 =	sne.s32 s20, s22  }
.Ltmp1:
0x115: {  	_ = 	snop;
	(pc) =	sbr.rel @p1 .LBB2_1-.Ltmp1, $3  }
0x116: {  	_ =	sdelay $0x1  }
0x117: {  	[sflag:s5] =	ssyncset.done @!p0 $0x0  }
0x118: {  	[sflag:s5] =	ssyncadd.s32 @!p0 $0xFFFFEC00  }
0x119: {  	_ =	sfence.sel $0x180000  }
0x11a: {  	[bflag:$0x0] =	sbarrier.arrive $0xFFFF  }
0x11b: {  	_ =	strace $0x9000004A  }
0x11c: {  	s0 =	stileid.u32;
	[bflag:$0x2] =	sbarrier.arrive $0xFFFF  }
0x11d: {  	p0 =	sne.s32 s0, $0x0;
	s0 =	rddreg [dreg:$0x3]  }
0x11e: {  	s0 =	sadd.s32 @!p0 $0x100000, s0  }
0x11f: {  	[sflag:s0] =	ssyncadd.tile.s32 @!p0 $0x1;
	_ =	shalt  }
.Lfunc_end2:
_tile_overlayer_lowered:
.L_overlay_start_2:
0x120: {  	(tag) =	ssettag $0x2  }
0x121: {  	s0 =	rddreg [dreg:$0x0];
	s2 =	stileid.u32  }
0x122: {  	s1 =	rddreg [dreg:$0x1];
	p0 =	sne.s32 s2, $0x0  }
0x123: {  	s3 =	rddreg [dreg:$0x2];
	[bflag:$0x3] =	sbarrier.arrive $0xFFFF;
	s2 =	simm.s32 @!p0 $0x1C05  }
0x124: {  	[timem:s3], [sflag:s2] =	dma.local @!p0 [hbm:s0], s1  }
0x125: {  	s0 =	simm.s32 @!p0 $0x5  }
0x126: {  	_ =	swait.ge @!p0 [sflag:s0], s1  }
0x127: {  	s1 =	ssub.s32 @!p0 $0x0, s1;
	[sflag:s0] =	ssyncset.done @!p0 $0x0  }
0x128: {  	[sflag:s0] =	ssyncadd.s32 @!p0 s1  }
0x129: {  	[bflag:$0x3] =	sbarrier.arrive $0xFFFF  }
0x12a: {  	_ =	shalt  }

// kernel: kernel.16.cloned.1.call-start
scs
__scs_entry_jumppad:
0x0: {  	(pc) =	sbr.rel $0x88, $3  }
0x1: {  	(tag) =	ssettag $0x0;
	lr =	simm.s32 $0x1  }
0x2: {  	[smem:$0x3F9D] =	sst lr;
	_ =	strace $0xD0000000  }
0x3: {  	_ = 	snop  }
0x4: {  	_ = 	snop  }
0x5: {  	_ = 	snop  }
0x6: {  	_ = 	snop  }
0x7: {  	_ = 	snop  }
__scs_overlays_trampoline_lowered:
0x8: {  	[smem:$0x3FAC] =	sst s0  }
0x9: {  	[smem:$0x3FAD] =	sst s1  }
0xa: {  	[smem:$0x3FAE] =	sst s2  }
0xb: {  	[smem:$0x3FAF] =	sst s3  }
0xc: {  	[smem:$0x3FB0] =	sst s4  }
0xd: {  	[smem:$0x3FB1] =	sst s5  }
0xe: {  	[smem:$0x3FB2] =	sst s6  }
0xf: {  	[smem:$0x3FB3] =	sst s7  }
0x10: {  	[smem:$0x3FB4] =	sst s8  }
0x11: {  	[smem:$0x3FB5] =	sst s9;
	s0 =	simm.s32 @!p0 $0x0  }
0x12: {  	s1 =	sld [smem:$0x3F9B];
	s0 =	simm.s32 @p0 $0x1  }
0x13: {  	[smem:$0x3FB6] =	sst s0;
	s0 =	simm.s32 @!p1 $0x0  }
0x14: {  	s2 =	sld [smem:$0x3F9A];
	s0 =	simm.s32 @p1 $0x1  }
0x15: {  	[smem:$0x3FB7] =	sst s0;
	s0 =	simm.s32 @!p2 $0x0  }
0x16: {  	s3 =	sld [smem:$0x3FDB];
	s0 =	simm.s32 @p2 $0x1  }
0x17: {  	s4 =	simm.s32 $0x1BF5;
	[smem:$0x3FB9] =	sst s0  }
0x18: {  	s0 =	sld [smem:$0x3F9C];
	_ =	swait.ge [sflag:s4], $0x0  }
0x19: {  	s7 =	sld [smem:$0x3F9D]  }
0x1a: {  	s8 =	sadd.s32 $0xFFFFE003, lr  }
0x1b: {  	s9 =	sadd.s32 $0xFFFFFEF7, lr;
	s5 =	simm.s32 $0xFFFFFFFF;
	p2 =	slt.u32 s8, $0xFFFFF086  }
0x1c: {  	p1 =	slt.u32 s9, $0xF7A;
	s5 =	simm.s32 @!p2 $0x0  }
0x1d: {  	s5 =	simm.s32 @p1 $0x1;
	p0 =	seq.s32 s7, s2  }
0x1e: {  	s7 =	smul.u32 @!p0 $0xF7A, s2;
	p2 =	seq.s32 @!p0 s5, $0x0  }
0x1f: {  	s9 =	smul.u32 $0xF7A, s1;
	s8 =	simm.s32 @!p0 $0x1BF5;
	p2 =	por !p2, p0  }
0x20: {  	[sflag:s8] =	ssyncset.s32 @!p0 $0xFFFFF086;
	s6 =	sadd.s32 @!p0 s3, s7;
	s7 =	simm.s32 @!p0 $0x108  }
0x21: {  	s3 =	sadd.s32 s3, s9;
	s6 =	sadd.s32 @!p0 $0x88, s6;
	s7 =	simm.s32 @p2 $0x1082  }
0x22: {  	[simem:s7], [sflag:s8] =	dma.local @!p0 [hbm:s6], $0xF7A  }
0x23: {  	s9 =	sor.u32 $0xD0000000, s2;
	s6 =	simm.s32 $0x108;
	_ =	swait.ge @!p0 [sflag:s8], $0x0  }
0x24: {  	s3 =	sadd.s32 $0x88, s3;
	s6 =	simm.s32 @!p1 $0x1082;
	[sflag:s4] =	ssyncset.s32 $0xFFFFF086  }
0x25: {  	[simem:s6], [sflag:s4] =	dma.local [hbm:s3], $0xF7A  }
0x26: {  	[smem:$0x3F9D] =	sst s1;
	(tag) =	ssettag s2;
	_ =	strace s9  }
0x27: {  	s1 =	sld [smem:$0x3FAD]  }
0x28: {  	s2 =	sld [smem:$0x3FAE]  }
0x29: {  	s4 =	sld [smem:$0x3FB0]  }
0x2a: {  	p0 =	seq.s32 s5, $0x0;
	s5 =	sld [smem:$0x3FB1]  }
0x2b: {  	s6 =	sld [smem:$0x3FB2]  }
0x2c: {  	s7 =	sld [smem:$0x3FB3]  }
0x2d: {  	s3 =	simm.s32 $0x108;
	s8 =	sld [smem:$0x3FB4]  }
0x2e: {  	s3 =	simm.s32 @!p0 $0x1082;
	s9 =	sld [smem:$0x3FB5]  }
0x2f: {  	lr =	sadd.s32 s0, s3;
	s0 =	sld [smem:$0x3FAC]  }
0x30: {  	s3 =	sld [smem:$0x3FAF]  }
0x31: {  	[smem:$0x3FB8] =	sst s10  }
0x32: {  	s10 =	sld [smem:$0x3FB6];
	_ =	sdelay $0x3  }
0x33: {  	p0 =	seq.s32 s10, $0x1;
	s10 =	sld [smem:$0x3FB8];
	_ =	sdelay $0x3  }
0x34: {  	[smem:$0x3FB8] =	sst s10  }
0x35: {  	s10 =	sld [smem:$0x3FB7];
	_ =	sdelay $0x3  }
0x36: {  	p1 =	seq.s32 s10, $0x1;
	s10 =	sld [smem:$0x3FB8];
	_ =	sdelay $0x3  }
0x37: {  	[smem:$0x3FB8] =	sst s10  }
0x38: {  	s10 =	sld [smem:$0x3FB9]  }
0x39: {  	_ = 	snop;
	(pc) =	sbr.ind lr, $3  }
0x3a: {  	_ = 	snop  }
0x3b: {  	_ = 	snop  }
0x3c: {  	p2 =	seq.s32 s10, $0x1;
	s10 =	sld [smem:$0x3FB8]  }
0x3d: {  	_ =	shalt  }
0x3e: {  	_ =	shalt  }
0x3f: {  	_ =	shalt  }
0x40: {  	_ =	shalt  }
0x41: {  	_ =	shalt  }
0x42: {  	_ =	shalt  }
0x43: {  	_ =	shalt  }
0x44: {  	_ =	shalt  }
0x45: {  	_ =	shalt  }
0x46: {  	_ =	shalt  }
0x47: {  	_ =	shalt  }
0x48: {  	_ =	shalt  }
0x49: {  	_ =	shalt  }
0x4a: {  	_ =	shalt  }
0x4b: {  	_ =	shalt  }
0x4c: {  	_ =	shalt  }
0x4d: {  	_ =	shalt  }
0x4e: {  	_ =	shalt  }
0x4f: {  	_ =	shalt  }
0x50: {  	_ =	shalt  }
0x51: {  	_ =	shalt  }
0x52: {  	_ =	shalt  }
0x53: {  	_ =	shalt  }
0x54: {  	_ =	shalt  }
0x55: {  	_ =	shalt  }
0x56: {  	_ =	shalt  }
0x57: {  	_ =	shalt  }
0x58: {  	_ =	shalt  }
0x59: {  	_ =	shalt  }
0x5a: {  	_ =	shalt  }
0x5b: {  	_ =	shalt  }
0x5c: {  	_ =	shalt  }
0x5d: {  	_ =	shalt  }
0x5e: {  	_ =	shalt  }
0x5f: {  	_ =	shalt  }
0x60: {  	_ =	shalt  }
0x61: {  	_ =	shalt  }
0x62: {  	_ =	shalt  }
0x63: {  	_ =	shalt  }
0x64: {  	_ =	shalt  }
0x65: {  	_ =	shalt  }
0x66: {  	_ =	shalt  }
0x67: {  	_ =	shalt  }
0x68: {  	_ =	shalt  }
0x69: {  	_ =	shalt  }
0x6a: {  	_ =	shalt  }
0x6b: {  	_ =	shalt  }
0x6c: {  	_ =	shalt  }
0x6d: {  	_ =	shalt  }
0x6e: {  	_ =	shalt  }
0x6f: {  	_ =	shalt  }
0x70: {  	_ =	shalt  }
0x71: {  	_ =	shalt  }
0x72: {  	_ =	shalt  }
0x73: {  	_ =	shalt  }
0x74: {  	_ =	shalt  }
0x75: {  	_ =	shalt  }
0x76: {  	_ =	shalt  }
0x77: {  	_ =	shalt  }
0x78: {  	_ =	shalt  }
0x79: {  	_ =	shalt  }
0x7a: {  	_ =	shalt  }
0x7b: {  	_ =	shalt  }
0x7c: {  	_ =	shalt  }
0x7d: {  	_ =	shalt  }
0x7e: {  	_ =	shalt  }
0x7f: {  	_ =	shalt  }
0x80: {  	_ =	shalt  }
0x81: {  	_ =	shalt  }
0x82: {  	_ =	shalt  }
0x83: {  	_ =	shalt  }
0x84: {  	_ =	shalt  }
0x85: {  	_ =	shalt  }
0x86: {  	_ =	shalt  }
0x87: {  	_ =	shalt  }
.Lfunc_end0:
.L_simem_size_0:
called_computation.2_lowered:
.L_overlay_start_0:
0x88: {  	s2 =	sld [smem:$0x3FD9]  }
0x89: {  	s3 =	sld [smem:$0x3FFE];
	_ =	sdelay $0x1  }
0x8a: {  	s1 =	srdreg.scid  }
0x8b: {  	s0 =	sand.u32 $0x1, s1  }
0x8c: {  	s17 =	sshll.u32 s0, $0xA;
	s2 =	sadd.s32 s3, s2  }
0x8d: {  	s2 =	sadd.s32 s2, s17  }
0x8e: {  	[smem:$0x3FC4] =	sst s2  }
0x8f: {  	_ = 	snop  }
0x90: {  	s2 =	sld [smem:$0x3FD0];
	(tm) =	ssettm $0x1  }
0x91: {  	s18 =	sld [smem:$0x3FFB];
	_ =	sdelay $0x3  }
0x92: {  	_ =	strace s18  }
0x93: {  	s3 =	sld [smem:$0x3FFC];
	_ =	sdelay $0x3  }
0x94: {  	_ =	strace s3  }
0x95: {  	s3 =	sld [smem:$0x3FFD];
	_ =	sdelay $0x3  }
0x96: {  	_ =	strace s3  }
0x97: {  	_ =	strace $0x8FFFFFFF  }
0x98: {  	s19 =	sld [smem:$0x3FDB];
	_ =	sdelay $0x1  }
0x99: {  	s4 =	simm.s32 $_scs_section_size  }
0x9a: {  	s5 =	simm.s32 $_size__tile_overlayer_lowered;
	s6 =	simm.s32 $_tile_overlayer_lowered  }
0x9b: {  	s22 =	simm.s32 $0x1BFF;
	s21 =	sshll.u32 s6, $0x1;
	s3 =	sadd.s32 s4, s19  }
0x9c: {  	s7 =	simm.s32 $0x0;
	s20 =	sshll.u32 s5, $0x1;
	s5 =	sadd.s32 s21, s3  }
0x9d: {  	[timem:s7], [sflag:s22] =	dma.local [hbm:s5], s20  }
0x9e: {  	_ =	swait.ge [sflag:s22], s20  }
0x9f: {  	s4 =	ssub.s32 $0x0, s20;
	[sflag:s22] =	ssyncset.done $0x0  }
0xa0: {  	[sflag:s22] =	ssyncadd.s32 s4;
	_ =	sdelay $0x1  }
0xa1: {  	s23 =	simm.s32 $0x1B8B  }
0xa2: {  	_ =	swait.ge [sflag:s23], $0x1  }
0xa3: {  	[sflag:s23] =	ssyncset.done $0x0  }
0xa4: {  	s25 =	simm.s32 $0x1B8E;
	s24 =	sld [smem:$0x3FFE];
	[sflag:s23] =	ssyncadd.s32 $0xFFFFFFFF  }
0xa5: {  	s26 =	simm.s32 $execute0_lowered;
	[smem:$0x3FD2] =	sst s25  }
0xa6: {  	s5 =	sshll.u32 s26, $0x1;
	_ =	strace $0x8000004C;
	[dreg:$0x1] =	wrdreg $0xFFFFFFFF  }
0xa7: {  	s28 =	simm.s32 $_size_execute0_lowered;
	s3 =	sadd.s32 s3, s5;
	[dreg:$0x0] =	wrdreg $0x0  }
0xa8: {  	s5 =	sshll.u32 s28, $0x1;
	[dreg:$0x2] =	wrdreg s3  }
0xa9: {  	[dreg:$0x3] =	wrdreg s5  }
0xaa: {  	[dreg:$0x4] =	wrdreg $0xC0  }
0xab: {  	_ =	task [dreg:s7], $0x5FFFF  }
0xac: {  	[dreg:$0x1] =	wrdreg $0xFFFFFFFF  }
0xad: {  	[dreg:$0x0] =	wrdreg $0x60  }
0xae: {  	[dreg:$0x2] =	wrdreg s2  }
0xaf: {  	[dreg:$0x3] =	wrdreg s24  }
0xb0: {  	[dreg:$0x4] =	wrdreg $0x14A000  }
0xb1: {  	[dreg:$0x5] =	wrdreg $0x9  }
0xb2: {  	_ =	task.clear_ibuf [dreg:s7], $0x6FFFF;
	_ =	strace $0x9000004C  }
0xb3: {  	s29 =	simm.s32 $0x9;
	_ =	strace $0x8000004E  }
0xb4: {  	_ =	swait.ge [sflag:s29], $0x1  }
0xb5: {  	[sflag:s29] =	ssyncadd.s32 $0xFFFFFFFF  }
0xb6: {  	_ =	strace $0x9000004E  }
0xb7: {  	_ =	sfence  }
0xb8: {  	s30 =	sld [smem:$0x0];
	_ =	sdelay $0x2  }
0xb9: {  	s31 =	sshll.u32 s1, $0xD;
	s1 =	sshrl.u32 s1, $0x2  }
0xba: {  	s3 =	sand.u32 $0x4000, s31;
	s1 =	sadd.s32 s1, s30  }
0xbb: {  	s0 =	sor.u32 s3, s0;
	s1 =	sshll.u32 s1, $0x11  }
0xbc: {  	s0 =	sor.u32 s1, s0  }
0xbd: {  	s0 =	sadd.s32 $0x8F2B, s0  }
0xbe: {  	[sflag:s0] =	ssyncadd.remote.s32 $0x1  }
0xbf: {  	_ =	sfence.sel $0xFFFF  }
0xc0: {  	[dreg:$0x0] =	wrdreg $0xFFFFFFFF;
	(pc) =	sbr.abs _section_cstart, $3  }
0xc1: {  	[dreg:$0x1] =	wrdreg $0xFFFFFFFF  }
0xc2: {  	_ =	task.clear_ibuf [dreg:s7], $0x2FFFF;
	_ =	strace $0x9FFFFFFF  }
0xc3: {  	(tm) =	ssettm $0x7FFFFFFF  }
tec
execute0_lowered:
.L_overlay_start_1:
0x0: {  	(tag) =	ssettag $0x1  }
0x1: {  	s1 =	rddreg [dreg:$0x0]  }
0x2: {  	s0 =	rddreg [dreg:$0x1]  }
0x3: {  	s2 =	rddreg [dreg:$0x2]  }
0x4: {  	s4 =	simm.s32 $0x0;
	s3 =	srdreg.scid;
	s16 =	stileid.u32  }
0x5: {  	s14 =	simm.s32 $0x280;
	s15 =	simm.s32 $0x380;
	s17 =	simm.s32 $0x480  }
0x6: {  	s28 =	simm.s32 $0xAA00;
	s29 =	simm.s32 $0xCA00;
	s30 =	simm.s32 $0xEA00  }
0x7: {  	s31 =	simm.s32 $0x10A00;
	[smem:$0x7FF] =	sst s4;
	s5 =	smul.u32 $0x28000, s16  }
0x8: {  	s3 =	sand.u32 $0x1, s3;
	s11 =	sadd.s32 $0x4A00, s0;
	s8 =	smul.u32 $0xA000, s16  }
0x9: {  	s6 =	sadd.s32 $0x2CA00, s0;
	s0 =	sadd.s32 $0x2DE00, s0;
	s10 =	smul.u32 $0x14000, s16  }
0xa: {  	s21 =	sshll.u32 s16, $0x6;
	p0 =	seq.s32 s16, $0xF;
	s16 =	simm.s32 $0x3  }
0xb: {  	_ =	strace $0x8000004D;
	[dreg:$0x13] =	wrdreg s6;
	s7 =	smul.u32 $0xA0000, s3  }
0xc: {  	s18 =	ssub.s32 $0x2, s3;
	s19 =	sshll.u32 s3, $0x6;
	[dreg:$0x7] =	wrdreg s14  }
0xd: {  	s3 =	sshll.u32 s3, $0x3;
	[dreg:$0x8] =	wrdreg s15;
	s14 =	simm.s32 $0x80  }
0xe: {  	[dreg:$0x9] =	wrdreg s17;
	s15 =	simm.s32 $0xA00;
	s17 =	simm.s32 $0x2A00  }
0xf: {  	s9 =	sshrl.u32 s18, $0x1;
	s5 =	sshrl.u32 s5, $0x2;
	s22 =	sor.u32 s19, s10  }
0x10: {  	s19 =	simm.s32 $0x700;
	s12 =	ssub.s32 s18, s9;
	s20 =	sadd.s32 s5, s2  }
0x11: {  	s13 =	sadd.s32 s8, s7;
	s7 =	sor.u32 $0x1C05, s21;
	s9 =	sshrl.u32 s22, $0x3  }
0x12: {  	s18 =	simm.s32 $0x600;
	[dreg:$0xb] =	wrdreg s19;
	s21 =	simm.s32 $0x900  }
0x13: {  	s22 =	simm.s32 $0x580;
	s19 =	simm.s32 $0x4A00;
	s23 =	sshrl.u32 s13, $0x3  }
0x14: {  	s24 =	sadd.s32 s0, s9;
	s25 =	sor.u32 $0xA00, s13;
	[dreg:$0xa] =	wrdreg s18  }
0x15: {  	s26 =	sor.u32 $0x500, s13;
	s0 =	sadd.s32 s3, s0;
	[dreg:$0xd] =	wrdreg s21  }
0x16: {  	s3 =	sadd.s32 $0x96000, s2;
	s13 =	smax.u32 s12, $0x1;
	[dreg:$0xe] =	wrdreg s22  }
0x17: {  	s12 =	sshrl.u32 s20, $0x3;
	s21 =	simm.s32 $0x6A00;
	[dreg:$0x15] =	wrdreg s24  }
0x18: {  	s18 =	simm.s32 $0x4;
	s5 =	sadd.s32 s11, s23;
	[dreg:$0x17] =	wrdreg s13  }
0x19: {  	s9 =	sshrl.u32 s26, $0x3;
	s0 =	sadd.s32 $0x25800, s0;
	[dreg:$0x14] =	wrdreg s5  }
0x1a: {  	s13 =	simm.s32 $0x5;
	s23 =	simm.s32 $0x680;
	[dreg:$0x16] =	wrdreg s0  }
0x1b: {  	s24 =	simm.s32 $0x780;
	s26 =	simm.s32 $0x980;
	[dreg:$0xf] =	wrdreg s23  }
0x1c: {  	s5 =	sshrl.u32 s25, $0x3;
	s10 =	sadd.s32 s9, s11;
	[dreg:$0x10] =	wrdreg s24  }
0x1d: {  	s25 =	simm.s32 $0x880;
	s23 =	simm.s32 $0x8A00;
	[dreg:$0x12] =	wrdreg s26  }
0x1e: {  	s24 =	simm.s32 $0x1;
	s26 =	simm.s32 $0x500;
	[dreg:$0x5] =	wrdreg s10  }
0x1f: {  	s0 =	simm.s32 $0x12A00;
	s8 =	sadd.s32 s5, s11;
	[dreg:$0x11] =	wrdreg s25  }
0x20: {  	s11 =	simm.s32 $0x180;
	s25 =	sshrl.u32 @p0 s3, $0x3;
	[dreg:$0x4] =	wrdreg s8  }
0x21: {  	[dreg:$0x6] =	wrdreg s11;
	s11 =	smov.u32 s20;
	s20 =	simm.s32 $0x800  }
0x22: {  	s3 =	simm.s32 $0x2;
	[dreg:$0xc] =	wrdreg s20;
	s20 =	simm.s32 $0x0  }
.LBB2_1:
0x23: {  	s5 =	rddreg [dreg:$0x13]  }
0x24: {  	[spmem:s12], [sflag:s7] =	dma.local [hbm:s5], $0x1400  }
0x25: {  	_ =	swait.ge [sflag:s13], $0x1400  }
0x26: {  	[sflag:s13] =	ssyncset.done $0x0  }
0x27: {  	[sflag:s13] =	ssyncadd.s32 $0xFFFFEC00  }
0x28: {  	[bflag:$0x0] =	sbarrier.arrive $0xFFFF  }
0x29: {  	s10 =	rddreg [dreg:$0x14]  }
0x2a: {  	[tilespmem:s4], [sflag:$0x5] =	stream.linear.gather [hbm4b:s10+s4], $0x500, $0x38;
	[tilespmem:$0x1EA00] =	vst v63  }
0x2b: {  	_ =	swait.ge [sflag:s13], $0x500  }
0x2c: {  	[sflag:s13] =	ssyncset.done $0x0  }
0x2d: {  	[sflag:s13] =	ssyncadd.s32 $0xFFFFFB00  }
0x2e: {  	[tilespmem:s15], [sflag:$0x1] =	stream.indirect.gather [hbm4b:s1+s14], $0x40, s4, s14, $0xb8;
	[tilespmem:$0x1EA00] =	vst v63  }
0x2f: {  	s22 =	simm.s32 $0x100  }
0x30: {  	[tilespmem:s17], [sflag:$0x1] =	stream.indirect.gather [hbm4b:s1+s14], $0x40, s22, s14, $0xb8;
	[tilespmem:$0x1EA00] =	vst v63  }
0x31: {  	s6 =	simm.s32 $0x200  }
0x32: {  	[tilespmem:s19], [sflag:$0x1] =	stream.indirect.gather [hbm4b:s1+s14], $0x40, s6, s14, $0xb8;
	[tilespmem:$0x1EA00] =	vst v63  }
0x33: {  	s8 =	simm.s32 $0x300  }
0x34: {  	[tilespmem:s21], [sflag:$0x1] =	stream.indirect.gather [hbm4b:s1+s14], $0x40, s8, s14, $0xb8;
	[tilespmem:$0x1EA00] =	vst v63  }
0x35: {  	s9 =	simm.s32 $0x400  }
0x36: {  	[tilespmem:s23], [sflag:$0x1] =	stream.indirect.gather [hbm4b:s1+s14], $0x40, s9, s14, $0xb8;
	[tilespmem:$0x1EA00] =	vst v63  }
0x37: {  	_ =	swait.ge [sflag:s24], $0x2000  }
0x38: {  	[sflag:s24] =	ssyncset.done $0x0  }
0x39: {  	[sflag:s24] =	ssyncadd.s32 $0xFFFFE000  }
0x3a: {  	_ =	swait.ge [sflag:s24], $0x2000  }
0x3b: {  	[sflag:s24] =	ssyncset.done $0x0  }
0x3c: {  	[sflag:s24] =	ssyncadd.s32 $0xFFFFE000  }
0x3d: {  	_ =	swait.ge [sflag:s24], $0x2000  }
0x3e: {  	[sflag:s24] =	ssyncset.done $0x0  }
0x3f: {  	[sflag:s24] =	ssyncadd.s32 $0xFFFFE000  }
0x40: {  	_ =	swait.ge [sflag:s24], $0x2000  }
0x41: {  	[sflag:s24] =	ssyncset.done $0x0  }
0x42: {  	[sflag:s24] =	ssyncadd.s32 $0xFFFFE000  }
0x43: {  	_ =	swait.ge [sflag:s24], $0x2000  }
0x44: {  	[sflag:s24] =	ssyncset.done $0x0  }
0x45: {  	s10 =	rddreg [dreg:$0x6];
	[sflag:s24] =	ssyncadd.s32 $0xFFFFE000  }
0x46: {  	[spmem:s2] =	stream.indirect.scatter.add.f32 [tilespmem:s15], [sflag:$0x3], $0x40, s14, s14, $0xb8;
	[tilespmem:$0x1EA00] =	vst v63  }
0x47: {  	s22 =	rddreg [dreg:$0x5]  }
0x48: {  	[spmem:s2] =	stream.indirect.scatter.add.f32 [tilespmem:s17], [sflag:$0x3], $0x40, s10, s14, $0xb8;
	[tilespmem:$0x1EA00] =	vst v63  }
0x49: {  	s8 =	rddreg [dreg:$0x7]  }
0x4a: {  	[spmem:s2] =	stream.indirect.scatter.add.f32 [tilespmem:s19], [sflag:$0x3], $0x40, s8, s14, $0xb8;
	[tilespmem:$0x1EA00] =	vst v63  }
0x4b: {  	s6 =	rddreg [dreg:$0x8]  }
0x4c: {  	[spmem:s2] =	stream.indirect.scatter.add.f32 [tilespmem:s21], [sflag:$0x3], $0x40, s6, s14, $0xb8;
	[tilespmem:$0x1EA00] =	vst v63  }
0x4d: {  	s9 =	rddreg [dreg:$0x9]  }
0x4e: {  	[spmem:s2] =	stream.indirect.scatter.add.f32 [tilespmem:s23], [sflag:$0x3], $0x40, s9, s14, $0xb8;
	[tilespmem:$0x1EA00] =	vst v63  }
0x4f: {  	s10 =	sadd.s32 $0x0, s22  }
0x50: {  	[tilespmem:s26], [sflag:$0x5] =	stream.linear.gather [hbm4b:s10+s4], $0x500, $0x38;
	[tilespmem:$0x1EA00] =	vst v63  }
0x51: {  	_ =	swait.ge [sflag:s13], $0x500  }
0x52: {  	[sflag:s13] =	ssyncset.done $0x0  }
0x53: {  	[sflag:s13] =	ssyncadd.s32 $0xFFFFFB00  }
0x54: {  	[tilespmem:s28], [sflag:$0x2] =	stream.indirect.gather [hbm4b:s1+s14], $0x40, s26, s14, $0xb8;
	[tilespmem:$0x1EA00] =	vst v63  }
0x55: {  	s22 =	rddreg [dreg:$0xa]  }
0x56: {  	[tilespmem:s29], [sflag:$0x2] =	stream.indirect.gather [hbm4b:s1+s14], $0x40, s22, s14, $0xb8;
	[tilespmem:$0x1EA00] =	vst v63  }
0x57: {  	s6 =	rddreg [dreg:$0xb]  }
0x58: {  	[tilespmem:s30], [sflag:$0x2] =	stream.indirect.gather [hbm4b:s1+s14], $0x40, s6, s14, $0xb8;
	[tilespmem:$0x1EA00] =	vst v63  }
0x59: {  	s9 =	rddreg [dreg:$0xc]  }
0x5a: {  	[tilespmem:s31], [sflag:$0x2] =	stream.indirect.gather [hbm4b:s1+s14], $0x40, s9, s14, $0xb8;
	[tilespmem:$0x1EA00] =	vst v63  }
0x5b: {  	s10 =	rddreg [dreg:$0xd]  }
0x5c: {  	[tilespmem:s0], [sflag:$0x2] =	stream.indirect.gather [hbm4b:s1+s14], $0x40, s10, s14, $0xb8;
	[tilespmem:$0x1EA00] =	vst v63  }
0x5d: {  	_ =	swait.ge [sflag:s3], $0x2000  }
0x5e: {  	[sflag:s3] =	ssyncset.done $0x0  }
0x5f: {  	[sflag:s3] =	ssyncadd.s32 $0xFFFFE000  }
0x60: {  	_ =	swait.ge [sflag:s3], $0x2000  }
0x61: {  	[sflag:s3] =	ssyncset.done $0x0  }
0x62: {  	[sflag:s3] =	ssyncadd.s32 $0xFFFFE000  }
0x63: {  	_ =	swait.ge [sflag:s3], $0x2000  }
0x64: {  	[sflag:s3] =	ssyncset.done $0x0  }
0x65: {  	[sflag:s3] =	ssyncadd.s32 $0xFFFFE000  }
0x66: {  	_ =	swait.ge [sflag:s3], $0x2000  }
0x67: {  	[sflag:s3] =	ssyncset.done $0x0  }
0x68: {  	[sflag:s3] =	ssyncadd.s32 $0xFFFFE000  }
0x69: {  	_ =	swait.ge [sflag:s3], $0x2000  }
0x6a: {  	[sflag:s3] =	ssyncset.done $0x0  }
0x6b: {  	s22 =	rddreg [dreg:$0xe];
	[sflag:s3] =	ssyncadd.s32 $0xFFFFE000  }
0x6c: {  	[spmem:s2] =	stream.indirect.scatter.add.f32 [tilespmem:s28], [sflag:$0x4], $0x40, s22, s14, $0xb8;
	[tilespmem:$0x1EA00] =	vst v63  }
0x6d: {  	s6 =	rddreg [dreg:$0xf]  }
0x6e: {  	[spmem:s2] =	stream.indirect.scatter.add.f32 [tilespmem:s29], [sflag:$0x4], $0x40, s6, s14, $0xb8;
	[tilespmem:$0x1EA00] =	vst v63  }
0x6f: {  	s9 =	rddreg [dreg:$0x10]  }
0x70: {  	[spmem:s2] =	stream.indirect.scatter.add.f32 [tilespmem:s30], [sflag:$0x4], $0x40, s9, s14, $0xb8;
	[tilespmem:$0x1EA00] =	vst v63  }
0x71: {  	s10 =	rddreg [dreg:$0x11]  }
0x72: {  	[spmem:s2] =	stream.indirect.scatter.add.f32 [tilespmem:s31], [sflag:$0x4], $0x40, s10, s14, $0xb8;
	[tilespmem:$0x1EA00] =	vst v63  }
0x73: {  	s22 =	rddreg [dreg:$0x12]  }
0x74: {  	[spmem:s2] =	stream.indirect.scatter.add.f32 [tilespmem:s0], [sflag:$0x4], $0x40, s22, s14, $0xb8;
	[tilespmem:$0x1EA00] =	vst v63  }
0x75: {  	_ =	swait.ge [sflag:s16], $0x2000  }
0x76: {  	[sflag:s16] =	ssyncset.done $0x0  }
0x77: {  	[sflag:s16] =	ssyncadd.s32 $0xFFFFE000  }
0x78: {  	_ =	swait.ge [sflag:s16], $0x2000  }
0x79: {  	[sflag:s16] =	ssyncset.done $0x0  }
0x7a: {  	[sflag:s16] =	ssyncadd.s32 $0xFFFFE000  }
0x7b: {  	_ =	swait.ge [sflag:s16], $0x2000  }
0x7c: {  	[sflag:s16] =	ssyncset.done $0x0  }
0x7d: {  	[sflag:s16] =	ssyncadd.s32 $0xFFFFE000  }
0x7e: {  	_ =	swait.ge [sflag:s16], $0x2000  }
0x7f: {  	[sflag:s16] =	ssyncset.done $0x0  }
0x80: {  	[sflag:s16] =	ssyncadd.s32 $0xFFFFE000  }
0x81: {  	p1 =	por $0x0, $0x0;
	_ =	swait.ge [sflag:s16], $0x2000  }
0x82: {  	s8 =	simm.s32 @!p1 $0x0;
	s5 =	rddreg [dreg:$0x4];
	[sflag:s16] =	ssyncset.done $0x0  }
0x83: {  	s22 =	simm.s32 @!p1 $0x5;
	[sflag:s16] =	ssyncadd.s32 $0xFFFFE000;
	s5 =	sadd.s32 @!p1 $0x0, s5  }
0x84: {  	[tilespmem:s8], [sflag:$0x5] =	stream.linear.gather @!p1 [hbm4b:s5+s8], $0x500, $0x38;
	[tilespmem:$0x1EA00] =	vst v63  }
0x85: {  	_ =	swait.ge @!p1 [sflag:s22], $0x500  }
0x86: {  	[sflag:s22] =	ssyncset.done @!p1 $0x0  }
0x87: {  	s5 =	simm.s32 @!p1 $0x80;
	[sflag:s22] =	ssyncadd.s32 @!p1 $0xFFFFFB00;
	s22 =	simm.s32 @!p1 $0xA00  }
0x88: {  	[tilespmem:s22], [sflag:$0x1] =	stream.indirect.gather @!p1 [hbm4b:s1+s5], $0x40, s8, s5, $0xb8;
	[tilespmem:$0x1EA00] =	vst v63  }
0x89: {  	s8 =	simm.s32 @!p1 $0x100;
	s22 =	simm.s32 @!p1 $0x2A00  }
0x8a: {  	[tilespmem:s22], [sflag:$0x1] =	stream.indirect.gather @!p1 [hbm4b:s1+s5], $0x40, s8, s5, $0xb8;
	[tilespmem:$0x1EA00] =	vst v63  }
0x8b: {  	s8 =	simm.s32 @!p1 $0x200;
	s22 =	simm.s32 @!p1 $0x4A00  }
0x8c: {  	[tilespmem:s22], [sflag:$0x1] =	stream.indirect.gather @!p1 [hbm4b:s1+s5], $0x40, s8, s5, $0xb8;
	[tilespmem:$0x1EA00] =	vst v63  }
0x8d: {  	s8 =	simm.s32 @!p1 $0x300;
	s22 =	simm.s32 @!p1 $0x6A00  }
0x8e: {  	[tilespmem:s22], [sflag:$0x1] =	stream.indirect.gather @!p1 [hbm4b:s1+s5], $0x40, s8, s5, $0xb8;
	[tilespmem:$0x1EA00] =	vst v63  }
0x8f: {  	s8 =	simm.s32 @!p1 $0x400;
	s22 =	simm.s32 @!p1 $0x8A00  }
0x90: {  	[tilespmem:s22], [sflag:$0x1] =	stream.indirect.gather @!p1 [hbm4b:s1+s5], $0x40, s8, s5, $0xb8;
	[tilespmem:$0x1EA00] =	vst v63  }
0x91: {  	_ =	swait.ge [sflag:s18], $0x2000  }
0x92: {  	[sflag:s18] =	ssyncset.done $0x0  }
0x93: {  	[sflag:s18] =	ssyncadd.s32 $0xFFFFE000  }
0x94: {  	_ =	swait.ge [sflag:s18], $0x2000  }
0x95: {  	[sflag:s18] =	ssyncset.done $0x0  }
0x96: {  	[sflag:s18] =	ssyncadd.s32 $0xFFFFE000  }
0x97: {  	_ =	swait.ge [sflag:s18], $0x2000  }
0x98: {  	[sflag:s18] =	ssyncset.done $0x0  }
0x99: {  	[sflag:s18] =	ssyncadd.s32 $0xFFFFE000  }
0x9a: {  	_ =	swait.ge [sflag:s18], $0x2000  }
0x9b: {  	[sflag:s18] =	ssyncset.done $0x0  }
0x9c: {  	[sflag:s18] =	ssyncadd.s32 $0xFFFFE000  }
0x9d: {  	s22 =	simm.s32 $0x140;
	_ =	swait.ge [sflag:s18], $0x2000  }
.LBB2_2:
0x9e: {  	[sflag:s18] =	ssyncset.done $0x0  }
0x9f: {  	[sflag:s18] =	ssyncadd.s32 $0xFFFFE000  }
0xa0: {  	_ =	swait.ge [sflag:s24], $0x2000  }
0xa1: {  	[sflag:s24] =	ssyncset.done $0x0  }
0xa2: {  	[sflag:s24] =	ssyncadd.s32 $0xFFFFE000  }
0xa3: {  	_ =	swait.ge [sflag:s24], $0x2000  }
0xa4: {  	[sflag:s24] =	ssyncset.done $0x0  }
0xa5: {  	[sflag:s24] =	ssyncadd.s32 $0xFFFFE000  }
0xa6: {  	_ =	swait.ge [sflag:s24], $0x2000  }
0xa7: {  	[sflag:s24] =	ssyncset.done $0x0  }
0xa8: {  	[sflag:s24] =	ssyncadd.s32 $0xFFFFE000  }
0xa9: {  	_ =	swait.ge [sflag:s24], $0x2000  }
0xaa: {  	[sflag:s24] =	ssyncset.done $0x0  }
0xab: {  	[sflag:s24] =	ssyncadd.s32 $0xFFFFE000  }
0xac: {  	_ =	swait.ge [sflag:s24], $0x2000  }
0xad: {  	[sflag:s24] =	ssyncset.done $0x0  }
0xae: {  	s8 =	rddreg [dreg:$0x6];
	[sflag:s24] =	ssyncadd.s32 $0xFFFFE000  }
0xaf: {  	[spmem:s2] =	stream.indirect.scatter.add.f32 [tilespmem:s15], [sflag:$0x3], $0x40, s14, s14, $0xb8;
	[tilespmem:$0x1EA00] =	vst v63  }
0xb0: {  	s9 =	rddreg [dreg:$0x5]  }
0xb1: {  	[spmem:s2] =	stream.indirect.scatter.add.f32 [tilespmem:s17], [sflag:$0x3], $0x40, s8, s14, $0xb8;
	[tilespmem:$0x1EA00] =	vst v63  }
0xb2: {  	s6 =	rddreg [dreg:$0x7]  }
0xb3: {  	[spmem:s2] =	stream.indirect.scatter.add.f32 [tilespmem:s19], [sflag:$0x3], $0x40, s6, s14, $0xb8;
	[tilespmem:$0x1EA00] =	vst v63  }
0xb4: {  	s8 =	rddreg [dreg:$0x8]  }
0xb5: {  	[spmem:s2] =	stream.indirect.scatter.add.f32 [tilespmem:s21], [sflag:$0x3], $0x40, s8, s14, $0xb8;
	[tilespmem:$0x1EA00] =	vst v63  }
0xb6: {  	s5 =	smov.u32 s22;
	s10 =	rddreg [dreg:$0x9]  }
0xb7: {  	[spmem:s2] =	stream.indirect.scatter.add.f32 [tilespmem:s23], [sflag:$0x3], $0x40, s10, s14, $0xb8;
	[tilespmem:$0x1EA00] =	vst v63  }
0xb8: {  	s8 =	sadd.s32 s5, s9  }
0xb9: {  	[tilespmem:s26], [sflag:$0x5] =	stream.linear.gather [hbm4b:s8+s4], $0x500, $0x38;
	[tilespmem:$0x1EA00] =	vst v63  }
0xba: {  	_ =	swait.ge [sflag:s13], $0x500  }
0xbb: {  	[sflag:s13] =	ssyncset.done $0x0  }
0xbc: {  	[sflag:s13] =	ssyncadd.s32 $0xFFFFFB00  }
0xbd: {  	[tilespmem:s28], [sflag:$0x2] =	stream.indirect.gather [hbm4b:s1+s14], $0x40, s26, s14, $0xb8;
	[tilespmem:$0x1EA00] =	vst v63  }
0xbe: {  	s9 =	rddreg [dreg:$0xa]  }
0xbf: {  	[tilespmem:s29], [sflag:$0x2] =	stream.indirect.gather [hbm4b:s1+s14], $0x40, s9, s14, $0xb8;
	[tilespmem:$0x1EA00] =	vst v63  }
0xc0: {  	s10 =	rddreg [dreg:$0xb]  }
0xc1: {  	[tilespmem:s30], [sflag:$0x2] =	stream.indirect.gather [hbm4b:s1+s14], $0x40, s10, s14, $0xb8;
	[tilespmem:$0x1EA00] =	vst v63  }
0xc2: {  	s9 =	rddreg [dreg:$0xc]  }
0xc3: {  	[tilespmem:s31], [sflag:$0x2] =	stream.indirect.gather [hbm4b:s1+s14], $0x40, s9, s14, $0xb8;
	[tilespmem:$0x1EA00] =	vst v63  }
0xc4: {  	s10 =	rddreg [dreg:$0xd]  }
0xc5: {  	[tilespmem:s0], [sflag:$0x2] =	stream.indirect.gather [hbm4b:s1+s14], $0x40, s10, s14, $0xb8;
	[tilespmem:$0x1EA00] =	vst v63  }
0xc6: {  	_ =	swait.ge [sflag:s3], $0x2000  }
0xc7: {  	[sflag:s3] =	ssyncset.done $0x0  }
0xc8: {  	[sflag:s3] =	ssyncadd.s32 $0xFFFFE000  }
0xc9: {  	_ =	swait.ge [sflag:s3], $0x2000  }
0xca: {  	[sflag:s3] =	ssyncset.done $0x0  }
0xcb: {  	[sflag:s3] =	ssyncadd.s32 $0xFFFFE000  }
0xcc: {  	_ =	swait.ge [sflag:s3], $0x2000  }
0xcd: {  	[sflag:s3] =	ssyncset.done $0x0  }
0xce: {  	[sflag:s3] =	ssyncadd.s32 $0xFFFFE000  }
0xcf: {  	_ =	swait.ge [sflag:s3], $0x2000  }
0xd0: {  	[sflag:s3] =	ssyncset.done $0x0  }
0xd1: {  	[sflag:s3] =	ssyncadd.s32 $0xFFFFE000  }
0xd2: {  	_ =	swait.ge [sflag:s3], $0x2000  }
0xd3: {  	[sflag:s3] =	ssyncset.done $0x0  }
0xd4: {  	s8 =	rddreg [dreg:$0xe];
	[sflag:s3] =	ssyncadd.s32 $0xFFFFE000  }
0xd5: {  	[spmem:s2] =	stream.indirect.scatter.add.f32 [tilespmem:s28], [sflag:$0x4], $0x40, s8, s14, $0xb8;
	[tilespmem:$0x1EA00] =	vst v63  }
0xd6: {  	s9 =	rddreg [dreg:$0xf]  }
0xd7: {  	[spmem:s2] =	stream.indirect.scatter.add.f32 [tilespmem:s29], [sflag:$0x4], $0x40, s9, s14, $0xb8;
	[tilespmem:$0x1EA00] =	vst v63  }
0xd8: {  	s10 =	rddreg [dreg:$0x10]  }
0xd9: {  	[spmem:s2] =	stream.indirect.scatter.add.f32 [tilespmem:s30], [sflag:$0x4], $0x40, s10, s14, $0xb8;
	[tilespmem:$0x1EA00] =	vst v63  }
0xda: {  	s9 =	rddreg [dreg:$0x11]  }
0xdb: {  	[spmem:s2] =	stream.indirect.scatter.add.f32 [tilespmem:s31], [sflag:$0x4], $0x40, s9, s14, $0xb8;
	[tilespmem:$0x1EA00] =	vst v63  }
0xdc: {  	s10 =	rddreg [dreg:$0x12]  }
0xdd: {  	[spmem:s2] =	stream.indirect.scatter.add.f32 [tilespmem:s0], [sflag:$0x4], $0x40, s10, s14, $0xb8;
	[tilespmem:$0x1EA00] =	vst v63  }
0xde: {  	_ =	swait.ge [sflag:s16], $0x2000  }
0xdf: {  	[sflag:s16] =	ssyncset.done $0x0  }
0xe0: {  	[sflag:s16] =	ssyncadd.s32 $0xFFFFE000  }
0xe1: {  	_ =	swait.ge [sflag:s16], $0x2000  }
0xe2: {  	[sflag:s16] =	ssyncset.done $0x0  }
0xe3: {  	[sflag:s16] =	ssyncadd.s32 $0xFFFFE000  }
0xe4: {  	_ =	swait.ge [sflag:s16], $0x2000  }
0xe5: {  	[sflag:s16] =	ssyncset.done $0x0  }
0xe6: {  	[sflag:s16] =	ssyncadd.s32 $0xFFFFE000  }
0xe7: {  	_ =	swait.ge [sflag:s16], $0x2000  }
0xe8: {  	[sflag:s16] =	ssyncset.done $0x0  }
0xe9: {  	[sflag:s16] =	ssyncadd.s32 $0xFFFFE000  }
0xea: {  	p2 =	seq.s32 s5, $0x12C0;
	_ =	swait.ge [sflag:s16], $0x2000  }
0xeb: {  	s8 =	simm.s32 @!p2 $0x0;
	s6 =	rddreg [dreg:$0x4];
	[sflag:s16] =	ssyncset.done $0x0  }
0xec: {  	[sflag:s16] =	ssyncadd.s32 $0xFFFFE000;
	s5 =	sadd.s32 @!p2 s5, s6;
	s6 =	simm.s32 @!p2 $0x5  }
0xed: {  	[tilespmem:s8], [sflag:$0x5] =	stream.linear.gather @!p2 [hbm4b:s5+s8], $0x500, $0x38;
	[tilespmem:$0x1EA00] =	vst v63  }
0xee: {  	_ =	swait.ge @!p2 [sflag:s6], $0x500  }
0xef: {  	[sflag:s6] =	ssyncset.done @!p2 $0x0  }
0xf0: {  	s9 =	simm.s32 @!p2 $0xA00;
	s5 =	simm.s32 @!p2 $0x80;
	[sflag:s6] =	ssyncadd.s32 @!p2 $0xFFFFFB00  }
0xf1: {  	[tilespmem:s9], [sflag:$0x1] =	stream.indirect.gather @!p2 [hbm4b:s1+s5], $0x40, s8, s5, $0xb8;
	[tilespmem:$0x1EA00] =	vst v63  }
0xf2: {  	s10 =	simm.s32 @!p2 $0x2A00;
	s6 =	simm.s32 @!p2 $0x100  }
0xf3: {  	[tilespmem:s10], [sflag:$0x1] =	stream.indirect.gather @!p2 [hbm4b:s1+s5], $0x40, s6, s5, $0xb8;
	[tilespmem:$0x1EA00] =	vst v63  }
0xf4: {  	s8 =	simm.s32 @!p2 $0x200;
	s9 =	simm.s32 @!p2 $0x4A00  }
0xf5: {  	[tilespmem:s9], [sflag:$0x1] =	stream.indirect.gather @!p2 [hbm4b:s1+s5], $0x40, s8, s5, $0xb8;
	[tilespmem:$0x1EA00] =	vst v63  }
0xf6: {  	s6 =	simm.s32 @!p2 $0x300;
	s10 =	simm.s32 @!p2 $0x6A00  }
0xf7: {  	[tilespmem:s10], [sflag:$0x1] =	stream.indirect.gather @!p2 [hbm4b:s1+s5], $0x40, s6, s5, $0xb8;
	[tilespmem:$0x1EA00] =	vst v63  }
0xf8: {  	s8 =	simm.s32 @!p2 $0x400;
	s9 =	simm.s32 @!p2 $0x8A00  }
0xf9: {  	[tilespmem:s9], [sflag:$0x1] =	stream.indirect.gather @!p2 [hbm4b:s1+s5], $0x40, s8, s5, $0xb8;
	[tilespmem:$0x1EA00] =	vst v63  }
0xfa: {  	_ =	swait.ge [sflag:s18], $0x2000  }
0xfb: {  	[sflag:s18] =	ssyncset.done $0x0  }
0xfc: {  	[sflag:s18] =	ssyncadd.s32 $0xFFFFE000  }
0xfd: {  	_ =	swait.ge [sflag:s18], $0x2000  }
0xfe: {  	[sflag:s18] =	ssyncset.done $0x0  }
0xff: {  	[sflag:s18] =	ssyncadd.s32 $0xFFFFE000  }
0x100: {  	s22 =	sadd.s32 $0x140, s22;
	_ =	swait.ge [sflag:s18], $0x2000  }
0x101: {  	p1 =	sne.s32 s22, $0x1400;
	[sflag:s18] =	ssyncset.done $0x0  }
.Ltmp0:
0x102: {  	[sflag:s18] =	ssyncadd.s32 $0xFFFFE000;
	(pc) =	sbr.rel @p1 .LBB2_2-.Ltmp0, $4  }
0x103: {  	_ =	swait.ge [sflag:s18], $0x2000  }
0x104: {  	[sflag:s18] =	ssyncset.done $0x0  }
0x105: {  	[sflag:s18] =	ssyncadd.s32 $0xFFFFE000  }
0x106: {  	_ =	swait.ge [sflag:s18], $0x2000  }
0x107: {  	[sflag:s18] =	ssyncset.done $0x0  }
0x108: {  	[sflag:s18] =	ssyncadd.s32 $0xFFFFE000  }
0x109: {  	s5 =	simm.s32 @p0 $0x1;
	[bflag:$0x0] =	sbarrier.arrive $0xFFFF  }
0x10a: {  	s6 =	simm.s32 @p0 $0x10;
	s8 =	simm.s32 @p0 $0x8;
	s9 =	rddreg [dreg:$0x16]  }
0x10b: {  	[hbm:s9@s6], [sflag:s7] =	dma.strided @p0 [spmem:s25@s8], $0xC80, s5, $0x8   }
0x10c: {  	s5 =	simm.s32 @p0 $0x5  }
0x10d: {  	s6 =	simm.s32 @!p0 $0x1;
	_ =	swait.ge @p0 [sflag:s5], $0xC80  }
0x10e: {  	s8 =	simm.s32 @!p0 $0x10;
	s9 =	simm.s32 @!p0 $0x8;
	[sflag:s5] =	ssyncset.done @p0 $0x0  }
0x10f: {  	s10 =	rddreg [dreg:$0x15];
	[sflag:s5] =	ssyncadd.s32 @p0 $0xFFFFF380;
	s5 =	sshrl.u32 @!p0 s11, $0x3  }
0x110: {  	[hbm:s10@s8], [sflag:s7] =	dma.strided @!p0 [spmem:s5@s9], $0x1400, s6, $0x8   }
0x111: {  	s5 =	simm.s32 @!p0 $0x5  }
0x112: {  	_ =	swait.ge @!p0 [sflag:s5], $0x1400  }
0x113: {  	s20 =	sadd.s32 $0x1, s20;
	s22 =	rddreg [dreg:$0x17]  }
0x114: {  	p1 =	sne.s32 s20, s22  }
.Ltmp1:
0x115: {  	_ = 	snop;
	(pc) =	sbr.rel @p1 .LBB2_1-.Ltmp1, $3  }
0x116: {  	_ =	sdelay $0x1  }
0x117: {  	[sflag:s5] =	ssyncset.done @!p0 $0x0  }
0x118: {  	[sflag:s5] =	ssyncadd.s32 @!p0 $0xFFFFEC00  }
0x119: {  	_ =	sfence.sel $0x180000  }
0x11a: {  	[bflag:$0x0] =	sbarrier.arrive $0xFFFF  }
0x11b: {  	_ =	strace $0x9000004D  }
0x11c: {  	s0 =	stileid.u32;
	[bflag:$0x2] =	sbarrier.arrive $0xFFFF  }
0x11d: {  	p0 =	sne.s32 s0, $0x0;
	s0 =	rddreg [dreg:$0x3]  }
0x11e: {  	s0 =	sadd.s32 @!p0 $0x100000, s0  }
0x11f: {  	[sflag:s0] =	ssyncadd.tile.s32 @!p0 $0x1;
	_ =	shalt  }
.Lfunc_end2:
_tile_overlayer_lowered:
.L_overlay_start_2:
0x120: {  	(tag) =	ssettag $0x2  }
0x121: {  	s0 =	rddreg [dreg:$0x0];
	s2 =	stileid.u32  }
0x122: {  	s1 =	rddreg [dreg:$0x1];
	p0 =	sne.s32 s2, $0x0  }
0x123: {  	s3 =	rddreg [dreg:$0x2];
	[bflag:$0x3] =	sbarrier.arrive $0xFFFF;
	s2 =	simm.s32 @!p0 $0x1C05  }
0x124: {  	[timem:s3], [sflag:s2] =	dma.local @!p0 [hbm:s0], s1  }
0x125: {  	s0 =	simm.s32 @!p0 $0x5  }
0x126: {  	_ =	swait.ge @!p0 [sflag:s0], s1  }
0x127: {  	s1 =	ssub.s32 @!p0 $0x0, s1;
	[sflag:s0] =	ssyncset.done @!p0 $0x0  }
0x128: {  	[sflag:s0] =	ssyncadd.s32 @!p0 s1  }
0x129: {  	[bflag:$0x3] =	sbarrier.arrive $0xFFFF  }
0x12a: {  	_ =	shalt  }

// kernel: kernel.19.cloned.1.call-start
scs
__scs_entry_jumppad:
0x0: {  	(pc) =	sbr.rel $0x88, $3  }
0x1: {  	(tag) =	ssettag $0x0;
	lr =	simm.s32 $0x1  }
0x2: {  	[smem:$0x3F9D] =	sst lr;
	_ =	strace $0xD0000000  }
0x3: {  	_ = 	snop  }
0x4: {  	_ = 	snop  }
0x5: {  	_ = 	snop  }
0x6: {  	_ = 	snop  }
0x7: {  	_ = 	snop  }
__scs_overlays_trampoline_lowered:
0x8: {  	[smem:$0x3FAC] =	sst s0  }
0x9: {  	[smem:$0x3FAD] =	sst s1  }
0xa: {  	[smem:$0x3FAE] =	sst s2  }
0xb: {  	[smem:$0x3FAF] =	sst s3  }
0xc: {  	[smem:$0x3FB0] =	sst s4  }
0xd: {  	[smem:$0x3FB1] =	sst s5  }
0xe: {  	[smem:$0x3FB2] =	sst s6  }
0xf: {  	[smem:$0x3FB3] =	sst s7  }
0x10: {  	[smem:$0x3FB4] =	sst s8  }
0x11: {  	[smem:$0x3FB5] =	sst s9;
	s0 =	simm.s32 @!p0 $0x0  }
0x12: {  	s1 =	sld [smem:$0x3F9B];
	s0 =	simm.s32 @p0 $0x1  }
0x13: {  	[smem:$0x3FB6] =	sst s0;
	s0 =	simm.s32 @!p1 $0x0  }
0x14: {  	s2 =	sld [smem:$0x3F9A];
	s0 =	simm.s32 @p1 $0x1  }
0x15: {  	[smem:$0x3FB7] =	sst s0;
	s0 =	simm.s32 @!p2 $0x0  }
0x16: {  	s3 =	sld [smem:$0x3FDB];
	s0 =	simm.s32 @p2 $0x1  }
0x17: {  	s4 =	simm.s32 $0x1BF5;
	[smem:$0x3FB9] =	sst s0  }
0x18: {  	s0 =	sld [smem:$0x3F9C];
	_ =	swait.ge [sflag:s4], $0x0  }
0x19: {  	s7 =	sld [smem:$0x3F9D]  }
0x1a: {  	s8 =	sadd.s32 $0xFFFFE003, lr  }
0x1b: {  	s9 =	sadd.s32 $0xFFFFFEF7, lr;
	s5 =	simm.s32 $0xFFFFFFFF;
	p2 =	slt.u32 s8, $0xFFFFF086  }
0x1c: {  	p1 =	slt.u32 s9, $0xF7A;
	s5 =	simm.s32 @!p2 $0x0  }
0x1d: {  	s5 =	simm.s32 @p1 $0x1;
	p0 =	seq.s32 s7, s2  }
0x1e: {  	s7 =	smul.u32 @!p0 $0xF7A, s2;
	p2 =	seq.s32 @!p0 s5, $0x0  }
0x1f: {  	s9 =	smul.u32 $0xF7A, s1;
	s8 =	simm.s32 @!p0 $0x1BF5;
	p2 =	por !p2, p0  }
0x20: {  	[sflag:s8] =	ssyncset.s32 @!p0 $0xFFFFF086;
	s6 =	sadd.s32 @!p0 s3, s7;
	s7 =	simm.s32 @!p0 $0x108  }
0x21: {  	s3 =	sadd.s32 s3, s9;
	s6 =	sadd.s32 @!p0 $0x88, s6;
	s7 =	simm.s32 @p2 $0x1082  }
0x22: {  	[simem:s7], [sflag:s8] =	dma.local @!p0 [hbm:s6], $0xF7A  }
0x23: {  	s9 =	sor.u32 $0xD0000000, s2;
	s6 =	simm.s32 $0x108;
	_ =	swait.ge @!p0 [sflag:s8], $0x0  }
0x24: {  	s3 =	sadd.s32 $0x88, s3;
	s6 =	simm.s32 @!p1 $0x1082;
	[sflag:s4] =	ssyncset.s32 $0xFFFFF086  }
0x25: {  	[simem:s6], [sflag:s4] =	dma.local [hbm:s3], $0xF7A  }
0x26: {  	[smem:$0x3F9D] =	sst s1;
	(tag) =	ssettag s2;
	_ =	strace s9  }
0x27: {  	s1 =	sld [smem:$0x3FAD]  }
0x28: {  	s2 =	sld [smem:$0x3FAE]  }
0x29: {  	s4 =	sld [smem:$0x3FB0]  }
0x2a: {  	p0 =	seq.s32 s5, $0x0;
	s5 =	sld [smem:$0x3FB1]  }
0x2b: {  	s6 =	sld [smem:$0x3FB2]  }
0x2c: {  	s7 =	sld [smem:$0x3FB3]  }
0x2d: {  	s3 =	simm.s32 $0x108;
	s8 =	sld [smem:$0x3FB4]  }
0x2e: {  	s3 =	simm.s32 @!p0 $0x1082;
	s9 =	sld [smem:$0x3FB5]  }
0x2f: {  	lr =	sadd.s32 s0, s3;
	s0 =	sld [smem:$0x3FAC]  }
0x30: {  	s3 =	sld [smem:$0x3FAF]  }
0x31: {  	[smem:$0x3FB8] =	sst s10  }
0x32: {  	s10 =	sld [smem:$0x3FB6];
	_ =	sdelay $0x3  }
0x33: {  	p0 =	seq.s32 s10, $0x1;
	s10 =	sld [smem:$0x3FB8];
	_ =	sdelay $0x3  }
0x34: {  	[smem:$0x3FB8] =	sst s10  }
0x35: {  	s10 =	sld [smem:$0x3FB7];
	_ =	sdelay $0x3  }
0x36: {  	p1 =	seq.s32 s10, $0x1;
	s10 =	sld [smem:$0x3FB8];
	_ =	sdelay $0x3  }
0x37: {  	[smem:$0x3FB8] =	sst s10  }
0x38: {  	s10 =	sld [smem:$0x3FB9]  }
0x39: {  	_ = 	snop;
	(pc) =	sbr.ind lr, $3  }
0x3a: {  	_ = 	snop  }
0x3b: {  	_ = 	snop  }
0x3c: {  	p2 =	seq.s32 s10, $0x1;
	s10 =	sld [smem:$0x3FB8]  }
0x3d: {  	_ =	shalt  }
0x3e: {  	_ =	shalt  }
0x3f: {  	_ =	shalt  }
0x40: {  	_ =	shalt  }
0x41: {  	_ =	shalt  }
0x42: {  	_ =	shalt  }
0x43: {  	_ =	shalt  }
0x44: {  	_ =	shalt  }
0x45: {  	_ =	shalt  }
0x46: {  	_ =	shalt  }
0x47: {  	_ =	shalt  }
0x48: {  	_ =	shalt  }
0x49: {  	_ =	shalt  }
0x4a: {  	_ =	shalt  }
0x4b: {  	_ =	shalt  }
0x4c: {  	_ =	shalt  }
0x4d: {  	_ =	shalt  }
0x4e: {  	_ =	shalt  }
0x4f: {  	_ =	shalt  }
0x50: {  	_ =	shalt  }
0x51: {  	_ =	shalt  }
0x52: {  	_ =	shalt  }
0x53: {  	_ =	shalt  }
0x54: {  	_ =	shalt  }
0x55: {  	_ =	shalt  }
0x56: {  	_ =	shalt  }
0x57: {  	_ =	shalt  }
0x58: {  	_ =	shalt  }
0x59: {  	_ =	shalt  }
0x5a: {  	_ =	shalt  }
0x5b: {  	_ =	shalt  }
0x5c: {  	_ =	shalt  }
0x5d: {  	_ =	shalt  }
0x5e: {  	_ =	shalt  }
0x5f: {  	_ =	shalt  }
0x60: {  	_ =	shalt  }
0x61: {  	_ =	shalt  }
0x62: {  	_ =	shalt  }
0x63: {  	_ =	shalt  }
0x64: {  	_ =	shalt  }
0x65: {  	_ =	shalt  }
0x66: {  	_ =	shalt  }
0x67: {  	_ =	shalt  }
0x68: {  	_ =	shalt  }
0x69: {  	_ =	shalt  }
0x6a: {  	_ =	shalt  }
0x6b: {  	_ =	shalt  }
0x6c: {  	_ =	shalt  }
0x6d: {  	_ =	shalt  }
0x6e: {  	_ =	shalt  }
0x6f: {  	_ =	shalt  }
0x70: {  	_ =	shalt  }
0x71: {  	_ =	shalt  }
0x72: {  	_ =	shalt  }
0x73: {  	_ =	shalt  }
0x74: {  	_ =	shalt  }
0x75: {  	_ =	shalt  }
0x76: {  	_ =	shalt  }
0x77: {  	_ =	shalt  }
0x78: {  	_ =	shalt  }
0x79: {  	_ =	shalt  }
0x7a: {  	_ =	shalt  }
0x7b: {  	_ =	shalt  }
0x7c: {  	_ =	shalt  }
0x7d: {  	_ =	shalt  }
0x7e: {  	_ =	shalt  }
0x7f: {  	_ =	shalt  }
0x80: {  	_ =	shalt  }
0x81: {  	_ =	shalt  }
0x82: {  	_ =	shalt  }
0x83: {  	_ =	shalt  }
0x84: {  	_ =	shalt  }
0x85: {  	_ =	shalt  }
0x86: {  	_ =	shalt  }
0x87: {  	_ =	shalt  }
.Lfunc_end0:
.L_simem_size_0:
called_computation.3_lowered:
.L_overlay_start_0:
0x88: {  	s2 =	sld [smem:$0x3FD9]  }
0x89: {  	s3 =	sld [smem:$0x3FFE];
	_ =	sdelay $0x1  }
0x8a: {  	s1 =	srdreg.scid  }
0x8b: {  	s0 =	sand.u32 $0x1, s1  }
0x8c: {  	s17 =	sshll.u32 s0, $0xA;
	s2 =	sadd.s32 s3, s2  }
0x8d: {  	s2 =	sadd.s32 s2, s17  }
0x8e: {  	[smem:$0x3FC4] =	sst s2  }
0x8f: {  	_ = 	snop  }
0x90: {  	s2 =	sld [smem:$0x3FD0];
	(tm) =	ssettm $0x1  }
0x91: {  	s18 =	sld [smem:$0x3FFB];
	_ =	sdelay $0x3  }
0x92: {  	_ =	strace s18  }
0x93: {  	s3 =	sld [smem:$0x3FFC];
	_ =	sdelay $0x3  }
0x94: {  	_ =	strace s3  }
0x95: {  	s3 =	sld [smem:$0x3FFD];
	_ =	sdelay $0x3  }
0x96: {  	_ =	strace s3  }
0x97: {  	_ =	strace $0x8FFFFFFF  }
0x98: {  	s19 =	sld [smem:$0x3FDB];
	_ =	sdelay $0x1  }
0x99: {  	s4 =	simm.s32 $_scs_section_size  }
0x9a: {  	s5 =	simm.s32 $_size__tile_overlayer_lowered;
	s6 =	simm.s32 $_tile_overlayer_lowered  }
0x9b: {  	s22 =	simm.s32 $0x1BFF;
	s21 =	sshll.u32 s6, $0x1;
	s3 =	sadd.s32 s4, s19  }
0x9c: {  	s7 =	simm.s32 $0x0;
	s20 =	sshll.u32 s5, $0x1;
	s5 =	sadd.s32 s21, s3  }
0x9d: {  	[timem:s7], [sflag:s22] =	dma.local [hbm:s5], s20  }
0x9e: {  	_ =	swait.ge [sflag:s22], s20  }
0x9f: {  	s4 =	ssub.s32 $0x0, s20;
	[sflag:s22] =	ssyncset.done $0x0  }
0xa0: {  	[sflag:s22] =	ssyncadd.s32 s4;
	_ =	sdelay $0x1  }
0xa1: {  	s23 =	simm.s32 $0x1B8B  }
0xa2: {  	_ =	swait.ge [sflag:s23], $0x1  }
0xa3: {  	[sflag:s23] =	ssyncset.done $0x0  }
0xa4: {  	s25 =	simm.s32 $0x1B8E;
	s24 =	sld [smem:$0x3FFE];
	[sflag:s23] =	ssyncadd.s32 $0xFFFFFFFF  }
0xa5: {  	s26 =	simm.s32 $execute0_lowered;
	[smem:$0x3FD2] =	sst s25  }
0xa6: {  	s5 =	sshll.u32 s26, $0x1;
	_ =	strace $0x8000004F;
	[dreg:$0x1] =	wrdreg $0xFFFFFFFF  }
0xa7: {  	s28 =	simm.s32 $_size_execute0_lowered;
	s3 =	sadd.s32 s3, s5;
	[dreg:$0x0] =	wrdreg $0x0  }
0xa8: {  	s5 =	sshll.u32 s28, $0x1;
	[dreg:$0x2] =	wrdreg s3  }
0xa9: {  	[dreg:$0x3] =	wrdreg s5  }
0xaa: {  	[dreg:$0x4] =	wrdreg $0xC0  }
0xab: {  	_ =	task [dreg:s7], $0x5FFFF  }
0xac: {  	[dreg:$0x1] =	wrdreg $0xFFFFFFFF  }
0xad: {  	[dreg:$0x0] =	wrdreg $0x60  }
0xae: {  	[dreg:$0x2] =	wrdreg s2  }
0xaf: {  	[dreg:$0x3] =	wrdreg s24  }
0xb0: {  	[dreg:$0x4] =	wrdreg $0x14A000  }
0xb1: {  	[dreg:$0x5] =	wrdreg $0x9  }
0xb2: {  	_ =	task.clear_ibuf [dreg:s7], $0x6FFFF;
	_ =	strace $0x9000004F  }
0xb3: {  	s29 =	simm.s32 $0x9;
	_ =	strace $0x80000051  }
0xb4: {  	_ =	swait.ge [sflag:s29], $0x1  }
0xb5: {  	[sflag:s29] =	ssyncadd.s32 $0xFFFFFFFF  }
0xb6: {  	_ =	strace $0x90000051  }
0xb7: {  	_ =	sfence  }
0xb8: {  	s30 =	sld [smem:$0x0];
	_ =	sdelay $0x2  }
0xb9: {  	s31 =	sshll.u32 s1, $0xD;
	s1 =	sshrl.u32 s1, $0x2  }
0xba: {  	s3 =	sand.u32 $0x4000, s31;
	s1 =	sadd.s32 s1, s30  }
0xbb: {  	s0 =	sor.u32 s3, s0;
	s1 =	sshll.u32 s1, $0x11  }
0xbc: {  	s0 =	sor.u32 s1, s0  }
0xbd: {  	s0 =	sadd.s32 $0x8F2B, s0  }
0xbe: {  	[sflag:s0] =	ssyncadd.remote.s32 $0x1  }
0xbf: {  	_ =	sfence.sel $0xFFFF  }
0xc0: {  	[dreg:$0x0] =	wrdreg $0xFFFFFFFF;
	(pc) =	sbr.abs _section_cstart, $3  }
0xc1: {  	[dreg:$0x1] =	wrdreg $0xFFFFFFFF  }
0xc2: {  	_ =	task.clear_ibuf [dreg:s7], $0x2FFFF;
	_ =	strace $0x9FFFFFFF  }
0xc3: {  	(tm) =	ssettm $0x7FFFFFFF  }
tec
execute0_lowered:
.L_overlay_start_1:
0x0: {  	(tag) =	ssettag $0x1  }
0x1: {  	s1 =	rddreg [dreg:$0x0]  }
0x2: {  	s0 =	rddreg [dreg:$0x1]  }
0x3: {  	s2 =	rddreg [dreg:$0x2]  }
0x4: {  	s4 =	simm.s32 $0x0;
	s3 =	srdreg.scid;
	s16 =	stileid.u32  }
0x5: {  	s14 =	simm.s32 $0x280;
	s15 =	simm.s32 $0x380;
	s17 =	simm.s32 $0x480  }
0x6: {  	s28 =	simm.s32 $0xAA00;
	s29 =	simm.s32 $0xCA00;
	s30 =	simm.s32 $0xEA00  }
0x7: {  	s31 =	simm.s32 $0x10A00;
	[smem:$0x7FF] =	sst s4;
	s5 =	smul.u32 $0x28000, s16  }
0x8: {  	s3 =	sand.u32 $0x1, s3;
	s11 =	sadd.s32 $0x4A00, s0;
	s8 =	smul.u32 $0xA000, s16  }
0x9: {  	s6 =	sadd.s32 $0x2CA00, s0;
	s0 =	sadd.s32 $0x2DE00, s0;
	s10 =	smul.u32 $0x14000, s16  }
0xa: {  	s21 =	sshll.u32 s16, $0x6;
	p0 =	seq.s32 s16, $0xF;
	s16 =	simm.s32 $0x3  }
0xb: {  	_ =	strace $0x80000050;
	[dreg:$0x13] =	wrdreg s6;
	s7 =	smul.u32 $0xA0000, s3  }
0xc: {  	s18 =	ssub.s32 $0x2, s3;
	s19 =	sshll.u32 s3, $0x6;
	[dreg:$0x7] =	wrdreg s14  }
0xd: {  	s3 =	sshll.u32 s3, $0x3;
	[dreg:$0x8] =	wrdreg s15;
	s14 =	simm.s32 $0x80  }
0xe: {  	[dreg:$0x9] =	wrdreg s17;
	s15 =	simm.s32 $0xA00;
	s17 =	simm.s32 $0x2A00  }
0xf: {  	s9 =	sshrl.u32 s18, $0x1;
	s5 =	sshrl.u32 s5, $0x2;
	s22 =	sor.u32 s19, s10  }
0x10: {  	s19 =	simm.s32 $0x700;
	s12 =	ssub.s32 s18, s9;
	s20 =	sadd.s32 s5, s2  }
0x11: {  	s13 =	sadd.s32 s8, s7;
	s7 =	sor.u32 $0x1C05, s21;
	s9 =	sshrl.u32 s22, $0x3  }
0x12: {  	s18 =	simm.s32 $0x600;
	[dreg:$0xb] =	wrdreg s19;
	s21 =	simm.s32 $0x900  }
0x13: {  	s22 =	simm.s32 $0x580;
	s19 =	simm.s32 $0x4A00;
	s23 =	sshrl.u32 s13, $0x3  }
0x14: {  	s24 =	sadd.s32 s0, s9;
	s25 =	sor.u32 $0xA00, s13;
	[dreg:$0xa] =	wrdreg s18  }
0x15: {  	s26 =	sor.u32 $0x500, s13;
	s0 =	sadd.s32 s3, s0;
	[dreg:$0xd] =	wrdreg s21  }
0x16: {  	s3 =	sadd.s32 $0x96000, s2;
	s13 =	smax.u32 s12, $0x1;
	[dreg:$0xe] =	wrdreg s22  }
0x17: {  	s12 =	sshrl.u32 s20, $0x3;
	s21 =	simm.s32 $0x6A00;
	[dreg:$0x15] =	wrdreg s24  }
0x18: {  	s18 =	simm.s32 $0x4;
	s5 =	sadd.s32 s11, s23;
	[dreg:$0x17] =	wrdreg s13  }
0x19: {  	s9 =	sshrl.u32 s26, $0x3;
	s0 =	sadd.s32 $0x25800, s0;
	[dreg:$0x14] =	wrdreg s5  }
0x1a: {  	s13 =	simm.s32 $0x5;
	s23 =	simm.s32 $0x680;
	[dreg:$0x16] =	wrdreg s0  }
0x1b: {  	s24 =	simm.s32 $0x780;
	s26 =	simm.s32 $0x980;
	[dreg:$0xf] =	wrdreg s23  }
0x1c: {  	s5 =	sshrl.u32 s25, $0x3;
	s10 =	sadd.s32 s9, s11;
	[dreg:$0x10] =	wrdreg s24  }
0x1d: {  	s25 =	simm.s32 $0x880;
	s23 =	simm.s32 $0x8A00;
	[dreg:$0x12] =	wrdreg s26  }
0x1e: {  	s24 =	simm.s32 $0x1;
	s26 =	simm.s32 $0x500;
	[dreg:$0x5] =	wrdreg s10  }
0x1f: {  	s0 =	simm.s32 $0x12A00;
	s8 =	sadd.s32 s5, s11;
	[dreg:$0x11] =	wrdreg s25  }
0x20: {  	s11 =	simm.s32 $0x180;
	s25 =	sshrl.u32 @p0 s3, $0x3;
	[dreg:$0x4] =	wrdreg s8  }
0x21: {  	[dreg:$0x6] =	wrdreg s11;
	s11 =	smov.u32 s20;
	s20 =	simm.s32 $0x800  }
0x22: {  	s3 =	simm.s32 $0x2;
	[dreg:$0xc] =	wrdreg s20;
	s20 =	simm.s32 $0x0  }
.LBB2_1:
0x23: {  	s5 =	rddreg [dreg:$0x13]  }
0x24: {  	[spmem:s12], [sflag:s7] =	dma.local [hbm:s5], $0x1400  }
0x25: {  	_ =	swait.ge [sflag:s13], $0x1400  }
0x26: {  	[sflag:s13] =	ssyncset.done $0x0  }
0x27: {  	[sflag:s13] =	ssyncadd.s32 $0xFFFFEC00  }
0x28: {  	[bflag:$0x0] =	sbarrier.arrive $0xFFFF  }
0x29: {  	s10 =	rddreg [dreg:$0x14]  }
0x2a: {  	[tilespmem:s4], [sflag:$0x5] =	stream.linear.gather [hbm4b:s10+s4], $0x500, $0x38;
	[tilespmem:$0x1EA00] =	vst v63  }
0x2b: {  	_ =	swait.ge [sflag:s13], $0x500  }
0x2c: {  	[sflag:s13] =	ssyncset.done $0x0  }
0x2d: {  	[sflag:s13] =	ssyncadd.s32 $0xFFFFFB00  }
0x2e: {  	[tilespmem:s15], [sflag:$0x1] =	stream.indirect.gather [hbm4b:s1+s14], $0x40, s4, s14, $0xb8;
	[tilespmem:$0x1EA00] =	vst v63  }
0x2f: {  	s22 =	simm.s32 $0x100  }
0x30: {  	[tilespmem:s17], [sflag:$0x1] =	stream.indirect.gather [hbm4b:s1+s14], $0x40, s22, s14, $0xb8;
	[tilespmem:$0x1EA00] =	vst v63  }
0x31: {  	s6 =	simm.s32 $0x200  }
0x32: {  	[tilespmem:s19], [sflag:$0x1] =	stream.indirect.gather [hbm4b:s1+s14], $0x40, s6, s14, $0xb8;
	[tilespmem:$0x1EA00] =	vst v63  }
0x33: {  	s8 =	simm.s32 $0x300  }
0x34: {  	[tilespmem:s21], [sflag:$0x1] =	stream.indirect.gather [hbm4b:s1+s14], $0x40, s8, s14, $0xb8;
	[tilespmem:$0x1EA00] =	vst v63  }
0x35: {  	s9 =	simm.s32 $0x400  }
0x36: {  	[tilespmem:s23], [sflag:$0x1] =	stream.indirect.gather [hbm4b:s1+s14], $0x40, s9, s14, $0xb8;
	[tilespmem:$0x1EA00] =	vst v63  }
0x37: {  	_ =	swait.ge [sflag:s24], $0x2000  }
0x38: {  	[sflag:s24] =	ssyncset.done $0x0  }
0x39: {  	[sflag:s24] =	ssyncadd.s32 $0xFFFFE000  }
0x3a: {  	_ =	swait.ge [sflag:s24], $0x2000  }
0x3b: {  	[sflag:s24] =	ssyncset.done $0x0  }
0x3c: {  	[sflag:s24] =	ssyncadd.s32 $0xFFFFE000  }
0x3d: {  	_ =	swait.ge [sflag:s24], $0x2000  }
0x3e: {  	[sflag:s24] =	ssyncset.done $0x0  }
0x3f: {  	[sflag:s24] =	ssyncadd.s32 $0xFFFFE000  }
0x40: {  	_ =	swait.ge [sflag:s24], $0x2000  }
0x41: {  	[sflag:s24] =	ssyncset.done $0x0  }
0x42: {  	[sflag:s24] =	ssyncadd.s32 $0xFFFFE000  }
0x43: {  	_ =	swait.ge [sflag:s24], $0x2000  }
0x44: {  	[sflag:s24] =	ssyncset.done $0x0  }
0x45: {  	s10 =	rddreg [dreg:$0x6];
	[sflag:s24] =	ssyncadd.s32 $0xFFFFE000  }
0x46: {  	[spmem:s2] =	stream.indirect.scatter.add.f32 [tilespmem:s15], [sflag:$0x3], $0x40, s14, s14, $0xb8;
	[tilespmem:$0x1EA00] =	vst v63  }
0x47: {  	s22 =	rddreg [dreg:$0x5]  }
0x48: {  	[spmem:s2] =	stream.indirect.scatter.add.f32 [tilespmem:s17], [sflag:$0x3], $0x40, s10, s14, $0xb8;
	[tilespmem:$0x1EA00] =	vst v63  }
0x49: {  	s8 =	rddreg [dreg:$0x7]  }
0x4a: {  	[spmem:s2] =	stream.indirect.scatter.add.f32 [tilespmem:s19], [sflag:$0x3], $0x40, s8, s14, $0xb8;
	[tilespmem:$0x1EA00] =	vst v63  }
0x4b: {  	s6 =	rddreg [dreg:$0x8]  }
0x4c: {  	[spmem:s2] =	stream.indirect.scatter.add.f32 [tilespmem:s21], [sflag:$0x3], $0x40, s6, s14, $0xb8;
	[tilespmem:$0x1EA00] =	vst v63  }
0x4d: {  	s9 =	rddreg [dreg:$0x9]  }
0x4e: {  	[spmem:s2] =	stream.indirect.scatter.add.f32 [tilespmem:s23], [sflag:$0x3], $0x40, s9, s14, $0xb8;
	[tilespmem:$0x1EA00] =	vst v63  }
0x4f: {  	s10 =	sadd.s32 $0x0, s22  }
0x50: {  	[tilespmem:s26], [sflag:$0x5] =	stream.linear.gather [hbm4b:s10+s4], $0x500, $0x38;
	[tilespmem:$0x1EA00] =	vst v63  }
0x51: {  	_ =	swait.ge [sflag:s13], $0x500  }
0x52: {  	[sflag:s13] =	ssyncset.done $0x0  }
0x53: {  	[sflag:s13] =	ssyncadd.s32 $0xFFFFFB00  }
0x54: {  	[tilespmem:s28], [sflag:$0x2] =	stream.indirect.gather [hbm4b:s1+s14], $0x40, s26, s14, $0xb8;
	[tilespmem:$0x1EA00] =	vst v63  }
0x55: {  	s22 =	rddreg [dreg:$0xa]  }
0x56: {  	[tilespmem:s29], [sflag:$0x2] =	stream.indirect.gather [hbm4b:s1+s14], $0x40, s22, s14, $0xb8;
	[tilespmem:$0x1EA00] =	vst v63  }
0x57: {  	s6 =	rddreg [dreg:$0xb]  }
0x58: {  	[tilespmem:s30], [sflag:$0x2] =	stream.indirect.gather [hbm4b:s1+s14], $0x40, s6, s14, $0xb8;
	[tilespmem:$0x1EA00] =	vst v63  }
0x59: {  	s9 =	rddreg [dreg:$0xc]  }
0x5a: {  	[tilespmem:s31], [sflag:$0x2] =	stream.indirect.gather [hbm4b:s1+s14], $0x40, s9, s14, $0xb8;
	[tilespmem:$0x1EA00] =	vst v63  }
0x5b: {  	s10 =	rddreg [dreg:$0xd]  }
0x5c: {  	[tilespmem:s0], [sflag:$0x2] =	stream.indirect.gather [hbm4b:s1+s14], $0x40, s10, s14, $0xb8;
	[tilespmem:$0x1EA00] =	vst v63  }
0x5d: {  	_ =	swait.ge [sflag:s3], $0x2000  }
0x5e: {  	[sflag:s3] =	ssyncset.done $0x0  }
0x5f: {  	[sflag:s3] =	ssyncadd.s32 $0xFFFFE000  }
0x60: {  	_ =	swait.ge [sflag:s3], $0x2000  }
0x61: {  	[sflag:s3] =	ssyncset.done $0x0  }
0x62: {  	[sflag:s3] =	ssyncadd.s32 $0xFFFFE000  }
0x63: {  	_ =	swait.ge [sflag:s3], $0x2000  }
0x64: {  	[sflag:s3] =	ssyncset.done $0x0  }
0x65: {  	[sflag:s3] =	ssyncadd.s32 $0xFFFFE000  }
0x66: {  	_ =	swait.ge [sflag:s3], $0x2000  }
0x67: {  	[sflag:s3] =	ssyncset.done $0x0  }
0x68: {  	[sflag:s3] =	ssyncadd.s32 $0xFFFFE000  }
0x69: {  	_ =	swait.ge [sflag:s3], $0x2000  }
0x6a: {  	[sflag:s3] =	ssyncset.done $0x0  }
0x6b: {  	s22 =	rddreg [dreg:$0xe];
	[sflag:s3] =	ssyncadd.s32 $0xFFFFE000  }
0x6c: {  	[spmem:s2] =	stream.indirect.scatter.add.f32 [tilespmem:s28], [sflag:$0x4], $0x40, s22, s14, $0xb8;
	[tilespmem:$0x1EA00] =	vst v63  }
0x6d: {  	s6 =	rddreg [dreg:$0xf]  }
0x6e: {  	[spmem:s2] =	stream.indirect.scatter.add.f32 [tilespmem:s29], [sflag:$0x4], $0x40, s6, s14, $0xb8;
	[tilespmem:$0x1EA00] =	vst v63  }
0x6f: {  	s9 =	rddreg [dreg:$0x10]  }
0x70: {  	[spmem:s2] =	stream.indirect.scatter.add.f32 [tilespmem:s30], [sflag:$0x4], $0x40, s9, s14, $0xb8;
	[tilespmem:$0x1EA00] =	vst v63  }
0x71: {  	s10 =	rddreg [dreg:$0x11]  }
0x72: {  	[spmem:s2] =	stream.indirect.scatter.add.f32 [tilespmem:s31], [sflag:$0x4], $0x40, s10, s14, $0xb8;
	[tilespmem:$0x1EA00] =	vst v63  }
0x73: {  	s22 =	rddreg [dreg:$0x12]  }
0x74: {  	[spmem:s2] =	stream.indirect.scatter.add.f32 [tilespmem:s0], [sflag:$0x4], $0x40, s22, s14, $0xb8;
	[tilespmem:$0x1EA00] =	vst v63  }
0x75: {  	_ =	swait.ge [sflag:s16], $0x2000  }
0x76: {  	[sflag:s16] =	ssyncset.done $0x0  }
0x77: {  	[sflag:s16] =	ssyncadd.s32 $0xFFFFE000  }
0x78: {  	_ =	swait.ge [sflag:s16], $0x2000  }
0x79: {  	[sflag:s16] =	ssyncset.done $0x0  }
0x7a: {  	[sflag:s16] =	ssyncadd.s32 $0xFFFFE000  }
0x7b: {  	_ =	swait.ge [sflag:s16], $0x2000  }
0x7c: {  	[sflag:s16] =	ssyncset.done $0x0  }
0x7d: {  	[sflag:s16] =	ssyncadd.s32 $0xFFFFE000  }
0x7e: {  	_ =	swait.ge [sflag:s16], $0x2000  }
0x7f: {  	[sflag:s16] =	ssyncset.done $0x0  }
0x80: {  	[sflag:s16] =	ssyncadd.s32 $0xFFFFE000  }
0x81: {  	p1 =	por $0x0, $0x0;
	_ =	swait.ge [sflag:s16], $0x2000  }
0x82: {  	s8 =	simm.s32 @!p1 $0x0;
	s5 =	rddreg [dreg:$0x4];
	[sflag:s16] =	ssyncset.done $0x0  }
0x83: {  	s22 =	simm.s32 @!p1 $0x5;
	[sflag:s16] =	ssyncadd.s32 $0xFFFFE000;
	s5 =	sadd.s32 @!p1 $0x0, s5  }
0x84: {  	[tilespmem:s8], [sflag:$0x5] =	stream.linear.gather @!p1 [hbm4b:s5+s8], $0x500, $0x38;
	[tilespmem:$0x1EA00] =	vst v63  }
0x85: {  	_ =	swait.ge @!p1 [sflag:s22], $0x500  }
0x86: {  	[sflag:s22] =	ssyncset.done @!p1 $0x0  }
0x87: {  	s5 =	simm.s32 @!p1 $0x80;
	[sflag:s22] =	ssyncadd.s32 @!p1 $0xFFFFFB00;
	s22 =	simm.s32 @!p1 $0xA00  }
0x88: {  	[tilespmem:s22], [sflag:$0x1] =	stream.indirect.gather @!p1 [hbm4b:s1+s5], $0x40, s8, s5, $0xb8;
	[tilespmem:$0x1EA00] =	vst v63  }
0x89: {  	s8 =	simm.s32 @!p1 $0x100;
	s22 =	simm.s32 @!p1 $0x2A00  }
0x8a: {  	[tilespmem:s22], [sflag:$0x1] =	stream.indirect.gather @!p1 [hbm4b:s1+s5], $0x40, s8, s5, $0xb8;
	[tilespmem:$0x1EA00] =	vst v63  }
0x8b: {  	s8 =	simm.s32 @!p1 $0x200;
	s22 =	simm.s32 @!p1 $0x4A00  }
0x8c: {  	[tilespmem:s22], [sflag:$0x1] =	stream.indirect.gather @!p1 [hbm4b:s1+s5], $0x40, s8, s5, $0xb8;
	[tilespmem:$0x1EA00] =	vst v63  }
0x8d: {  	s8 =	simm.s32 @!p1 $0x300;
	s22 =	simm.s32 @!p1 $0x6A00  }
0x8e: {  	[tilespmem:s22], [sflag:$0x1] =	stream.indirect.gather @!p1 [hbm4b:s1+s5], $0x40, s8, s5, $0xb8;
	[tilespmem:$0x1EA00] =	vst v63  }
0x8f: {  	s8 =	simm.s32 @!p1 $0x400;
	s22 =	simm.s32 @!p1 $0x8A00  }
0x90: {  	[tilespmem:s22], [sflag:$0x1] =	stream.indirect.gather @!p1 [hbm4b:s1+s5], $0x40, s8, s5, $0xb8;
	[tilespmem:$0x1EA00] =	vst v63  }
0x91: {  	_ =	swait.ge [sflag:s18], $0x2000  }
0x92: {  	[sflag:s18] =	ssyncset.done $0x0  }
0x93: {  	[sflag:s18] =	ssyncadd.s32 $0xFFFFE000  }
0x94: {  	_ =	swait.ge [sflag:s18], $0x2000  }
0x95: {  	[sflag:s18] =	ssyncset.done $0x0  }
0x96: {  	[sflag:s18] =	ssyncadd.s32 $0xFFFFE000  }
0x97: {  	_ =	swait.ge [sflag:s18], $0x2000  }
0x98: {  	[sflag:s18] =	ssyncset.done $0x0  }
0x99: {  	[sflag:s18] =	ssyncadd.s32 $0xFFFFE000  }
0x9a: {  	_ =	swait.ge [sflag:s18], $0x2000  }
0x9b: {  	[sflag:s18] =	ssyncset.done $0x0  }
0x9c: {  	[sflag:s18] =	ssyncadd.s32 $0xFFFFE000  }
0x9d: {  	s22 =	simm.s32 $0x140;
	_ =	swait.ge [sflag:s18], $0x2000  }
.LBB2_2:
0x9e: {  	[sflag:s18] =	ssyncset.done $0x0  }
0x9f: {  	[sflag:s18] =	ssyncadd.s32 $0xFFFFE000  }
0xa0: {  	_ =	swait.ge [sflag:s24], $0x2000  }
0xa1: {  	[sflag:s24] =	ssyncset.done $0x0  }
0xa2: {  	[sflag:s24] =	ssyncadd.s32 $0xFFFFE000  }
0xa3: {  	_ =	swait.ge [sflag:s24], $0x2000  }
0xa4: {  	[sflag:s24] =	ssyncset.done $0x0  }
0xa5: {  	[sflag:s24] =	ssyncadd.s32 $0xFFFFE000  }
0xa6: {  	_ =	swait.ge [sflag:s24], $0x2000  }
0xa7: {  	[sflag:s24] =	ssyncset.done $0x0  }
0xa8: {  	[sflag:s24] =	ssyncadd.s32 $0xFFFFE000  }
0xa9: {  	_ =	swait.ge [sflag:s24], $0x2000  }
0xaa: {  	[sflag:s24] =	ssyncset.done $0x0  }
0xab: {  	[sflag:s24] =	ssyncadd.s32 $0xFFFFE000  }
0xac: {  	_ =	swait.ge [sflag:s24], $0x2000  }
0xad: {  	[sflag:s24] =	ssyncset.done $0x0  }
0xae: {  	s8 =	rddreg [dreg:$0x6];
	[sflag:s24] =	ssyncadd.s32 $0xFFFFE000  }
0xaf: {  	[spmem:s2] =	stream.indirect.scatter.add.f32 [tilespmem:s15], [sflag:$0x3], $0x40, s14, s14, $0xb8;
	[tilespmem:$0x1EA00] =	vst v63  }
0xb0: {  	s9 =	rddreg [dreg:$0x5]  }
0xb1: {  	[spmem:s2] =	stream.indirect.scatter.add.f32 [tilespmem:s17], [sflag:$0x3], $0x40, s8, s14, $0xb8;
	[tilespmem:$0x1EA00] =	vst v63  }
0xb2: {  	s6 =	rddreg [dreg:$0x7]  }
0xb3: {  	[spmem:s2] =	stream.indirect.scatter.add.f32 [tilespmem:s19], [sflag:$0x3], $0x40, s6, s14, $0xb8;
	[tilespmem:$0x1EA00] =	vst v63  }
0xb4: {  	s8 =	rddreg [dreg:$0x8]  }
0xb5: {  	[spmem:s2] =	stream.indirect.scatter.add.f32 [tilespmem:s21], [sflag:$0x3], $0x40, s8, s14, $0xb8;
	[tilespmem:$0x1EA00] =	vst v63  }
0xb6: {  	s5 =	smov.u32 s22;
	s10 =	rddreg [dreg:$0x9]  }
0xb7: {  	[spmem:s2] =	stream.indirect.scatter.add.f32 [tilespmem:s23], [sflag:$0x3], $0x40, s10, s14, $0xb8;
	[tilespmem:$0x1EA00] =	vst v63  }
0xb8: {  	s8 =	sadd.s32 s5, s9  }
0xb9: {  	[tilespmem:s26], [sflag:$0x5] =	stream.linear.gather [hbm4b:s8+s4], $0x500, $0x38;
	[tilespmem:$0x1EA00] =	vst v63  }
0xba: {  	_ =	swait.ge [sflag:s13], $0x500  }
0xbb: {  	[sflag:s13] =	ssyncset.done $0x0  }
0xbc: {  	[sflag:s13] =	ssyncadd.s32 $0xFFFFFB00  }
0xbd: {  	[tilespmem:s28], [sflag:$0x2] =	stream.indirect.gather [hbm4b:s1+s14], $0x40, s26, s14, $0xb8;
	[tilespmem:$0x1EA00] =	vst v63  }
0xbe: {  	s9 =	rddreg [dreg:$0xa]  }
0xbf: {  	[tilespmem:s29], [sflag:$0x2] =	stream.indirect.gather [hbm4b:s1+s14], $0x40, s9, s14, $0xb8;
	[tilespmem:$0x1EA00] =	vst v63  }
0xc0: {  	s10 =	rddreg [dreg:$0xb]  }
0xc1: {  	[tilespmem:s30], [sflag:$0x2] =	stream.indirect.gather [hbm4b:s1+s14], $0x40, s10, s14, $0xb8;
	[tilespmem:$0x1EA00] =	vst v63  }
0xc2: {  	s9 =	rddreg [dreg:$0xc]  }
0xc3: {  	[tilespmem:s31], [sflag:$0x2] =	stream.indirect.gather [hbm4b:s1+s14], $0x40, s9, s14, $0xb8;
	[tilespmem:$0x1EA00] =	vst v63  }
0xc4: {  	s10 =	rddreg [dreg:$0xd]  }
0xc5: {  	[tilespmem:s0], [sflag:$0x2] =	stream.indirect.gather [hbm4b:s1+s14], $0x40, s10, s14, $0xb8;
	[tilespmem:$0x1EA00] =	vst v63  }
0xc6: {  	_ =	swait.ge [sflag:s3], $0x2000  }
0xc7: {  	[sflag:s3] =	ssyncset.done $0x0  }
0xc8: {  	[sflag:s3] =	ssyncadd.s32 $0xFFFFE000  }
0xc9: {  	_ =	swait.ge [sflag:s3], $0x2000  }
0xca: {  	[sflag:s3] =	ssyncset.done $0x0  }
0xcb: {  	[sflag:s3] =	ssyncadd.s32 $0xFFFFE000  }
0xcc: {  	_ =	swait.ge [sflag:s3], $0x2000  }
0xcd: {  	[sflag:s3] =	ssyncset.done $0x0  }
0xce: {  	[sflag:s3] =	ssyncadd.s32 $0xFFFFE000  }
0xcf: {  	_ =	swait.ge [sflag:s3], $0x2000  }
0xd0: {  	[sflag:s3] =	ssyncset.done $0x0  }
0xd1: {  	[sflag:s3] =	ssyncadd.s32 $0xFFFFE000  }
0xd2: {  	_ =	swait.ge [sflag:s3], $0x2000  }
0xd3: {  	[sflag:s3] =	ssyncset.done $0x0  }
0xd4: {  	s8 =	rddreg [dreg:$0xe];
	[sflag:s3] =	ssyncadd.s32 $0xFFFFE000  }
0xd5: {  	[spmem:s2] =	stream.indirect.scatter.add.f32 [tilespmem:s28], [sflag:$0x4], $0x40, s8, s14, $0xb8;
	[tilespmem:$0x1EA00] =	vst v63  }
0xd6: {  	s9 =	rddreg [dreg:$0xf]  }
0xd7: {  	[spmem:s2] =	stream.indirect.scatter.add.f32 [tilespmem:s29], [sflag:$0x4], $0x40, s9, s14, $0xb8;
	[tilespmem:$0x1EA00] =	vst v63  }
0xd8: {  	s10 =	rddreg [dreg:$0x10]  }
0xd9: {  	[spmem:s2] =	stream.indirect.scatter.add.f32 [tilespmem:s30], [sflag:$0x4], $0x40, s10, s14, $0xb8;
	[tilespmem:$0x1EA00] =	vst v63  }
0xda: {  	s9 =	rddreg [dreg:$0x11]  }
0xdb: {  	[spmem:s2] =	stream.indirect.scatter.add.f32 [tilespmem:s31], [sflag:$0x4], $0x40, s9, s14, $0xb8;
	[tilespmem:$0x1EA00] =	vst v63  }
0xdc: {  	s10 =	rddreg [dreg:$0x12]  }
0xdd: {  	[spmem:s2] =	stream.indirect.scatter.add.f32 [tilespmem:s0], [sflag:$0x4], $0x40, s10, s14, $0xb8;
	[tilespmem:$0x1EA00] =	vst v63  }
0xde: {  	_ =	swait.ge [sflag:s16], $0x2000  }
0xdf: {  	[sflag:s16] =	ssyncset.done $0x0  }
0xe0: {  	[sflag:s16] =	ssyncadd.s32 $0xFFFFE000  }
0xe1: {  	_ =	swait.ge [sflag:s16], $0x2000  }
0xe2: {  	[sflag:s16] =	ssyncset.done $0x0  }
0xe3: {  	[sflag:s16] =	ssyncadd.s32 $0xFFFFE000  }
0xe4: {  	_ =	swait.ge [sflag:s16], $0x2000  }
0xe5: {  	[sflag:s16] =	ssyncset.done $0x0  }
0xe6: {  	[sflag:s16] =	ssyncadd.s32 $0xFFFFE000  }
0xe7: {  	_ =	swait.ge [sflag:s16], $0x2000  }
0xe8: {  	[sflag:s16] =	ssyncset.done $0x0  }
0xe9: {  	[sflag:s16] =	ssyncadd.s32 $0xFFFFE000  }
0xea: {  	p2 =	seq.s32 s5, $0x12C0;
	_ =	swait.ge [sflag:s16], $0x2000  }
0xeb: {  	s8 =	simm.s32 @!p2 $0x0;
	s6 =	rddreg [dreg:$0x4];
	[sflag:s16] =	ssyncset.done $0x0  }
0xec: {  	[sflag:s16] =	ssyncadd.s32 $0xFFFFE000;
	s5 =	sadd.s32 @!p2 s5, s6;
	s6 =	simm.s32 @!p2 $0x5  }
0xed: {  	[tilespmem:s8], [sflag:$0x5] =	stream.linear.gather @!p2 [hbm4b:s5+s8], $0x500, $0x38;
	[tilespmem:$0x1EA00] =	vst v63  }
0xee: {  	_ =	swait.ge @!p2 [sflag:s6], $0x500  }
0xef: {  	[sflag:s6] =	ssyncset.done @!p2 $0x0  }
0xf0: {  	s9 =	simm.s32 @!p2 $0xA00;
	s5 =	simm.s32 @!p2 $0x80;
	[sflag:s6] =	ssyncadd.s32 @!p2 $0xFFFFFB00  }
0xf1: {  	[tilespmem:s9], [sflag:$0x1] =	stream.indirect.gather @!p2 [hbm4b:s1+s5], $0x40, s8, s5, $0xb8;
	[tilespmem:$0x1EA00] =	vst v63  }
0xf2: {  	s10 =	simm.s32 @!p2 $0x2A00;
	s6 =	simm.s32 @!p2 $0x100  }
0xf3: {  	[tilespmem:s10], [sflag:$0x1] =	stream.indirect.gather @!p2 [hbm4b:s1+s5], $0x40, s6, s5, $0xb8;
	[tilespmem:$0x1EA00] =	vst v63  }
0xf4: {  	s8 =	simm.s32 @!p2 $0x200;
	s9 =	simm.s32 @!p2 $0x4A00  }
0xf5: {  	[tilespmem:s9], [sflag:$0x1] =	stream.indirect.gather @!p2 [hbm4b:s1+s5], $0x40, s8, s5, $0xb8;
	[tilespmem:$0x1EA00] =	vst v63  }
0xf6: {  	s6 =	simm.s32 @!p2 $0x300;
	s10 =	simm.s32 @!p2 $0x6A00  }
0xf7: {  	[tilespmem:s10], [sflag:$0x1] =	stream.indirect.gather @!p2 [hbm4b:s1+s5], $0x40, s6, s5, $0xb8;
	[tilespmem:$0x1EA00] =	vst v63  }
0xf8: {  	s8 =	simm.s32 @!p2 $0x400;
	s9 =	simm.s32 @!p2 $0x8A00  }
0xf9: {  	[tilespmem:s9], [sflag:$0x1] =	stream.indirect.gather @!p2 [hbm4b:s1+s5], $0x40, s8, s5, $0xb8;
	[tilespmem:$0x1EA00] =	vst v63  }
0xfa: {  	_ =	swait.ge [sflag:s18], $0x2000  }
0xfb: {  	[sflag:s18] =	ssyncset.done $0x0  }
0xfc: {  	[sflag:s18] =	ssyncadd.s32 $0xFFFFE000  }
0xfd: {  	_ =	swait.ge [sflag:s18], $0x2000  }
0xfe: {  	[sflag:s18] =	ssyncset.done $0x0  }
0xff: {  	[sflag:s18] =	ssyncadd.s32 $0xFFFFE000  }
0x100: {  	s22 =	sadd.s32 $0x140, s22;
	_ =	swait.ge [sflag:s18], $0x2000  }
0x101: {  	p1 =	sne.s32 s22, $0x1400;
	[sflag:s18] =	ssyncset.done $0x0  }
.Ltmp0:
0x102: {  	[sflag:s18] =	ssyncadd.s32 $0xFFFFE000;
	(pc) =	sbr.rel @p1 .LBB2_2-.Ltmp0, $4  }
0x103: {  	_ =	swait.ge [sflag:s18], $0x2000  }
0x104: {  	[sflag:s18] =	ssyncset.done $0x0  }
0x105: {  	[sflag:s18] =	ssyncadd.s32 $0xFFFFE000  }
0x106: {  	_ =	swait.ge [sflag:s18], $0x2000  }
0x107: {  	[sflag:s18] =	ssyncset.done $0x0  }
0x108: {  	[sflag:s18] =	ssyncadd.s32 $0xFFFFE000  }
0x109: {  	s5 =	simm.s32 @p0 $0x1;
	[bflag:$0x0] =	sbarrier.arrive $0xFFFF  }
0x10a: {  	s6 =	simm.s32 @p0 $0x10;
	s8 =	simm.s32 @p0 $0x8;
	s9 =	rddreg [dreg:$0x16]  }
0x10b: {  	[hbm:s9@s6], [sflag:s7] =	dma.strided @p0 [spmem:s25@s8], $0xC80, s5, $0x8   }
0x10c: {  	s5 =	simm.s32 @p0 $0x5  }
0x10d: {  	s6 =	simm.s32 @!p0 $0x1;
	_ =	swait.ge @p0 [sflag:s5], $0xC80  }
0x10e: {  	s8 =	simm.s32 @!p0 $0x10;
	s9 =	simm.s32 @!p0 $0x8;
	[sflag:s5] =	ssyncset.done @p0 $0x0  }
0x10f: {  	s10 =	rddreg [dreg:$0x15];
	[sflag:s5] =	ssyncadd.s32 @p0 $0xFFFFF380;
	s5 =	sshrl.u32 @!p0 s11, $0x3  }
0x110: {  	[hbm:s10@s8], [sflag:s7] =	dma.strided @!p0 [spmem:s5@s9], $0x1400, s6, $0x8   }
0x111: {  	s5 =	simm.s32 @!p0 $0x5  }
0x112: {  	_ =	swait.ge @!p0 [sflag:s5], $0x1400  }
0x113: {  	s20 =	sadd.s32 $0x1, s20;
	s22 =	rddreg [dreg:$0x17]  }
0x114: {  	p1 =	sne.s32 s20, s22  }
.Ltmp1:
0x115: {  	_ = 	snop;
	(pc) =	sbr.rel @p1 .LBB2_1-.Ltmp1, $3  }
0x116: {  	_ =	sdelay $0x1  }
0x117: {  	[sflag:s5] =	ssyncset.done @!p0 $0x0  }
0x118: {  	[sflag:s5] =	ssyncadd.s32 @!p0 $0xFFFFEC00  }
0x119: {  	_ =	sfence.sel $0x180000  }
0x11a: {  	[bflag:$0x0] =	sbarrier.arrive $0xFFFF  }
0x11b: {  	_ =	strace $0x90000050  }
0x11c: {  	s0 =	stileid.u32;
	[bflag:$0x2] =	sbarrier.arrive $0xFFFF  }
0x11d: {  	p0 =	sne.s32 s0, $0x0;
	s0 =	rddreg [dreg:$0x3]  }
0x11e: {  	s0 =	sadd.s32 @!p0 $0x100000, s0  }
0x11f: {  	[sflag:s0] =	ssyncadd.tile.s32 @!p0 $0x1;
	_ =	shalt  }
.Lfunc_end2:
_tile_overlayer_lowered:
.L_overlay_start_2:
0x120: {  	(tag) =	ssettag $0x2  }
0x121: {  	s0 =	rddreg [dreg:$0x0];
	s2 =	stileid.u32  }
0x122: {  	s1 =	rddreg [dreg:$0x1];
	p0 =	sne.s32 s2, $0x0  }
0x123: {  	s3 =	rddreg [dreg:$0x2];
	[bflag:$0x3] =	sbarrier.arrive $0xFFFF;
	s2 =	simm.s32 @!p0 $0x1C05  }
0x124: {  	[timem:s3], [sflag:s2] =	dma.local @!p0 [hbm:s0], s1  }
0x125: {  	s0 =	simm.s32 @!p0 $0x5  }
0x126: {  	_ =	swait.ge @!p0 [sflag:s0], s1  }
0x127: {  	s1 =	ssub.s32 @!p0 $0x0, s1;
	[sflag:s0] =	ssyncset.done @!p0 $0x0  }
0x128: {  	[sflag:s0] =	ssyncadd.s32 @!p0 s1  }
0x129: {  	[bflag:$0x3] =	sbarrier.arrive $0xFFFF  }
0x12a: {  	_ =	shalt  }

</sc_bundles>
